<compile_context>
chip_gen: v7x
topology: tpu7x:2x2x1
jax: 0.10.2.dev20260603
libtpu: 0.0.44.dev20260713+nightly
codegen_flags: <defaults>
</compile_context>

<pallas_src>
import functools

import jax
import jax.numpy as jnp
from jax import lax
from jax.experimental import pallas as pl
from jax.experimental.pallas import tpu as pltpu
from jax.experimental.pallas import tpu_sc as plsc

K = 64
B = 32
N = 4096
D = 128
LANES = 16
DGROUPS = D // LANES
NUM_TASKS = B * DGROUPS
NB1 = 1024
NBB = 256
NBC = 128
CAP = 512


def _to_key(x):
    i = plsc.bitcast(x, jnp.int32)
    return jnp.where(i >= 0, i, i ^ jnp.int32(0x7FFFFFFF))


def _from_key(key):
    i = jnp.where(key >= 0, key, key ^ jnp.int32(0x7FFFFFFF))
    return plsc.bitcast(i, jnp.float32)


def _walk(hist_ref, start, acc0):
    zero16 = jnp.zeros((LANES,), jnp.int32)

    def scond(j):
        return (j >= 0) & (jnp.max(hist_ref[j]) == 0)

    j0 = lax.while_loop(scond, lambda j: j - 1,
                        jnp.asarray(start, jnp.int32))

    def cond(carry):
        j, acc, _, _ = carry
        return (j >= 0) & (jnp.min(acc) < K)

    def body(carry):
        j, acc, bsel, above = carry
        h = hist_ref[j]
        nacc = acc + h
        newly = (acc < K) & (nacc >= K)
        bsel = jnp.where(newly, j, bsel)
        above = jnp.where(newly, acc, above)
        return j - 1, nacc, bsel, above

    _, _, bsel, above = lax.while_loop(cond, body, (j0, acc0, zero16, zero16))
    return bsel, above


def _clear(hist_ref, nbuckets):
    zero16 = jnp.zeros((LANES,), jnp.int32)

    @plsc.parallel_loop(0, nbuckets, unroll=8)
    def clr(j):
        hist_ref[j] = zero16


def _bitonic_sort_desc(g_ref):
    for k in range(6):
        for j in range(k, -1, -1):
            s = 1 << j
            half = 1 << k
            if k == 5:

                @plsc.parallel_loop(0, 32, unroll=4)
                def cxf(i, j=j, s=s):
                    p = ((i >> j) << (j + 1)) | (i & (s - 1))
                    q = p | s
                    a = g_ref[p]
                    b = g_ref[q]
                    g_ref[p] = jnp.maximum(a, b)
                    g_ref[q] = jnp.minimum(a, b)
            else:

                @plsc.parallel_loop(0, 16, unroll=4)
                def cxd(m, j=j, s=s, k=k, half=half):
                    i = ((m >> k) << (k + 1)) | (m & (half - 1))
                    p = ((i >> j) << (j + 1)) | (i & (s - 1))
                    q = p | s
                    a = g_ref[p]
                    b = g_ref[q]
                    g_ref[p] = jnp.maximum(a, b)
                    g_ref[q] = jnp.minimum(a, b)

                @plsc.parallel_loop(0, 16, unroll=4)
                def cxa(m, j=j, s=s, k=k, half=half):
                    i = (((m >> k) << (k + 1)) | (m & (half - 1))) | half
                    p = ((i >> j) << (j + 1)) | (i & (s - 1))
                    q = p | s
                    a = g_ref[p]
                    b = g_ref[q]
                    g_ref[p] = jnp.minimum(a, b)
                    g_ref[q] = jnp.maximum(a, b)


def _in_slice(x_hbm, tid):
    bb = tid // DGROUPS
    dg = tid % DGROUPS
    return x_hbm.at[bb, :, pl.ds(dg * LANES, LANES)], bb, dg


def _task_body(x_hbm, o_hbm, data_v, hist_v, histb_v, cand_v, g_v, out_v,
               sem, tid, do_prefetch, spec_b, is_spec):
    lane = lax.iota(jnp.int32, LANES)
    ones = jnp.ones((LANES,), jnp.int32)
    zero16 = jnp.zeros((LANES,), jnp.int32)
    src, bb, dg = _in_slice(x_hbm, tid)

    pltpu.make_async_copy(src, data_v, sem).wait()

    _clear(hist_v, NB1)

    @plsc.parallel_loop(0, N, unroll=8, carry=zero16)
    def p1(n, cc):
        key = _to_key(data_v[n])
        data_v[n] = plsc.bitcast(key, jnp.float32)
        b1 = key >> 22
        plsc.addupdate_scatter(hist_v, [b1 + 512, lane], ones)
        m = b1 >= spec_b
        plsc.store_scatter(cand_v, [cc & (CAP - 1), lane],
                           plsc.bitcast(key, jnp.float32), mask=m)
        return cc + jnp.where(m, 1, 0)

    bsel1, c1 = _walk(hist_v, NB1 - 1, zero16)
    top1 = bsel1 - 512

    n2 = jnp.where(is_spec, 0, N)

    @plsc.parallel_loop(0, n2, unroll=8, carry=p1)
    def p2(n, cc):
        key = plsc.bitcast(data_v[n], jnp.int32)
        m = (key >> 22) >= top1
        plsc.store_scatter(cand_v, [cc & (CAP - 1), lane],
                           plsc.bitcast(key, jnp.float32), mask=m)
        return cc + jnp.where(m, 1, 0)

    c_all = p2
    cmax = jnp.max(c_all)
    ov = (c_all >= CAP) | (is_spec & (spec_b > top1))
    any_ov = jnp.any(ov)
    ncand = lax.min(cmax, jnp.int32(CAP))

    @pl.when(do_prefetch & jnp.logical_not(any_ov))
    def _prefetch_now():
        nsrc, _, _ = _in_slice(x_hbm, tid + 1)
        pltpu.async_copy(nsrc, data_v, sem)

    _clear(histb_v, NBB)

    @plsc.parallel_loop(0, ncand, unroll=2)
    def pb(n):
        key = plsc.bitcast(cand_v[n], jnp.int32)
        m = (c_all > n) & ((key >> 22) == top1)
        plsc.addupdate_scatter(histb_v, [(key >> 14) & 0xFF, lane], ones,
                               mask=m)

    bselB, cB = _walk(histb_v, NBB - 1, c1)

    pre1B = (top1 << 8) | bselB
    _clear(histb_v, NBC)

    @plsc.parallel_loop(0, ncand, unroll=2)
    def pc(n):
        key = plsc.bitcast(cand_v[n], jnp.int32)
        m = (c_all > n) & ((key >> 14) == pre1B)
        plsc.addupdate_scatter(histb_v, [(key >> 7) & 0x7F, lane], ones,
                               mask=m)

    bselC, cC = _walk(histb_v, NBC - 1, cB)

    pre1BC = (pre1B << 7) | bselC
    _clear(histb_v, NBC)

    @plsc.parallel_loop(0, ncand, unroll=2)
    def pd(n):
        key = plsc.bitcast(cand_v[n], jnp.int32)
        m = (c_all > n) & ((key >> 7) == pre1BC)
        plsc.addupdate_scatter(histb_v, [key & 0x7F, lane], ones, mask=m)

    bselD, _ = _walk(histb_v, NBC - 1, cC)
    t_key_n = (pre1BC << 7) | bselD

    nf = jnp.where(any_ov, N, 0)
    nfb = jnp.where(any_ov, NBB, 0)
    nfc = jnp.where(any_ov, NBC, 0)
    sfb = jnp.where(any_ov, NBB - 1, -1)
    sfc = jnp.where(any_ov, NBC - 1, -1)
    _clear(histb_v, nfb)

    @plsc.parallel_loop(0, nf, unroll=2)
    def pfb(n):
        key = plsc.bitcast(data_v[n], jnp.int32)
        m = ov & ((key >> 22) == top1)
        plsc.addupdate_scatter(histb_v, [(key >> 14) & 0xFF, lane], ones,
                               mask=m)

    bselB_f, cB_f = _walk(histb_v, sfb, c1)
    pre1B_f = (top1 << 8) | bselB_f
    _clear(histb_v, nfc)

    @plsc.parallel_loop(0, nf, unroll=2)
    def pfc(n):
        key = plsc.bitcast(data_v[n], jnp.int32)
        m = ov & ((key >> 14) == pre1B_f)
        plsc.addupdate_scatter(histb_v, [(key >> 7) & 0x7F, lane], ones,
                               mask=m)

    bselC_f, cC_f = _walk(histb_v, sfc, cB_f)
    pre1BC_f = (pre1B_f << 7) | bselC_f
    _clear(histb_v, nfc)

    @plsc.parallel_loop(0, nf, unroll=2)
    def pfd(n):
        key = plsc.bitcast(data_v[n], jnp.int32)
        m = ov & ((key >> 7) == pre1BC_f)
        plsc.addupdate_scatter(histb_v, [key & 0x7F, lane], ones, mask=m)

    bselD_f, _ = _walk(histb_v, sfc, cC_f)
    t_key = jnp.where(ov, (pre1BC_f << 7) | bselD_f, t_key_n)

    good = jnp.logical_not(ov)

    @plsc.parallel_loop(0, ncand, unroll=2, carry=zero16)
    def p4(n, ct):
        key = plsc.bitcast(cand_v[n], jnp.int32)
        m = good & (c_all > n) & (key > t_key)
        plsc.store_scatter(g_v, [ct, lane], key, mask=m)
        return ct + jnp.where(m, 1, 0)

    @plsc.parallel_loop(0, nf, unroll=2, carry=p4)
    def p4f(n, ct):
        key = plsc.bitcast(data_v[n], jnp.int32)
        m = ov & (key > t_key)
        plsc.store_scatter(g_v, [ct, lane], key, mask=m)
        return ct + jnp.where(m, 1, 0)

    total = p4f

    @pl.when(do_prefetch & any_ov)
    def _prefetch_late():
        nsrc, _, _ = _in_slice(x_hbm, tid + 1)
        pltpu.async_copy(nsrc, data_v, sem)

    @plsc.parallel_loop(0, K, unroll=4)
    def fill(kk):
        cur = g_v[kk]
        g_v[kk] = jnp.where(total <= kk, t_key, cur)

    _bitonic_sort_desc(g_v)

    lane64 = lane * K

    @plsc.parallel_loop(0, K, unroll=4)
    def emit(kk):
        x = _from_key(g_v[kk])
        plsc.store_scatter(out_v, [lane64 + kk], x)

    pltpu.sync_copy(out_v, o_hbm.at[bb, pl.ds(dg * K * LANES, K * LANES)])

    return top1 - 1


def _sc_topk(x):
    nc, ns = 2, 16
    nw = nc * ns
    tasks_per_w = NUM_TASKS // nw
    mesh = plsc.VectorSubcoreMesh(
        core_axis_name="c", subcore_axis_name="s", num_cores=nc, num_subcores=ns)

    @functools.partial(
        pl.kernel,
        out_type=jax.ShapeDtypeStruct((B, K * D), jnp.float32),
        mesh=mesh,
        scratch_types=[
            pltpu.VMEM((N, LANES), jnp.float32),
            pltpu.VMEM((NB1, LANES), jnp.int32),
            pltpu.VMEM((NBB, LANES), jnp.int32),
            pltpu.VMEM((CAP, LANES), jnp.float32),
            pltpu.VMEM((K, LANES), jnp.int32),
            pltpu.VMEM((K * LANES,), jnp.float32),
            pltpu.SemaphoreType.DMA,
        ],
        compiler_params=pltpu.CompilerParams(
            use_tc_tiling_on_sc=False, needs_layout_passes=False),
    )
    def kern(x_hbm, o_hbm, data_v, hist_v, histb_v, cand_v, g_v, out_v, sem):
        wid = lax.axis_index("s") * nc + lax.axis_index("c")
        t0 = wid * tasks_per_w

        src0, _, _ = _in_slice(x_hbm, t0)
        pltpu.async_copy(src0, data_v, sem)

        def task(t, spec_b):
            return _task_body(x_hbm, o_hbm, data_v, hist_v, histb_v, cand_v,
                              g_v, out_v, sem, t0 + t, t < tasks_per_w - 1,
                              spec_b, t > 0)

        lax.fori_loop(0, tasks_per_w, task,
                      jnp.full((LANES,), 1024, jnp.int32))

    return kern(x)


def kernel(masked_layer):
    return _sc_topk(masked_layer)

# --- scband reference (transcript-rebuilt; emitter-appended) ---
"""Pipeline reference for scband-top-k-87737591922787 (READ-ONLY COPY).

The authoritative reference and input builder live on the scoring server;
editing this copy changes nothing except your own understanding.
"""

import jax, jax.numpy as jnp
import numpy as np

K = 64

def setup_inputs(seed: int = 0) -> dict:
    key = jax.random.key(seed)
    masked_layer = jax.random.normal(key, (32, 4096, 128), dtype=jnp.float32)
    return {"masked_layer": masked_layer}

def reference(masked_layer):
    # Faithful translation of the Keras TopK layer:
    #   transpose [B, N, D] -> [B, D, N], top_k over last axis (N),
    #   reshape values to [-1, k * D]
    dimm = masked_layer.shape[2]
    masked_layer_t = jnp.transpose(masked_layer, (0, 2, 1))
    values, indices = jax.lax.top_k(masked_layer_t, K)
    return values.reshape(-1, K * dimm)

if __name__ == "__main__":
    import jax
    _d = setup_inputs()
    print(jax.jit(kernel)(*tuple(_d.values())))

</pallas_src>

<mosaic_0001>
#map = affine_map<(d0, d1) -> (0, 0, 0)>
#map1 = affine_map<(d0, d1) -> (0, 0)>
module attributes {stable_mosaic.version = 14 : i64} {
  func.func @kern(%arg0: i32, %arg1: i32, %arg2: memref<32x4096x128xf32, #tpu.memory_space<hbm>>, %arg3: memref<32x8192xf32, #tpu.memory_space<hbm>>, %arg4: memref<4096x16xf32, #tpu.memory_space<vmem>>, %arg5: memref<1024x16xi32, #tpu.memory_space<vmem>>, %arg6: memref<256x16xi32, #tpu.memory_space<vmem>>, %arg7: memref<512x16xf32, #tpu.memory_space<vmem>>, %arg8: memref<64x16xi32, #tpu.memory_space<vmem>>, %arg9: memref<1024xf32, #tpu.memory_space<vmem>>, %arg10: memref<!tpu.dma_semaphore, #tpu.memory_space<semaphore_mem>>) attributes {dimension_semantics = [#tpu.dimension_semantics<core_parallel>, #tpu.dimension_semantics<subcore_parallel>], iteration_bounds = array<i64: 2, 16>, scalar_prefetch = 0 : i64, scratch_operands = 7 : i64, tpu.core_type = #tpu.core_type<sc_vector_subcore>, window_params = [{transform_indices = #map}, {transform_indices = #map1}]} {
    %mul3A = arith.constant 2 : i32
    %mul3A_0 = arith.muli %arg1, %mul3A : i32
    %add3A = arith.addi %mul3A_0, %arg0 : i32
    %mul3A_1 = arith.constant 8 : i32
    %mul3A_2 = arith.muli %add3A, %mul3A_1 : i32
    %jit3A = arith.constant 8 : i32
    %div3A = arith.divsi %mul3A_2, %jit3A : i32
    %sign3A = arith.constant 0 : i32
    %sign3A_3 = arith.cmpi sgt, %mul3A_2, %sign3A : i32
    %sign3A_4 = arith.extui %sign3A_3 : i1 to i32
    %sign3A_5 = arith.constant 0 : i32
    %sign3A_6 = arith.cmpi slt, %mul3A_2, %sign3A_5 : i32
    %sign3A_7 = arith.extui %sign3A_6 : i1 to i32
    %sign3A_8 = arith.subi %sign3A_4, %sign3A_7 : i32
    %sign3A_9 = arith.constant 0 : i32
    %sign3A_10 = arith.cmpi sgt, %jit3A, %sign3A_9 : i32
    %sign3A_11 = arith.extui %sign3A_10 : i1 to i32
    %sign3A_12 = arith.constant 0 : i32
    %sign3A_13 = arith.cmpi slt, %jit3A, %sign3A_12 : i32
    %sign3A_14 = arith.extui %sign3A_13 : i1 to i32
    %sign3A_15 = arith.subi %sign3A_11, %sign3A_14 : i32
    %ne3A = arith.cmpi ne, %sign3A_8, %sign3A_15 : i32
    %rem3A = arith.remsi %mul3A_2, %jit3A : i32
    %ne3A_16 = arith.constant 0 : i32
    %ne3A_17 = arith.cmpi ne, %rem3A, %ne3A_16 : i32
    %and3A = arith.andi %ne3A, %ne3A_17 : i1
    %sub3A = arith.constant 1 : i32
    %sub3A_18 = arith.subi %div3A, %sub3A : i32
    %select_n3A = arith.select %and3A, %sub3A_18, %div3A : i32
    %jit3A_19 = arith.constant 8 : i32
    %eq3A = arith.constant 0 : i32
    %eq3A_20 = arith.cmpi eq, %jit3A_19, %eq3A : i32
    %jit3A_21 = arith.constant 1 : i32
    %select_n3A_22 = arith.select %eq3A_20, %jit3A_21, %jit3A_19 : i32
    %rem3A_23 = arith.remsi %mul3A_2, %select_n3A_22 : i32
    %ne3A_24 = arith.constant 0 : i32
    %ne3A_25 = arith.cmpi ne, %rem3A_23, %ne3A_24 : i32
    %lt3A = arith.constant 0 : i32
    %lt3A_26 = arith.cmpi slt, %rem3A_23, %lt3A : i32
    %lt3A_27 = arith.constant 0 : i32
    %lt3A_28 = arith.cmpi slt, %select_n3A_22, %lt3A_27 : i32
    %ne3A_29 = arith.xori %lt3A_26, %lt3A_28 : i1
    %and3A_30 = arith.andi %ne3A_29, %ne3A_25 : i1
    %add3A_31 = arith.addi %rem3A_23, %select_n3A_22 : i32
    %select_n3A_32 = arith.select %and3A_30, %add3A_31, %rem3A_23 : i32
    %mul3A_33 = arith.constant 16 : i32
    %mul3A_34 = arith.muli %select_n3A_32, %mul3A_33 : i32
    %dma_start3A = arith.constant 0 : i32
    %dma_start3A_35 = tpu.memref_slice %arg2[%select_n3A, %dma_start3A, %mul3A_34] : memref<32x4096x128xf32, #tpu.memory_space<hbm>> -> memref<1x4096x16xf32, #tpu.memory_space<hbm>>
    %dma_start3A_36 = tpu.memref_squeeze %dma_start3A_35 : memref<1x4096x16xf32, #tpu.memory_space<hbm>> -> memref<4096x16xf32, #tpu.memory_space<hbm>>
    %dma_start3A_37 = arith.constant 0 : i32
    %dma_start3A_38 = tpu.memref_slice %arg2[%select_n3A, %dma_start3A_37, %mul3A_34] : memref<32x4096x128xf32, #tpu.memory_space<hbm>> -> memref<1x4096x16xf32, #tpu.memory_space<hbm>>
    %dma_start3A_39 = tpu.memref_squeeze %dma_start3A_38 : memref<1x4096x16xf32, #tpu.memory_space<hbm>> -> memref<4096x16xf32, #tpu.memory_space<hbm>>
    tpu.enqueue_dma source(%dma_start3A_39 : memref<4096x16xf32, #tpu.memory_space<hbm>>) target(%arg4 : memref<4096x16xf32, #tpu.memory_space<vmem>>) target_semaphore(%arg10 : memref<!tpu.dma_semaphore, #tpu.memory_space<semaphore_mem>>)
    %broadcast_in_dim3A = arith.constant 1024 : i32
    %broadcast_in_dim3A_40 = vector.broadcast %broadcast_in_dim3A : i32 to vector<16xi32>
    %scan3A = arith.constant 0 : i32
    %scan3A_41 = arith.constant 8 : i32
    %scan3A_42 = arith.addi %scan3A, %scan3A_41 : i32
    %scan3A_43 = arith.constant 1 : i32
    %scan3A_44 = scf.for %scan3A_46 = %scan3A to %scan3A_42 step %scan3A_43 iter_args(%scan3A_47 = %broadcast_in_dim3A_40) -> (vector<16xi32>)  : i32 {
      %add3A_48 = arith.addi %mul3A_2, %scan3A_46 : i32
      %lt3A_49 = arith.constant 7 : i32
      %lt3A_50 = arith.cmpi slt, %scan3A_46, %lt3A_49 : i32
      %gt3A = arith.constant 0 : i32
      %gt3A_51 = arith.cmpi sgt, %scan3A_46, %gt3A : i32
      %iota3A = tpu.iota {dimensions = array<i32: 0>} : vector<16xi32>
      %broadcast_in_dim3A_52 = arith.constant 1 : i32
      %broadcast_in_dim3A_53 = vector.broadcast %broadcast_in_dim3A_52 : i32 to vector<16xi32>
      %broadcast_in_dim3A_54 = arith.constant 0 : i32
      %broadcast_in_dim3A_55 = vector.broadcast %broadcast_in_dim3A_54 : i32 to vector<16xi32>
      %jit3A_56 = arith.constant 8 : i32
      %div3A_57 = arith.divsi %add3A_48, %jit3A_56 : i32
      %sign3A_58 = arith.constant 0 : i32
      %sign3A_59 = arith.cmpi sgt, %add3A_48, %sign3A_58 : i32
      %sign3A_60 = arith.extui %sign3A_59 : i1 to i32
      %sign3A_61 = arith.constant 0 : i32
      %sign3A_62 = arith.cmpi slt, %add3A_48, %sign3A_61 : i32
      %sign3A_63 = arith.extui %sign3A_62 : i1 to i32
      %sign3A_64 = arith.subi %sign3A_60, %sign3A_63 : i32
      %sign3A_65 = arith.constant 0 : i32
      %sign3A_66 = arith.cmpi sgt, %jit3A_56, %sign3A_65 : i32
      %sign3A_67 = arith.extui %sign3A_66 : i1 to i32
      %sign3A_68 = arith.constant 0 : i32
      %sign3A_69 = arith.cmpi slt, %jit3A_56, %sign3A_68 : i32
      %sign3A_70 = arith.extui %sign3A_69 : i1 to i32
      %sign3A_71 = arith.subi %sign3A_67, %sign3A_70 : i32
      %ne3A_72 = arith.cmpi ne, %sign3A_64, %sign3A_71 : i32
      %rem3A_73 = arith.remsi %add3A_48, %jit3A_56 : i32
      %ne3A_74 = arith.constant 0 : i32
      %ne3A_75 = arith.cmpi ne, %rem3A_73, %ne3A_74 : i32
      %and3A_76 = arith.andi %ne3A_72, %ne3A_75 : i1
      %sub3A_77 = arith.constant 1 : i32
      %sub3A_78 = arith.subi %div3A_57, %sub3A_77 : i32
      %select_n3A_79 = arith.select %and3A_76, %sub3A_78, %div3A_57 : i32
      %jit3A_80 = arith.constant 8 : i32
      %eq3A_81 = arith.constant 0 : i32
      %eq3A_82 = arith.cmpi eq, %jit3A_80, %eq3A_81 : i32
      %jit3A_83 = arith.constant 1 : i32
      %select_n3A_84 = arith.select %eq3A_82, %jit3A_83, %jit3A_80 : i32
      %rem3A_85 = arith.remsi %add3A_48, %select_n3A_84 : i32
      %ne3A_86 = arith.constant 0 : i32
      %ne3A_87 = arith.cmpi ne, %rem3A_85, %ne3A_86 : i32
      %lt3A_88 = arith.constant 0 : i32
      %lt3A_89 = arith.cmpi slt, %rem3A_85, %lt3A_88 : i32
      %lt3A_90 = arith.constant 0 : i32
      %lt3A_91 = arith.cmpi slt, %select_n3A_84, %lt3A_90 : i32
      %ne3A_92 = arith.xori %lt3A_89, %lt3A_91 : i1
      %and3A_93 = arith.andi %ne3A_92, %ne3A_87 : i1
      %add3A_94 = arith.addi %rem3A_85, %select_n3A_84 : i32
      %select_n3A_95 = arith.select %and3A_93, %add3A_94, %rem3A_85 : i32
      %mul3A_96 = arith.constant 16 : i32
      %mul3A_97 = arith.muli %select_n3A_95, %mul3A_96 : i32
      %dma_wait3A = arith.constant 0 : i32
      %dma_wait3A_98 = tpu.memref_slice %arg2[%select_n3A_79, %dma_wait3A, %mul3A_97] : memref<32x4096x128xf32, #tpu.memory_space<hbm>> -> memref<1x4096x16xf32, #tpu.memory_space<hbm>>
      %dma_wait3A_99 = tpu.memref_squeeze %dma_wait3A_98 : memref<1x4096x16xf32, #tpu.memory_space<hbm>> -> memref<4096x16xf32, #tpu.memory_space<hbm>>
      %dma_wait3A_100 = arith.constant 0 : i32
      %dma_wait3A_101 = tpu.memref_slice %arg2[%select_n3A_79, %dma_wait3A_100, %mul3A_97] : memref<32x4096x128xf32, #tpu.memory_space<hbm>> -> memref<1x4096x16xf32, #tpu.memory_space<hbm>>
      %dma_wait3A_102 = tpu.memref_squeeze %dma_wait3A_101 : memref<1x4096x16xf32, #tpu.memory_space<hbm>> -> memref<4096x16xf32, #tpu.memory_space<hbm>>
      tpu.wait_dma2 semaphore(%arg10 : memref<!tpu.dma_semaphore, #tpu.memory_space<semaphore_mem>>) src(%dma_wait3A_102 : memref<4096x16xf32, #tpu.memory_space<hbm>>) dst(%arg4 : memref<4096x16xf32, #tpu.memory_space<vmem>>)
      %broadcast_in_dim3A_103 = arith.constant 0 : i32
      %broadcast_in_dim3A_104 = vector.broadcast %broadcast_in_dim3A_103 : i32 to vector<16xi32>
      %parallel_loop3A = arith.constant 0 : i32
      %parallel_loop3A_105 = arith.constant 1024 : i32
      %parallel_loop3A_106 = arith.constant 1 : i32
      scf.for %parallel_loop3A_391 = %parallel_loop3A to %parallel_loop3A_105 step %parallel_loop3A_106  : i32 {
        %parallel_loop3A_392 = arith.index_cast %parallel_loop3A_391 : i32 to index
        %parallel_loop3A_393 = arith.constant 0 : index
        %parallel_loop3A_394 = tpu.vector_load %arg5[%parallel_loop3A_392, %parallel_loop3A_393] {strides = array<i32>} : memref<1024x16xi32, #tpu.memory_space<vmem>>, vector<16xi32>,
        tpu.vector_store %arg5[%parallel_loop3A_392, %parallel_loop3A_393], %broadcast_in_dim3A_104 {strides = array<i32>} : memref<1024x16xi32, #tpu.memory_space<vmem>>, vector<16xi32>,
      } {sc.loop_unroll_factor = 8 : i64, sc.parallel_access}
      %parallel_loop3A_107 = arith.constant 0 : i32
      %parallel_loop3A_108 = arith.constant 4096 : i32
      %parallel_loop3A_109 = arith.constant 1 : i32
      %parallel_loop3A_110 = scf.for %parallel_loop3A_391 = %parallel_loop3A_107 to %parallel_loop3A_108 step %parallel_loop3A_109 iter_args(%parallel_loop3A_392 = %broadcast_in_dim3A_55) -> (vector<16xi32>)  : i32 {
        %parallel_loop3A_393 = arith.index_cast %parallel_loop3A_391 : i32 to index
        %parallel_loop3A_394 = arith.constant 0 : index
        %parallel_loop3A_395 = tpu.vector_load %arg4[%parallel_loop3A_393, %parallel_loop3A_394] {strides = array<i32>} : memref<4096x16xf32, #tpu.memory_space<vmem>>, vector<16xf32>,
        %parallel_loop3A_396 = vector.bitcast %parallel_loop3A_395 : vector<16xf32> to vector<16xi32>
        %parallel_loop3A_397 = arith.constant 0 : i32
        %parallel_loop3A_398 = vector.broadcast %parallel_loop3A_397 : i32 to vector<16xi32>
        %parallel_loop3A_399 = arith.cmpi sge, %parallel_loop3A_396, %parallel_loop3A_398 : vector<16xi32>
        %parallel_loop3A_400 = arith.constant 2147483647 : i32
        %parallel_loop3A_401 = vector.broadcast %parallel_loop3A_400 : i32 to vector<16xi32>
        %parallel_loop3A_402 = arith.xori %parallel_loop3A_396, %parallel_loop3A_401 : vector<16xi32>
        %parallel_loop3A_403 = arith.select %parallel_loop3A_399, %parallel_loop3A_396, %parallel_loop3A_402 : vector<16xi1>, vector<16xi32>
        %parallel_loop3A_404 = vector.bitcast %parallel_loop3A_403 : vector<16xi32> to vector<16xf32>
        %parallel_loop3A_405 = arith.index_cast %parallel_loop3A_391 : i32 to index
        %parallel_loop3A_406 = arith.constant 0 : index
        %parallel_loop3A_407 = tpu.vector_load %arg4[%parallel_loop3A_405, %parallel_loop3A_406] {strides = array<i32>} : memref<4096x16xf32, #tpu.memory_space<vmem>>, vector<16xf32>,
        tpu.vector_store %arg4[%parallel_loop3A_405, %parallel_loop3A_406], %parallel_loop3A_404 {strides = array<i32>} : memref<4096x16xf32, #tpu.memory_space<vmem>>, vector<16xf32>,
        %parallel_loop3A_408 = arith.constant 22 : i32
        %parallel_loop3A_409 = vector.broadcast %parallel_loop3A_408 : i32 to vector<16xi32>
        %parallel_loop3A_410 = arith.shrsi %parallel_loop3A_403, %parallel_loop3A_409 : vector<16xi32>
        %parallel_loop3A_411 = arith.constant 512 : i32
        %parallel_loop3A_412 = vector.broadcast %parallel_loop3A_411 : i32 to vector<16xi32>
        %parallel_loop3A_413 = arith.addi %parallel_loop3A_410, %parallel_loop3A_412 : vector<16xi32>
        tpu.vector_store_idx %arg5[%parallel_loop3A_413, %iota3A], %broadcast_in_dim3A_53 {add = true} : memref<1024x16xi32, #tpu.memory_space<vmem>>[vector<16xi32>, vector<16xi32>], vector<16xi32>,
        %parallel_loop3A_414 = arith.cmpi sge, %parallel_loop3A_410, %scan3A_47 : vector<16xi32>
        %parallel_loop3A_415 = arith.constant 511 : i32
        %parallel_loop3A_416 = vector.broadcast %parallel_loop3A_415 : i32 to vector<16xi32>
        %parallel_loop3A_417 = arith.andi %parallel_loop3A_392, %parallel_loop3A_416 : vector<16xi32>
        %parallel_loop3A_418 = vector.bitcast %parallel_loop3A_403 : vector<16xi32> to vector<16xf32>
        tpu.vector_store_idx %arg7[%parallel_loop3A_417, %iota3A], %parallel_loop3A_418 masked %parallel_loop3A_414 : memref<512x16xf32, #tpu.memory_space<vmem>>[vector<16xi32>, vector<16xi32>], vector<16xf32>, vector<16xi1>
        %parallel_loop3A_419 = arith.constant 1 : i32
        %parallel_loop3A_420 = arith.constant 0 : i32
        %parallel_loop3A_421 = vector.broadcast %parallel_loop3A_419 : i32 to vector<16xi32>
        %parallel_loop3A_422 = vector.broadcast %parallel_loop3A_420 : i32 to vector<16xi32>
        %parallel_loop3A_423 = arith.select %parallel_loop3A_414, %parallel_loop3A_421, %parallel_loop3A_422 : vector<16xi1>, vector<16xi32>
        %parallel_loop3A_424 = arith.addi %parallel_loop3A_392, %parallel_loop3A_423 : vector<16xi32>
        scf.yield %parallel_loop3A_424 : vector<16xi32>
      } {sc.loop_unroll_factor = 8 : i64, sc.parallel_access}
      %broadcast_in_dim3A_111 = arith.constant 0 : i32
      %broadcast_in_dim3A_112 = vector.broadcast %broadcast_in_dim3A_111 : i32 to vector<16xi32>
      %while3A = arith.constant 1023 : i32
      %while3A_113 = scf.while (%while3A_391 = %while3A) : (i32) -> i32 {
        %ge3A_392 = arith.constant 0 : i32
        %ge3A_393 = arith.cmpi sge, %while3A_391, %ge3A_392 : i32
        %get3A = arith.index_cast %while3A_391 : i32 to index
        %get3A_394 = arith.constant 0 : index
        %get3A_395 = tpu.vector_load %arg5[%get3A, %get3A_394] {strides = array<i32>} : memref<1024x16xi32, #tpu.memory_space<vmem>>, vector<16xi32>,
        %reduce_max3A_396 = arith.constant true
        %reduce_max3A_397 = vector.broadcast %reduce_max3A_396 : i1 to vector<16xi1>
        %reduce_max3A_398 = arith.constant -2147483648 : i32
        %reduce_max3A_399 = vector.broadcast %reduce_max3A_398 : i32 to vector<16xi32>
        %reduce_max3A_400 = arith.xori %get3A_395, %reduce_max3A_399 : vector<16xi32>
        %reduce_max3A_401 = tpu.scan <max>, %reduce_max3A_400 masked %reduce_max3A_397 : vector<16xi32>, vector<16xi1> -> vector<16xi32>
        %reduce_max3A_402 = arith.xori %reduce_max3A_401, %reduce_max3A_399 : vector<16xi32>
        %reduce_max3A_403 = vector.extract %reduce_max3A_402[15] : i32 from vector<16xi32>
        %eq3A_404 = arith.constant 0 : i32
        %eq3A_405 = arith.cmpi eq, %reduce_max3A_403, %eq3A_404 : i32
        %and3A_406 = arith.andi %ge3A_393, %eq3A_405 : i1
        scf.condition(%and3A_406) %while3A_391 : i32
      } do {
      ^bb0(%while3A_391: i32):
        %sub3A_392 = arith.constant 1 : i32
        %sub3A_393 = arith.subi %while3A_391, %sub3A_392 : i32
        scf.yield %sub3A_393 : i32
      }
      %while3A_114:4 = scf.while (%while3A_391 = %while3A_113, %while3A_392 = %broadcast_in_dim3A_55, %while3A_393 = %broadcast_in_dim3A_112, %while3A_394 = %broadcast_in_dim3A_112) : (i32, vector<16xi32>, vector<16xi32>, vector<16xi32>) -> (i32, vector<16xi32>, vector<16xi32>, vector<16xi32>) {
        %ge3A_395 = arith.constant 0 : i32
        %ge3A_396 = arith.cmpi sge, %while3A_391, %ge3A_395 : i32
        %reduce_min3A = arith.constant true
        %reduce_min3A_397 = vector.broadcast %reduce_min3A : i1 to vector<16xi1>
        %reduce_min3A_398 = arith.constant -2147483648 : i32
        %reduce_min3A_399 = vector.broadcast %reduce_min3A_398 : i32 to vector<16xi32>
        %reduce_min3A_400 = arith.xori %while3A_392, %reduce_min3A_399 : vector<16xi32>
        %reduce_min3A_401 = tpu.scan <min>, %reduce_min3A_400 masked %reduce_min3A_397 : vector<16xi32>, vector<16xi1> -> vector<16xi32>
        %reduce_min3A_402 = arith.xori %reduce_min3A_401, %reduce_min3A_399 : vector<16xi32>
        %reduce_min3A_403 = vector.extract %reduce_min3A_402[15] : i32 from vector<16xi32>
        %lt3A_404 = arith.constant 64 : i32
        %lt3A_405 = arith.cmpi slt, %reduce_min3A_403, %lt3A_404 : i32
        %and3A_406 = arith.andi %ge3A_396, %lt3A_405 : i1
        scf.condition(%and3A_406) %while3A_391, %while3A_392, %while3A_393, %while3A_394 : i32, vector<16xi32>, vector<16xi32>, vector<16xi32>
      } do {
      ^bb0(%while3A_391: i32, %while3A_392: vector<16xi32>, %while3A_393: vector<16xi32>, %while3A_394: vector<16xi32>):
        %get3A = arith.index_cast %while3A_391 : i32 to index
        %get3A_395 = arith.constant 0 : index
        %get3A_396 = tpu.vector_load %arg5[%get3A, %get3A_395] {strides = array<i32>} : memref<1024x16xi32, #tpu.memory_space<vmem>>, vector<16xi32>,
        %add3A_397 = arith.addi %while3A_392, %get3A_396 : vector<16xi32>
        %lt3A_398 = arith.constant 64 : i32
        %lt3A_399 = vector.broadcast %lt3A_398 : i32 to vector<16xi32>
        %lt3A_400 = arith.cmpi slt, %while3A_392, %lt3A_399 : vector<16xi32>
        %ge3A_401 = arith.constant 64 : i32
        %ge3A_402 = vector.broadcast %ge3A_401 : i32 to vector<16xi32>
        %ge3A_403 = arith.cmpi sge, %add3A_397, %ge3A_402 : vector<16xi32>
        %and3A_404 = arith.andi %lt3A_400, %ge3A_403 : vector<16xi1>
        %broadcast_in_dim3A_405 = vector.broadcast %while3A_391 : i32 to vector<16xi32>
        %select_n3A_406 = arith.select %and3A_404, %broadcast_in_dim3A_405, %while3A_393 : vector<16xi1>, vector<16xi32>
        %select_n3A_407 = arith.select %and3A_404, %while3A_392, %while3A_394 : vector<16xi1>, vector<16xi32>
        %sub3A_408 = arith.constant 1 : i32
        %sub3A_409 = arith.subi %while3A_391, %sub3A_408 : i32
        scf.yield %sub3A_409, %add3A_397, %select_n3A_406, %select_n3A_407 : i32, vector<16xi32>, vector<16xi32>, vector<16xi32>
      }
      %sub3A_115 = arith.constant 512 : i32
      %sub3A_116 = vector.broadcast %sub3A_115 : i32 to vector<16xi32>
      %sub3A_117 = arith.subi %while3A_114#2, %sub3A_116 : vector<16xi32>
      %jit3A_118 = arith.constant 0 : i32
      %jit3A_119 = arith.constant 4096 : i32
      %select_n3A_120 = arith.select %gt3A_51, %jit3A_118, %jit3A_119 : i32
      %parallel_loop3A_121 = arith.constant 0 : i32
      %parallel_loop3A_122 = arith.constant 1 : i32
      %parallel_loop3A_123 = scf.for %parallel_loop3A_391 = %parallel_loop3A_121 to %select_n3A_120 step %parallel_loop3A_122 iter_args(%parallel_loop3A_392 = %parallel_loop3A_110) -> (vector<16xi32>)  : i32 {
        %parallel_loop3A_393 = arith.index_cast %parallel_loop3A_391 : i32 to index
        %parallel_loop3A_394 = arith.constant 0 : index
        %parallel_loop3A_395 = tpu.vector_load %arg4[%parallel_loop3A_393, %parallel_loop3A_394] {strides = array<i32>} : memref<4096x16xf32, #tpu.memory_space<vmem>>, vector<16xf32>,
        %parallel_loop3A_396 = vector.bitcast %parallel_loop3A_395 : vector<16xf32> to vector<16xi32>
        %parallel_loop3A_397 = arith.constant 22 : i32
        %parallel_loop3A_398 = vector.broadcast %parallel_loop3A_397 : i32 to vector<16xi32>
        %parallel_loop3A_399 = arith.shrsi %parallel_loop3A_396, %parallel_loop3A_398 : vector<16xi32>
        %parallel_loop3A_400 = arith.cmpi sge, %parallel_loop3A_399, %sub3A_117 : vector<16xi32>
        %parallel_loop3A_401 = arith.constant 511 : i32
        %parallel_loop3A_402 = vector.broadcast %parallel_loop3A_401 : i32 to vector<16xi32>
        %parallel_loop3A_403 = arith.andi %parallel_loop3A_392, %parallel_loop3A_402 : vector<16xi32>
        %parallel_loop3A_404 = vector.bitcast %parallel_loop3A_396 : vector<16xi32> to vector<16xf32>
        tpu.vector_store_idx %arg7[%parallel_loop3A_403, %iota3A], %parallel_loop3A_404 masked %parallel_loop3A_400 : memref<512x16xf32, #tpu.memory_space<vmem>>[vector<16xi32>, vector<16xi32>], vector<16xf32>, vector<16xi1>
        %parallel_loop3A_405 = arith.constant 1 : i32
        %parallel_loop3A_406 = arith.constant 0 : i32
        %parallel_loop3A_407 = vector.broadcast %parallel_loop3A_405 : i32 to vector<16xi32>
        %parallel_loop3A_408 = vector.broadcast %parallel_loop3A_406 : i32 to vector<16xi32>
        %parallel_loop3A_409 = arith.select %parallel_loop3A_400, %parallel_loop3A_407, %parallel_loop3A_408 : vector<16xi1>, vector<16xi32>
        %parallel_loop3A_410 = arith.addi %parallel_loop3A_392, %parallel_loop3A_409 : vector<16xi32>
        scf.yield %parallel_loop3A_410 : vector<16xi32>
      } {sc.loop_unroll_factor = 8 : i64, sc.parallel_access}
      %reduce_max3A = arith.constant true
      %reduce_max3A_124 = vector.broadcast %reduce_max3A : i1 to vector<16xi1>
      %reduce_max3A_125 = arith.constant -2147483648 : i32
      %reduce_max3A_126 = vector.broadcast %reduce_max3A_125 : i32 to vector<16xi32>
      %reduce_max3A_127 = arith.xori %parallel_loop3A_123, %reduce_max3A_126 : vector<16xi32>
      %reduce_max3A_128 = tpu.scan <max>, %reduce_max3A_127 masked %reduce_max3A_124 : vector<16xi32>, vector<16xi1> -> vector<16xi32>
      %reduce_max3A_129 = arith.xori %reduce_max3A_128, %reduce_max3A_126 : vector<16xi32>
      %reduce_max3A_130 = vector.extract %reduce_max3A_129[15] : i32 from vector<16xi32>
      %ge3A = arith.constant 512 : i32
      %ge3A_131 = vector.broadcast %ge3A : i32 to vector<16xi32>
      %ge3A_132 = arith.cmpi sge, %parallel_loop3A_123, %ge3A_131 : vector<16xi32>
      %gt3A_133 = arith.cmpi sgt, %scan3A_47, %sub3A_117 : vector<16xi32>
      %and3A_134 = vector.broadcast %gt3A_51 : i1 to vector<16xi1>
      %and3A_135 = arith.andi %and3A_134, %gt3A_133 : vector<16xi1>
      %or3A = arith.ori %ge3A_132, %and3A_135 : vector<16xi1>
      %reduce_or3A = arith.constant 1.000000e+00 : f32
      %reduce_or3A_136 = arith.constant 0.000000e+00 : f32
      %reduce_or3A_137 = vector.broadcast %reduce_or3A : f32 to vector<16xf32>
      %reduce_or3A_138 = vector.broadcast %reduce_or3A_136 : f32 to vector<16xf32>
      %reduce_or3A_139 = arith.select %or3A, %reduce_or3A_137, %reduce_or3A_138 : vector<16xi1>, vector<16xf32>
      %reduce_or3A_140 = arith.constant true
      %reduce_or3A_141 = vector.broadcast %reduce_or3A_140 : i1 to vector<16xi1>
      %reduce_or3A_142 = tpu.scan <max>, %reduce_or3A_139 masked %reduce_or3A_141 : vector<16xf32>, vector<16xi1> -> vector<16xf32>
      %reduce_or3A_143 = vector.extract %reduce_or3A_142[15] : f32 from vector<16xf32>
      %reduce_or3A_144 = arith.constant 0.000000e+00 : f32
      %reduce_or3A_145 = arith.cmpf ogt, %reduce_or3A_143, %reduce_or3A_144 : f32
      %min3A = arith.constant 512 : i32
      %min3A_146 = arith.minsi %reduce_max3A_130, %min3A : i32
      %not3A = arith.constant true
      %not3A_147 = arith.xori %reduce_or3A_145, %not3A : i1
      %and3A_148 = arith.andi %lt3A_50, %not3A_147 : i1
      %convert_element_type3A = arith.extui %and3A_148 : i1 to i32
      %cond3A = arith.constant 0 : i32
      %cond3A_149 = arith.cmpi ne, %convert_element_type3A, %cond3A : i32
      scf.if %cond3A_149 {
        %add3A_391 = arith.constant 1 : i32
        %add3A_392 = arith.addi %add3A_48, %add3A_391 : i32
        %jit3A_393 = arith.constant 8 : i32
        %div3A_394 = arith.divsi %add3A_392, %jit3A_393 : i32
        %sign3A_395 = arith.constant 0 : i32
        %sign3A_396 = arith.cmpi sgt, %add3A_392, %sign3A_395 : i32
        %sign3A_397 = arith.extui %sign3A_396 : i1 to i32
        %sign3A_398 = arith.constant 0 : i32
        %sign3A_399 = arith.cmpi slt, %add3A_392, %sign3A_398 : i32
        %sign3A_400 = arith.extui %sign3A_399 : i1 to i32
        %sign3A_401 = arith.subi %sign3A_397, %sign3A_400 : i32
        %sign3A_402 = arith.constant 0 : i32
        %sign3A_403 = arith.cmpi sgt, %jit3A_393, %sign3A_402 : i32
        %sign3A_404 = arith.extui %sign3A_403 : i1 to i32
        %sign3A_405 = arith.constant 0 : i32
        %sign3A_406 = arith.cmpi slt, %jit3A_393, %sign3A_405 : i32
        %sign3A_407 = arith.extui %sign3A_406 : i1 to i32
        %sign3A_408 = arith.subi %sign3A_404, %sign3A_407 : i32
        %ne3A_409 = arith.cmpi ne, %sign3A_401, %sign3A_408 : i32
        %rem3A_410 = arith.remsi %add3A_392, %jit3A_393 : i32
        %ne3A_411 = arith.constant 0 : i32
        %ne3A_412 = arith.cmpi ne, %rem3A_410, %ne3A_411 : i32
        %and3A_413 = arith.andi %ne3A_409, %ne3A_412 : i1
        %sub3A_414 = arith.constant 1 : i32
        %sub3A_415 = arith.subi %div3A_394, %sub3A_414 : i32
        %select_n3A_416 = arith.select %and3A_413, %sub3A_415, %div3A_394 : i32
        %jit3A_417 = arith.constant 8 : i32
        %eq3A_418 = arith.constant 0 : i32
        %eq3A_419 = arith.cmpi eq, %jit3A_417, %eq3A_418 : i32
        %jit3A_420 = arith.constant 1 : i32
        %select_n3A_421 = arith.select %eq3A_419, %jit3A_420, %jit3A_417 : i32
        %rem3A_422 = arith.remsi %add3A_392, %select_n3A_421 : i32
        %ne3A_423 = arith.constant 0 : i32
        %ne3A_424 = arith.cmpi ne, %rem3A_422, %ne3A_423 : i32
        %lt3A_425 = arith.constant 0 : i32
        %lt3A_426 = arith.cmpi slt, %rem3A_422, %lt3A_425 : i32
        %lt3A_427 = arith.constant 0 : i32
        %lt3A_428 = arith.cmpi slt, %select_n3A_421, %lt3A_427 : i32
        %ne3A_429 = arith.xori %lt3A_426, %lt3A_428 : i1
        %and3A_430 = arith.andi %ne3A_429, %ne3A_424 : i1
        %add3A_431 = arith.addi %rem3A_422, %select_n3A_421 : i32
        %select_n3A_432 = arith.select %and3A_430, %add3A_431, %rem3A_422 : i32
        %mul3A_433 = arith.constant 16 : i32
        %mul3A_434 = arith.muli %select_n3A_432, %mul3A_433 : i32
        %dma_start3A_435 = arith.constant 0 : i32
        %dma_start3A_436 = tpu.memref_slice %arg2[%select_n3A_416, %dma_start3A_435, %mul3A_434] : memref<32x4096x128xf32, #tpu.memory_space<hbm>> -> memref<1x4096x16xf32, #tpu.memory_space<hbm>>
        %dma_start3A_437 = tpu.memref_squeeze %dma_start3A_436 : memref<1x4096x16xf32, #tpu.memory_space<hbm>> -> memref<4096x16xf32, #tpu.memory_space<hbm>>
        %dma_start3A_438 = arith.constant 0 : i32
        %dma_start3A_439 = tpu.memref_slice %arg2[%select_n3A_416, %dma_start3A_438, %mul3A_434] : memref<32x4096x128xf32, #tpu.memory_space<hbm>> -> memref<1x4096x16xf32, #tpu.memory_space<hbm>>
        %dma_start3A_440 = tpu.memref_squeeze %dma_start3A_439 : memref<1x4096x16xf32, #tpu.memory_space<hbm>> -> memref<4096x16xf32, #tpu.memory_space<hbm>>
        tpu.enqueue_dma source(%dma_start3A_440 : memref<4096x16xf32, #tpu.memory_space<hbm>>) target(%arg4 : memref<4096x16xf32, #tpu.memory_space<vmem>>) target_semaphore(%arg10 : memref<!tpu.dma_semaphore, #tpu.memory_space<semaphore_mem>>)
      } else {
      }
      %broadcast_in_dim3A_150 = arith.constant 0 : i32
      %broadcast_in_dim3A_151 = vector.broadcast %broadcast_in_dim3A_150 : i32 to vector<16xi32>
      %parallel_loop3A_152 = arith.constant 0 : i32
      %parallel_loop3A_153 = arith.constant 256 : i32
      %parallel_loop3A_154 = arith.constant 1 : i32
      scf.for %parallel_loop3A_391 = %parallel_loop3A_152 to %parallel_loop3A_153 step %parallel_loop3A_154  : i32 {
        %parallel_loop3A_392 = arith.index_cast %parallel_loop3A_391 : i32 to index
        %parallel_loop3A_393 = arith.constant 0 : index
        %parallel_loop3A_394 = tpu.vector_load %arg6[%parallel_loop3A_392, %parallel_loop3A_393] {strides = array<i32>} : memref<256x16xi32, #tpu.memory_space<vmem>>, vector<16xi32>,
        tpu.vector_store %arg6[%parallel_loop3A_392, %parallel_loop3A_393], %broadcast_in_dim3A_151 {strides = array<i32>} : memref<256x16xi32, #tpu.memory_space<vmem>>, vector<16xi32>,
      } {sc.loop_unroll_factor = 8 : i64, sc.parallel_access}
      %parallel_loop3A_155 = arith.constant 0 : i32
      %parallel_loop3A_156 = arith.constant 1 : i32
      scf.for %parallel_loop3A_391 = %parallel_loop3A_155 to %min3A_146 step %parallel_loop3A_156  : i32 {
        %parallel_loop3A_392 = arith.index_cast %parallel_loop3A_391 : i32 to index
        %parallel_loop3A_393 = arith.constant 0 : index
        %parallel_loop3A_394 = tpu.vector_load %arg7[%parallel_loop3A_392, %parallel_loop3A_393] {strides = array<i32>} : memref<512x16xf32, #tpu.memory_space<vmem>>, vector<16xf32>,
        %parallel_loop3A_395 = vector.bitcast %parallel_loop3A_394 : vector<16xf32> to vector<16xi32>
        %parallel_loop3A_396 = vector.broadcast %parallel_loop3A_391 : i32 to vector<16xi32>
        %parallel_loop3A_397 = arith.cmpi sgt, %parallel_loop3A_123, %parallel_loop3A_396 : vector<16xi32>
        %parallel_loop3A_398 = arith.constant 22 : i32
        %parallel_loop3A_399 = vector.broadcast %parallel_loop3A_398 : i32 to vector<16xi32>
        %parallel_loop3A_400 = arith.shrsi %parallel_loop3A_395, %parallel_loop3A_399 : vector<16xi32>
        %parallel_loop3A_401 = arith.cmpi eq, %parallel_loop3A_400, %sub3A_117 : vector<16xi32>
        %parallel_loop3A_402 = arith.andi %parallel_loop3A_397, %parallel_loop3A_401 : vector<16xi1>
        %parallel_loop3A_403 = arith.constant 14 : i32
        %parallel_loop3A_404 = vector.broadcast %parallel_loop3A_403 : i32 to vector<16xi32>
        %parallel_loop3A_405 = arith.shrsi %parallel_loop3A_395, %parallel_loop3A_404 : vector<16xi32>
        %parallel_loop3A_406 = arith.constant 255 : i32
        %parallel_loop3A_407 = vector.broadcast %parallel_loop3A_406 : i32 to vector<16xi32>
        %parallel_loop3A_408 = arith.andi %parallel_loop3A_405, %parallel_loop3A_407 : vector<16xi32>
        tpu.vector_store_idx %arg6[%parallel_loop3A_408, %iota3A], %broadcast_in_dim3A_53 masked %parallel_loop3A_402 {add = true} : memref<256x16xi32, #tpu.memory_space<vmem>>[vector<16xi32>, vector<16xi32>], vector<16xi32>, vector<16xi1>
      } {sc.loop_unroll_factor = 2 : i64, sc.parallel_access}
      %broadcast_in_dim3A_157 = arith.constant 0 : i32
      %broadcast_in_dim3A_158 = vector.broadcast %broadcast_in_dim3A_157 : i32 to vector<16xi32>
      %while3A_159 = arith.constant 255 : i32
      %while3A_160 = scf.while (%while3A_391 = %while3A_159) : (i32) -> i32 {
        %ge3A_392 = arith.constant 0 : i32
        %ge3A_393 = arith.cmpi sge, %while3A_391, %ge3A_392 : i32
        %get3A = arith.index_cast %while3A_391 : i32 to index
        %get3A_394 = arith.constant 0 : index
        %get3A_395 = tpu.vector_load %arg6[%get3A, %get3A_394] {strides = array<i32>} : memref<256x16xi32, #tpu.memory_space<vmem>>, vector<16xi32>,
        %reduce_max3A_396 = arith.constant true
        %reduce_max3A_397 = vector.broadcast %reduce_max3A_396 : i1 to vector<16xi1>
        %reduce_max3A_398 = arith.constant -2147483648 : i32
        %reduce_max3A_399 = vector.broadcast %reduce_max3A_398 : i32 to vector<16xi32>
        %reduce_max3A_400 = arith.xori %get3A_395, %reduce_max3A_399 : vector<16xi32>
        %reduce_max3A_401 = tpu.scan <max>, %reduce_max3A_400 masked %reduce_max3A_397 : vector<16xi32>, vector<16xi1> -> vector<16xi32>
        %reduce_max3A_402 = arith.xori %reduce_max3A_401, %reduce_max3A_399 : vector<16xi32>
        %reduce_max3A_403 = vector.extract %reduce_max3A_402[15] : i32 from vector<16xi32>
        %eq3A_404 = arith.constant 0 : i32
        %eq3A_405 = arith.cmpi eq, %reduce_max3A_403, %eq3A_404 : i32
        %and3A_406 = arith.andi %ge3A_393, %eq3A_405 : i1
        scf.condition(%and3A_406) %while3A_391 : i32
      } do {
      ^bb0(%while3A_391: i32):
        %sub3A_392 = arith.constant 1 : i32
        %sub3A_393 = arith.subi %while3A_391, %sub3A_392 : i32
        scf.yield %sub3A_393 : i32
      }
      %while3A_161:4 = scf.while (%while3A_391 = %while3A_160, %while3A_392 = %while3A_114#3, %while3A_393 = %broadcast_in_dim3A_158, %while3A_394 = %broadcast_in_dim3A_158) : (i32, vector<16xi32>, vector<16xi32>, vector<16xi32>) -> (i32, vector<16xi32>, vector<16xi32>, vector<16xi32>) {
        %ge3A_395 = arith.constant 0 : i32
        %ge3A_396 = arith.cmpi sge, %while3A_391, %ge3A_395 : i32
        %reduce_min3A = arith.constant true
        %reduce_min3A_397 = vector.broadcast %reduce_min3A : i1 to vector<16xi1>
        %reduce_min3A_398 = arith.constant -2147483648 : i32
        %reduce_min3A_399 = vector.broadcast %reduce_min3A_398 : i32 to vector<16xi32>
        %reduce_min3A_400 = arith.xori %while3A_392, %reduce_min3A_399 : vector<16xi32>
        %reduce_min3A_401 = tpu.scan <min>, %reduce_min3A_400 masked %reduce_min3A_397 : vector<16xi32>, vector<16xi1> -> vector<16xi32>
        %reduce_min3A_402 = arith.xori %reduce_min3A_401, %reduce_min3A_399 : vector<16xi32>
        %reduce_min3A_403 = vector.extract %reduce_min3A_402[15] : i32 from vector<16xi32>
        %lt3A_404 = arith.constant 64 : i32
        %lt3A_405 = arith.cmpi slt, %reduce_min3A_403, %lt3A_404 : i32
        %and3A_406 = arith.andi %ge3A_396, %lt3A_405 : i1
        scf.condition(%and3A_406) %while3A_391, %while3A_392, %while3A_393, %while3A_394 : i32, vector<16xi32>, vector<16xi32>, vector<16xi32>
      } do {
      ^bb0(%while3A_391: i32, %while3A_392: vector<16xi32>, %while3A_393: vector<16xi32>, %while3A_394: vector<16xi32>):
        %get3A = arith.index_cast %while3A_391 : i32 to index
        %get3A_395 = arith.constant 0 : index
        %get3A_396 = tpu.vector_load %arg6[%get3A, %get3A_395] {strides = array<i32>} : memref<256x16xi32, #tpu.memory_space<vmem>>, vector<16xi32>,
        %add3A_397 = arith.addi %while3A_392, %get3A_396 : vector<16xi32>
        %lt3A_398 = arith.constant 64 : i32
        %lt3A_399 = vector.broadcast %lt3A_398 : i32 to vector<16xi32>
        %lt3A_400 = arith.cmpi slt, %while3A_392, %lt3A_399 : vector<16xi32>
        %ge3A_401 = arith.constant 64 : i32
        %ge3A_402 = vector.broadcast %ge3A_401 : i32 to vector<16xi32>
        %ge3A_403 = arith.cmpi sge, %add3A_397, %ge3A_402 : vector<16xi32>
        %and3A_404 = arith.andi %lt3A_400, %ge3A_403 : vector<16xi1>
        %broadcast_in_dim3A_405 = vector.broadcast %while3A_391 : i32 to vector<16xi32>
        %select_n3A_406 = arith.select %and3A_404, %broadcast_in_dim3A_405, %while3A_393 : vector<16xi1>, vector<16xi32>
        %select_n3A_407 = arith.select %and3A_404, %while3A_392, %while3A_394 : vector<16xi1>, vector<16xi32>
        %sub3A_408 = arith.constant 1 : i32
        %sub3A_409 = arith.subi %while3A_391, %sub3A_408 : i32
        scf.yield %sub3A_409, %add3A_397, %select_n3A_406, %select_n3A_407 : i32, vector<16xi32>, vector<16xi32>, vector<16xi32>
      }
      %shift_left3A = arith.constant 8 : i32
      %shift_left3A_162 = vector.broadcast %shift_left3A : i32 to vector<16xi32>
      %shift_left3A_163 = arith.shli %sub3A_117, %shift_left3A_162 : vector<16xi32>
      %or3A_164 = arith.ori %shift_left3A_163, %while3A_161#2 : vector<16xi32>
      %broadcast_in_dim3A_165 = arith.constant 0 : i32
      %broadcast_in_dim3A_166 = vector.broadcast %broadcast_in_dim3A_165 : i32 to vector<16xi32>
      %parallel_loop3A_167 = arith.constant 0 : i32
      %parallel_loop3A_168 = arith.constant 128 : i32
      %parallel_loop3A_169 = arith.constant 1 : i32
      scf.for %parallel_loop3A_391 = %parallel_loop3A_167 to %parallel_loop3A_168 step %parallel_loop3A_169  : i32 {
        %parallel_loop3A_392 = arith.index_cast %parallel_loop3A_391 : i32 to index
        %parallel_loop3A_393 = arith.constant 0 : index
        %parallel_loop3A_394 = tpu.vector_load %arg6[%parallel_loop3A_392, %parallel_loop3A_393] {strides = array<i32>} : memref<256x16xi32, #tpu.memory_space<vmem>>, vector<16xi32>,
        tpu.vector_store %arg6[%parallel_loop3A_392, %parallel_loop3A_393], %broadcast_in_dim3A_166 {strides = array<i32>} : memref<256x16xi32, #tpu.memory_space<vmem>>, vector<16xi32>,
      } {sc.loop_unroll_factor = 8 : i64, sc.parallel_access}
      %parallel_loop3A_170 = arith.constant 0 : i32
      %parallel_loop3A_171 = arith.constant 1 : i32
      scf.for %parallel_loop3A_391 = %parallel_loop3A_170 to %min3A_146 step %parallel_loop3A_171  : i32 {
        %parallel_loop3A_392 = arith.index_cast %parallel_loop3A_391 : i32 to index
        %parallel_loop3A_393 = arith.constant 0 : index
        %parallel_loop3A_394 = tpu.vector_load %arg7[%parallel_loop3A_392, %parallel_loop3A_393] {strides = array<i32>} : memref<512x16xf32, #tpu.memory_space<vmem>>, vector<16xf32>,
        %parallel_loop3A_395 = vector.bitcast %parallel_loop3A_394 : vector<16xf32> to vector<16xi32>
        %parallel_loop3A_396 = vector.broadcast %parallel_loop3A_391 : i32 to vector<16xi32>
        %parallel_loop3A_397 = arith.cmpi sgt, %parallel_loop3A_123, %parallel_loop3A_396 : vector<16xi32>
        %parallel_loop3A_398 = arith.constant 14 : i32
        %parallel_loop3A_399 = vector.broadcast %parallel_loop3A_398 : i32 to vector<16xi32>
        %parallel_loop3A_400 = arith.shrsi %parallel_loop3A_395, %parallel_loop3A_399 : vector<16xi32>
        %parallel_loop3A_401 = arith.cmpi eq, %parallel_loop3A_400, %or3A_164 : vector<16xi32>
        %parallel_loop3A_402 = arith.andi %parallel_loop3A_397, %parallel_loop3A_401 : vector<16xi1>
        %parallel_loop3A_403 = arith.constant 7 : i32
        %parallel_loop3A_404 = vector.broadcast %parallel_loop3A_403 : i32 to vector<16xi32>
        %parallel_loop3A_405 = arith.shrsi %parallel_loop3A_395, %parallel_loop3A_404 : vector<16xi32>
        %parallel_loop3A_406 = arith.constant 127 : i32
        %parallel_loop3A_407 = vector.broadcast %parallel_loop3A_406 : i32 to vector<16xi32>
        %parallel_loop3A_408 = arith.andi %parallel_loop3A_405, %parallel_loop3A_407 : vector<16xi32>
        tpu.vector_store_idx %arg6[%parallel_loop3A_408, %iota3A], %broadcast_in_dim3A_53 masked %parallel_loop3A_402 {add = true} : memref<256x16xi32, #tpu.memory_space<vmem>>[vector<16xi32>, vector<16xi32>], vector<16xi32>, vector<16xi1>
      } {sc.loop_unroll_factor = 2 : i64, sc.parallel_access}
      %broadcast_in_dim3A_172 = arith.constant 0 : i32
      %broadcast_in_dim3A_173 = vector.broadcast %broadcast_in_dim3A_172 : i32 to vector<16xi32>
      %while3A_174 = arith.constant 127 : i32
      %while3A_175 = scf.while (%while3A_391 = %while3A_174) : (i32) -> i32 {
        %ge3A_392 = arith.constant 0 : i32
        %ge3A_393 = arith.cmpi sge, %while3A_391, %ge3A_392 : i32
        %get3A = arith.index_cast %while3A_391 : i32 to index
        %get3A_394 = arith.constant 0 : index
        %get3A_395 = tpu.vector_load %arg6[%get3A, %get3A_394] {strides = array<i32>} : memref<256x16xi32, #tpu.memory_space<vmem>>, vector<16xi32>,
        %reduce_max3A_396 = arith.constant true
        %reduce_max3A_397 = vector.broadcast %reduce_max3A_396 : i1 to vector<16xi1>
        %reduce_max3A_398 = arith.constant -2147483648 : i32
        %reduce_max3A_399 = vector.broadcast %reduce_max3A_398 : i32 to vector<16xi32>
        %reduce_max3A_400 = arith.xori %get3A_395, %reduce_max3A_399 : vector<16xi32>
        %reduce_max3A_401 = tpu.scan <max>, %reduce_max3A_400 masked %reduce_max3A_397 : vector<16xi32>, vector<16xi1> -> vector<16xi32>
        %reduce_max3A_402 = arith.xori %reduce_max3A_401, %reduce_max3A_399 : vector<16xi32>
        %reduce_max3A_403 = vector.extract %reduce_max3A_402[15] : i32 from vector<16xi32>
        %eq3A_404 = arith.constant 0 : i32
        %eq3A_405 = arith.cmpi eq, %reduce_max3A_403, %eq3A_404 : i32
        %and3A_406 = arith.andi %ge3A_393, %eq3A_405 : i1
        scf.condition(%and3A_406) %while3A_391 : i32
      } do {
      ^bb0(%while3A_391: i32):
        %sub3A_392 = arith.constant 1 : i32
        %sub3A_393 = arith.subi %while3A_391, %sub3A_392 : i32
        scf.yield %sub3A_393 : i32
      }
      %while3A_176:4 = scf.while (%while3A_391 = %while3A_175, %while3A_392 = %while3A_161#3, %while3A_393 = %broadcast_in_dim3A_173, %while3A_394 = %broadcast_in_dim3A_173) : (i32, vector<16xi32>, vector<16xi32>, vector<16xi32>) -> (i32, vector<16xi32>, vector<16xi32>, vector<16xi32>) {
        %ge3A_395 = arith.constant 0 : i32
        %ge3A_396 = arith.cmpi sge, %while3A_391, %ge3A_395 : i32
        %reduce_min3A = arith.constant true
        %reduce_min3A_397 = vector.broadcast %reduce_min3A : i1 to vector<16xi1>
        %reduce_min3A_398 = arith.constant -2147483648 : i32
        %reduce_min3A_399 = vector.broadcast %reduce_min3A_398 : i32 to vector<16xi32>
        %reduce_min3A_400 = arith.xori %while3A_392, %reduce_min3A_399 : vector<16xi32>
        %reduce_min3A_401 = tpu.scan <min>, %reduce_min3A_400 masked %reduce_min3A_397 : vector<16xi32>, vector<16xi1> -> vector<16xi32>
        %reduce_min3A_402 = arith.xori %reduce_min3A_401, %reduce_min3A_399 : vector<16xi32>
        %reduce_min3A_403 = vector.extract %reduce_min3A_402[15] : i32 from vector<16xi32>
        %lt3A_404 = arith.constant 64 : i32
        %lt3A_405 = arith.cmpi slt, %reduce_min3A_403, %lt3A_404 : i32
        %and3A_406 = arith.andi %ge3A_396, %lt3A_405 : i1
        scf.condition(%and3A_406) %while3A_391, %while3A_392, %while3A_393, %while3A_394 : i32, vector<16xi32>, vector<16xi32>, vector<16xi32>
      } do {
      ^bb0(%while3A_391: i32, %while3A_392: vector<16xi32>, %while3A_393: vector<16xi32>, %while3A_394: vector<16xi32>):
        %get3A = arith.index_cast %while3A_391 : i32 to index
        %get3A_395 = arith.constant 0 : index
        %get3A_396 = tpu.vector_load %arg6[%get3A, %get3A_395] {strides = array<i32>} : memref<256x16xi32, #tpu.memory_space<vmem>>, vector<16xi32>,
        %add3A_397 = arith.addi %while3A_392, %get3A_396 : vector<16xi32>
        %lt3A_398 = arith.constant 64 : i32
        %lt3A_399 = vector.broadcast %lt3A_398 : i32 to vector<16xi32>
        %lt3A_400 = arith.cmpi slt, %while3A_392, %lt3A_399 : vector<16xi32>
        %ge3A_401 = arith.constant 64 : i32
        %ge3A_402 = vector.broadcast %ge3A_401 : i32 to vector<16xi32>
        %ge3A_403 = arith.cmpi sge, %add3A_397, %ge3A_402 : vector<16xi32>
        %and3A_404 = arith.andi %lt3A_400, %ge3A_403 : vector<16xi1>
        %broadcast_in_dim3A_405 = vector.broadcast %while3A_391 : i32 to vector<16xi32>
        %select_n3A_406 = arith.select %and3A_404, %broadcast_in_dim3A_405, %while3A_393 : vector<16xi1>, vector<16xi32>
        %select_n3A_407 = arith.select %and3A_404, %while3A_392, %while3A_394 : vector<16xi1>, vector<16xi32>
        %sub3A_408 = arith.constant 1 : i32
        %sub3A_409 = arith.subi %while3A_391, %sub3A_408 : i32
        scf.yield %sub3A_409, %add3A_397, %select_n3A_406, %select_n3A_407 : i32, vector<16xi32>, vector<16xi32>, vector<16xi32>
      }
      %shift_left3A_177 = arith.constant 7 : i32
      %shift_left3A_178 = vector.broadcast %shift_left3A_177 : i32 to vector<16xi32>
      %shift_left3A_179 = arith.shli %or3A_164, %shift_left3A_178 : vector<16xi32>
      %or3A_180 = arith.ori %shift_left3A_179, %while3A_176#2 : vector<16xi32>
      %broadcast_in_dim3A_181 = arith.constant 0 : i32
      %broadcast_in_dim3A_182 = vector.broadcast %broadcast_in_dim3A_181 : i32 to vector<16xi32>
      %parallel_loop3A_183 = arith.constant 0 : i32
      %parallel_loop3A_184 = arith.constant 128 : i32
      %parallel_loop3A_185 = arith.constant 1 : i32
      scf.for %parallel_loop3A_391 = %parallel_loop3A_183 to %parallel_loop3A_184 step %parallel_loop3A_185  : i32 {
        %parallel_loop3A_392 = arith.index_cast %parallel_loop3A_391 : i32 to index
        %parallel_loop3A_393 = arith.constant 0 : index
        %parallel_loop3A_394 = tpu.vector_load %arg6[%parallel_loop3A_392, %parallel_loop3A_393] {strides = array<i32>} : memref<256x16xi32, #tpu.memory_space<vmem>>, vector<16xi32>,
        tpu.vector_store %arg6[%parallel_loop3A_392, %parallel_loop3A_393], %broadcast_in_dim3A_182 {strides = array<i32>} : memref<256x16xi32, #tpu.memory_space<vmem>>, vector<16xi32>,
      } {sc.loop_unroll_factor = 8 : i64, sc.parallel_access}
      %parallel_loop3A_186 = arith.constant 0 : i32
      %parallel_loop3A_187 = arith.constant 1 : i32
      scf.for %parallel_loop3A_391 = %parallel_loop3A_186 to %min3A_146 step %parallel_loop3A_187  : i32 {
        %parallel_loop3A_392 = arith.index_cast %parallel_loop3A_391 : i32 to index
        %parallel_loop3A_393 = arith.constant 0 : index
        %parallel_loop3A_394 = tpu.vector_load %arg7[%parallel_loop3A_392, %parallel_loop3A_393] {strides = array<i32>} : memref<512x16xf32, #tpu.memory_space<vmem>>, vector<16xf32>,
        %parallel_loop3A_395 = vector.bitcast %parallel_loop3A_394 : vector<16xf32> to vector<16xi32>
        %parallel_loop3A_396 = vector.broadcast %parallel_loop3A_391 : i32 to vector<16xi32>
        %parallel_loop3A_397 = arith.cmpi sgt, %parallel_loop3A_123, %parallel_loop3A_396 : vector<16xi32>
        %parallel_loop3A_398 = arith.constant 7 : i32
        %parallel_loop3A_399 = vector.broadcast %parallel_loop3A_398 : i32 to vector<16xi32>
        %parallel_loop3A_400 = arith.shrsi %parallel_loop3A_395, %parallel_loop3A_399 : vector<16xi32>
        %parallel_loop3A_401 = arith.cmpi eq, %parallel_loop3A_400, %or3A_180 : vector<16xi32>
        %parallel_loop3A_402 = arith.andi %parallel_loop3A_397, %parallel_loop3A_401 : vector<16xi1>
        %parallel_loop3A_403 = arith.constant 127 : i32
        %parallel_loop3A_404 = vector.broadcast %parallel_loop3A_403 : i32 to vector<16xi32>
        %parallel_loop3A_405 = arith.andi %parallel_loop3A_395, %parallel_loop3A_404 : vector<16xi32>
        tpu.vector_store_idx %arg6[%parallel_loop3A_405, %iota3A], %broadcast_in_dim3A_53 masked %parallel_loop3A_402 {add = true} : memref<256x16xi32, #tpu.memory_space<vmem>>[vector<16xi32>, vector<16xi32>], vector<16xi32>, vector<16xi1>
      } {sc.loop_unroll_factor = 2 : i64, sc.parallel_access}
      %broadcast_in_dim3A_188 = arith.constant 0 : i32
      %broadcast_in_dim3A_189 = vector.broadcast %broadcast_in_dim3A_188 : i32 to vector<16xi32>
      %while3A_190 = arith.constant 127 : i32
      %while3A_191 = scf.while (%while3A_391 = %while3A_190) : (i32) -> i32 {
        %ge3A_392 = arith.constant 0 : i32
        %ge3A_393 = arith.cmpi sge, %while3A_391, %ge3A_392 : i32
        %get3A = arith.index_cast %while3A_391 : i32 to index
        %get3A_394 = arith.constant 0 : index
        %get3A_395 = tpu.vector_load %arg6[%get3A, %get3A_394] {strides = array<i32>} : memref<256x16xi32, #tpu.memory_space<vmem>>, vector<16xi32>,
        %reduce_max3A_396 = arith.constant true
        %reduce_max3A_397 = vector.broadcast %reduce_max3A_396 : i1 to vector<16xi1>
        %reduce_max3A_398 = arith.constant -2147483648 : i32
        %reduce_max3A_399 = vector.broadcast %reduce_max3A_398 : i32 to vector<16xi32>
        %reduce_max3A_400 = arith.xori %get3A_395, %reduce_max3A_399 : vector<16xi32>
        %reduce_max3A_401 = tpu.scan <max>, %reduce_max3A_400 masked %reduce_max3A_397 : vector<16xi32>, vector<16xi1> -> vector<16xi32>
        %reduce_max3A_402 = arith.xori %reduce_max3A_401, %reduce_max3A_399 : vector<16xi32>
        %reduce_max3A_403 = vector.extract %reduce_max3A_402[15] : i32 from vector<16xi32>
        %eq3A_404 = arith.constant 0 : i32
        %eq3A_405 = arith.cmpi eq, %reduce_max3A_403, %eq3A_404 : i32
        %and3A_406 = arith.andi %ge3A_393, %eq3A_405 : i1
        scf.condition(%and3A_406) %while3A_391 : i32
      } do {
      ^bb0(%while3A_391: i32):
        %sub3A_392 = arith.constant 1 : i32
        %sub3A_393 = arith.subi %while3A_391, %sub3A_392 : i32
        scf.yield %sub3A_393 : i32
      }
      %while3A_192:4 = scf.while (%while3A_391 = %while3A_191, %while3A_392 = %while3A_176#3, %while3A_393 = %broadcast_in_dim3A_189, %while3A_394 = %broadcast_in_dim3A_189) : (i32, vector<16xi32>, vector<16xi32>, vector<16xi32>) -> (i32, vector<16xi32>, vector<16xi32>, vector<16xi32>) {
        %ge3A_395 = arith.constant 0 : i32
        %ge3A_396 = arith.cmpi sge, %while3A_391, %ge3A_395 : i32
        %reduce_min3A = arith.constant true
        %reduce_min3A_397 = vector.broadcast %reduce_min3A : i1 to vector<16xi1>
        %reduce_min3A_398 = arith.constant -2147483648 : i32
        %reduce_min3A_399 = vector.broadcast %reduce_min3A_398 : i32 to vector<16xi32>
        %reduce_min3A_400 = arith.xori %while3A_392, %reduce_min3A_399 : vector<16xi32>
        %reduce_min3A_401 = tpu.scan <min>, %reduce_min3A_400 masked %reduce_min3A_397 : vector<16xi32>, vector<16xi1> -> vector<16xi32>
        %reduce_min3A_402 = arith.xori %reduce_min3A_401, %reduce_min3A_399 : vector<16xi32>
        %reduce_min3A_403 = vector.extract %reduce_min3A_402[15] : i32 from vector<16xi32>
        %lt3A_404 = arith.constant 64 : i32
        %lt3A_405 = arith.cmpi slt, %reduce_min3A_403, %lt3A_404 : i32
        %and3A_406 = arith.andi %ge3A_396, %lt3A_405 : i1
        scf.condition(%and3A_406) %while3A_391, %while3A_392, %while3A_393, %while3A_394 : i32, vector<16xi32>, vector<16xi32>, vector<16xi32>
      } do {
      ^bb0(%while3A_391: i32, %while3A_392: vector<16xi32>, %while3A_393: vector<16xi32>, %while3A_394: vector<16xi32>):
        %get3A = arith.index_cast %while3A_391 : i32 to index
        %get3A_395 = arith.constant 0 : index
        %get3A_396 = tpu.vector_load %arg6[%get3A, %get3A_395] {strides = array<i32>} : memref<256x16xi32, #tpu.memory_space<vmem>>, vector<16xi32>,
        %add3A_397 = arith.addi %while3A_392, %get3A_396 : vector<16xi32>
        %lt3A_398 = arith.constant 64 : i32
        %lt3A_399 = vector.broadcast %lt3A_398 : i32 to vector<16xi32>
        %lt3A_400 = arith.cmpi slt, %while3A_392, %lt3A_399 : vector<16xi32>
        %ge3A_401 = arith.constant 64 : i32
        %ge3A_402 = vector.broadcast %ge3A_401 : i32 to vector<16xi32>
        %ge3A_403 = arith.cmpi sge, %add3A_397, %ge3A_402 : vector<16xi32>
        %and3A_404 = arith.andi %lt3A_400, %ge3A_403 : vector<16xi1>
        %broadcast_in_dim3A_405 = vector.broadcast %while3A_391 : i32 to vector<16xi32>
        %select_n3A_406 = arith.select %and3A_404, %broadcast_in_dim3A_405, %while3A_393 : vector<16xi1>, vector<16xi32>
        %select_n3A_407 = arith.select %and3A_404, %while3A_392, %while3A_394 : vector<16xi1>, vector<16xi32>
        %sub3A_408 = arith.constant 1 : i32
        %sub3A_409 = arith.subi %while3A_391, %sub3A_408 : i32
        scf.yield %sub3A_409, %add3A_397, %select_n3A_406, %select_n3A_407 : i32, vector<16xi32>, vector<16xi32>, vector<16xi32>
      }
      %shift_left3A_193 = arith.constant 7 : i32
      %shift_left3A_194 = vector.broadcast %shift_left3A_193 : i32 to vector<16xi32>
      %shift_left3A_195 = arith.shli %or3A_180, %shift_left3A_194 : vector<16xi32>
      %or3A_196 = arith.ori %shift_left3A_195, %while3A_192#2 : vector<16xi32>
      %jit3A_197 = arith.constant 4096 : i32
      %jit3A_198 = arith.constant 0 : i32
      %select_n3A_199 = arith.select %reduce_or3A_145, %jit3A_197, %jit3A_198 : i32
      %jit3A_200 = arith.constant 256 : i32
      %jit3A_201 = arith.constant 0 : i32
      %select_n3A_202 = arith.select %reduce_or3A_145, %jit3A_200, %jit3A_201 : i32
      %jit3A_203 = arith.constant 128 : i32
      %jit3A_204 = arith.constant 0 : i32
      %select_n3A_205 = arith.select %reduce_or3A_145, %jit3A_203, %jit3A_204 : i32
      %jit3A_206 = arith.constant 255 : i32
      %jit3A_207 = arith.constant -1 : i32
      %select_n3A_208 = arith.select %reduce_or3A_145, %jit3A_206, %jit3A_207 : i32
      %jit3A_209 = arith.constant 127 : i32
      %jit3A_210 = arith.constant -1 : i32
      %select_n3A_211 = arith.select %reduce_or3A_145, %jit3A_209, %jit3A_210 : i32
      %broadcast_in_dim3A_212 = arith.constant 0 : i32
      %broadcast_in_dim3A_213 = vector.broadcast %broadcast_in_dim3A_212 : i32 to vector<16xi32>
      %parallel_loop3A_214 = arith.constant 0 : i32
      %parallel_loop3A_215 = arith.constant 1 : i32
      scf.for %parallel_loop3A_391 = %parallel_loop3A_214 to %select_n3A_202 step %parallel_loop3A_215  : i32 {
        %parallel_loop3A_392 = arith.index_cast %parallel_loop3A_391 : i32 to index
        %parallel_loop3A_393 = arith.constant 0 : index
        %parallel_loop3A_394 = tpu.vector_load %arg6[%parallel_loop3A_392, %parallel_loop3A_393] {strides = array<i32>} : memref<256x16xi32, #tpu.memory_space<vmem>>, vector<16xi32>,
        tpu.vector_store %arg6[%parallel_loop3A_392, %parallel_loop3A_393], %broadcast_in_dim3A_213 {strides = array<i32>} : memref<256x16xi32, #tpu.memory_space<vmem>>, vector<16xi32>,
      } {sc.loop_unroll_factor = 8 : i64, sc.parallel_access}
      %parallel_loop3A_216 = arith.constant 0 : i32
      %parallel_loop3A_217 = arith.constant 1 : i32
      scf.for %parallel_loop3A_391 = %parallel_loop3A_216 to %select_n3A_199 step %parallel_loop3A_217  : i32 {
        %parallel_loop3A_392 = arith.index_cast %parallel_loop3A_391 : i32 to index
        %parallel_loop3A_393 = arith.constant 0 : index
        %parallel_loop3A_394 = tpu.vector_load %arg4[%parallel_loop3A_392, %parallel_loop3A_393] {strides = array<i32>} : memref<4096x16xf32, #tpu.memory_space<vmem>>, vector<16xf32>,
        %parallel_loop3A_395 = vector.bitcast %parallel_loop3A_394 : vector<16xf32> to vector<16xi32>
        %parallel_loop3A_396 = arith.constant 22 : i32
        %parallel_loop3A_397 = vector.broadcast %parallel_loop3A_396 : i32 to vector<16xi32>
        %parallel_loop3A_398 = arith.shrsi %parallel_loop3A_395, %parallel_loop3A_397 : vector<16xi32>
        %parallel_loop3A_399 = arith.cmpi eq, %parallel_loop3A_398, %sub3A_117 : vector<16xi32>
        %parallel_loop3A_400 = arith.andi %or3A, %parallel_loop3A_399 : vector<16xi1>
        %parallel_loop3A_401 = arith.constant 14 : i32
        %parallel_loop3A_402 = vector.broadcast %parallel_loop3A_401 : i32 to vector<16xi32>
        %parallel_loop3A_403 = arith.shrsi %parallel_loop3A_395, %parallel_loop3A_402 : vector<16xi32>
        %parallel_loop3A_404 = arith.constant 255 : i32
        %parallel_loop3A_405 = vector.broadcast %parallel_loop3A_404 : i32 to vector<16xi32>
        %parallel_loop3A_406 = arith.andi %parallel_loop3A_403, %parallel_loop3A_405 : vector<16xi32>
        tpu.vector_store_idx %arg6[%parallel_loop3A_406, %iota3A], %broadcast_in_dim3A_53 masked %parallel_loop3A_400 {add = true} : memref<256x16xi32, #tpu.memory_space<vmem>>[vector<16xi32>, vector<16xi32>], vector<16xi32>, vector<16xi1>
      } {sc.loop_unroll_factor = 2 : i64, sc.parallel_access}
      %broadcast_in_dim3A_218 = arith.constant 0 : i32
      %broadcast_in_dim3A_219 = vector.broadcast %broadcast_in_dim3A_218 : i32 to vector<16xi32>
      %while3A_220 = scf.while (%while3A_391 = %select_n3A_208) : (i32) -> i32 {
        %ge3A_392 = arith.constant 0 : i32
        %ge3A_393 = arith.cmpi sge, %while3A_391, %ge3A_392 : i32
        %get3A = arith.index_cast %while3A_391 : i32 to index
        %get3A_394 = arith.constant 0 : index
        %get3A_395 = tpu.vector_load %arg6[%get3A, %get3A_394] {strides = array<i32>} : memref<256x16xi32, #tpu.memory_space<vmem>>, vector<16xi32>,
        %reduce_max3A_396 = arith.constant true
        %reduce_max3A_397 = vector.broadcast %reduce_max3A_396 : i1 to vector<16xi1>
        %reduce_max3A_398 = arith.constant -2147483648 : i32
        %reduce_max3A_399 = vector.broadcast %reduce_max3A_398 : i32 to vector<16xi32>
        %reduce_max3A_400 = arith.xori %get3A_395, %reduce_max3A_399 : vector<16xi32>
        %reduce_max3A_401 = tpu.scan <max>, %reduce_max3A_400 masked %reduce_max3A_397 : vector<16xi32>, vector<16xi1> -> vector<16xi32>
        %reduce_max3A_402 = arith.xori %reduce_max3A_401, %reduce_max3A_399 : vector<16xi32>
        %reduce_max3A_403 = vector.extract %reduce_max3A_402[15] : i32 from vector<16xi32>
        %eq3A_404 = arith.constant 0 : i32
        %eq3A_405 = arith.cmpi eq, %reduce_max3A_403, %eq3A_404 : i32
        %and3A_406 = arith.andi %ge3A_393, %eq3A_405 : i1
        scf.condition(%and3A_406) %while3A_391 : i32
      } do {
      ^bb0(%while3A_391: i32):
        %sub3A_392 = arith.constant 1 : i32
        %sub3A_393 = arith.subi %while3A_391, %sub3A_392 : i32
        scf.yield %sub3A_393 : i32
      }
      %while3A_221:4 = scf.while (%while3A_391 = %while3A_220, %while3A_392 = %while3A_114#3, %while3A_393 = %broadcast_in_dim3A_219, %while3A_394 = %broadcast_in_dim3A_219) : (i32, vector<16xi32>, vector<16xi32>, vector<16xi32>) -> (i32, vector<16xi32>, vector<16xi32>, vector<16xi32>) {
        %ge3A_395 = arith.constant 0 : i32
        %ge3A_396 = arith.cmpi sge, %while3A_391, %ge3A_395 : i32
        %reduce_min3A = arith.constant true
        %reduce_min3A_397 = vector.broadcast %reduce_min3A : i1 to vector<16xi1>
        %reduce_min3A_398 = arith.constant -2147483648 : i32
        %reduce_min3A_399 = vector.broadcast %reduce_min3A_398 : i32 to vector<16xi32>
        %reduce_min3A_400 = arith.xori %while3A_392, %reduce_min3A_399 : vector<16xi32>
        %reduce_min3A_401 = tpu.scan <min>, %reduce_min3A_400 masked %reduce_min3A_397 : vector<16xi32>, vector<16xi1> -> vector<16xi32>
        %reduce_min3A_402 = arith.xori %reduce_min3A_401, %reduce_min3A_399 : vector<16xi32>
        %reduce_min3A_403 = vector.extract %reduce_min3A_402[15] : i32 from vector<16xi32>
        %lt3A_404 = arith.constant 64 : i32
        %lt3A_405 = arith.cmpi slt, %reduce_min3A_403, %lt3A_404 : i32
        %and3A_406 = arith.andi %ge3A_396, %lt3A_405 : i1
        scf.condition(%and3A_406) %while3A_391, %while3A_392, %while3A_393, %while3A_394 : i32, vector<16xi32>, vector<16xi32>, vector<16xi32>
      } do {
      ^bb0(%while3A_391: i32, %while3A_392: vector<16xi32>, %while3A_393: vector<16xi32>, %while3A_394: vector<16xi32>):
        %get3A = arith.index_cast %while3A_391 : i32 to index
        %get3A_395 = arith.constant 0 : index
        %get3A_396 = tpu.vector_load %arg6[%get3A, %get3A_395] {strides = array<i32>} : memref<256x16xi32, #tpu.memory_space<vmem>>, vector<16xi32>,
        %add3A_397 = arith.addi %while3A_392, %get3A_396 : vector<16xi32>
        %lt3A_398 = arith.constant 64 : i32
        %lt3A_399 = vector.broadcast %lt3A_398 : i32 to vector<16xi32>
        %lt3A_400 = arith.cmpi slt, %while3A_392, %lt3A_399 : vector<16xi32>
        %ge3A_401 = arith.constant 64 : i32
        %ge3A_402 = vector.broadcast %ge3A_401 : i32 to vector<16xi32>
        %ge3A_403 = arith.cmpi sge, %add3A_397, %ge3A_402 : vector<16xi32>
        %and3A_404 = arith.andi %lt3A_400, %ge3A_403 : vector<16xi1>
        %broadcast_in_dim3A_405 = vector.broadcast %while3A_391 : i32 to vector<16xi32>
        %select_n3A_406 = arith.select %and3A_404, %broadcast_in_dim3A_405, %while3A_393 : vector<16xi1>, vector<16xi32>
        %select_n3A_407 = arith.select %and3A_404, %while3A_392, %while3A_394 : vector<16xi1>, vector<16xi32>
        %sub3A_408 = arith.constant 1 : i32
        %sub3A_409 = arith.subi %while3A_391, %sub3A_408 : i32
        scf.yield %sub3A_409, %add3A_397, %select_n3A_406, %select_n3A_407 : i32, vector<16xi32>, vector<16xi32>, vector<16xi32>
      }
      %shift_left3A_222 = arith.constant 8 : i32
      %shift_left3A_223 = vector.broadcast %shift_left3A_222 : i32 to vector<16xi32>
      %shift_left3A_224 = arith.shli %sub3A_117, %shift_left3A_223 : vector<16xi32>
      %or3A_225 = arith.ori %shift_left3A_224, %while3A_221#2 : vector<16xi32>
      %broadcast_in_dim3A_226 = arith.constant 0 : i32
      %broadcast_in_dim3A_227 = vector.broadcast %broadcast_in_dim3A_226 : i32 to vector<16xi32>
      %parallel_loop3A_228 = arith.constant 0 : i32
      %parallel_loop3A_229 = arith.constant 1 : i32
      scf.for %parallel_loop3A_391 = %parallel_loop3A_228 to %select_n3A_205 step %parallel_loop3A_229  : i32 {
        %parallel_loop3A_392 = arith.index_cast %parallel_loop3A_391 : i32 to index
        %parallel_loop3A_393 = arith.constant 0 : index
        %parallel_loop3A_394 = tpu.vector_load %arg6[%parallel_loop3A_392, %parallel_loop3A_393] {strides = array<i32>} : memref<256x16xi32, #tpu.memory_space<vmem>>, vector<16xi32>,
        tpu.vector_store %arg6[%parallel_loop3A_392, %parallel_loop3A_393], %broadcast_in_dim3A_227 {strides = array<i32>} : memref<256x16xi32, #tpu.memory_space<vmem>>, vector<16xi32>,
      } {sc.loop_unroll_factor = 8 : i64, sc.parallel_access}
      %parallel_loop3A_230 = arith.constant 0 : i32
      %parallel_loop3A_231 = arith.constant 1 : i32
      scf.for %parallel_loop3A_391 = %parallel_loop3A_230 to %select_n3A_199 step %parallel_loop3A_231  : i32 {
        %parallel_loop3A_392 = arith.index_cast %parallel_loop3A_391 : i32 to index
        %parallel_loop3A_393 = arith.constant 0 : index
        %parallel_loop3A_394 = tpu.vector_load %arg4[%parallel_loop3A_392, %parallel_loop3A_393] {strides = array<i32>} : memref<4096x16xf32, #tpu.memory_space<vmem>>, vector<16xf32>,
        %parallel_loop3A_395 = vector.bitcast %parallel_loop3A_394 : vector<16xf32> to vector<16xi32>
        %parallel_loop3A_396 = arith.constant 14 : i32
        %parallel_loop3A_397 = vector.broadcast %parallel_loop3A_396 : i32 to vector<16xi32>
        %parallel_loop3A_398 = arith.shrsi %parallel_loop3A_395, %parallel_loop3A_397 : vector<16xi32>
        %parallel_loop3A_399 = arith.cmpi eq, %parallel_loop3A_398, %or3A_225 : vector<16xi32>
        %parallel_loop3A_400 = arith.andi %or3A, %parallel_loop3A_399 : vector<16xi1>
        %parallel_loop3A_401 = arith.constant 7 : i32
        %parallel_loop3A_402 = vector.broadcast %parallel_loop3A_401 : i32 to vector<16xi32>
        %parallel_loop3A_403 = arith.shrsi %parallel_loop3A_395, %parallel_loop3A_402 : vector<16xi32>
        %parallel_loop3A_404 = arith.constant 127 : i32
        %parallel_loop3A_405 = vector.broadcast %parallel_loop3A_404 : i32 to vector<16xi32>
        %parallel_loop3A_406 = arith.andi %parallel_loop3A_403, %parallel_loop3A_405 : vector<16xi32>
        tpu.vector_store_idx %arg6[%parallel_loop3A_406, %iota3A], %broadcast_in_dim3A_53 masked %parallel_loop3A_400 {add = true} : memref<256x16xi32, #tpu.memory_space<vmem>>[vector<16xi32>, vector<16xi32>], vector<16xi32>, vector<16xi1>
      } {sc.loop_unroll_factor = 2 : i64, sc.parallel_access}
      %broadcast_in_dim3A_232 = arith.constant 0 : i32
      %broadcast_in_dim3A_233 = vector.broadcast %broadcast_in_dim3A_232 : i32 to vector<16xi32>
      %while3A_234 = scf.while (%while3A_391 = %select_n3A_211) : (i32) -> i32 {
        %ge3A_392 = arith.constant 0 : i32
        %ge3A_393 = arith.cmpi sge, %while3A_391, %ge3A_392 : i32
        %get3A = arith.index_cast %while3A_391 : i32 to index
        %get3A_394 = arith.constant 0 : index
        %get3A_395 = tpu.vector_load %arg6[%get3A, %get3A_394] {strides = array<i32>} : memref<256x16xi32, #tpu.memory_space<vmem>>, vector<16xi32>,
        %reduce_max3A_396 = arith.constant true
        %reduce_max3A_397 = vector.broadcast %reduce_max3A_396 : i1 to vector<16xi1>
        %reduce_max3A_398 = arith.constant -2147483648 : i32
        %reduce_max3A_399 = vector.broadcast %reduce_max3A_398 : i32 to vector<16xi32>
        %reduce_max3A_400 = arith.xori %get3A_395, %reduce_max3A_399 : vector<16xi32>
        %reduce_max3A_401 = tpu.scan <max>, %reduce_max3A_400 masked %reduce_max3A_397 : vector<16xi32>, vector<16xi1> -> vector<16xi32>
        %reduce_max3A_402 = arith.xori %reduce_max3A_401, %reduce_max3A_399 : vector<16xi32>
        %reduce_max3A_403 = vector.extract %reduce_max3A_402[15] : i32 from vector<16xi32>
        %eq3A_404 = arith.constant 0 : i32
        %eq3A_405 = arith.cmpi eq, %reduce_max3A_403, %eq3A_404 : i32
        %and3A_406 = arith.andi %ge3A_393, %eq3A_405 : i1
        scf.condition(%and3A_406) %while3A_391 : i32
      } do {
      ^bb0(%while3A_391: i32):
        %sub3A_392 = arith.constant 1 : i32
        %sub3A_393 = arith.subi %while3A_391, %sub3A_392 : i32
        scf.yield %sub3A_393 : i32
      }
      %while3A_235:4 = scf.while (%while3A_391 = %while3A_234, %while3A_392 = %while3A_221#3, %while3A_393 = %broadcast_in_dim3A_233, %while3A_394 = %broadcast_in_dim3A_233) : (i32, vector<16xi32>, vector<16xi32>, vector<16xi32>) -> (i32, vector<16xi32>, vector<16xi32>, vector<16xi32>) {
        %ge3A_395 = arith.constant 0 : i32
        %ge3A_396 = arith.cmpi sge, %while3A_391, %ge3A_395 : i32
        %reduce_min3A = arith.constant true
        %reduce_min3A_397 = vector.broadcast %reduce_min3A : i1 to vector<16xi1>
        %reduce_min3A_398 = arith.constant -2147483648 : i32
        %reduce_min3A_399 = vector.broadcast %reduce_min3A_398 : i32 to vector<16xi32>
        %reduce_min3A_400 = arith.xori %while3A_392, %reduce_min3A_399 : vector<16xi32>
        %reduce_min3A_401 = tpu.scan <min>, %reduce_min3A_400 masked %reduce_min3A_397 : vector<16xi32>, vector<16xi1> -> vector<16xi32>
        %reduce_min3A_402 = arith.xori %reduce_min3A_401, %reduce_min3A_399 : vector<16xi32>
        %reduce_min3A_403 = vector.extract %reduce_min3A_402[15] : i32 from vector<16xi32>
        %lt3A_404 = arith.constant 64 : i32
        %lt3A_405 = arith.cmpi slt, %reduce_min3A_403, %lt3A_404 : i32
        %and3A_406 = arith.andi %ge3A_396, %lt3A_405 : i1
        scf.condition(%and3A_406) %while3A_391, %while3A_392, %while3A_393, %while3A_394 : i32, vector<16xi32>, vector<16xi32>, vector<16xi32>
      } do {
      ^bb0(%while3A_391: i32, %while3A_392: vector<16xi32>, %while3A_393: vector<16xi32>, %while3A_394: vector<16xi32>):
        %get3A = arith.index_cast %while3A_391 : i32 to index
        %get3A_395 = arith.constant 0 : index
        %get3A_396 = tpu.vector_load %arg6[%get3A, %get3A_395] {strides = array<i32>} : memref<256x16xi32, #tpu.memory_space<vmem>>, vector<16xi32>,
        %add3A_397 = arith.addi %while3A_392, %get3A_396 : vector<16xi32>
        %lt3A_398 = arith.constant 64 : i32
        %lt3A_399 = vector.broadcast %lt3A_398 : i32 to vector<16xi32>
        %lt3A_400 = arith.cmpi slt, %while3A_392, %lt3A_399 : vector<16xi32>
        %ge3A_401 = arith.constant 64 : i32
        %ge3A_402 = vector.broadcast %ge3A_401 : i32 to vector<16xi32>
        %ge3A_403 = arith.cmpi sge, %add3A_397, %ge3A_402 : vector<16xi32>
        %and3A_404 = arith.andi %lt3A_400, %ge3A_403 : vector<16xi1>
        %broadcast_in_dim3A_405 = vector.broadcast %while3A_391 : i32 to vector<16xi32>
        %select_n3A_406 = arith.select %and3A_404, %broadcast_in_dim3A_405, %while3A_393 : vector<16xi1>, vector<16xi32>
        %select_n3A_407 = arith.select %and3A_404, %while3A_392, %while3A_394 : vector<16xi1>, vector<16xi32>
        %sub3A_408 = arith.constant 1 : i32
        %sub3A_409 = arith.subi %while3A_391, %sub3A_408 : i32
        scf.yield %sub3A_409, %add3A_397, %select_n3A_406, %select_n3A_407 : i32, vector<16xi32>, vector<16xi32>, vector<16xi32>
      }
      %shift_left3A_236 = arith.constant 7 : i32
      %shift_left3A_237 = vector.broadcast %shift_left3A_236 : i32 to vector<16xi32>
      %shift_left3A_238 = arith.shli %or3A_225, %shift_left3A_237 : vector<16xi32>
      %or3A_239 = arith.ori %shift_left3A_238, %while3A_235#2 : vector<16xi32>
      %broadcast_in_dim3A_240 = arith.constant 0 : i32
      %broadcast_in_dim3A_241 = vector.broadcast %broadcast_in_dim3A_240 : i32 to vector<16xi32>
      %parallel_loop3A_242 = arith.constant 0 : i32
      %parallel_loop3A_243 = arith.constant 1 : i32
      scf.for %parallel_loop3A_391 = %parallel_loop3A_242 to %select_n3A_205 step %parallel_loop3A_243  : i32 {
        %parallel_loop3A_392 = arith.index_cast %parallel_loop3A_391 : i32 to index
        %parallel_loop3A_393 = arith.constant 0 : index
        %parallel_loop3A_394 = tpu.vector_load %arg6[%parallel_loop3A_392, %parallel_loop3A_393] {strides = array<i32>} : memref<256x16xi32, #tpu.memory_space<vmem>>, vector<16xi32>,
        tpu.vector_store %arg6[%parallel_loop3A_392, %parallel_loop3A_393], %broadcast_in_dim3A_241 {strides = array<i32>} : memref<256x16xi32, #tpu.memory_space<vmem>>, vector<16xi32>,
      } {sc.loop_unroll_factor = 8 : i64, sc.parallel_access}
      %parallel_loop3A_244 = arith.constant 0 : i32
      %parallel_loop3A_245 = arith.constant 1 : i32
      scf.for %parallel_loop3A_391 = %parallel_loop3A_244 to %select_n3A_199 step %parallel_loop3A_245  : i32 {
        %parallel_loop3A_392 = arith.index_cast %parallel_loop3A_391 : i32 to index
        %parallel_loop3A_393 = arith.constant 0 : index
        %parallel_loop3A_394 = tpu.vector_load %arg4[%parallel_loop3A_392, %parallel_loop3A_393] {strides = array<i32>} : memref<4096x16xf32, #tpu.memory_space<vmem>>, vector<16xf32>,
        %parallel_loop3A_395 = vector.bitcast %parallel_loop3A_394 : vector<16xf32> to vector<16xi32>
        %parallel_loop3A_396 = arith.constant 7 : i32
        %parallel_loop3A_397 = vector.broadcast %parallel_loop3A_396 : i32 to vector<16xi32>
        %parallel_loop3A_398 = arith.shrsi %parallel_loop3A_395, %parallel_loop3A_397 : vector<16xi32>
        %parallel_loop3A_399 = arith.cmpi eq, %parallel_loop3A_398, %or3A_239 : vector<16xi32>
        %parallel_loop3A_400 = arith.andi %or3A, %parallel_loop3A_399 : vector<16xi1>
        %parallel_loop3A_401 = arith.constant 127 : i32
        %parallel_loop3A_402 = vector.broadcast %parallel_loop3A_401 : i32 to vector<16xi32>
        %parallel_loop3A_403 = arith.andi %parallel_loop3A_395, %parallel_loop3A_402 : vector<16xi32>
        tpu.vector_store_idx %arg6[%parallel_loop3A_403, %iota3A], %broadcast_in_dim3A_53 masked %parallel_loop3A_400 {add = true} : memref<256x16xi32, #tpu.memory_space<vmem>>[vector<16xi32>, vector<16xi32>], vector<16xi32>, vector<16xi1>
      } {sc.loop_unroll_factor = 2 : i64, sc.parallel_access}
      %broadcast_in_dim3A_246 = arith.constant 0 : i32
      %broadcast_in_dim3A_247 = vector.broadcast %broadcast_in_dim3A_246 : i32 to vector<16xi32>
      %while3A_248 = scf.while (%while3A_391 = %select_n3A_211) : (i32) -> i32 {
        %ge3A_392 = arith.constant 0 : i32
        %ge3A_393 = arith.cmpi sge, %while3A_391, %ge3A_392 : i32
        %get3A = arith.index_cast %while3A_391 : i32 to index
        %get3A_394 = arith.constant 0 : index
        %get3A_395 = tpu.vector_load %arg6[%get3A, %get3A_394] {strides = array<i32>} : memref<256x16xi32, #tpu.memory_space<vmem>>, vector<16xi32>,
        %reduce_max3A_396 = arith.constant true
        %reduce_max3A_397 = vector.broadcast %reduce_max3A_396 : i1 to vector<16xi1>
        %reduce_max3A_398 = arith.constant -2147483648 : i32
        %reduce_max3A_399 = vector.broadcast %reduce_max3A_398 : i32 to vector<16xi32>
        %reduce_max3A_400 = arith.xori %get3A_395, %reduce_max3A_399 : vector<16xi32>
        %reduce_max3A_401 = tpu.scan <max>, %reduce_max3A_400 masked %reduce_max3A_397 : vector<16xi32>, vector<16xi1> -> vector<16xi32>
        %reduce_max3A_402 = arith.xori %reduce_max3A_401, %reduce_max3A_399 : vector<16xi32>
        %reduce_max3A_403 = vector.extract %reduce_max3A_402[15] : i32 from vector<16xi32>
        %eq3A_404 = arith.constant 0 : i32
        %eq3A_405 = arith.cmpi eq, %reduce_max3A_403, %eq3A_404 : i32
        %and3A_406 = arith.andi %ge3A_393, %eq3A_405 : i1
        scf.condition(%and3A_406) %while3A_391 : i32
      } do {
      ^bb0(%while3A_391: i32):
        %sub3A_392 = arith.constant 1 : i32
        %sub3A_393 = arith.subi %while3A_391, %sub3A_392 : i32
        scf.yield %sub3A_393 : i32
      }
      %while3A_249:4 = scf.while (%while3A_391 = %while3A_248, %while3A_392 = %while3A_235#3, %while3A_393 = %broadcast_in_dim3A_247, %while3A_394 = %broadcast_in_dim3A_247) : (i32, vector<16xi32>, vector<16xi32>, vector<16xi32>) -> (i32, vector<16xi32>, vector<16xi32>, vector<16xi32>) {
        %ge3A_395 = arith.constant 0 : i32
        %ge3A_396 = arith.cmpi sge, %while3A_391, %ge3A_395 : i32
        %reduce_min3A = arith.constant true
        %reduce_min3A_397 = vector.broadcast %reduce_min3A : i1 to vector<16xi1>
        %reduce_min3A_398 = arith.constant -2147483648 : i32
        %reduce_min3A_399 = vector.broadcast %reduce_min3A_398 : i32 to vector<16xi32>
        %reduce_min3A_400 = arith.xori %while3A_392, %reduce_min3A_399 : vector<16xi32>
        %reduce_min3A_401 = tpu.scan <min>, %reduce_min3A_400 masked %reduce_min3A_397 : vector<16xi32>, vector<16xi1> -> vector<16xi32>
        %reduce_min3A_402 = arith.xori %reduce_min3A_401, %reduce_min3A_399 : vector<16xi32>
        %reduce_min3A_403 = vector.extract %reduce_min3A_402[15] : i32 from vector<16xi32>
        %lt3A_404 = arith.constant 64 : i32
        %lt3A_405 = arith.cmpi slt, %reduce_min3A_403, %lt3A_404 : i32
        %and3A_406 = arith.andi %ge3A_396, %lt3A_405 : i1
        scf.condition(%and3A_406) %while3A_391, %while3A_392, %while3A_393, %while3A_394 : i32, vector<16xi32>, vector<16xi32>, vector<16xi32>
      } do {
      ^bb0(%while3A_391: i32, %while3A_392: vector<16xi32>, %while3A_393: vector<16xi32>, %while3A_394: vector<16xi32>):
        %get3A = arith.index_cast %while3A_391 : i32 to index
        %get3A_395 = arith.constant 0 : index
        %get3A_396 = tpu.vector_load %arg6[%get3A, %get3A_395] {strides = array<i32>} : memref<256x16xi32, #tpu.memory_space<vmem>>, vector<16xi32>,
        %add3A_397 = arith.addi %while3A_392, %get3A_396 : vector<16xi32>
        %lt3A_398 = arith.constant 64 : i32
        %lt3A_399 = vector.broadcast %lt3A_398 : i32 to vector<16xi32>
        %lt3A_400 = arith.cmpi slt, %while3A_392, %lt3A_399 : vector<16xi32>
        %ge3A_401 = arith.constant 64 : i32
        %ge3A_402 = vector.broadcast %ge3A_401 : i32 to vector<16xi32>
        %ge3A_403 = arith.cmpi sge, %add3A_397, %ge3A_402 : vector<16xi32>
        %and3A_404 = arith.andi %lt3A_400, %ge3A_403 : vector<16xi1>
        %broadcast_in_dim3A_405 = vector.broadcast %while3A_391 : i32 to vector<16xi32>
        %select_n3A_406 = arith.select %and3A_404, %broadcast_in_dim3A_405, %while3A_393 : vector<16xi1>, vector<16xi32>
        %select_n3A_407 = arith.select %and3A_404, %while3A_392, %while3A_394 : vector<16xi1>, vector<16xi32>
        %sub3A_408 = arith.constant 1 : i32
        %sub3A_409 = arith.subi %while3A_391, %sub3A_408 : i32
        scf.yield %sub3A_409, %add3A_397, %select_n3A_406, %select_n3A_407 : i32, vector<16xi32>, vector<16xi32>, vector<16xi32>
      }
      %shift_left3A_250 = arith.constant 7 : i32
      %shift_left3A_251 = vector.broadcast %shift_left3A_250 : i32 to vector<16xi32>
      %shift_left3A_252 = arith.shli %or3A_239, %shift_left3A_251 : vector<16xi32>
      %or3A_253 = arith.ori %shift_left3A_252, %while3A_249#2 : vector<16xi32>
      %select_n3A_254 = arith.select %or3A, %or3A_253, %or3A_196 : vector<16xi1>, vector<16xi32>
      %not3A_255 = arith.constant dense<true> : vector<16xi1>
      %not3A_256 = arith.xori %or3A, %not3A_255 : vector<16xi1>
      %parallel_loop3A_257 = arith.constant 0 : i32
      %parallel_loop3A_258 = arith.constant 1 : i32
      %parallel_loop3A_259 = scf.for %parallel_loop3A_391 = %parallel_loop3A_257 to %min3A_146 step %parallel_loop3A_258 iter_args(%parallel_loop3A_392 = %broadcast_in_dim3A_55) -> (vector<16xi32>)  : i32 {
        %parallel_loop3A_393 = arith.index_cast %parallel_loop3A_391 : i32 to index
        %parallel_loop3A_394 = arith.constant 0 : index
        %parallel_loop3A_395 = tpu.vector_load %arg7[%parallel_loop3A_393, %parallel_loop3A_394] {strides = array<i32>} : memref<512x16xf32, #tpu.memory_space<vmem>>, vector<16xf32>,
        %parallel_loop3A_396 = vector.bitcast %parallel_loop3A_395 : vector<16xf32> to vector<16xi32>
        %parallel_loop3A_397 = vector.broadcast %parallel_loop3A_391 : i32 to vector<16xi32>
        %parallel_loop3A_398 = arith.cmpi sgt, %parallel_loop3A_123, %parallel_loop3A_397 : vector<16xi32>
        %parallel_loop3A_399 = arith.andi %not3A_256, %parallel_loop3A_398 : vector<16xi1>
        %parallel_loop3A_400 = arith.cmpi sgt, %parallel_loop3A_396, %select_n3A_254 : vector<16xi32>
        %parallel_loop3A_401 = arith.andi %parallel_loop3A_399, %parallel_loop3A_400 : vector<16xi1>
        tpu.vector_store_idx %arg8[%parallel_loop3A_392, %iota3A], %parallel_loop3A_396 masked %parallel_loop3A_401 : memref<64x16xi32, #tpu.memory_space<vmem>>[vector<16xi32>, vector<16xi32>], vector<16xi32>, vector<16xi1>
        %parallel_loop3A_402 = arith.constant 1 : i32
        %parallel_loop3A_403 = arith.constant 0 : i32
        %parallel_loop3A_404 = vector.broadcast %parallel_loop3A_402 : i32 to vector<16xi32>
        %parallel_loop3A_405 = vector.broadcast %parallel_loop3A_403 : i32 to vector<16xi32>
        %parallel_loop3A_406 = arith.select %parallel_loop3A_401, %parallel_loop3A_404, %parallel_loop3A_405 : vector<16xi1>, vector<16xi32>
        %parallel_loop3A_407 = arith.addi %parallel_loop3A_392, %parallel_loop3A_406 : vector<16xi32>
        scf.yield %parallel_loop3A_407 : vector<16xi32>
      } {sc.loop_unroll_factor = 2 : i64, sc.parallel_access}
      %parallel_loop3A_260 = arith.constant 0 : i32
      %parallel_loop3A_261 = arith.constant 1 : i32
      %parallel_loop3A_262 = scf.for %parallel_loop3A_391 = %parallel_loop3A_260 to %select_n3A_199 step %parallel_loop3A_261 iter_args(%parallel_loop3A_392 = %parallel_loop3A_259) -> (vector<16xi32>)  : i32 {
        %parallel_loop3A_393 = arith.index_cast %parallel_loop3A_391 : i32 to index
        %parallel_loop3A_394 = arith.constant 0 : index
        %parallel_loop3A_395 = tpu.vector_load %arg4[%parallel_loop3A_393, %parallel_loop3A_394] {strides = array<i32>} : memref<4096x16xf32, #tpu.memory_space<vmem>>, vector<16xf32>,
        %parallel_loop3A_396 = vector.bitcast %parallel_loop3A_395 : vector<16xf32> to vector<16xi32>
        %parallel_loop3A_397 = arith.cmpi sgt, %parallel_loop3A_396, %select_n3A_254 : vector<16xi32>
        %parallel_loop3A_398 = arith.andi %or3A, %parallel_loop3A_397 : vector<16xi1>
        tpu.vector_store_idx %arg8[%parallel_loop3A_392, %iota3A], %parallel_loop3A_396 masked %parallel_loop3A_398 : memref<64x16xi32, #tpu.memory_space<vmem>>[vector<16xi32>, vector<16xi32>], vector<16xi32>, vector<16xi1>
        %parallel_loop3A_399 = arith.constant 1 : i32
        %parallel_loop3A_400 = arith.constant 0 : i32
        %parallel_loop3A_401 = vector.broadcast %parallel_loop3A_399 : i32 to vector<16xi32>
        %parallel_loop3A_402 = vector.broadcast %parallel_loop3A_400 : i32 to vector<16xi32>
        %parallel_loop3A_403 = arith.select %parallel_loop3A_398, %parallel_loop3A_401, %parallel_loop3A_402 : vector<16xi1>, vector<16xi32>
        %parallel_loop3A_404 = arith.addi %parallel_loop3A_392, %parallel_loop3A_403 : vector<16xi32>
        scf.yield %parallel_loop3A_404 : vector<16xi32>
      } {sc.loop_unroll_factor = 2 : i64, sc.parallel_access}
      %and3A_263 = arith.andi %lt3A_50, %reduce_or3A_145 : i1
      %convert_element_type3A_264 = arith.extui %and3A_263 : i1 to i32
      %cond3A_265 = arith.constant 0 : i32
      %cond3A_266 = arith.cmpi ne, %convert_element_type3A_264, %cond3A_265 : i32
      scf.if %cond3A_266 {
        %add3A_391 = arith.constant 1 : i32
        %add3A_392 = arith.addi %add3A_48, %add3A_391 : i32
        %jit3A_393 = arith.constant 8 : i32
        %div3A_394 = arith.divsi %add3A_392, %jit3A_393 : i32
        %sign3A_395 = arith.constant 0 : i32
        %sign3A_396 = arith.cmpi sgt, %add3A_392, %sign3A_395 : i32
        %sign3A_397 = arith.extui %sign3A_396 : i1 to i32
        %sign3A_398 = arith.constant 0 : i32
        %sign3A_399 = arith.cmpi slt, %add3A_392, %sign3A_398 : i32
        %sign3A_400 = arith.extui %sign3A_399 : i1 to i32
        %sign3A_401 = arith.subi %sign3A_397, %sign3A_400 : i32
        %sign3A_402 = arith.constant 0 : i32
        %sign3A_403 = arith.cmpi sgt, %jit3A_393, %sign3A_402 : i32
        %sign3A_404 = arith.extui %sign3A_403 : i1 to i32
        %sign3A_405 = arith.constant 0 : i32
        %sign3A_406 = arith.cmpi slt, %jit3A_393, %sign3A_405 : i32
        %sign3A_407 = arith.extui %sign3A_406 : i1 to i32
        %sign3A_408 = arith.subi %sign3A_404, %sign3A_407 : i32
        %ne3A_409 = arith.cmpi ne, %sign3A_401, %sign3A_408 : i32
        %rem3A_410 = arith.remsi %add3A_392, %jit3A_393 : i32
        %ne3A_411 = arith.constant 0 : i32
        %ne3A_412 = arith.cmpi ne, %rem3A_410, %ne3A_411 : i32
        %and3A_413 = arith.andi %ne3A_409, %ne3A_412 : i1
        %sub3A_414 = arith.constant 1 : i32
        %sub3A_415 = arith.subi %div3A_394, %sub3A_414 : i32
        %select_n3A_416 = arith.select %and3A_413, %sub3A_415, %div3A_394 : i32
        %jit3A_417 = arith.constant 8 : i32
        %eq3A_418 = arith.constant 0 : i32
        %eq3A_419 = arith.cmpi eq, %jit3A_417, %eq3A_418 : i32
        %jit3A_420 = arith.constant 1 : i32
        %select_n3A_421 = arith.select %eq3A_419, %jit3A_420, %jit3A_417 : i32
        %rem3A_422 = arith.remsi %add3A_392, %select_n3A_421 : i32
        %ne3A_423 = arith.constant 0 : i32
        %ne3A_424 = arith.cmpi ne, %rem3A_422, %ne3A_423 : i32
        %lt3A_425 = arith.constant 0 : i32
        %lt3A_426 = arith.cmpi slt, %rem3A_422, %lt3A_425 : i32
        %lt3A_427 = arith.constant 0 : i32
        %lt3A_428 = arith.cmpi slt, %select_n3A_421, %lt3A_427 : i32
        %ne3A_429 = arith.xori %lt3A_426, %lt3A_428 : i1
        %and3A_430 = arith.andi %ne3A_429, %ne3A_424 : i1
        %add3A_431 = arith.addi %rem3A_422, %select_n3A_421 : i32
        %select_n3A_432 = arith.select %and3A_430, %add3A_431, %rem3A_422 : i32
        %mul3A_433 = arith.constant 16 : i32
        %mul3A_434 = arith.muli %select_n3A_432, %mul3A_433 : i32
        %dma_start3A_435 = arith.constant 0 : i32
        %dma_start3A_436 = tpu.memref_slice %arg2[%select_n3A_416, %dma_start3A_435, %mul3A_434] : memref<32x4096x128xf32, #tpu.memory_space<hbm>> -> memref<1x4096x16xf32, #tpu.memory_space<hbm>>
        %dma_start3A_437 = tpu.memref_squeeze %dma_start3A_436 : memref<1x4096x16xf32, #tpu.memory_space<hbm>> -> memref<4096x16xf32, #tpu.memory_space<hbm>>
        %dma_start3A_438 = arith.constant 0 : i32
        %dma_start3A_439 = tpu.memref_slice %arg2[%select_n3A_416, %dma_start3A_438, %mul3A_434] : memref<32x4096x128xf32, #tpu.memory_space<hbm>> -> memref<1x4096x16xf32, #tpu.memory_space<hbm>>
        %dma_start3A_440 = tpu.memref_squeeze %dma_start3A_439 : memref<1x4096x16xf32, #tpu.memory_space<hbm>> -> memref<4096x16xf32, #tpu.memory_space<hbm>>
        tpu.enqueue_dma source(%dma_start3A_440 : memref<4096x16xf32, #tpu.memory_space<hbm>>) target(%arg4 : memref<4096x16xf32, #tpu.memory_space<vmem>>) target_semaphore(%arg10 : memref<!tpu.dma_semaphore, #tpu.memory_space<semaphore_mem>>)
      } else {
      }
      %parallel_loop3A_267 = arith.constant 0 : i32
      %parallel_loop3A_268 = arith.constant 64 : i32
      %parallel_loop3A_269 = arith.constant 1 : i32
      scf.for %parallel_loop3A_391 = %parallel_loop3A_267 to %parallel_loop3A_268 step %parallel_loop3A_269  : i32 {
        %parallel_loop3A_392 = arith.index_cast %parallel_loop3A_391 : i32 to index
        %parallel_loop3A_393 = arith.constant 0 : index
        %parallel_loop3A_394 = tpu.vector_load %arg8[%parallel_loop3A_392, %parallel_loop3A_393] {strides = array<i32>} : memref<64x16xi32, #tpu.memory_space<vmem>>, vector<16xi32>,
        %parallel_loop3A_395 = vector.broadcast %parallel_loop3A_391 : i32 to vector<16xi32>
        %parallel_loop3A_396 = arith.cmpi sle, %parallel_loop3A_262, %parallel_loop3A_395 : vector<16xi32>
        %parallel_loop3A_397 = arith.select %parallel_loop3A_396, %select_n3A_254, %parallel_loop3A_394 : vector<16xi1>, vector<16xi32>
        %parallel_loop3A_398 = arith.index_cast %parallel_loop3A_391 : i32 to index
        %parallel_loop3A_399 = arith.constant 0 : index
        %parallel_loop3A_400 = tpu.vector_load %arg8[%parallel_loop3A_398, %parallel_loop3A_399] {strides = array<i32>} : memref<64x16xi32, #tpu.memory_space<vmem>>, vector<16xi32>,
        tpu.vector_store %arg8[%parallel_loop3A_398, %parallel_loop3A_399], %parallel_loop3A_397 {strides = array<i32>} : memref<64x16xi32, #tpu.memory_space<vmem>>, vector<16xi32>,
      } {sc.loop_unroll_factor = 4 : i64, sc.parallel_access}
      %parallel_loop3A_270 = arith.constant 0 : i32
      %parallel_loop3A_271 = arith.constant 16 : i32
      %parallel_loop3A_272 = arith.constant 1 : i32
      scf.for %parallel_loop3A_391 = %parallel_loop3A_270 to %parallel_loop3A_271 step %parallel_loop3A_272  : i32 {
        %parallel_loop3A_392 = arith.constant 0 : i32
        %parallel_loop3A_393 = arith.shrsi %parallel_loop3A_391, %parallel_loop3A_392 : i32
        %parallel_loop3A_394 = arith.constant 1 : i32
        %parallel_loop3A_395 = arith.shli %parallel_loop3A_393, %parallel_loop3A_394 : i32
        %parallel_loop3A_396 = arith.constant 0 : i32
        %parallel_loop3A_397 = arith.andi %parallel_loop3A_391, %parallel_loop3A_396 : i32
        %parallel_loop3A_398 = arith.ori %parallel_loop3A_395, %parallel_loop3A_397 : i32
        %parallel_loop3A_399 = arith.constant 0 : i32
        %parallel_loop3A_400 = arith.shrsi %parallel_loop3A_398, %parallel_loop3A_399 : i32
        %parallel_loop3A_401 = arith.constant 1 : i32
        %parallel_loop3A_402 = arith.shli %parallel_loop3A_400, %parallel_loop3A_401 : i32
        %parallel_loop3A_403 = arith.constant 0 : i32
        %parallel_loop3A_404 = arith.andi %parallel_loop3A_398, %parallel_loop3A_403 : i32
        %parallel_loop3A_405 = arith.ori %parallel_loop3A_402, %parallel_loop3A_404 : i32
        %parallel_loop3A_406 = arith.constant 1 : i32
        %parallel_loop3A_407 = arith.ori %parallel_loop3A_405, %parallel_loop3A_406 : i32
        %parallel_loop3A_408 = arith.index_cast %parallel_loop3A_405 : i32 to index
        %parallel_loop3A_409 = arith.constant 0 : index
        %parallel_loop3A_410 = tpu.vector_load %arg8[%parallel_loop3A_408, %parallel_loop3A_409] {strides = array<i32>} : memref<64x16xi32, #tpu.memory_space<vmem>>, vector<16xi32>,
        %parallel_loop3A_411 = arith.index_cast %parallel_loop3A_407 : i32 to index
        %parallel_loop3A_412 = arith.constant 0 : index
        %parallel_loop3A_413 = tpu.vector_load %arg8[%parallel_loop3A_411, %parallel_loop3A_412] {strides = array<i32>} : memref<64x16xi32, #tpu.memory_space<vmem>>, vector<16xi32>,
        %parallel_loop3A_414 = arith.maxsi %parallel_loop3A_410, %parallel_loop3A_413 : vector<16xi32>
        %parallel_loop3A_415 = arith.index_cast %parallel_loop3A_405 : i32 to index
        %parallel_loop3A_416 = arith.constant 0 : index
        %parallel_loop3A_417 = tpu.vector_load %arg8[%parallel_loop3A_415, %parallel_loop3A_416] {strides = array<i32>} : memref<64x16xi32, #tpu.memory_space<vmem>>, vector<16xi32>,
        tpu.vector_store %arg8[%parallel_loop3A_415, %parallel_loop3A_416], %parallel_loop3A_414 {strides = array<i32>} : memref<64x16xi32, #tpu.memory_space<vmem>>, vector<16xi32>,
        %parallel_loop3A_418 = arith.minsi %parallel_loop3A_410, %parallel_loop3A_413 : vector<16xi32>
        %parallel_loop3A_419 = arith.index_cast %parallel_loop3A_407 : i32 to index
        %parallel_loop3A_420 = arith.constant 0 : index
        %parallel_loop3A_421 = tpu.vector_load %arg8[%parallel_loop3A_419, %parallel_loop3A_420] {strides = array<i32>} : memref<64x16xi32, #tpu.memory_space<vmem>>, vector<16xi32>,
        tpu.vector_store %arg8[%parallel_loop3A_419, %parallel_loop3A_420], %parallel_loop3A_418 {strides = array<i32>} : memref<64x16xi32, #tpu.memory_space<vmem>>, vector<16xi32>,
      } {sc.loop_unroll_factor = 4 : i64, sc.parallel_access}
      %parallel_loop3A_273 = arith.constant 0 : i32
      %parallel_loop3A_274 = arith.constant 16 : i32
      %parallel_loop3A_275 = arith.constant 1 : i32
      scf.for %parallel_loop3A_391 = %parallel_loop3A_273 to %parallel_loop3A_274 step %parallel_loop3A_275  : i32 {
        %parallel_loop3A_392 = arith.constant 0 : i32
        %parallel_loop3A_393 = arith.shrsi %parallel_loop3A_391, %parallel_loop3A_392 : i32
        %parallel_loop3A_394 = arith.constant 1 : i32
        %parallel_loop3A_395 = arith.shli %parallel_loop3A_393, %parallel_loop3A_394 : i32
        %parallel_loop3A_396 = arith.constant 0 : i32
        %parallel_loop3A_397 = arith.andi %parallel_loop3A_391, %parallel_loop3A_396 : i32
        %parallel_loop3A_398 = arith.ori %parallel_loop3A_395, %parallel_loop3A_397 : i32
        %parallel_loop3A_399 = arith.constant 1 : i32
        %parallel_loop3A_400 = arith.ori %parallel_loop3A_398, %parallel_loop3A_399 : i32
        %parallel_loop3A_401 = arith.constant 0 : i32
        %parallel_loop3A_402 = arith.shrsi %parallel_loop3A_400, %parallel_loop3A_401 : i32
        %parallel_loop3A_403 = arith.constant 1 : i32
        %parallel_loop3A_404 = arith.shli %parallel_loop3A_402, %parallel_loop3A_403 : i32
        %parallel_loop3A_405 = arith.constant 0 : i32
        %parallel_loop3A_406 = arith.andi %parallel_loop3A_400, %parallel_loop3A_405 : i32
        %parallel_loop3A_407 = arith.ori %parallel_loop3A_404, %parallel_loop3A_406 : i32
        %parallel_loop3A_408 = arith.constant 1 : i32
        %parallel_loop3A_409 = arith.ori %parallel_loop3A_407, %parallel_loop3A_408 : i32
        %parallel_loop3A_410 = arith.index_cast %parallel_loop3A_407 : i32 to index
        %parallel_loop3A_411 = arith.constant 0 : index
        %parallel_loop3A_412 = tpu.vector_load %arg8[%parallel_loop3A_410, %parallel_loop3A_411] {strides = array<i32>} : memref<64x16xi32, #tpu.memory_space<vmem>>, vector<16xi32>,
        %parallel_loop3A_413 = arith.index_cast %parallel_loop3A_409 : i32 to index
        %parallel_loop3A_414 = arith.constant 0 : index
        %parallel_loop3A_415 = tpu.vector_load %arg8[%parallel_loop3A_413, %parallel_loop3A_414] {strides = array<i32>} : memref<64x16xi32, #tpu.memory_space<vmem>>, vector<16xi32>,
        %parallel_loop3A_416 = arith.minsi %parallel_loop3A_412, %parallel_loop3A_415 : vector<16xi32>
        %parallel_loop3A_417 = arith.index_cast %parallel_loop3A_407 : i32 to index
        %parallel_loop3A_418 = arith.constant 0 : index
        %parallel_loop3A_419 = tpu.vector_load %arg8[%parallel_loop3A_417, %parallel_loop3A_418] {strides = array<i32>} : memref<64x16xi32, #tpu.memory_space<vmem>>, vector<16xi32>,
        tpu.vector_store %arg8[%parallel_loop3A_417, %parallel_loop3A_418], %parallel_loop3A_416 {strides = array<i32>} : memref<64x16xi32, #tpu.memory_space<vmem>>, vector<16xi32>,
        %parallel_loop3A_420 = arith.maxsi %parallel_loop3A_412, %parallel_loop3A_415 : vector<16xi32>
        %parallel_loop3A_421 = arith.index_cast %parallel_loop3A_409 : i32 to index
        %parallel_loop3A_422 = arith.constant 0 : index
        %parallel_loop3A_423 = tpu.vector_load %arg8[%parallel_loop3A_421, %parallel_loop3A_422] {strides = array<i32>} : memref<64x16xi32, #tpu.memory_space<vmem>>, vector<16xi32>,
        tpu.vector_store %arg8[%parallel_loop3A_421, %parallel_loop3A_422], %parallel_loop3A_420 {strides = array<i32>} : memref<64x16xi32, #tpu.memory_space<vmem>>, vector<16xi32>,
      } {sc.loop_unroll_factor = 4 : i64, sc.parallel_access}
      %parallel_loop3A_276 = arith.constant 0 : i32
      %parallel_loop3A_277 = arith.constant 16 : i32
      %parallel_loop3A_278 = arith.constant 1 : i32
      scf.for %parallel_loop3A_391 = %parallel_loop3A_276 to %parallel_loop3A_277 step %parallel_loop3A_278  : i32 {
        %parallel_loop3A_392 = arith.constant 1 : i32
        %parallel_loop3A_393 = arith.shrsi %parallel_loop3A_391, %parallel_loop3A_392 : i32
        %parallel_loop3A_394 = arith.constant 2 : i32
        %parallel_loop3A_395 = arith.shli %parallel_loop3A_393, %parallel_loop3A_394 : i32
        %parallel_loop3A_396 = arith.constant 1 : i32
        %parallel_loop3A_397 = arith.andi %parallel_loop3A_391, %parallel_loop3A_396 : i32
        %parallel_loop3A_398 = arith.ori %parallel_loop3A_395, %parallel_loop3A_397 : i32
        %parallel_loop3A_399 = arith.constant 1 : i32
        %parallel_loop3A_400 = arith.shrsi %parallel_loop3A_398, %parallel_loop3A_399 : i32
        %parallel_loop3A_401 = arith.constant 2 : i32
        %parallel_loop3A_402 = arith.shli %parallel_loop3A_400, %parallel_loop3A_401 : i32
        %parallel_loop3A_403 = arith.constant 1 : i32
        %parallel_loop3A_404 = arith.andi %parallel_loop3A_398, %parallel_loop3A_403 : i32
        %parallel_loop3A_405 = arith.ori %parallel_loop3A_402, %parallel_loop3A_404 : i32
        %parallel_loop3A_406 = arith.constant 2 : i32
        %parallel_loop3A_407 = arith.ori %parallel_loop3A_405, %parallel_loop3A_406 : i32
        %parallel_loop3A_408 = arith.index_cast %parallel_loop3A_405 : i32 to index
        %parallel_loop3A_409 = arith.constant 0 : index
        %parallel_loop3A_410 = tpu.vector_load %arg8[%parallel_loop3A_408, %parallel_loop3A_409] {strides = array<i32>} : memref<64x16xi32, #tpu.memory_space<vmem>>, vector<16xi32>,
        %parallel_loop3A_411 = arith.index_cast %parallel_loop3A_407 : i32 to index
        %parallel_loop3A_412 = arith.constant 0 : index
        %parallel_loop3A_413 = tpu.vector_load %arg8[%parallel_loop3A_411, %parallel_loop3A_412] {strides = array<i32>} : memref<64x16xi32, #tpu.memory_space<vmem>>, vector<16xi32>,
        %parallel_loop3A_414 = arith.maxsi %parallel_loop3A_410, %parallel_loop3A_413 : vector<16xi32>
        %parallel_loop3A_415 = arith.index_cast %parallel_loop3A_405 : i32 to index
        %parallel_loop3A_416 = arith.constant 0 : index
        %parallel_loop3A_417 = tpu.vector_load %arg8[%parallel_loop3A_415, %parallel_loop3A_416] {strides = array<i32>} : memref<64x16xi32, #tpu.memory_space<vmem>>, vector<16xi32>,
        tpu.vector_store %arg8[%parallel_loop3A_415, %parallel_loop3A_416], %parallel_loop3A_414 {strides = array<i32>} : memref<64x16xi32, #tpu.memory_space<vmem>>, vector<16xi32>,
        %parallel_loop3A_418 = arith.minsi %parallel_loop3A_410, %parallel_loop3A_413 : vector<16xi32>
        %parallel_loop3A_419 = arith.index_cast %parallel_loop3A_407 : i32 to index
        %parallel_loop3A_420 = arith.constant 0 : index
        %parallel_loop3A_421 = tpu.vector_load %arg8[%parallel_loop3A_419, %parallel_loop3A_420] {strides = array<i32>} : memref<64x16xi32, #tpu.memory_space<vmem>>, vector<16xi32>,
        tpu.vector_store %arg8[%parallel_loop3A_419, %parallel_loop3A_420], %parallel_loop3A_418 {strides = array<i32>} : memref<64x16xi32, #tpu.memory_space<vmem>>, vector<16xi32>,
      } {sc.loop_unroll_factor = 4 : i64, sc.parallel_access}
      %parallel_loop3A_279 = arith.constant 0 : i32
      %parallel_loop3A_280 = arith.constant 16 : i32
      %parallel_loop3A_281 = arith.constant 1 : i32
      scf.for %parallel_loop3A_391 = %parallel_loop3A_279 to %parallel_loop3A_280 step %parallel_loop3A_281  : i32 {
        %parallel_loop3A_392 = arith.constant 1 : i32
        %parallel_loop3A_393 = arith.shrsi %parallel_loop3A_391, %parallel_loop3A_392 : i32
        %parallel_loop3A_394 = arith.constant 2 : i32
        %parallel_loop3A_395 = arith.shli %parallel_loop3A_393, %parallel_loop3A_394 : i32
        %parallel_loop3A_396 = arith.constant 1 : i32
        %parallel_loop3A_397 = arith.andi %parallel_loop3A_391, %parallel_loop3A_396 : i32
        %parallel_loop3A_398 = arith.ori %parallel_loop3A_395, %parallel_loop3A_397 : i32
        %parallel_loop3A_399 = arith.constant 2 : i32
        %parallel_loop3A_400 = arith.ori %parallel_loop3A_398, %parallel_loop3A_399 : i32
        %parallel_loop3A_401 = arith.constant 1 : i32
        %parallel_loop3A_402 = arith.shrsi %parallel_loop3A_400, %parallel_loop3A_401 : i32
        %parallel_loop3A_403 = arith.constant 2 : i32
        %parallel_loop3A_404 = arith.shli %parallel_loop3A_402, %parallel_loop3A_403 : i32
        %parallel_loop3A_405 = arith.constant 1 : i32
        %parallel_loop3A_406 = arith.andi %parallel_loop3A_400, %parallel_loop3A_405 : i32
        %parallel_loop3A_407 = arith.ori %parallel_loop3A_404, %parallel_loop3A_406 : i32
        %parallel_loop3A_408 = arith.constant 2 : i32
        %parallel_loop3A_409 = arith.ori %parallel_loop3A_407, %parallel_loop3A_408 : i32
        %parallel_loop3A_410 = arith.index_cast %parallel_loop3A_407 : i32 to index
        %parallel_loop3A_411 = arith.constant 0 : index
        %parallel_loop3A_412 = tpu.vector_load %arg8[%parallel_loop3A_410, %parallel_loop3A_411] {strides = array<i32>} : memref<64x16xi32, #tpu.memory_space<vmem>>, vector<16xi32>,
        %parallel_loop3A_413 = arith.index_cast %parallel_loop3A_409 : i32 to index
        %parallel_loop3A_414 = arith.constant 0 : index
        %parallel_loop3A_415 = tpu.vector_load %arg8[%parallel_loop3A_413, %parallel_loop3A_414] {strides = array<i32>} : memref<64x16xi32, #tpu.memory_space<vmem>>, vector<16xi32>,
        %parallel_loop3A_416 = arith.minsi %parallel_loop3A_412, %parallel_loop3A_415 : vector<16xi32>
        %parallel_loop3A_417 = arith.index_cast %parallel_loop3A_407 : i32 to index
        %parallel_loop3A_418 = arith.constant 0 : index
        %parallel_loop3A_419 = tpu.vector_load %arg8[%parallel_loop3A_417, %parallel_loop3A_418] {strides = array<i32>} : memref<64x16xi32, #tpu.memory_space<vmem>>, vector<16xi32>,
        tpu.vector_store %arg8[%parallel_loop3A_417, %parallel_loop3A_418], %parallel_loop3A_416 {strides = array<i32>} : memref<64x16xi32, #tpu.memory_space<vmem>>, vector<16xi32>,
        %parallel_loop3A_420 = arith.maxsi %parallel_loop3A_412, %parallel_loop3A_415 : vector<16xi32>
        %parallel_loop3A_421 = arith.index_cast %parallel_loop3A_409 : i32 to index
        %parallel_loop3A_422 = arith.constant 0 : index
        %parallel_loop3A_423 = tpu.vector_load %arg8[%parallel_loop3A_421, %parallel_loop3A_422] {strides = array<i32>} : memref<64x16xi32, #tpu.memory_space<vmem>>, vector<16xi32>,
        tpu.vector_store %arg8[%parallel_loop3A_421, %parallel_loop3A_422], %parallel_loop3A_420 {strides = array<i32>} : memref<64x16xi32, #tpu.memory_space<vmem>>, vector<16xi32>,
      } {sc.loop_unroll_factor = 4 : i64, sc.parallel_access}
      %parallel_loop3A_282 = arith.constant 0 : i32
      %parallel_loop3A_283 = arith.constant 16 : i32
      %parallel_loop3A_284 = arith.constant 1 : i32
      scf.for %parallel_loop3A_391 = %parallel_loop3A_282 to %parallel_loop3A_283 step %parallel_loop3A_284  : i32 {
        %parallel_loop3A_392 = arith.constant 1 : i32
        %parallel_loop3A_393 = arith.shrsi %parallel_loop3A_391, %parallel_loop3A_392 : i32
        %parallel_loop3A_394 = arith.constant 2 : i32
        %parallel_loop3A_395 = arith.shli %parallel_loop3A_393, %parallel_loop3A_394 : i32
        %parallel_loop3A_396 = arith.constant 1 : i32
        %parallel_loop3A_397 = arith.andi %parallel_loop3A_391, %parallel_loop3A_396 : i32
        %parallel_loop3A_398 = arith.ori %parallel_loop3A_395, %parallel_loop3A_397 : i32
        %parallel_loop3A_399 = arith.constant 0 : i32
        %parallel_loop3A_400 = arith.shrsi %parallel_loop3A_398, %parallel_loop3A_399 : i32
        %parallel_loop3A_401 = arith.constant 1 : i32
        %parallel_loop3A_402 = arith.shli %parallel_loop3A_400, %parallel_loop3A_401 : i32
        %parallel_loop3A_403 = arith.constant 0 : i32
        %parallel_loop3A_404 = arith.andi %parallel_loop3A_398, %parallel_loop3A_403 : i32
        %parallel_loop3A_405 = arith.ori %parallel_loop3A_402, %parallel_loop3A_404 : i32
        %parallel_loop3A_406 = arith.constant 1 : i32
        %parallel_loop3A_407 = arith.ori %parallel_loop3A_405, %parallel_loop3A_406 : i32
        %parallel_loop3A_408 = arith.index_cast %parallel_loop3A_405 : i32 to index
        %parallel_loop3A_409 = arith.constant 0 : index
        %parallel_loop3A_410 = tpu.vector_load %arg8[%parallel_loop3A_408, %parallel_loop3A_409] {strides = array<i32>} : memref<64x16xi32, #tpu.memory_space<vmem>>, vector<16xi32>,
        %parallel_loop3A_411 = arith.index_cast %parallel_loop3A_407 : i32 to index
        %parallel_loop3A_412 = arith.constant 0 : index
        %parallel_loop3A_413 = tpu.vector_load %arg8[%parallel_loop3A_411, %parallel_loop3A_412] {strides = array<i32>} : memref<64x16xi32, #tpu.memory_space<vmem>>, vector<16xi32>,
        %parallel_loop3A_414 = arith.maxsi %parallel_loop3A_410, %parallel_loop3A_413 : vector<16xi32>
        %parallel_loop3A_415 = arith.index_cast %parallel_loop3A_405 : i32 to index
        %parallel_loop3A_416 = arith.constant 0 : index
        %parallel_loop3A_417 = tpu.vector_load %arg8[%parallel_loop3A_415, %parallel_loop3A_416] {strides = array<i32>} : memref<64x16xi32, #tpu.memory_space<vmem>>, vector<16xi32>,
        tpu.vector_store %arg8[%parallel_loop3A_415, %parallel_loop3A_416], %parallel_loop3A_414 {strides = array<i32>} : memref<64x16xi32, #tpu.memory_space<vmem>>, vector<16xi32>,
        %parallel_loop3A_418 = arith.minsi %parallel_loop3A_410, %parallel_loop3A_413 : vector<16xi32>
        %parallel_loop3A_419 = arith.index_cast %parallel_loop3A_407 : i32 to index
        %parallel_loop3A_420 = arith.constant 0 : index
        %parallel_loop3A_421 = tpu.vector_load %arg8[%parallel_loop3A_419, %parallel_loop3A_420] {strides = array<i32>} : memref<64x16xi32, #tpu.memory_space<vmem>>, vector<16xi32>,
        tpu.vector_store %arg8[%parallel_loop3A_419, %parallel_loop3A_420], %parallel_loop3A_418 {strides = array<i32>} : memref<64x16xi32, #tpu.memory_space<vmem>>, vector<16xi32>,
      } {sc.loop_unroll_factor = 4 : i64, sc.parallel_access}
      %parallel_loop3A_285 = arith.constant 0 : i32
      %parallel_loop3A_286 = arith.constant 16 : i32
      %parallel_loop3A_287 = arith.constant 1 : i32
      scf.for %parallel_loop3A_391 = %parallel_loop3A_285 to %parallel_loop3A_286 step %parallel_loop3A_287  : i32 {
        %parallel_loop3A_392 = arith.constant 1 : i32
        %parallel_loop3A_393 = arith.shrsi %parallel_loop3A_391, %parallel_loop3A_392 : i32
        %parallel_loop3A_394 = arith.constant 2 : i32
        %parallel_loop3A_395 = arith.shli %parallel_loop3A_393, %parallel_loop3A_394 : i32
        %parallel_loop3A_396 = arith.constant 1 : i32
        %parallel_loop3A_397 = arith.andi %parallel_loop3A_391, %parallel_loop3A_396 : i32
        %parallel_loop3A_398 = arith.ori %parallel_loop3A_395, %parallel_loop3A_397 : i32
        %parallel_loop3A_399 = arith.constant 2 : i32
        %parallel_loop3A_400 = arith.ori %parallel_loop3A_398, %parallel_loop3A_399 : i32
        %parallel_loop3A_401 = arith.constant 0 : i32
        %parallel_loop3A_402 = arith.shrsi %parallel_loop3A_400, %parallel_loop3A_401 : i32
        %parallel_loop3A_403 = arith.constant 1 : i32
        %parallel_loop3A_404 = arith.shli %parallel_loop3A_402, %parallel_loop3A_403 : i32
        %parallel_loop3A_405 = arith.constant 0 : i32
        %parallel_loop3A_406 = arith.andi %parallel_loop3A_400, %parallel_loop3A_405 : i32
        %parallel_loop3A_407 = arith.ori %parallel_loop3A_404, %parallel_loop3A_406 : i32
        %parallel_loop3A_408 = arith.constant 1 : i32
        %parallel_loop3A_409 = arith.ori %parallel_loop3A_407, %parallel_loop3A_408 : i32
        %parallel_loop3A_410 = arith.index_cast %parallel_loop3A_407 : i32 to index
        %parallel_loop3A_411 = arith.constant 0 : index
        %parallel_loop3A_412 = tpu.vector_load %arg8[%parallel_loop3A_410, %parallel_loop3A_411] {strides = array<i32>} : memref<64x16xi32, #tpu.memory_space<vmem>>, vector<16xi32>,
        %parallel_loop3A_413 = arith.index_cast %parallel_loop3A_409 : i32 to index
        %parallel_loop3A_414 = arith.constant 0 : index
        %parallel_loop3A_415 = tpu.vector_load %arg8[%parallel_loop3A_413, %parallel_loop3A_414] {strides = array<i32>} : memref<64x16xi32, #tpu.memory_space<vmem>>, vector<16xi32>,
        %parallel_loop3A_416 = arith.minsi %parallel_loop3A_412, %parallel_loop3A_415 : vector<16xi32>
        %parallel_loop3A_417 = arith.index_cast %parallel_loop3A_407 : i32 to index
        %parallel_loop3A_418 = arith.constant 0 : index
        %parallel_loop3A_419 = tpu.vector_load %arg8[%parallel_loop3A_417, %parallel_loop3A_418] {strides = array<i32>} : memref<64x16xi32, #tpu.memory_space<vmem>>, vector<16xi32>,
        tpu.vector_store %arg8[%parallel_loop3A_417, %parallel_loop3A_418], %parallel_loop3A_416 {strides = array<i32>} : memref<64x16xi32, #tpu.memory_space<vmem>>, vector<16xi32>,
        %parallel_loop3A_420 = arith.maxsi %parallel_loop3A_412, %parallel_loop3A_415 : vector<16xi32>
        %parallel_loop3A_421 = arith.index_cast %parallel_loop3A_409 : i32 to index
        %parallel_loop3A_422 = arith.constant 0 : index
        %parallel_loop3A_423 = tpu.vector_load %arg8[%parallel_loop3A_421, %parallel_loop3A_422] {strides = array<i32>} : memref<64x16xi32, #tpu.memory_space<vmem>>, vector<16xi32>,
        tpu.vector_store %arg8[%parallel_loop3A_421, %parallel_loop3A_422], %parallel_loop3A_420 {strides = array<i32>} : memref<64x16xi32, #tpu.memory_space<vmem>>, vector<16xi32>,
      } {sc.loop_unroll_factor = 4 : i64, sc.parallel_access}
      %parallel_loop3A_288 = arith.constant 0 : i32
      %parallel_loop3A_289 = arith.constant 16 : i32
      %parallel_loop3A_290 = arith.constant 1 : i32
      scf.for %parallel_loop3A_391 = %parallel_loop3A_288 to %parallel_loop3A_289 step %parallel_loop3A_290  : i32 {
        %parallel_loop3A_392 = arith.constant 2 : i32
        %parallel_loop3A_393 = arith.shrsi %parallel_loop3A_391, %parallel_loop3A_392 : i32
        %parallel_loop3A_394 = arith.constant 3 : i32
        %parallel_loop3A_395 = arith.shli %parallel_loop3A_393, %parallel_loop3A_394 : i32
        %parallel_loop3A_396 = arith.constant 3 : i32
        %parallel_loop3A_397 = arith.andi %parallel_loop3A_391, %parallel_loop3A_396 : i32
        %parallel_loop3A_398 = arith.ori %parallel_loop3A_395, %parallel_loop3A_397 : i32
        %parallel_loop3A_399 = arith.constant 2 : i32
        %parallel_loop3A_400 = arith.shrsi %parallel_loop3A_398, %parallel_loop3A_399 : i32
        %parallel_loop3A_401 = arith.constant 3 : i32
        %parallel_loop3A_402 = arith.shli %parallel_loop3A_400, %parallel_loop3A_401 : i32
        %parallel_loop3A_403 = arith.constant 3 : i32
        %parallel_loop3A_404 = arith.andi %parallel_loop3A_398, %parallel_loop3A_403 : i32
        %parallel_loop3A_405 = arith.ori %parallel_loop3A_402, %parallel_loop3A_404 : i32
        %parallel_loop3A_406 = arith.constant 4 : i32
        %parallel_loop3A_407 = arith.ori %parallel_loop3A_405, %parallel_loop3A_406 : i32
        %parallel_loop3A_408 = arith.index_cast %parallel_loop3A_405 : i32 to index
        %parallel_loop3A_409 = arith.constant 0 : index
        %parallel_loop3A_410 = tpu.vector_load %arg8[%parallel_loop3A_408, %parallel_loop3A_409] {strides = array<i32>} : memref<64x16xi32, #tpu.memory_space<vmem>>, vector<16xi32>,
        %parallel_loop3A_411 = arith.index_cast %parallel_loop3A_407 : i32 to index
        %parallel_loop3A_412 = arith.constant 0 : index
        %parallel_loop3A_413 = tpu.vector_load %arg8[%parallel_loop3A_411, %parallel_loop3A_412] {strides = array<i32>} : memref<64x16xi32, #tpu.memory_space<vmem>>, vector<16xi32>,
        %parallel_loop3A_414 = arith.maxsi %parallel_loop3A_410, %parallel_loop3A_413 : vector<16xi32>
        %parallel_loop3A_415 = arith.index_cast %parallel_loop3A_405 : i32 to index
        %parallel_loop3A_416 = arith.constant 0 : index
        %parallel_loop3A_417 = tpu.vector_load %arg8[%parallel_loop3A_415, %parallel_loop3A_416] {strides = array<i32>} : memref<64x16xi32, #tpu.memory_space<vmem>>, vector<16xi32>,
        tpu.vector_store %arg8[%parallel_loop3A_415, %parallel_loop3A_416], %parallel_loop3A_414 {strides = array<i32>} : memref<64x16xi32, #tpu.memory_space<vmem>>, vector<16xi32>,
        %parallel_loop3A_418 = arith.minsi %parallel_loop3A_410, %parallel_loop3A_413 : vector<16xi32>
        %parallel_loop3A_419 = arith.index_cast %parallel_loop3A_407 : i32 to index
        %parallel_loop3A_420 = arith.constant 0 : index
        %parallel_loop3A_421 = tpu.vector_load %arg8[%parallel_loop3A_419, %parallel_loop3A_420] {strides = array<i32>} : memref<64x16xi32, #tpu.memory_space<vmem>>, vector<16xi32>,
        tpu.vector_store %arg8[%parallel_loop3A_419, %parallel_loop3A_420], %parallel_loop3A_418 {strides = array<i32>} : memref<64x16xi32, #tpu.memory_space<vmem>>, vector<16xi32>,
      } {sc.loop_unroll_factor = 4 : i64, sc.parallel_access}
      %parallel_loop3A_291 = arith.constant 0 : i32
      %parallel_loop3A_292 = arith.constant 16 : i32
      %parallel_loop3A_293 = arith.constant 1 : i32
      scf.for %parallel_loop3A_391 = %parallel_loop3A_291 to %parallel_loop3A_292 step %parallel_loop3A_293  : i32 {
        %parallel_loop3A_392 = arith.constant 2 : i32
        %parallel_loop3A_393 = arith.shrsi %parallel_loop3A_391, %parallel_loop3A_392 : i32
        %parallel_loop3A_394 = arith.constant 3 : i32
        %parallel_loop3A_395 = arith.shli %parallel_loop3A_393, %parallel_loop3A_394 : i32
        %parallel_loop3A_396 = arith.constant 3 : i32
        %parallel_loop3A_397 = arith.andi %parallel_loop3A_391, %parallel_loop3A_396 : i32
        %parallel_loop3A_398 = arith.ori %parallel_loop3A_395, %parallel_loop3A_397 : i32
        %parallel_loop3A_399 = arith.constant 4 : i32
        %parallel_loop3A_400 = arith.ori %parallel_loop3A_398, %parallel_loop3A_399 : i32
        %parallel_loop3A_401 = arith.constant 2 : i32
        %parallel_loop3A_402 = arith.shrsi %parallel_loop3A_400, %parallel_loop3A_401 : i32
        %parallel_loop3A_403 = arith.constant 3 : i32
        %parallel_loop3A_404 = arith.shli %parallel_loop3A_402, %parallel_loop3A_403 : i32
        %parallel_loop3A_405 = arith.constant 3 : i32
        %parallel_loop3A_406 = arith.andi %parallel_loop3A_400, %parallel_loop3A_405 : i32
        %parallel_loop3A_407 = arith.ori %parallel_loop3A_404, %parallel_loop3A_406 : i32
        %parallel_loop3A_408 = arith.constant 4 : i32
        %parallel_loop3A_409 = arith.ori %parallel_loop3A_407, %parallel_loop3A_408 : i32
        %parallel_loop3A_410 = arith.index_cast %parallel_loop3A_407 : i32 to index
        %parallel_loop3A_411 = arith.constant 0 : index
        %parallel_loop3A_412 = tpu.vector_load %arg8[%parallel_loop3A_410, %parallel_loop3A_411] {strides = array<i32>} : memref<64x16xi32, #tpu.memory_space<vmem>>, vector<16xi32>,
        %parallel_loop3A_413 = arith.index_cast %parallel_loop3A_409 : i32 to index
        %parallel_loop3A_414 = arith.constant 0 : index
        %parallel_loop3A_415 = tpu.vector_load %arg8[%parallel_loop3A_413, %parallel_loop3A_414] {strides = array<i32>} : memref<64x16xi32, #tpu.memory_space<vmem>>, vector<16xi32>,
        %parallel_loop3A_416 = arith.minsi %parallel_loop3A_412, %parallel_loop3A_415 : vector<16xi32>
        %parallel_loop3A_417 = arith.index_cast %parallel_loop3A_407 : i32 to index
        %parallel_loop3A_418 = arith.constant 0 : index
        %parallel_loop3A_419 = tpu.vector_load %arg8[%parallel_loop3A_417, %parallel_loop3A_418] {strides = array<i32>} : memref<64x16xi32, #tpu.memory_space<vmem>>, vector<16xi32>,
        tpu.vector_store %arg8[%parallel_loop3A_417, %parallel_loop3A_418], %parallel_loop3A_416 {strides = array<i32>} : memref<64x16xi32, #tpu.memory_space<vmem>>, vector<16xi32>,
        %parallel_loop3A_420 = arith.maxsi %parallel_loop3A_412, %parallel_loop3A_415 : vector<16xi32>
        %parallel_loop3A_421 = arith.index_cast %parallel_loop3A_409 : i32 to index
        %parallel_loop3A_422 = arith.constant 0 : index
        %parallel_loop3A_423 = tpu.vector_load %arg8[%parallel_loop3A_421, %parallel_loop3A_422] {strides = array<i32>} : memref<64x16xi32, #tpu.memory_space<vmem>>, vector<16xi32>,
        tpu.vector_store %arg8[%parallel_loop3A_421, %parallel_loop3A_422], %parallel_loop3A_420 {strides = array<i32>} : memref<64x16xi32, #tpu.memory_space<vmem>>, vector<16xi32>,
      } {sc.loop_unroll_factor = 4 : i64, sc.parallel_access}
      %parallel_loop3A_294 = arith.constant 0 : i32
      %parallel_loop3A_295 = arith.constant 16 : i32
      %parallel_loop3A_296 = arith.constant 1 : i32
      scf.for %parallel_loop3A_391 = %parallel_loop3A_294 to %parallel_loop3A_295 step %parallel_loop3A_296  : i32 {
        %parallel_loop3A_392 = arith.constant 2 : i32
        %parallel_loop3A_393 = arith.shrsi %parallel_loop3A_391, %parallel_loop3A_392 : i32
        %parallel_loop3A_394 = arith.constant 3 : i32
        %parallel_loop3A_395 = arith.shli %parallel_loop3A_393, %parallel_loop3A_394 : i32
        %parallel_loop3A_396 = arith.constant 3 : i32
        %parallel_loop3A_397 = arith.andi %parallel_loop3A_391, %parallel_loop3A_396 : i32
        %parallel_loop3A_398 = arith.ori %parallel_loop3A_395, %parallel_loop3A_397 : i32
        %parallel_loop3A_399 = arith.constant 1 : i32
        %parallel_loop3A_400 = arith.shrsi %parallel_loop3A_398, %parallel_loop3A_399 : i32
        %parallel_loop3A_401 = arith.constant 2 : i32
        %parallel_loop3A_402 = arith.shli %parallel_loop3A_400, %parallel_loop3A_401 : i32
        %parallel_loop3A_403 = arith.constant 1 : i32
        %parallel_loop3A_404 = arith.andi %parallel_loop3A_398, %parallel_loop3A_403 : i32
        %parallel_loop3A_405 = arith.ori %parallel_loop3A_402, %parallel_loop3A_404 : i32
        %parallel_loop3A_406 = arith.constant 2 : i32
        %parallel_loop3A_407 = arith.ori %parallel_loop3A_405, %parallel_loop3A_406 : i32
        %parallel_loop3A_408 = arith.index_cast %parallel_loop3A_405 : i32 to index
        %parallel_loop3A_409 = arith.constant 0 : index
        %parallel_loop3A_410 = tpu.vector_load %arg8[%parallel_loop3A_408, %parallel_loop3A_409] {strides = array<i32>} : memref<64x16xi32, #tpu.memory_space<vmem>>, vector<16xi32>,
        %parallel_loop3A_411 = arith.index_cast %parallel_loop3A_407 : i32 to index
        %parallel_loop3A_412 = arith.constant 0 : index
        %parallel_loop3A_413 = tpu.vector_load %arg8[%parallel_loop3A_411, %parallel_loop3A_412] {strides = array<i32>} : memref<64x16xi32, #tpu.memory_space<vmem>>, vector<16xi32>,
        %parallel_loop3A_414 = arith.maxsi %parallel_loop3A_410, %parallel_loop3A_413 : vector<16xi32>
        %parallel_loop3A_415 = arith.index_cast %parallel_loop3A_405 : i32 to index
        %parallel_loop3A_416 = arith.constant 0 : index
        %parallel_loop3A_417 = tpu.vector_load %arg8[%parallel_loop3A_415, %parallel_loop3A_416] {strides = array<i32>} : memref<64x16xi32, #tpu.memory_space<vmem>>, vector<16xi32>,
        tpu.vector_store %arg8[%parallel_loop3A_415, %parallel_loop3A_416], %parallel_loop3A_414 {strides = array<i32>} : memref<64x16xi32, #tpu.memory_space<vmem>>, vector<16xi32>,
        %parallel_loop3A_418 = arith.minsi %parallel_loop3A_410, %parallel_loop3A_413 : vector<16xi32>
        %parallel_loop3A_419 = arith.index_cast %parallel_loop3A_407 : i32 to index
        %parallel_loop3A_420 = arith.constant 0 : index
        %parallel_loop3A_421 = tpu.vector_load %arg8[%parallel_loop3A_419, %parallel_loop3A_420] {strides = array<i32>} : memref<64x16xi32, #tpu.memory_space<vmem>>, vector<16xi32>,
        tpu.vector_store %arg8[%parallel_loop3A_419, %parallel_loop3A_420], %parallel_loop3A_418 {strides = array<i32>} : memref<64x16xi32, #tpu.memory_space<vmem>>, vector<16xi32>,
      } {sc.loop_unroll_factor = 4 : i64, sc.parallel_access}
      %parallel_loop3A_297 = arith.constant 0 : i32
      %parallel_loop3A_298 = arith.constant 16 : i32
      %parallel_loop3A_299 = arith.constant 1 : i32
      scf.for %parallel_loop3A_391 = %parallel_loop3A_297 to %parallel_loop3A_298 step %parallel_loop3A_299  : i32 {
        %parallel_loop3A_392 = arith.constant 2 : i32
        %parallel_loop3A_393 = arith.shrsi %parallel_loop3A_391, %parallel_loop3A_392 : i32
        %parallel_loop3A_394 = arith.constant 3 : i32
        %parallel_loop3A_395 = arith.shli %parallel_loop3A_393, %parallel_loop3A_394 : i32
        %parallel_loop3A_396 = arith.constant 3 : i32
        %parallel_loop3A_397 = arith.andi %parallel_loop3A_391, %parallel_loop3A_396 : i32
        %parallel_loop3A_398 = arith.ori %parallel_loop3A_395, %parallel_loop3A_397 : i32
        %parallel_loop3A_399 = arith.constant 4 : i32
        %parallel_loop3A_400 = arith.ori %parallel_loop3A_398, %parallel_loop3A_399 : i32
        %parallel_loop3A_401 = arith.constant 1 : i32
        %parallel_loop3A_402 = arith.shrsi %parallel_loop3A_400, %parallel_loop3A_401 : i32
        %parallel_loop3A_403 = arith.constant 2 : i32
        %parallel_loop3A_404 = arith.shli %parallel_loop3A_402, %parallel_loop3A_403 : i32
        %parallel_loop3A_405 = arith.constant 1 : i32
        %parallel_loop3A_406 = arith.andi %parallel_loop3A_400, %parallel_loop3A_405 : i32
        %parallel_loop3A_407 = arith.ori %parallel_loop3A_404, %parallel_loop3A_406 : i32
        %parallel_loop3A_408 = arith.constant 2 : i32
        %parallel_loop3A_409 = arith.ori %parallel_loop3A_407, %parallel_loop3A_408 : i32
        %parallel_loop3A_410 = arith.index_cast %parallel_loop3A_407 : i32 to index
        %parallel_loop3A_411 = arith.constant 0 : index
        %parallel_loop3A_412 = tpu.vector_load %arg8[%parallel_loop3A_410, %parallel_loop3A_411] {strides = array<i32>} : memref<64x16xi32, #tpu.memory_space<vmem>>, vector<16xi32>,
        %parallel_loop3A_413 = arith.index_cast %parallel_loop3A_409 : i32 to index
        %parallel_loop3A_414 = arith.constant 0 : index
        %parallel_loop3A_415 = tpu.vector_load %arg8[%parallel_loop3A_413, %parallel_loop3A_414] {strides = array<i32>} : memref<64x16xi32, #tpu.memory_space<vmem>>, vector<16xi32>,
        %parallel_loop3A_416 = arith.minsi %parallel_loop3A_412, %parallel_loop3A_415 : vector<16xi32>
        %parallel_loop3A_417 = arith.index_cast %parallel_loop3A_407 : i32 to index
        %parallel_loop3A_418 = arith.constant 0 : index
        %parallel_loop3A_419 = tpu.vector_load %arg8[%parallel_loop3A_417, %parallel_loop3A_418] {strides = array<i32>} : memref<64x16xi32, #tpu.memory_space<vmem>>, vector<16xi32>,
        tpu.vector_store %arg8[%parallel_loop3A_417, %parallel_loop3A_418], %parallel_loop3A_416 {strides = array<i32>} : memref<64x16xi32, #tpu.memory_space<vmem>>, vector<16xi32>,
        %parallel_loop3A_420 = arith.maxsi %parallel_loop3A_412, %parallel_loop3A_415 : vector<16xi32>
        %parallel_loop3A_421 = arith.index_cast %parallel_loop3A_409 : i32 to index
        %parallel_loop3A_422 = arith.constant 0 : index
        %parallel_loop3A_423 = tpu.vector_load %arg8[%parallel_loop3A_421, %parallel_loop3A_422] {strides = array<i32>} : memref<64x16xi32, #tpu.memory_space<vmem>>, vector<16xi32>,
        tpu.vector_store %arg8[%parallel_loop3A_421, %parallel_loop3A_422], %parallel_loop3A_420 {strides = array<i32>} : memref<64x16xi32, #tpu.memory_space<vmem>>, vector<16xi32>,
      } {sc.loop_unroll_factor = 4 : i64, sc.parallel_access}
      %parallel_loop3A_300 = arith.constant 0 : i32
      %parallel_loop3A_301 = arith.constant 16 : i32
      %parallel_loop3A_302 = arith.constant 1 : i32
      scf.for %parallel_loop3A_391 = %parallel_loop3A_300 to %parallel_loop3A_301 step %parallel_loop3A_302  : i32 {
        %parallel_loop3A_392 = arith.constant 2 : i32
        %parallel_loop3A_393 = arith.shrsi %parallel_loop3A_391, %parallel_loop3A_392 : i32
        %parallel_loop3A_394 = arith.constant 3 : i32
        %parallel_loop3A_395 = arith.shli %parallel_loop3A_393, %parallel_loop3A_394 : i32
        %parallel_loop3A_396 = arith.constant 3 : i32
        %parallel_loop3A_397 = arith.andi %parallel_loop3A_391, %parallel_loop3A_396 : i32
        %parallel_loop3A_398 = arith.ori %parallel_loop3A_395, %parallel_loop3A_397 : i32
        %parallel_loop3A_399 = arith.constant 0 : i32
        %parallel_loop3A_400 = arith.shrsi %parallel_loop3A_398, %parallel_loop3A_399 : i32
        %parallel_loop3A_401 = arith.constant 1 : i32
        %parallel_loop3A_402 = arith.shli %parallel_loop3A_400, %parallel_loop3A_401 : i32
        %parallel_loop3A_403 = arith.constant 0 : i32
        %parallel_loop3A_404 = arith.andi %parallel_loop3A_398, %parallel_loop3A_403 : i32
        %parallel_loop3A_405 = arith.ori %parallel_loop3A_402, %parallel_loop3A_404 : i32
        %parallel_loop3A_406 = arith.constant 1 : i32
        %parallel_loop3A_407 = arith.ori %parallel_loop3A_405, %parallel_loop3A_406 : i32
        %parallel_loop3A_408 = arith.index_cast %parallel_loop3A_405 : i32 to index
        %parallel_loop3A_409 = arith.constant 0 : index
        %parallel_loop3A_410 = tpu.vector_load %arg8[%parallel_loop3A_408, %parallel_loop3A_409] {strides = array<i32>} : memref<64x16xi32, #tpu.memory_space<vmem>>, vector<16xi32>,
        %parallel_loop3A_411 = arith.index_cast %parallel_loop3A_407 : i32 to index
        %parallel_loop3A_412 = arith.constant 0 : index
        %parallel_loop3A_413 = tpu.vector_load %arg8[%parallel_loop3A_411, %parallel_loop3A_412] {strides = array<i32>} : memref<64x16xi32, #tpu.memory_space<vmem>>, vector<16xi32>,
        %parallel_loop3A_414 = arith.maxsi %parallel_loop3A_410, %parallel_loop3A_413 : vector<16xi32>
        %parallel_loop3A_415 = arith.index_cast %parallel_loop3A_405 : i32 to index
        %parallel_loop3A_416 = arith.constant 0 : index
        %parallel_loop3A_417 = tpu.vector_load %arg8[%parallel_loop3A_415, %parallel_loop3A_416] {strides = array<i32>} : memref<64x16xi32, #tpu.memory_space<vmem>>, vector<16xi32>,
        tpu.vector_store %arg8[%parallel_loop3A_415, %parallel_loop3A_416], %parallel_loop3A_414 {strides = array<i32>} : memref<64x16xi32, #tpu.memory_space<vmem>>, vector<16xi32>,
        %parallel_loop3A_418 = arith.minsi %parallel_loop3A_410, %parallel_loop3A_413 : vector<16xi32>
        %parallel_loop3A_419 = arith.index_cast %parallel_loop3A_407 : i32 to index
        %parallel_loop3A_420 = arith.constant 0 : index
        %parallel_loop3A_421 = tpu.vector_load %arg8[%parallel_loop3A_419, %parallel_loop3A_420] {strides = array<i32>} : memref<64x16xi32, #tpu.memory_space<vmem>>, vector<16xi32>,
        tpu.vector_store %arg8[%parallel_loop3A_419, %parallel_loop3A_420], %parallel_loop3A_418 {strides = array<i32>} : memref<64x16xi32, #tpu.memory_space<vmem>>, vector<16xi32>,
      } {sc.loop_unroll_factor = 4 : i64, sc.parallel_access}
      %parallel_loop3A_303 = arith.constant 0 : i32
      %parallel_loop3A_304 = arith.constant 16 : i32
      %parallel_loop3A_305 = arith.constant 1 : i32
      scf.for %parallel_loop3A_391 = %parallel_loop3A_303 to %parallel_loop3A_304 step %parallel_loop3A_305  : i32 {
        %parallel_loop3A_392 = arith.constant 2 : i32
        %parallel_loop3A_393 = arith.shrsi %parallel_loop3A_391, %parallel_loop3A_392 : i32
        %parallel_loop3A_394 = arith.constant 3 : i32
        %parallel_loop3A_395 = arith.shli %parallel_loop3A_393, %parallel_loop3A_394 : i32
        %parallel_loop3A_396 = arith.constant 3 : i32
        %parallel_loop3A_397 = arith.andi %parallel_loop3A_391, %parallel_loop3A_396 : i32
        %parallel_loop3A_398 = arith.ori %parallel_loop3A_395, %parallel_loop3A_397 : i32
        %parallel_loop3A_399 = arith.constant 4 : i32
        %parallel_loop3A_400 = arith.ori %parallel_loop3A_398, %parallel_loop3A_399 : i32
        %parallel_loop3A_401 = arith.constant 0 : i32
        %parallel_loop3A_402 = arith.shrsi %parallel_loop3A_400, %parallel_loop3A_401 : i32
        %parallel_loop3A_403 = arith.constant 1 : i32
        %parallel_loop3A_404 = arith.shli %parallel_loop3A_402, %parallel_loop3A_403 : i32
        %parallel_loop3A_405 = arith.constant 0 : i32
        %parallel_loop3A_406 = arith.andi %parallel_loop3A_400, %parallel_loop3A_405 : i32
        %parallel_loop3A_407 = arith.ori %parallel_loop3A_404, %parallel_loop3A_406 : i32
        %parallel_loop3A_408 = arith.constant 1 : i32
        %parallel_loop3A_409 = arith.ori %parallel_loop3A_407, %parallel_loop3A_408 : i32
        %parallel_loop3A_410 = arith.index_cast %parallel_loop3A_407 : i32 to index
        %parallel_loop3A_411 = arith.constant 0 : index
        %parallel_loop3A_412 = tpu.vector_load %arg8[%parallel_loop3A_410, %parallel_loop3A_411] {strides = array<i32>} : memref<64x16xi32, #tpu.memory_space<vmem>>, vector<16xi32>,
        %parallel_loop3A_413 = arith.index_cast %parallel_loop3A_409 : i32 to index
        %parallel_loop3A_414 = arith.constant 0 : index
        %parallel_loop3A_415 = tpu.vector_load %arg8[%parallel_loop3A_413, %parallel_loop3A_414] {strides = array<i32>} : memref<64x16xi32, #tpu.memory_space<vmem>>, vector<16xi32>,
        %parallel_loop3A_416 = arith.minsi %parallel_loop3A_412, %parallel_loop3A_415 : vector<16xi32>
        %parallel_loop3A_417 = arith.index_cast %parallel_loop3A_407 : i32 to index
        %parallel_loop3A_418 = arith.constant 0 : index
        %parallel_loop3A_419 = tpu.vector_load %arg8[%parallel_loop3A_417, %parallel_loop3A_418] {strides = array<i32>} : memref<64x16xi32, #tpu.memory_space<vmem>>, vector<16xi32>,
        tpu.vector_store %arg8[%parallel_loop3A_417, %parallel_loop3A_418], %parallel_loop3A_416 {strides = array<i32>} : memref<64x16xi32, #tpu.memory_space<vmem>>, vector<16xi32>,
        %parallel_loop3A_420 = arith.maxsi %parallel_loop3A_412, %parallel_loop3A_415 : vector<16xi32>
        %parallel_loop3A_421 = arith.index_cast %parallel_loop3A_409 : i32 to index
        %parallel_loop3A_422 = arith.constant 0 : index
        %parallel_loop3A_423 = tpu.vector_load %arg8[%parallel_loop3A_421, %parallel_loop3A_422] {strides = array<i32>} : memref<64x16xi32, #tpu.memory_space<vmem>>, vector<16xi32>,
        tpu.vector_store %arg8[%parallel_loop3A_421, %parallel_loop3A_422], %parallel_loop3A_420 {strides = array<i32>} : memref<64x16xi32, #tpu.memory_space<vmem>>, vector<16xi32>,
      } {sc.loop_unroll_factor = 4 : i64, sc.parallel_access}
      %parallel_loop3A_306 = arith.constant 0 : i32
      %parallel_loop3A_307 = arith.constant 16 : i32
      %parallel_loop3A_308 = arith.constant 1 : i32
      scf.for %parallel_loop3A_391 = %parallel_loop3A_306 to %parallel_loop3A_307 step %parallel_loop3A_308  : i32 {
        %parallel_loop3A_392 = arith.constant 3 : i32
        %parallel_loop3A_393 = arith.shrsi %parallel_loop3A_391, %parallel_loop3A_392 : i32
        %parallel_loop3A_394 = arith.constant 4 : i32
        %parallel_loop3A_395 = arith.shli %parallel_loop3A_393, %parallel_loop3A_394 : i32
        %parallel_loop3A_396 = arith.constant 7 : i32
        %parallel_loop3A_397 = arith.andi %parallel_loop3A_391, %parallel_loop3A_396 : i32
        %parallel_loop3A_398 = arith.ori %parallel_loop3A_395, %parallel_loop3A_397 : i32
        %parallel_loop3A_399 = arith.constant 3 : i32
        %parallel_loop3A_400 = arith.shrsi %parallel_loop3A_398, %parallel_loop3A_399 : i32
        %parallel_loop3A_401 = arith.constant 4 : i32
        %parallel_loop3A_402 = arith.shli %parallel_loop3A_400, %parallel_loop3A_401 : i32
        %parallel_loop3A_403 = arith.constant 7 : i32
        %parallel_loop3A_404 = arith.andi %parallel_loop3A_398, %parallel_loop3A_403 : i32
        %parallel_loop3A_405 = arith.ori %parallel_loop3A_402, %parallel_loop3A_404 : i32
        %parallel_loop3A_406 = arith.constant 8 : i32
        %parallel_loop3A_407 = arith.ori %parallel_loop3A_405, %parallel_loop3A_406 : i32
        %parallel_loop3A_408 = arith.index_cast %parallel_loop3A_405 : i32 to index
        %parallel_loop3A_409 = arith.constant 0 : index
        %parallel_loop3A_410 = tpu.vector_load %arg8[%parallel_loop3A_408, %parallel_loop3A_409] {strides = array<i32>} : memref<64x16xi32, #tpu.memory_space<vmem>>, vector<16xi32>,
        %parallel_loop3A_411 = arith.index_cast %parallel_loop3A_407 : i32 to index
        %parallel_loop3A_412 = arith.constant 0 : index
        %parallel_loop3A_413 = tpu.vector_load %arg8[%parallel_loop3A_411, %parallel_loop3A_412] {strides = array<i32>} : memref<64x16xi32, #tpu.memory_space<vmem>>, vector<16xi32>,
        %parallel_loop3A_414 = arith.maxsi %parallel_loop3A_410, %parallel_loop3A_413 : vector<16xi32>
        %parallel_loop3A_415 = arith.index_cast %parallel_loop3A_405 : i32 to index
        %parallel_loop3A_416 = arith.constant 0 : index
        %parallel_loop3A_417 = tpu.vector_load %arg8[%parallel_loop3A_415, %parallel_loop3A_416] {strides = array<i32>} : memref<64x16xi32, #tpu.memory_space<vmem>>, vector<16xi32>,
        tpu.vector_store %arg8[%parallel_loop3A_415, %parallel_loop3A_416], %parallel_loop3A_414 {strides = array<i32>} : memref<64x16xi32, #tpu.memory_space<vmem>>, vector<16xi32>,
        %parallel_loop3A_418 = arith.minsi %parallel_loop3A_410, %parallel_loop3A_413 : vector<16xi32>
        %parallel_loop3A_419 = arith.index_cast %parallel_loop3A_407 : i32 to index
        %parallel_loop3A_420 = arith.constant 0 : index
        %parallel_loop3A_421 = tpu.vector_load %arg8[%parallel_loop3A_419, %parallel_loop3A_420] {strides = array<i32>} : memref<64x16xi32, #tpu.memory_space<vmem>>, vector<16xi32>,
        tpu.vector_store %arg8[%parallel_loop3A_419, %parallel_loop3A_420], %parallel_loop3A_418 {strides = array<i32>} : memref<64x16xi32, #tpu.memory_space<vmem>>, vector<16xi32>,
      } {sc.loop_unroll_factor = 4 : i64, sc.parallel_access}
      %parallel_loop3A_309 = arith.constant 0 : i32
      %parallel_loop3A_310 = arith.constant 16 : i32
      %parallel_loop3A_311 = arith.constant 1 : i32
      scf.for %parallel_loop3A_391 = %parallel_loop3A_309 to %parallel_loop3A_310 step %parallel_loop3A_311  : i32 {
        %parallel_loop3A_392 = arith.constant 3 : i32
        %parallel_loop3A_393 = arith.shrsi %parallel_loop3A_391, %parallel_loop3A_392 : i32
        %parallel_loop3A_394 = arith.constant 4 : i32
        %parallel_loop3A_395 = arith.shli %parallel_loop3A_393, %parallel_loop3A_394 : i32
        %parallel_loop3A_396 = arith.constant 7 : i32
        %parallel_loop3A_397 = arith.andi %parallel_loop3A_391, %parallel_loop3A_396 : i32
        %parallel_loop3A_398 = arith.ori %parallel_loop3A_395, %parallel_loop3A_397 : i32
        %parallel_loop3A_399 = arith.constant 8 : i32
        %parallel_loop3A_400 = arith.ori %parallel_loop3A_398, %parallel_loop3A_399 : i32
        %parallel_loop3A_401 = arith.constant 3 : i32
        %parallel_loop3A_402 = arith.shrsi %parallel_loop3A_400, %parallel_loop3A_401 : i32
        %parallel_loop3A_403 = arith.constant 4 : i32
        %parallel_loop3A_404 = arith.shli %parallel_loop3A_402, %parallel_loop3A_403 : i32
        %parallel_loop3A_405 = arith.constant 7 : i32
        %parallel_loop3A_406 = arith.andi %parallel_loop3A_400, %parallel_loop3A_405 : i32
        %parallel_loop3A_407 = arith.ori %parallel_loop3A_404, %parallel_loop3A_406 : i32
        %parallel_loop3A_408 = arith.constant 8 : i32
        %parallel_loop3A_409 = arith.ori %parallel_loop3A_407, %parallel_loop3A_408 : i32
        %parallel_loop3A_410 = arith.index_cast %parallel_loop3A_407 : i32 to index
        %parallel_loop3A_411 = arith.constant 0 : index
        %parallel_loop3A_412 = tpu.vector_load %arg8[%parallel_loop3A_410, %parallel_loop3A_411] {strides = array<i32>} : memref<64x16xi32, #tpu.memory_space<vmem>>, vector<16xi32>,
        %parallel_loop3A_413 = arith.index_cast %parallel_loop3A_409 : i32 to index
        %parallel_loop3A_414 = arith.constant 0 : index
        %parallel_loop3A_415 = tpu.vector_load %arg8[%parallel_loop3A_413, %parallel_loop3A_414] {strides = array<i32>} : memref<64x16xi32, #tpu.memory_space<vmem>>, vector<16xi32>,
        %parallel_loop3A_416 = arith.minsi %parallel_loop3A_412, %parallel_loop3A_415 : vector<16xi32>
        %parallel_loop3A_417 = arith.index_cast %parallel_loop3A_407 : i32 to index
        %parallel_loop3A_418 = arith.constant 0 : index
        %parallel_loop3A_419 = tpu.vector_load %arg8[%parallel_loop3A_417, %parallel_loop3A_418] {strides = array<i32>} : memref<64x16xi32, #tpu.memory_space<vmem>>, vector<16xi32>,
        tpu.vector_store %arg8[%parallel_loop3A_417, %parallel_loop3A_418], %parallel_loop3A_416 {strides = array<i32>} : memref<64x16xi32, #tpu.memory_space<vmem>>, vector<16xi32>,
        %parallel_loop3A_420 = arith.maxsi %parallel_loop3A_412, %parallel_loop3A_415 : vector<16xi32>
        %parallel_loop3A_421 = arith.index_cast %parallel_loop3A_409 : i32 to index
        %parallel_loop3A_422 = arith.constant 0 : index
        %parallel_loop3A_423 = tpu.vector_load %arg8[%parallel_loop3A_421, %parallel_loop3A_422] {strides = array<i32>} : memref<64x16xi32, #tpu.memory_space<vmem>>, vector<16xi32>,
        tpu.vector_store %arg8[%parallel_loop3A_421, %parallel_loop3A_422], %parallel_loop3A_420 {strides = array<i32>} : memref<64x16xi32, #tpu.memory_space<vmem>>, vector<16xi32>,
      } {sc.loop_unroll_factor = 4 : i64, sc.parallel_access}
      %parallel_loop3A_312 = arith.constant 0 : i32
      %parallel_loop3A_313 = arith.constant 16 : i32
      %parallel_loop3A_314 = arith.constant 1 : i32
      scf.for %parallel_loop3A_391 = %parallel_loop3A_312 to %parallel_loop3A_313 step %parallel_loop3A_314  : i32 {
        %parallel_loop3A_392 = arith.constant 3 : i32
        %parallel_loop3A_393 = arith.shrsi %parallel_loop3A_391, %parallel_loop3A_392 : i32
        %parallel_loop3A_394 = arith.constant 4 : i32
        %parallel_loop3A_395 = arith.shli %parallel_loop3A_393, %parallel_loop3A_394 : i32
        %parallel_loop3A_396 = arith.constant 7 : i32
        %parallel_loop3A_397 = arith.andi %parallel_loop3A_391, %parallel_loop3A_396 : i32
        %parallel_loop3A_398 = arith.ori %parallel_loop3A_395, %parallel_loop3A_397 : i32
        %parallel_loop3A_399 = arith.constant 2 : i32
        %parallel_loop3A_400 = arith.shrsi %parallel_loop3A_398, %parallel_loop3A_399 : i32
        %parallel_loop3A_401 = arith.constant 3 : i32
        %parallel_loop3A_402 = arith.shli %parallel_loop3A_400, %parallel_loop3A_401 : i32
        %parallel_loop3A_403 = arith.constant 3 : i32
        %parallel_loop3A_404 = arith.andi %parallel_loop3A_398, %parallel_loop3A_403 : i32
        %parallel_loop3A_405 = arith.ori %parallel_loop3A_402, %parallel_loop3A_404 : i32
        %parallel_loop3A_406 = arith.constant 4 : i32
        %parallel_loop3A_407 = arith.ori %parallel_loop3A_405, %parallel_loop3A_406 : i32
        %parallel_loop3A_408 = arith.index_cast %parallel_loop3A_405 : i32 to index
        %parallel_loop3A_409 = arith.constant 0 : index
        %parallel_loop3A_410 = tpu.vector_load %arg8[%parallel_loop3A_408, %parallel_loop3A_409] {strides = array<i32>} : memref<64x16xi32, #tpu.memory_space<vmem>>, vector<16xi32>,
        %parallel_loop3A_411 = arith.index_cast %parallel_loop3A_407 : i32 to index
        %parallel_loop3A_412 = arith.constant 0 : index
        %parallel_loop3A_413 = tpu.vector_load %arg8[%parallel_loop3A_411, %parallel_loop3A_412] {strides = array<i32>} : memref<64x16xi32, #tpu.memory_space<vmem>>, vector<16xi32>,
        %parallel_loop3A_414 = arith.maxsi %parallel_loop3A_410, %parallel_loop3A_413 : vector<16xi32>
        %parallel_loop3A_415 = arith.index_cast %parallel_loop3A_405 : i32 to index
        %parallel_loop3A_416 = arith.constant 0 : index
        %parallel_loop3A_417 = tpu.vector_load %arg8[%parallel_loop3A_415, %parallel_loop3A_416] {strides = array<i32>} : memref<64x16xi32, #tpu.memory_space<vmem>>, vector<16xi32>,
        tpu.vector_store %arg8[%parallel_loop3A_415, %parallel_loop3A_416], %parallel_loop3A_414 {strides = array<i32>} : memref<64x16xi32, #tpu.memory_space<vmem>>, vector<16xi32>,
        %parallel_loop3A_418 = arith.minsi %parallel_loop3A_410, %parallel_loop3A_413 : vector<16xi32>
        %parallel_loop3A_419 = arith.index_cast %parallel_loop3A_407 : i32 to index
        %parallel_loop3A_420 = arith.constant 0 : index
        %parallel_loop3A_421 = tpu.vector_load %arg8[%parallel_loop3A_419, %parallel_loop3A_420] {strides = array<i32>} : memref<64x16xi32, #tpu.memory_space<vmem>>, vector<16xi32>,
        tpu.vector_store %arg8[%parallel_loop3A_419, %parallel_loop3A_420], %parallel_loop3A_418 {strides = array<i32>} : memref<64x16xi32, #tpu.memory_space<vmem>>, vector<16xi32>,
      } {sc.loop_unroll_factor = 4 : i64, sc.parallel_access}
      %parallel_loop3A_315 = arith.constant 0 : i32
      %parallel_loop3A_316 = arith.constant 16 : i32
      %parallel_loop3A_317 = arith.constant 1 : i32
      scf.for %parallel_loop3A_391 = %parallel_loop3A_315 to %parallel_loop3A_316 step %parallel_loop3A_317  : i32 {
        %parallel_loop3A_392 = arith.constant 3 : i32
        %parallel_loop3A_393 = arith.shrsi %parallel_loop3A_391, %parallel_loop3A_392 : i32
        %parallel_loop3A_394 = arith.constant 4 : i32
        %parallel_loop3A_395 = arith.shli %parallel_loop3A_393, %parallel_loop3A_394 : i32
        %parallel_loop3A_396 = arith.constant 7 : i32
        %parallel_loop3A_397 = arith.andi %parallel_loop3A_391, %parallel_loop3A_396 : i32
        %parallel_loop3A_398 = arith.ori %parallel_loop3A_395, %parallel_loop3A_397 : i32
        %parallel_loop3A_399 = arith.constant 8 : i32
        %parallel_loop3A_400 = arith.ori %parallel_loop3A_398, %parallel_loop3A_399 : i32
        %parallel_loop3A_401 = arith.constant 2 : i32
        %parallel_loop3A_402 = arith.shrsi %parallel_loop3A_400, %parallel_loop3A_401 : i32
        %parallel_loop3A_403 = arith.constant 3 : i32
        %parallel_loop3A_404 = arith.shli %parallel_loop3A_402, %parallel_loop3A_403 : i32
        %parallel_loop3A_405 = arith.constant 3 : i32
        %parallel_loop3A_406 = arith.andi %parallel_loop3A_400, %parallel_loop3A_405 : i32
        %parallel_loop3A_407 = arith.ori %parallel_loop3A_404, %parallel_loop3A_406 : i32
        %parallel_loop3A_408 = arith.constant 4 : i32
        %parallel_loop3A_409 = arith.ori %parallel_loop3A_407, %parallel_loop3A_408 : i32
        %parallel_loop3A_410 = arith.index_cast %parallel_loop3A_407 : i32 to index
        %parallel_loop3A_411 = arith.constant 0 : index
        %parallel_loop3A_412 = tpu.vector_load %arg8[%parallel_loop3A_410, %parallel_loop3A_411] {strides = array<i32>} : memref<64x16xi32, #tpu.memory_space<vmem>>, vector<16xi32>,
        %parallel_loop3A_413 = arith.index_cast %parallel_loop3A_409 : i32 to index
        %parallel_loop3A_414 = arith.constant 0 : index
        %parallel_loop3A_415 = tpu.vector_load %arg8[%parallel_loop3A_413, %parallel_loop3A_414] {strides = array<i32>} : memref<64x16xi32, #tpu.memory_space<vmem>>, vector<16xi32>,
        %parallel_loop3A_416 = arith.minsi %parallel_loop3A_412, %parallel_loop3A_415 : vector<16xi32>
        %parallel_loop3A_417 = arith.index_cast %parallel_loop3A_407 : i32 to index
        %parallel_loop3A_418 = arith.constant 0 : index
        %parallel_loop3A_419 = tpu.vector_load %arg8[%parallel_loop3A_417, %parallel_loop3A_418] {strides = array<i32>} : memref<64x16xi32, #tpu.memory_space<vmem>>, vector<16xi32>,
        tpu.vector_store %arg8[%parallel_loop3A_417, %parallel_loop3A_418], %parallel_loop3A_416 {strides = array<i32>} : memref<64x16xi32, #tpu.memory_space<vmem>>, vector<16xi32>,
        %parallel_loop3A_420 = arith.maxsi %parallel_loop3A_412, %parallel_loop3A_415 : vector<16xi32>
        %parallel_loop3A_421 = arith.index_cast %parallel_loop3A_409 : i32 to index
        %parallel_loop3A_422 = arith.constant 0 : index
        %parallel_loop3A_423 = tpu.vector_load %arg8[%parallel_loop3A_421, %parallel_loop3A_422] {strides = array<i32>} : memref<64x16xi32, #tpu.memory_space<vmem>>, vector<16xi32>,
        tpu.vector_store %arg8[%parallel_loop3A_421, %parallel_loop3A_422], %parallel_loop3A_420 {strides = array<i32>} : memref<64x16xi32, #tpu.memory_space<vmem>>, vector<16xi32>,
      } {sc.loop_unroll_factor = 4 : i64, sc.parallel_access}
      %parallel_loop3A_318 = arith.constant 0 : i32
      %parallel_loop3A_319 = arith.constant 16 : i32
      %parallel_loop3A_320 = arith.constant 1 : i32
      scf.for %parallel_loop3A_391 = %parallel_loop3A_318 to %parallel_loop3A_319 step %parallel_loop3A_320  : i32 {
        %parallel_loop3A_392 = arith.constant 3 : i32
        %parallel_loop3A_393 = arith.shrsi %parallel_loop3A_391, %parallel_loop3A_392 : i32
        %parallel_loop3A_394 = arith.constant 4 : i32
        %parallel_loop3A_395 = arith.shli %parallel_loop3A_393, %parallel_loop3A_394 : i32
        %parallel_loop3A_396 = arith.constant 7 : i32
        %parallel_loop3A_397 = arith.andi %parallel_loop3A_391, %parallel_loop3A_396 : i32
        %parallel_loop3A_398 = arith.ori %parallel_loop3A_395, %parallel_loop3A_397 : i32
        %parallel_loop3A_399 = arith.constant 1 : i32
        %parallel_loop3A_400 = arith.shrsi %parallel_loop3A_398, %parallel_loop3A_399 : i32
        %parallel_loop3A_401 = arith.constant 2 : i32
        %parallel_loop3A_402 = arith.shli %parallel_loop3A_400, %parallel_loop3A_401 : i32
        %parallel_loop3A_403 = arith.constant 1 : i32
        %parallel_loop3A_404 = arith.andi %parallel_loop3A_398, %parallel_loop3A_403 : i32
        %parallel_loop3A_405 = arith.ori %parallel_loop3A_402, %parallel_loop3A_404 : i32
        %parallel_loop3A_406 = arith.constant 2 : i32
        %parallel_loop3A_407 = arith.ori %parallel_loop3A_405, %parallel_loop3A_406 : i32
        %parallel_loop3A_408 = arith.index_cast %parallel_loop3A_405 : i32 to index
        %parallel_loop3A_409 = arith.constant 0 : index
        %parallel_loop3A_410 = tpu.vector_load %arg8[%parallel_loop3A_408, %parallel_loop3A_409] {strides = array<i32>} : memref<64x16xi32, #tpu.memory_space<vmem>>, vector<16xi32>,
        %parallel_loop3A_411 = arith.index_cast %parallel_loop3A_407 : i32 to index
        %parallel_loop3A_412 = arith.constant 0 : index
        %parallel_loop3A_413 = tpu.vector_load %arg8[%parallel_loop3A_411, %parallel_loop3A_412] {strides = array<i32>} : memref<64x16xi32, #tpu.memory_space<vmem>>, vector<16xi32>,
        %parallel_loop3A_414 = arith.maxsi %parallel_loop3A_410, %parallel_loop3A_413 : vector<16xi32>
        %parallel_loop3A_415 = arith.index_cast %parallel_loop3A_405 : i32 to index
        %parallel_loop3A_416 = arith.constant 0 : index
        %parallel_loop3A_417 = tpu.vector_load %arg8[%parallel_loop3A_415, %parallel_loop3A_416] {strides = array<i32>} : memref<64x16xi32, #tpu.memory_space<vmem>>, vector<16xi32>,
        tpu.vector_store %arg8[%parallel_loop3A_415, %parallel_loop3A_416], %parallel_loop3A_414 {strides = array<i32>} : memref<64x16xi32, #tpu.memory_space<vmem>>, vector<16xi32>,
        %parallel_loop3A_418 = arith.minsi %parallel_loop3A_410, %parallel_loop3A_413 : vector<16xi32>
        %parallel_loop3A_419 = arith.index_cast %parallel_loop3A_407 : i32 to index
        %parallel_loop3A_420 = arith.constant 0 : index
        %parallel_loop3A_421 = tpu.vector_load %arg8[%parallel_loop3A_419, %parallel_loop3A_420] {strides = array<i32>} : memref<64x16xi32, #tpu.memory_space<vmem>>, vector<16xi32>,
        tpu.vector_store %arg8[%parallel_loop3A_419, %parallel_loop3A_420], %parallel_loop3A_418 {strides = array<i32>} : memref<64x16xi32, #tpu.memory_space<vmem>>, vector<16xi32>,
      } {sc.loop_unroll_factor = 4 : i64, sc.parallel_access}
      %parallel_loop3A_321 = arith.constant 0 : i32
      %parallel_loop3A_322 = arith.constant 16 : i32
      %parallel_loop3A_323 = arith.constant 1 : i32
      scf.for %parallel_loop3A_391 = %parallel_loop3A_321 to %parallel_loop3A_322 step %parallel_loop3A_323  : i32 {
        %parallel_loop3A_392 = arith.constant 3 : i32
        %parallel_loop3A_393 = arith.shrsi %parallel_loop3A_391, %parallel_loop3A_392 : i32
        %parallel_loop3A_394 = arith.constant 4 : i32
        %parallel_loop3A_395 = arith.shli %parallel_loop3A_393, %parallel_loop3A_394 : i32
        %parallel_loop3A_396 = arith.constant 7 : i32
        %parallel_loop3A_397 = arith.andi %parallel_loop3A_391, %parallel_loop3A_396 : i32
        %parallel_loop3A_398 = arith.ori %parallel_loop3A_395, %parallel_loop3A_397 : i32
        %parallel_loop3A_399 = arith.constant 8 : i32
        %parallel_loop3A_400 = arith.ori %parallel_loop3A_398, %parallel_loop3A_399 : i32
        %parallel_loop3A_401 = arith.constant 1 : i32
        %parallel_loop3A_402 = arith.shrsi %parallel_loop3A_400, %parallel_loop3A_401 : i32
        %parallel_loop3A_403 = arith.constant 2 : i32
        %parallel_loop3A_404 = arith.shli %parallel_loop3A_402, %parallel_loop3A_403 : i32
        %parallel_loop3A_405 = arith.constant 1 : i32
        %parallel_loop3A_406 = arith.andi %parallel_loop3A_400, %parallel_loop3A_405 : i32
        %parallel_loop3A_407 = arith.ori %parallel_loop3A_404, %parallel_loop3A_406 : i32
        %parallel_loop3A_408 = arith.constant 2 : i32
        %parallel_loop3A_409 = arith.ori %parallel_loop3A_407, %parallel_loop3A_408 : i32
        %parallel_loop3A_410 = arith.index_cast %parallel_loop3A_407 : i32 to index
        %parallel_loop3A_411 = arith.constant 0 : index
        %parallel_loop3A_412 = tpu.vector_load %arg8[%parallel_loop3A_410, %parallel_loop3A_411] {strides = array<i32>} : memref<64x16xi32, #tpu.memory_space<vmem>>, vector<16xi32>,
        %parallel_loop3A_413 = arith.index_cast %parallel_loop3A_409 : i32 to index
        %parallel_loop3A_414 = arith.constant 0 : index
        %parallel_loop3A_415 = tpu.vector_load %arg8[%parallel_loop3A_413, %parallel_loop3A_414] {strides = array<i32>} : memref<64x16xi32, #tpu.memory_space<vmem>>, vector<16xi32>,
        %parallel_loop3A_416 = arith.minsi %parallel_loop3A_412, %parallel_loop3A_415 : vector<16xi32>
        %parallel_loop3A_417 = arith.index_cast %parallel_loop3A_407 : i32 to index
        %parallel_loop3A_418 = arith.constant 0 : index
        %parallel_loop3A_419 = tpu.vector_load %arg8[%parallel_loop3A_417, %parallel_loop3A_418] {strides = array<i32>} : memref<64x16xi32, #tpu.memory_space<vmem>>, vector<16xi32>,
        tpu.vector_store %arg8[%parallel_loop3A_417, %parallel_loop3A_418], %parallel_loop3A_416 {strides = array<i32>} : memref<64x16xi32, #tpu.memory_space<vmem>>, vector<16xi32>,
        %parallel_loop3A_420 = arith.maxsi %parallel_loop3A_412, %parallel_loop3A_415 : vector<16xi32>
        %parallel_loop3A_421 = arith.index_cast %parallel_loop3A_409 : i32 to index
        %parallel_loop3A_422 = arith.constant 0 : index
        %parallel_loop3A_423 = tpu.vector_load %arg8[%parallel_loop3A_421, %parallel_loop3A_422] {strides = array<i32>} : memref<64x16xi32, #tpu.memory_space<vmem>>, vector<16xi32>,
        tpu.vector_store %arg8[%parallel_loop3A_421, %parallel_loop3A_422], %parallel_loop3A_420 {strides = array<i32>} : memref<64x16xi32, #tpu.memory_space<vmem>>, vector<16xi32>,
      } {sc.loop_unroll_factor = 4 : i64, sc.parallel_access}
      %parallel_loop3A_324 = arith.constant 0 : i32
      %parallel_loop3A_325 = arith.constant 16 : i32
      %parallel_loop3A_326 = arith.constant 1 : i32
      scf.for %parallel_loop3A_391 = %parallel_loop3A_324 to %parallel_loop3A_325 step %parallel_loop3A_326  : i32 {
        %parallel_loop3A_392 = arith.constant 3 : i32
        %parallel_loop3A_393 = arith.shrsi %parallel_loop3A_391, %parallel_loop3A_392 : i32
        %parallel_loop3A_394 = arith.constant 4 : i32
        %parallel_loop3A_395 = arith.shli %parallel_loop3A_393, %parallel_loop3A_394 : i32
        %parallel_loop3A_396 = arith.constant 7 : i32
        %parallel_loop3A_397 = arith.andi %parallel_loop3A_391, %parallel_loop3A_396 : i32
        %parallel_loop3A_398 = arith.ori %parallel_loop3A_395, %parallel_loop3A_397 : i32
        %parallel_loop3A_399 = arith.constant 0 : i32
        %parallel_loop3A_400 = arith.shrsi %parallel_loop3A_398, %parallel_loop3A_399 : i32
        %parallel_loop3A_401 = arith.constant 1 : i32
        %parallel_loop3A_402 = arith.shli %parallel_loop3A_400, %parallel_loop3A_401 : i32
        %parallel_loop3A_403 = arith.constant 0 : i32
        %parallel_loop3A_404 = arith.andi %parallel_loop3A_398, %parallel_loop3A_403 : i32
        %parallel_loop3A_405 = arith.ori %parallel_loop3A_402, %parallel_loop3A_404 : i32
        %parallel_loop3A_406 = arith.constant 1 : i32
        %parallel_loop3A_407 = arith.ori %parallel_loop3A_405, %parallel_loop3A_406 : i32
        %parallel_loop3A_408 = arith.index_cast %parallel_loop3A_405 : i32 to index
        %parallel_loop3A_409 = arith.constant 0 : index
        %parallel_loop3A_410 = tpu.vector_load %arg8[%parallel_loop3A_408, %parallel_loop3A_409] {strides = array<i32>} : memref<64x16xi32, #tpu.memory_space<vmem>>, vector<16xi32>,
        %parallel_loop3A_411 = arith.index_cast %parallel_loop3A_407 : i32 to index
        %parallel_loop3A_412 = arith.constant 0 : index
        %parallel_loop3A_413 = tpu.vector_load %arg8[%parallel_loop3A_411, %parallel_loop3A_412] {strides = array<i32>} : memref<64x16xi32, #tpu.memory_space<vmem>>, vector<16xi32>,
        %parallel_loop3A_414 = arith.maxsi %parallel_loop3A_410, %parallel_loop3A_413 : vector<16xi32>
        %parallel_loop3A_415 = arith.index_cast %parallel_loop3A_405 : i32 to index
        %parallel_loop3A_416 = arith.constant 0 : index
        %parallel_loop3A_417 = tpu.vector_load %arg8[%parallel_loop3A_415, %parallel_loop3A_416] {strides = array<i32>} : memref<64x16xi32, #tpu.memory_space<vmem>>, vector<16xi32>,
        tpu.vector_store %arg8[%parallel_loop3A_415, %parallel_loop3A_416], %parallel_loop3A_414 {strides = array<i32>} : memref<64x16xi32, #tpu.memory_space<vmem>>, vector<16xi32>,
        %parallel_loop3A_418 = arith.minsi %parallel_loop3A_410, %parallel_loop3A_413 : vector<16xi32>
        %parallel_loop3A_419 = arith.index_cast %parallel_loop3A_407 : i32 to index
        %parallel_loop3A_420 = arith.constant 0 : index
        %parallel_loop3A_421 = tpu.vector_load %arg8[%parallel_loop3A_419, %parallel_loop3A_420] {strides = array<i32>} : memref<64x16xi32, #tpu.memory_space<vmem>>, vector<16xi32>,
        tpu.vector_store %arg8[%parallel_loop3A_419, %parallel_loop3A_420], %parallel_loop3A_418 {strides = array<i32>} : memref<64x16xi32, #tpu.memory_space<vmem>>, vector<16xi32>,
      } {sc.loop_unroll_factor = 4 : i64, sc.parallel_access}
      %parallel_loop3A_327 = arith.constant 0 : i32
      %parallel_loop3A_328 = arith.constant 16 : i32
      %parallel_loop3A_329 = arith.constant 1 : i32
      scf.for %parallel_loop3A_391 = %parallel_loop3A_327 to %parallel_loop3A_328 step %parallel_loop3A_329  : i32 {
        %parallel_loop3A_392 = arith.constant 3 : i32
        %parallel_loop3A_393 = arith.shrsi %parallel_loop3A_391, %parallel_loop3A_392 : i32
        %parallel_loop3A_394 = arith.constant 4 : i32
        %parallel_loop3A_395 = arith.shli %parallel_loop3A_393, %parallel_loop3A_394 : i32
        %parallel_loop3A_396 = arith.constant 7 : i32
        %parallel_loop3A_397 = arith.andi %parallel_loop3A_391, %parallel_loop3A_396 : i32
        %parallel_loop3A_398 = arith.ori %parallel_loop3A_395, %parallel_loop3A_397 : i32
        %parallel_loop3A_399 = arith.constant 8 : i32
        %parallel_loop3A_400 = arith.ori %parallel_loop3A_398, %parallel_loop3A_399 : i32
        %parallel_loop3A_401 = arith.constant 0 : i32
        %parallel_loop3A_402 = arith.shrsi %parallel_loop3A_400, %parallel_loop3A_401 : i32
        %parallel_loop3A_403 = arith.constant 1 : i32
        %parallel_loop3A_404 = arith.shli %parallel_loop3A_402, %parallel_loop3A_403 : i32
        %parallel_loop3A_405 = arith.constant 0 : i32
        %parallel_loop3A_406 = arith.andi %parallel_loop3A_400, %parallel_loop3A_405 : i32
        %parallel_loop3A_407 = arith.ori %parallel_loop3A_404, %parallel_loop3A_406 : i32
        %parallel_loop3A_408 = arith.constant 1 : i32
        %parallel_loop3A_409 = arith.ori %parallel_loop3A_407, %parallel_loop3A_408 : i32
        %parallel_loop3A_410 = arith.index_cast %parallel_loop3A_407 : i32 to index
        %parallel_loop3A_411 = arith.constant 0 : index
        %parallel_loop3A_412 = tpu.vector_load %arg8[%parallel_loop3A_410, %parallel_loop3A_411] {strides = array<i32>} : memref<64x16xi32, #tpu.memory_space<vmem>>, vector<16xi32>,
        %parallel_loop3A_413 = arith.index_cast %parallel_loop3A_409 : i32 to index
        %parallel_loop3A_414 = arith.constant 0 : index
        %parallel_loop3A_415 = tpu.vector_load %arg8[%parallel_loop3A_413, %parallel_loop3A_414] {strides = array<i32>} : memref<64x16xi32, #tpu.memory_space<vmem>>, vector<16xi32>,
        %parallel_loop3A_416 = arith.minsi %parallel_loop3A_412, %parallel_loop3A_415 : vector<16xi32>
        %parallel_loop3A_417 = arith.index_cast %parallel_loop3A_407 : i32 to index
        %parallel_loop3A_418 = arith.constant 0 : index
        %parallel_loop3A_419 = tpu.vector_load %arg8[%parallel_loop3A_417, %parallel_loop3A_418] {strides = array<i32>} : memref<64x16xi32, #tpu.memory_space<vmem>>, vector<16xi32>,
        tpu.vector_store %arg8[%parallel_loop3A_417, %parallel_loop3A_418], %parallel_loop3A_416 {strides = array<i32>} : memref<64x16xi32, #tpu.memory_space<vmem>>, vector<16xi32>,
        %parallel_loop3A_420 = arith.maxsi %parallel_loop3A_412, %parallel_loop3A_415 : vector<16xi32>
        %parallel_loop3A_421 = arith.index_cast %parallel_loop3A_409 : i32 to index
        %parallel_loop3A_422 = arith.constant 0 : index
        %parallel_loop3A_423 = tpu.vector_load %arg8[%parallel_loop3A_421, %parallel_loop3A_422] {strides = array<i32>} : memref<64x16xi32, #tpu.memory_space<vmem>>, vector<16xi32>,
        tpu.vector_store %arg8[%parallel_loop3A_421, %parallel_loop3A_422], %parallel_loop3A_420 {strides = array<i32>} : memref<64x16xi32, #tpu.memory_space<vmem>>, vector<16xi32>,
      } {sc.loop_unroll_factor = 4 : i64, sc.parallel_access}
      %parallel_loop3A_330 = arith.constant 0 : i32
      %parallel_loop3A_331 = arith.constant 16 : i32
      %parallel_loop3A_332 = arith.constant 1 : i32
      scf.for %parallel_loop3A_391 = %parallel_loop3A_330 to %parallel_loop3A_331 step %parallel_loop3A_332  : i32 {
        %parallel_loop3A_392 = arith.constant 4 : i32
        %parallel_loop3A_393 = arith.shrsi %parallel_loop3A_391, %parallel_loop3A_392 : i32
        %parallel_loop3A_394 = arith.constant 5 : i32
        %parallel_loop3A_395 = arith.shli %parallel_loop3A_393, %parallel_loop3A_394 : i32
        %parallel_loop3A_396 = arith.constant 15 : i32
        %parallel_loop3A_397 = arith.andi %parallel_loop3A_391, %parallel_loop3A_396 : i32
        %parallel_loop3A_398 = arith.ori %parallel_loop3A_395, %parallel_loop3A_397 : i32
        %parallel_loop3A_399 = arith.constant 4 : i32
        %parallel_loop3A_400 = arith.shrsi %parallel_loop3A_398, %parallel_loop3A_399 : i32
        %parallel_loop3A_401 = arith.constant 5 : i32
        %parallel_loop3A_402 = arith.shli %parallel_loop3A_400, %parallel_loop3A_401 : i32
        %parallel_loop3A_403 = arith.constant 15 : i32
        %parallel_loop3A_404 = arith.andi %parallel_loop3A_398, %parallel_loop3A_403 : i32
        %parallel_loop3A_405 = arith.ori %parallel_loop3A_402, %parallel_loop3A_404 : i32
        %parallel_loop3A_406 = arith.constant 16 : i32
        %parallel_loop3A_407 = arith.ori %parallel_loop3A_405, %parallel_loop3A_406 : i32
        %parallel_loop3A_408 = arith.index_cast %parallel_loop3A_405 : i32 to index
        %parallel_loop3A_409 = arith.constant 0 : index
        %parallel_loop3A_410 = tpu.vector_load %arg8[%parallel_loop3A_408, %parallel_loop3A_409] {strides = array<i32>} : memref<64x16xi32, #tpu.memory_space<vmem>>, vector<16xi32>,
        %parallel_loop3A_411 = arith.index_cast %parallel_loop3A_407 : i32 to index
        %parallel_loop3A_412 = arith.constant 0 : index
        %parallel_loop3A_413 = tpu.vector_load %arg8[%parallel_loop3A_411, %parallel_loop3A_412] {strides = array<i32>} : memref<64x16xi32, #tpu.memory_space<vmem>>, vector<16xi32>,
        %parallel_loop3A_414 = arith.maxsi %parallel_loop3A_410, %parallel_loop3A_413 : vector<16xi32>
        %parallel_loop3A_415 = arith.index_cast %parallel_loop3A_405 : i32 to index
        %parallel_loop3A_416 = arith.constant 0 : index
        %parallel_loop3A_417 = tpu.vector_load %arg8[%parallel_loop3A_415, %parallel_loop3A_416] {strides = array<i32>} : memref<64x16xi32, #tpu.memory_space<vmem>>, vector<16xi32>,
        tpu.vector_store %arg8[%parallel_loop3A_415, %parallel_loop3A_416], %parallel_loop3A_414 {strides = array<i32>} : memref<64x16xi32, #tpu.memory_space<vmem>>, vector<16xi32>,
        %parallel_loop3A_418 = arith.minsi %parallel_loop3A_410, %parallel_loop3A_413 : vector<16xi32>
        %parallel_loop3A_419 = arith.index_cast %parallel_loop3A_407 : i32 to index
        %parallel_loop3A_420 = arith.constant 0 : index
        %parallel_loop3A_421 = tpu.vector_load %arg8[%parallel_loop3A_419, %parallel_loop3A_420] {strides = array<i32>} : memref<64x16xi32, #tpu.memory_space<vmem>>, vector<16xi32>,
        tpu.vector_store %arg8[%parallel_loop3A_419, %parallel_loop3A_420], %parallel_loop3A_418 {strides = array<i32>} : memref<64x16xi32, #tpu.memory_space<vmem>>, vector<16xi32>,
      } {sc.loop_unroll_factor = 4 : i64, sc.parallel_access}
      %parallel_loop3A_333 = arith.constant 0 : i32
      %parallel_loop3A_334 = arith.constant 16 : i32
      %parallel_loop3A_335 = arith.constant 1 : i32
      scf.for %parallel_loop3A_391 = %parallel_loop3A_333 to %parallel_loop3A_334 step %parallel_loop3A_335  : i32 {
        %parallel_loop3A_392 = arith.constant 4 : i32
        %parallel_loop3A_393 = arith.shrsi %parallel_loop3A_391, %parallel_loop3A_392 : i32
        %parallel_loop3A_394 = arith.constant 5 : i32
        %parallel_loop3A_395 = arith.shli %parallel_loop3A_393, %parallel_loop3A_394 : i32
        %parallel_loop3A_396 = arith.constant 15 : i32
        %parallel_loop3A_397 = arith.andi %parallel_loop3A_391, %parallel_loop3A_396 : i32
        %parallel_loop3A_398 = arith.ori %parallel_loop3A_395, %parallel_loop3A_397 : i32
        %parallel_loop3A_399 = arith.constant 16 : i32
        %parallel_loop3A_400 = arith.ori %parallel_loop3A_398, %parallel_loop3A_399 : i32
        %parallel_loop3A_401 = arith.constant 4 : i32
        %parallel_loop3A_402 = arith.shrsi %parallel_loop3A_400, %parallel_loop3A_401 : i32
        %parallel_loop3A_403 = arith.constant 5 : i32
        %parallel_loop3A_404 = arith.shli %parallel_loop3A_402, %parallel_loop3A_403 : i32
        %parallel_loop3A_405 = arith.constant 15 : i32
        %parallel_loop3A_406 = arith.andi %parallel_loop3A_400, %parallel_loop3A_405 : i32
        %parallel_loop3A_407 = arith.ori %parallel_loop3A_404, %parallel_loop3A_406 : i32
        %parallel_loop3A_408 = arith.constant 16 : i32
        %parallel_loop3A_409 = arith.ori %parallel_loop3A_407, %parallel_loop3A_408 : i32
        %parallel_loop3A_410 = arith.index_cast %parallel_loop3A_407 : i32 to index
        %parallel_loop3A_411 = arith.constant 0 : index
        %parallel_loop3A_412 = tpu.vector_load %arg8[%parallel_loop3A_410, %parallel_loop3A_411] {strides = array<i32>} : memref<64x16xi32, #tpu.memory_space<vmem>>, vector<16xi32>,
        %parallel_loop3A_413 = arith.index_cast %parallel_loop3A_409 : i32 to index
        %parallel_loop3A_414 = arith.constant 0 : index
        %parallel_loop3A_415 = tpu.vector_load %arg8[%parallel_loop3A_413, %parallel_loop3A_414] {strides = array<i32>} : memref<64x16xi32, #tpu.memory_space<vmem>>, vector<16xi32>,
        %parallel_loop3A_416 = arith.minsi %parallel_loop3A_412, %parallel_loop3A_415 : vector<16xi32>
        %parallel_loop3A_417 = arith.index_cast %parallel_loop3A_407 : i32 to index
        %parallel_loop3A_418 = arith.constant 0 : index
        %parallel_loop3A_419 = tpu.vector_load %arg8[%parallel_loop3A_417, %parallel_loop3A_418] {strides = array<i32>} : memref<64x16xi32, #tpu.memory_space<vmem>>, vector<16xi32>,
        tpu.vector_store %arg8[%parallel_loop3A_417, %parallel_loop3A_418], %parallel_loop3A_416 {strides = array<i32>} : memref<64x16xi32, #tpu.memory_space<vmem>>, vector<16xi32>,
        %parallel_loop3A_420 = arith.maxsi %parallel_loop3A_412, %parallel_loop3A_415 : vector<16xi32>
        %parallel_loop3A_421 = arith.index_cast %parallel_loop3A_409 : i32 to index
        %parallel_loop3A_422 = arith.constant 0 : index
        %parallel_loop3A_423 = tpu.vector_load %arg8[%parallel_loop3A_421, %parallel_loop3A_422] {strides = array<i32>} : memref<64x16xi32, #tpu.memory_space<vmem>>, vector<16xi32>,
        tpu.vector_store %arg8[%parallel_loop3A_421, %parallel_loop3A_422], %parallel_loop3A_420 {strides = array<i32>} : memref<64x16xi32, #tpu.memory_space<vmem>>, vector<16xi32>,
      } {sc.loop_unroll_factor = 4 : i64, sc.parallel_access}
      %parallel_loop3A_336 = arith.constant 0 : i32
      %parallel_loop3A_337 = arith.constant 16 : i32
      %parallel_loop3A_338 = arith.constant 1 : i32
      scf.for %parallel_loop3A_391 = %parallel_loop3A_336 to %parallel_loop3A_337 step %parallel_loop3A_338  : i32 {
        %parallel_loop3A_392 = arith.constant 4 : i32
        %parallel_loop3A_393 = arith.shrsi %parallel_loop3A_391, %parallel_loop3A_392 : i32
        %parallel_loop3A_394 = arith.constant 5 : i32
        %parallel_loop3A_395 = arith.shli %parallel_loop3A_393, %parallel_loop3A_394 : i32
        %parallel_loop3A_396 = arith.constant 15 : i32
        %parallel_loop3A_397 = arith.andi %parallel_loop3A_391, %parallel_loop3A_396 : i32
        %parallel_loop3A_398 = arith.ori %parallel_loop3A_395, %parallel_loop3A_397 : i32
        %parallel_loop3A_399 = arith.constant 3 : i32
        %parallel_loop3A_400 = arith.shrsi %parallel_loop3A_398, %parallel_loop3A_399 : i32
        %parallel_loop3A_401 = arith.constant 4 : i32
        %parallel_loop3A_402 = arith.shli %parallel_loop3A_400, %parallel_loop3A_401 : i32
        %parallel_loop3A_403 = arith.constant 7 : i32
        %parallel_loop3A_404 = arith.andi %parallel_loop3A_398, %parallel_loop3A_403 : i32
        %parallel_loop3A_405 = arith.ori %parallel_loop3A_402, %parallel_loop3A_404 : i32
        %parallel_loop3A_406 = arith.constant 8 : i32
        %parallel_loop3A_407 = arith.ori %parallel_loop3A_405, %parallel_loop3A_406 : i32
        %parallel_loop3A_408 = arith.index_cast %parallel_loop3A_405 : i32 to index
        %parallel_loop3A_409 = arith.constant 0 : index
        %parallel_loop3A_410 = tpu.vector_load %arg8[%parallel_loop3A_408, %parallel_loop3A_409] {strides = array<i32>} : memref<64x16xi32, #tpu.memory_space<vmem>>, vector<16xi32>,
        %parallel_loop3A_411 = arith.index_cast %parallel_loop3A_407 : i32 to index
        %parallel_loop3A_412 = arith.constant 0 : index
        %parallel_loop3A_413 = tpu.vector_load %arg8[%parallel_loop3A_411, %parallel_loop3A_412] {strides = array<i32>} : memref<64x16xi32, #tpu.memory_space<vmem>>, vector<16xi32>,
        %parallel_loop3A_414 = arith.maxsi %parallel_loop3A_410, %parallel_loop3A_413 : vector<16xi32>
        %parallel_loop3A_415 = arith.index_cast %parallel_loop3A_405 : i32 to index
        %parallel_loop3A_416 = arith.constant 0 : index
        %parallel_loop3A_417 = tpu.vector_load %arg8[%parallel_loop3A_415, %parallel_loop3A_416] {strides = array<i32>} : memref<64x16xi32, #tpu.memory_space<vmem>>, vector<16xi32>,
        tpu.vector_store %arg8[%parallel_loop3A_415, %parallel_loop3A_416], %parallel_loop3A_414 {strides = array<i32>} : memref<64x16xi32, #tpu.memory_space<vmem>>, vector<16xi32>,
        %parallel_loop3A_418 = arith.minsi %parallel_loop3A_410, %parallel_loop3A_413 : vector<16xi32>
        %parallel_loop3A_419 = arith.index_cast %parallel_loop3A_407 : i32 to index
        %parallel_loop3A_420 = arith.constant 0 : index
        %parallel_loop3A_421 = tpu.vector_load %arg8[%parallel_loop3A_419, %parallel_loop3A_420] {strides = array<i32>} : memref<64x16xi32, #tpu.memory_space<vmem>>, vector<16xi32>,
        tpu.vector_store %arg8[%parallel_loop3A_419, %parallel_loop3A_420], %parallel_loop3A_418 {strides = array<i32>} : memref<64x16xi32, #tpu.memory_space<vmem>>, vector<16xi32>,
      } {sc.loop_unroll_factor = 4 : i64, sc.parallel_access}
      %parallel_loop3A_339 = arith.constant 0 : i32
      %parallel_loop3A_340 = arith.constant 16 : i32
      %parallel_loop3A_341 = arith.constant 1 : i32
      scf.for %parallel_loop3A_391 = %parallel_loop3A_339 to %parallel_loop3A_340 step %parallel_loop3A_341  : i32 {
        %parallel_loop3A_392 = arith.constant 4 : i32
        %parallel_loop3A_393 = arith.shrsi %parallel_loop3A_391, %parallel_loop3A_392 : i32
        %parallel_loop3A_394 = arith.constant 5 : i32
        %parallel_loop3A_395 = arith.shli %parallel_loop3A_393, %parallel_loop3A_394 : i32
        %parallel_loop3A_396 = arith.constant 15 : i32
        %parallel_loop3A_397 = arith.andi %parallel_loop3A_391, %parallel_loop3A_396 : i32
        %parallel_loop3A_398 = arith.ori %parallel_loop3A_395, %parallel_loop3A_397 : i32
        %parallel_loop3A_399 = arith.constant 16 : i32
        %parallel_loop3A_400 = arith.ori %parallel_loop3A_398, %parallel_loop3A_399 : i32
        %parallel_loop3A_401 = arith.constant 3 : i32
        %parallel_loop3A_402 = arith.shrsi %parallel_loop3A_400, %parallel_loop3A_401 : i32
        %parallel_loop3A_403 = arith.constant 4 : i32
        %parallel_loop3A_404 = arith.shli %parallel_loop3A_402, %parallel_loop3A_403 : i32
        %parallel_loop3A_405 = arith.constant 7 : i32
        %parallel_loop3A_406 = arith.andi %parallel_loop3A_400, %parallel_loop3A_405 : i32
        %parallel_loop3A_407 = arith.ori %parallel_loop3A_404, %parallel_loop3A_406 : i32
        %parallel_loop3A_408 = arith.constant 8 : i32
        %parallel_loop3A_409 = arith.ori %parallel_loop3A_407, %parallel_loop3A_408 : i32
        %parallel_loop3A_410 = arith.index_cast %parallel_loop3A_407 : i32 to index
        %parallel_loop3A_411 = arith.constant 0 : index
        %parallel_loop3A_412 = tpu.vector_load %arg8[%parallel_loop3A_410, %parallel_loop3A_411] {strides = array<i32>} : memref<64x16xi32, #tpu.memory_space<vmem>>, vector<16xi32>,
        %parallel_loop3A_413 = arith.index_cast %parallel_loop3A_409 : i32 to index
        %parallel_loop3A_414 = arith.constant 0 : index
        %parallel_loop3A_415 = tpu.vector_load %arg8[%parallel_loop3A_413, %parallel_loop3A_414] {strides = array<i32>} : memref<64x16xi32, #tpu.memory_space<vmem>>, vector<16xi32>,
        %parallel_loop3A_416 = arith.minsi %parallel_loop3A_412, %parallel_loop3A_415 : vector<16xi32>
        %parallel_loop3A_417 = arith.index_cast %parallel_loop3A_407 : i32 to index
        %parallel_loop3A_418 = arith.constant 0 : index
        %parallel_loop3A_419 = tpu.vector_load %arg8[%parallel_loop3A_417, %parallel_loop3A_418] {strides = array<i32>} : memref<64x16xi32, #tpu.memory_space<vmem>>, vector<16xi32>,
        tpu.vector_store %arg8[%parallel_loop3A_417, %parallel_loop3A_418], %parallel_loop3A_416 {strides = array<i32>} : memref<64x16xi32, #tpu.memory_space<vmem>>, vector<16xi32>,
        %parallel_loop3A_420 = arith.maxsi %parallel_loop3A_412, %parallel_loop3A_415 : vector<16xi32>
        %parallel_loop3A_421 = arith.index_cast %parallel_loop3A_409 : i32 to index
        %parallel_loop3A_422 = arith.constant 0 : index
        %parallel_loop3A_423 = tpu.vector_load %arg8[%parallel_loop3A_421, %parallel_loop3A_422] {strides = array<i32>} : memref<64x16xi32, #tpu.memory_space<vmem>>, vector<16xi32>,
        tpu.vector_store %arg8[%parallel_loop3A_421, %parallel_loop3A_422], %parallel_loop3A_420 {strides = array<i32>} : memref<64x16xi32, #tpu.memory_space<vmem>>, vector<16xi32>,
      } {sc.loop_unroll_factor = 4 : i64, sc.parallel_access}
      %parallel_loop3A_342 = arith.constant 0 : i32
      %parallel_loop3A_343 = arith.constant 16 : i32
      %parallel_loop3A_344 = arith.constant 1 : i32
      scf.for %parallel_loop3A_391 = %parallel_loop3A_342 to %parallel_loop3A_343 step %parallel_loop3A_344  : i32 {
        %parallel_loop3A_392 = arith.constant 4 : i32
        %parallel_loop3A_393 = arith.shrsi %parallel_loop3A_391, %parallel_loop3A_392 : i32
        %parallel_loop3A_394 = arith.constant 5 : i32
        %parallel_loop3A_395 = arith.shli %parallel_loop3A_393, %parallel_loop3A_394 : i32
        %parallel_loop3A_396 = arith.constant 15 : i32
        %parallel_loop3A_397 = arith.andi %parallel_loop3A_391, %parallel_loop3A_396 : i32
        %parallel_loop3A_398 = arith.ori %parallel_loop3A_395, %parallel_loop3A_397 : i32
        %parallel_loop3A_399 = arith.constant 2 : i32
        %parallel_loop3A_400 = arith.shrsi %parallel_loop3A_398, %parallel_loop3A_399 : i32
        %parallel_loop3A_401 = arith.constant 3 : i32
        %parallel_loop3A_402 = arith.shli %parallel_loop3A_400, %parallel_loop3A_401 : i32
        %parallel_loop3A_403 = arith.constant 3 : i32
        %parallel_loop3A_404 = arith.andi %parallel_loop3A_398, %parallel_loop3A_403 : i32
        %parallel_loop3A_405 = arith.ori %parallel_loop3A_402, %parallel_loop3A_404 : i32
        %parallel_loop3A_406 = arith.constant 4 : i32
        %parallel_loop3A_407 = arith.ori %parallel_loop3A_405, %parallel_loop3A_406 : i32
        %parallel_loop3A_408 = arith.index_cast %parallel_loop3A_405 : i32 to index
        %parallel_loop3A_409 = arith.constant 0 : index
        %parallel_loop3A_410 = tpu.vector_load %arg8[%parallel_loop3A_408, %parallel_loop3A_409] {strides = array<i32>} : memref<64x16xi32, #tpu.memory_space<vmem>>, vector<16xi32>,
        %parallel_loop3A_411 = arith.index_cast %parallel_loop3A_407 : i32 to index
        %parallel_loop3A_412 = arith.constant 0 : index
        %parallel_loop3A_413 = tpu.vector_load %arg8[%parallel_loop3A_411, %parallel_loop3A_412] {strides = array<i32>} : memref<64x16xi32, #tpu.memory_space<vmem>>, vector<16xi32>,
        %parallel_loop3A_414 = arith.maxsi %parallel_loop3A_410, %parallel_loop3A_413 : vector<16xi32>
        %parallel_loop3A_415 = arith.index_cast %parallel_loop3A_405 : i32 to index
        %parallel_loop3A_416 = arith.constant 0 : index
        %parallel_loop3A_417 = tpu.vector_load %arg8[%parallel_loop3A_415, %parallel_loop3A_416] {strides = array<i32>} : memref<64x16xi32, #tpu.memory_space<vmem>>, vector<16xi32>,
        tpu.vector_store %arg8[%parallel_loop3A_415, %parallel_loop3A_416], %parallel_loop3A_414 {strides = array<i32>} : memref<64x16xi32, #tpu.memory_space<vmem>>, vector<16xi32>,
        %parallel_loop3A_418 = arith.minsi %parallel_loop3A_410, %parallel_loop3A_413 : vector<16xi32>
        %parallel_loop3A_419 = arith.index_cast %parallel_loop3A_407 : i32 to index
        %parallel_loop3A_420 = arith.constant 0 : index
        %parallel_loop3A_421 = tpu.vector_load %arg8[%parallel_loop3A_419, %parallel_loop3A_420] {strides = array<i32>} : memref<64x16xi32, #tpu.memory_space<vmem>>, vector<16xi32>,
        tpu.vector_store %arg8[%parallel_loop3A_419, %parallel_loop3A_420], %parallel_loop3A_418 {strides = array<i32>} : memref<64x16xi32, #tpu.memory_space<vmem>>, vector<16xi32>,
      } {sc.loop_unroll_factor = 4 : i64, sc.parallel_access}
      %parallel_loop3A_345 = arith.constant 0 : i32
      %parallel_loop3A_346 = arith.constant 16 : i32
      %parallel_loop3A_347 = arith.constant 1 : i32
      scf.for %parallel_loop3A_391 = %parallel_loop3A_345 to %parallel_loop3A_346 step %parallel_loop3A_347  : i32 {
        %parallel_loop3A_392 = arith.constant 4 : i32
        %parallel_loop3A_393 = arith.shrsi %parallel_loop3A_391, %parallel_loop3A_392 : i32
        %parallel_loop3A_394 = arith.constant 5 : i32
        %parallel_loop3A_395 = arith.shli %parallel_loop3A_393, %parallel_loop3A_394 : i32
        %parallel_loop3A_396 = arith.constant 15 : i32
        %parallel_loop3A_397 = arith.andi %parallel_loop3A_391, %parallel_loop3A_396 : i32
        %parallel_loop3A_398 = arith.ori %parallel_loop3A_395, %parallel_loop3A_397 : i32
        %parallel_loop3A_399 = arith.constant 16 : i32
        %parallel_loop3A_400 = arith.ori %parallel_loop3A_398, %parallel_loop3A_399 : i32
        %parallel_loop3A_401 = arith.constant 2 : i32
        %parallel_loop3A_402 = arith.shrsi %parallel_loop3A_400, %parallel_loop3A_401 : i32
        %parallel_loop3A_403 = arith.constant 3 : i32
        %parallel_loop3A_404 = arith.shli %parallel_loop3A_402, %parallel_loop3A_403 : i32
        %parallel_loop3A_405 = arith.constant 3 : i32
        %parallel_loop3A_406 = arith.andi %parallel_loop3A_400, %parallel_loop3A_405 : i32
        %parallel_loop3A_407 = arith.ori %parallel_loop3A_404, %parallel_loop3A_406 : i32
        %parallel_loop3A_408 = arith.constant 4 : i32
        %parallel_loop3A_409 = arith.ori %parallel_loop3A_407, %parallel_loop3A_408 : i32
        %parallel_loop3A_410 = arith.index_cast %parallel_loop3A_407 : i32 to index
        %parallel_loop3A_411 = arith.constant 0 : index
        %parallel_loop3A_412 = tpu.vector_load %arg8[%parallel_loop3A_410, %parallel_loop3A_411] {strides = array<i32>} : memref<64x16xi32, #tpu.memory_space<vmem>>, vector<16xi32>,
        %parallel_loop3A_413 = arith.index_cast %parallel_loop3A_409 : i32 to index
        %parallel_loop3A_414 = arith.constant 0 : index
        %parallel_loop3A_415 = tpu.vector_load %arg8[%parallel_loop3A_413, %parallel_loop3A_414] {strides = array<i32>} : memref<64x16xi32, #tpu.memory_space<vmem>>, vector<16xi32>,
        %parallel_loop3A_416 = arith.minsi %parallel_loop3A_412, %parallel_loop3A_415 : vector<16xi32>
        %parallel_loop3A_417 = arith.index_cast %parallel_loop3A_407 : i32 to index
        %parallel_loop3A_418 = arith.constant 0 : index
        %parallel_loop3A_419 = tpu.vector_load %arg8[%parallel_loop3A_417, %parallel_loop3A_418] {strides = array<i32>} : memref<64x16xi32, #tpu.memory_space<vmem>>, vector<16xi32>,
        tpu.vector_store %arg8[%parallel_loop3A_417, %parallel_loop3A_418], %parallel_loop3A_416 {strides = array<i32>} : memref<64x16xi32, #tpu.memory_space<vmem>>, vector<16xi32>,
        %parallel_loop3A_420 = arith.maxsi %parallel_loop3A_412, %parallel_loop3A_415 : vector<16xi32>
        %parallel_loop3A_421 = arith.index_cast %parallel_loop3A_409 : i32 to index
        %parallel_loop3A_422 = arith.constant 0 : index
        %parallel_loop3A_423 = tpu.vector_load %arg8[%parallel_loop3A_421, %parallel_loop3A_422] {strides = array<i32>} : memref<64x16xi32, #tpu.memory_space<vmem>>, vector<16xi32>,
        tpu.vector_store %arg8[%parallel_loop3A_421, %parallel_loop3A_422], %parallel_loop3A_420 {strides = array<i32>} : memref<64x16xi32, #tpu.memory_space<vmem>>, vector<16xi32>,
      } {sc.loop_unroll_factor = 4 : i64, sc.parallel_access}
      %parallel_loop3A_348 = arith.constant 0 : i32
      %parallel_loop3A_349 = arith.constant 16 : i32
      %parallel_loop3A_350 = arith.constant 1 : i32
      scf.for %parallel_loop3A_391 = %parallel_loop3A_348 to %parallel_loop3A_349 step %parallel_loop3A_350  : i32 {
        %parallel_loop3A_392 = arith.constant 4 : i32
        %parallel_loop3A_393 = arith.shrsi %parallel_loop3A_391, %parallel_loop3A_392 : i32
        %parallel_loop3A_394 = arith.constant 5 : i32
        %parallel_loop3A_395 = arith.shli %parallel_loop3A_393, %parallel_loop3A_394 : i32
        %parallel_loop3A_396 = arith.constant 15 : i32
        %parallel_loop3A_397 = arith.andi %parallel_loop3A_391, %parallel_loop3A_396 : i32
        %parallel_loop3A_398 = arith.ori %parallel_loop3A_395, %parallel_loop3A_397 : i32
        %parallel_loop3A_399 = arith.constant 1 : i32
        %parallel_loop3A_400 = arith.shrsi %parallel_loop3A_398, %parallel_loop3A_399 : i32
        %parallel_loop3A_401 = arith.constant 2 : i32
        %parallel_loop3A_402 = arith.shli %parallel_loop3A_400, %parallel_loop3A_401 : i32
        %parallel_loop3A_403 = arith.constant 1 : i32
        %parallel_loop3A_404 = arith.andi %parallel_loop3A_398, %parallel_loop3A_403 : i32
        %parallel_loop3A_405 = arith.ori %parallel_loop3A_402, %parallel_loop3A_404 : i32
        %parallel_loop3A_406 = arith.constant 2 : i32
        %parallel_loop3A_407 = arith.ori %parallel_loop3A_405, %parallel_loop3A_406 : i32
        %parallel_loop3A_408 = arith.index_cast %parallel_loop3A_405 : i32 to index
        %parallel_loop3A_409 = arith.constant 0 : index
        %parallel_loop3A_410 = tpu.vector_load %arg8[%parallel_loop3A_408, %parallel_loop3A_409] {strides = array<i32>} : memref<64x16xi32, #tpu.memory_space<vmem>>, vector<16xi32>,
        %parallel_loop3A_411 = arith.index_cast %parallel_loop3A_407 : i32 to index
        %parallel_loop3A_412 = arith.constant 0 : index
        %parallel_loop3A_413 = tpu.vector_load %arg8[%parallel_loop3A_411, %parallel_loop3A_412] {strides = array<i32>} : memref<64x16xi32, #tpu.memory_space<vmem>>, vector<16xi32>,
        %parallel_loop3A_414 = arith.maxsi %parallel_loop3A_410, %parallel_loop3A_413 : vector<16xi32>
        %parallel_loop3A_415 = arith.index_cast %parallel_loop3A_405 : i32 to index
        %parallel_loop3A_416 = arith.constant 0 : index
        %parallel_loop3A_417 = tpu.vector_load %arg8[%parallel_loop3A_415, %parallel_loop3A_416] {strides = array<i32>} : memref<64x16xi32, #tpu.memory_space<vmem>>, vector<16xi32>,
        tpu.vector_store %arg8[%parallel_loop3A_415, %parallel_loop3A_416], %parallel_loop3A_414 {strides = array<i32>} : memref<64x16xi32, #tpu.memory_space<vmem>>, vector<16xi32>,
        %parallel_loop3A_418 = arith.minsi %parallel_loop3A_410, %parallel_loop3A_413 : vector<16xi32>
        %parallel_loop3A_419 = arith.index_cast %parallel_loop3A_407 : i32 to index
        %parallel_loop3A_420 = arith.constant 0 : index
        %parallel_loop3A_421 = tpu.vector_load %arg8[%parallel_loop3A_419, %parallel_loop3A_420] {strides = array<i32>} : memref<64x16xi32, #tpu.memory_space<vmem>>, vector<16xi32>,
        tpu.vector_store %arg8[%parallel_loop3A_419, %parallel_loop3A_420], %parallel_loop3A_418 {strides = array<i32>} : memref<64x16xi32, #tpu.memory_space<vmem>>, vector<16xi32>,
      } {sc.loop_unroll_factor = 4 : i64, sc.parallel_access}
      %parallel_loop3A_351 = arith.constant 0 : i32
      %parallel_loop3A_352 = arith.constant 16 : i32
      %parallel_loop3A_353 = arith.constant 1 : i32
      scf.for %parallel_loop3A_391 = %parallel_loop3A_351 to %parallel_loop3A_352 step %parallel_loop3A_353  : i32 {
        %parallel_loop3A_392 = arith.constant 4 : i32
        %parallel_loop3A_393 = arith.shrsi %parallel_loop3A_391, %parallel_loop3A_392 : i32
        %parallel_loop3A_394 = arith.constant 5 : i32
        %parallel_loop3A_395 = arith.shli %parallel_loop3A_393, %parallel_loop3A_394 : i32
        %parallel_loop3A_396 = arith.constant 15 : i32
        %parallel_loop3A_397 = arith.andi %parallel_loop3A_391, %parallel_loop3A_396 : i32
        %parallel_loop3A_398 = arith.ori %parallel_loop3A_395, %parallel_loop3A_397 : i32
        %parallel_loop3A_399 = arith.constant 16 : i32
        %parallel_loop3A_400 = arith.ori %parallel_loop3A_398, %parallel_loop3A_399 : i32
        %parallel_loop3A_401 = arith.constant 1 : i32
        %parallel_loop3A_402 = arith.shrsi %parallel_loop3A_400, %parallel_loop3A_401 : i32
        %parallel_loop3A_403 = arith.constant 2 : i32
        %parallel_loop3A_404 = arith.shli %parallel_loop3A_402, %parallel_loop3A_403 : i32
        %parallel_loop3A_405 = arith.constant 1 : i32
        %parallel_loop3A_406 = arith.andi %parallel_loop3A_400, %parallel_loop3A_405 : i32
        %parallel_loop3A_407 = arith.ori %parallel_loop3A_404, %parallel_loop3A_406 : i32
        %parallel_loop3A_408 = arith.constant 2 : i32
        %parallel_loop3A_409 = arith.ori %parallel_loop3A_407, %parallel_loop3A_408 : i32
        %parallel_loop3A_410 = arith.index_cast %parallel_loop3A_407 : i32 to index
        %parallel_loop3A_411 = arith.constant 0 : index
        %parallel_loop3A_412 = tpu.vector_load %arg8[%parallel_loop3A_410, %parallel_loop3A_411] {strides = array<i32>} : memref<64x16xi32, #tpu.memory_space<vmem>>, vector<16xi32>,
        %parallel_loop3A_413 = arith.index_cast %parallel_loop3A_409 : i32 to index
        %parallel_loop3A_414 = arith.constant 0 : index
        %parallel_loop3A_415 = tpu.vector_load %arg8[%parallel_loop3A_413, %parallel_loop3A_414] {strides = array<i32>} : memref<64x16xi32, #tpu.memory_space<vmem>>, vector<16xi32>,
        %parallel_loop3A_416 = arith.minsi %parallel_loop3A_412, %parallel_loop3A_415 : vector<16xi32>
        %parallel_loop3A_417 = arith.index_cast %parallel_loop3A_407 : i32 to index
        %parallel_loop3A_418 = arith.constant 0 : index
        %parallel_loop3A_419 = tpu.vector_load %arg8[%parallel_loop3A_417, %parallel_loop3A_418] {strides = array<i32>} : memref<64x16xi32, #tpu.memory_space<vmem>>, vector<16xi32>,
        tpu.vector_store %arg8[%parallel_loop3A_417, %parallel_loop3A_418], %parallel_loop3A_416 {strides = array<i32>} : memref<64x16xi32, #tpu.memory_space<vmem>>, vector<16xi32>,
        %parallel_loop3A_420 = arith.maxsi %parallel_loop3A_412, %parallel_loop3A_415 : vector<16xi32>
        %parallel_loop3A_421 = arith.index_cast %parallel_loop3A_409 : i32 to index
        %parallel_loop3A_422 = arith.constant 0 : index
        %parallel_loop3A_423 = tpu.vector_load %arg8[%parallel_loop3A_421, %parallel_loop3A_422] {strides = array<i32>} : memref<64x16xi32, #tpu.memory_space<vmem>>, vector<16xi32>,
        tpu.vector_store %arg8[%parallel_loop3A_421, %parallel_loop3A_422], %parallel_loop3A_420 {strides = array<i32>} : memref<64x16xi32, #tpu.memory_space<vmem>>, vector<16xi32>,
      } {sc.loop_unroll_factor = 4 : i64, sc.parallel_access}
      %parallel_loop3A_354 = arith.constant 0 : i32
      %parallel_loop3A_355 = arith.constant 16 : i32
      %parallel_loop3A_356 = arith.constant 1 : i32
      scf.for %parallel_loop3A_391 = %parallel_loop3A_354 to %parallel_loop3A_355 step %parallel_loop3A_356  : i32 {
        %parallel_loop3A_392 = arith.constant 4 : i32
        %parallel_loop3A_393 = arith.shrsi %parallel_loop3A_391, %parallel_loop3A_392 : i32
        %parallel_loop3A_394 = arith.constant 5 : i32
        %parallel_loop3A_395 = arith.shli %parallel_loop3A_393, %parallel_loop3A_394 : i32
        %parallel_loop3A_396 = arith.constant 15 : i32
        %parallel_loop3A_397 = arith.andi %parallel_loop3A_391, %parallel_loop3A_396 : i32
        %parallel_loop3A_398 = arith.ori %parallel_loop3A_395, %parallel_loop3A_397 : i32
        %parallel_loop3A_399 = arith.constant 0 : i32
        %parallel_loop3A_400 = arith.shrsi %parallel_loop3A_398, %parallel_loop3A_399 : i32
        %parallel_loop3A_401 = arith.constant 1 : i32
        %parallel_loop3A_402 = arith.shli %parallel_loop3A_400, %parallel_loop3A_401 : i32
        %parallel_loop3A_403 = arith.constant 0 : i32
        %parallel_loop3A_404 = arith.andi %parallel_loop3A_398, %parallel_loop3A_403 : i32
        %parallel_loop3A_405 = arith.ori %parallel_loop3A_402, %parallel_loop3A_404 : i32
        %parallel_loop3A_406 = arith.constant 1 : i32
        %parallel_loop3A_407 = arith.ori %parallel_loop3A_405, %parallel_loop3A_406 : i32
        %parallel_loop3A_408 = arith.index_cast %parallel_loop3A_405 : i32 to index
        %parallel_loop3A_409 = arith.constant 0 : index
        %parallel_loop3A_410 = tpu.vector_load %arg8[%parallel_loop3A_408, %parallel_loop3A_409] {strides = array<i32>} : memref<64x16xi32, #tpu.memory_space<vmem>>, vector<16xi32>,
        %parallel_loop3A_411 = arith.index_cast %parallel_loop3A_407 : i32 to index
        %parallel_loop3A_412 = arith.constant 0 : index
        %parallel_loop3A_413 = tpu.vector_load %arg8[%parallel_loop3A_411, %parallel_loop3A_412] {strides = array<i32>} : memref<64x16xi32, #tpu.memory_space<vmem>>, vector<16xi32>,
        %parallel_loop3A_414 = arith.maxsi %parallel_loop3A_410, %parallel_loop3A_413 : vector<16xi32>
        %parallel_loop3A_415 = arith.index_cast %parallel_loop3A_405 : i32 to index
        %parallel_loop3A_416 = arith.constant 0 : index
        %parallel_loop3A_417 = tpu.vector_load %arg8[%parallel_loop3A_415, %parallel_loop3A_416] {strides = array<i32>} : memref<64x16xi32, #tpu.memory_space<vmem>>, vector<16xi32>,
        tpu.vector_store %arg8[%parallel_loop3A_415, %parallel_loop3A_416], %parallel_loop3A_414 {strides = array<i32>} : memref<64x16xi32, #tpu.memory_space<vmem>>, vector<16xi32>,
        %parallel_loop3A_418 = arith.minsi %parallel_loop3A_410, %parallel_loop3A_413 : vector<16xi32>
        %parallel_loop3A_419 = arith.index_cast %parallel_loop3A_407 : i32 to index
        %parallel_loop3A_420 = arith.constant 0 : index
        %parallel_loop3A_421 = tpu.vector_load %arg8[%parallel_loop3A_419, %parallel_loop3A_420] {strides = array<i32>} : memref<64x16xi32, #tpu.memory_space<vmem>>, vector<16xi32>,
        tpu.vector_store %arg8[%parallel_loop3A_419, %parallel_loop3A_420], %parallel_loop3A_418 {strides = array<i32>} : memref<64x16xi32, #tpu.memory_space<vmem>>, vector<16xi32>,
      } {sc.loop_unroll_factor = 4 : i64, sc.parallel_access}
      %parallel_loop3A_357 = arith.constant 0 : i32
      %parallel_loop3A_358 = arith.constant 16 : i32
      %parallel_loop3A_359 = arith.constant 1 : i32
      scf.for %parallel_loop3A_391 = %parallel_loop3A_357 to %parallel_loop3A_358 step %parallel_loop3A_359  : i32 {
        %parallel_loop3A_392 = arith.constant 4 : i32
        %parallel_loop3A_393 = arith.shrsi %parallel_loop3A_391, %parallel_loop3A_392 : i32
        %parallel_loop3A_394 = arith.constant 5 : i32
        %parallel_loop3A_395 = arith.shli %parallel_loop3A_393, %parallel_loop3A_394 : i32
        %parallel_loop3A_396 = arith.constant 15 : i32
        %parallel_loop3A_397 = arith.andi %parallel_loop3A_391, %parallel_loop3A_396 : i32
        %parallel_loop3A_398 = arith.ori %parallel_loop3A_395, %parallel_loop3A_397 : i32
        %parallel_loop3A_399 = arith.constant 16 : i32
        %parallel_loop3A_400 = arith.ori %parallel_loop3A_398, %parallel_loop3A_399 : i32
        %parallel_loop3A_401 = arith.constant 0 : i32
        %parallel_loop3A_402 = arith.shrsi %parallel_loop3A_400, %parallel_loop3A_401 : i32
        %parallel_loop3A_403 = arith.constant 1 : i32
        %parallel_loop3A_404 = arith.shli %parallel_loop3A_402, %parallel_loop3A_403 : i32
        %parallel_loop3A_405 = arith.constant 0 : i32
        %parallel_loop3A_406 = arith.andi %parallel_loop3A_400, %parallel_loop3A_405 : i32
        %parallel_loop3A_407 = arith.ori %parallel_loop3A_404, %parallel_loop3A_406 : i32
        %parallel_loop3A_408 = arith.constant 1 : i32
        %parallel_loop3A_409 = arith.ori %parallel_loop3A_407, %parallel_loop3A_408 : i32
        %parallel_loop3A_410 = arith.index_cast %parallel_loop3A_407 : i32 to index
        %parallel_loop3A_411 = arith.constant 0 : index
        %parallel_loop3A_412 = tpu.vector_load %arg8[%parallel_loop3A_410, %parallel_loop3A_411] {strides = array<i32>} : memref<64x16xi32, #tpu.memory_space<vmem>>, vector<16xi32>,
        %parallel_loop3A_413 = arith.index_cast %parallel_loop3A_409 : i32 to index
        %parallel_loop3A_414 = arith.constant 0 : index
        %parallel_loop3A_415 = tpu.vector_load %arg8[%parallel_loop3A_413, %parallel_loop3A_414] {strides = array<i32>} : memref<64x16xi32, #tpu.memory_space<vmem>>, vector<16xi32>,
        %parallel_loop3A_416 = arith.minsi %parallel_loop3A_412, %parallel_loop3A_415 : vector<16xi32>
        %parallel_loop3A_417 = arith.index_cast %parallel_loop3A_407 : i32 to index
        %parallel_loop3A_418 = arith.constant 0 : index
        %parallel_loop3A_419 = tpu.vector_load %arg8[%parallel_loop3A_417, %parallel_loop3A_418] {strides = array<i32>} : memref<64x16xi32, #tpu.memory_space<vmem>>, vector<16xi32>,
        tpu.vector_store %arg8[%parallel_loop3A_417, %parallel_loop3A_418], %parallel_loop3A_416 {strides = array<i32>} : memref<64x16xi32, #tpu.memory_space<vmem>>, vector<16xi32>,
        %parallel_loop3A_420 = arith.maxsi %parallel_loop3A_412, %parallel_loop3A_415 : vector<16xi32>
        %parallel_loop3A_421 = arith.index_cast %parallel_loop3A_409 : i32 to index
        %parallel_loop3A_422 = arith.constant 0 : index
        %parallel_loop3A_423 = tpu.vector_load %arg8[%parallel_loop3A_421, %parallel_loop3A_422] {strides = array<i32>} : memref<64x16xi32, #tpu.memory_space<vmem>>, vector<16xi32>,
        tpu.vector_store %arg8[%parallel_loop3A_421, %parallel_loop3A_422], %parallel_loop3A_420 {strides = array<i32>} : memref<64x16xi32, #tpu.memory_space<vmem>>, vector<16xi32>,
      } {sc.loop_unroll_factor = 4 : i64, sc.parallel_access}
      %parallel_loop3A_360 = arith.constant 0 : i32
      %parallel_loop3A_361 = arith.constant 32 : i32
      %parallel_loop3A_362 = arith.constant 1 : i32
      scf.for %parallel_loop3A_391 = %parallel_loop3A_360 to %parallel_loop3A_361 step %parallel_loop3A_362  : i32 {
        %parallel_loop3A_392 = arith.constant 5 : i32
        %parallel_loop3A_393 = arith.shrsi %parallel_loop3A_391, %parallel_loop3A_392 : i32
        %parallel_loop3A_394 = arith.constant 6 : i32
        %parallel_loop3A_395 = arith.shli %parallel_loop3A_393, %parallel_loop3A_394 : i32
        %parallel_loop3A_396 = arith.constant 31 : i32
        %parallel_loop3A_397 = arith.andi %parallel_loop3A_391, %parallel_loop3A_396 : i32
        %parallel_loop3A_398 = arith.ori %parallel_loop3A_395, %parallel_loop3A_397 : i32
        %parallel_loop3A_399 = arith.constant 32 : i32
        %parallel_loop3A_400 = arith.ori %parallel_loop3A_398, %parallel_loop3A_399 : i32
        %parallel_loop3A_401 = arith.index_cast %parallel_loop3A_398 : i32 to index
        %parallel_loop3A_402 = arith.constant 0 : index
        %parallel_loop3A_403 = tpu.vector_load %arg8[%parallel_loop3A_401, %parallel_loop3A_402] {strides = array<i32>} : memref<64x16xi32, #tpu.memory_space<vmem>>, vector<16xi32>,
        %parallel_loop3A_404 = arith.index_cast %parallel_loop3A_400 : i32 to index
        %parallel_loop3A_405 = arith.constant 0 : index
        %parallel_loop3A_406 = tpu.vector_load %arg8[%parallel_loop3A_404, %parallel_loop3A_405] {strides = array<i32>} : memref<64x16xi32, #tpu.memory_space<vmem>>, vector<16xi32>,
        %parallel_loop3A_407 = arith.maxsi %parallel_loop3A_403, %parallel_loop3A_406 : vector<16xi32>
        %parallel_loop3A_408 = arith.index_cast %parallel_loop3A_398 : i32 to index
        %parallel_loop3A_409 = arith.constant 0 : index
        %parallel_loop3A_410 = tpu.vector_load %arg8[%parallel_loop3A_408, %parallel_loop3A_409] {strides = array<i32>} : memref<64x16xi32, #tpu.memory_space<vmem>>, vector<16xi32>,
        tpu.vector_store %arg8[%parallel_loop3A_408, %parallel_loop3A_409], %parallel_loop3A_407 {strides = array<i32>} : memref<64x16xi32, #tpu.memory_space<vmem>>, vector<16xi32>,
        %parallel_loop3A_411 = arith.minsi %parallel_loop3A_403, %parallel_loop3A_406 : vector<16xi32>
        %parallel_loop3A_412 = arith.index_cast %parallel_loop3A_400 : i32 to index
        %parallel_loop3A_413 = arith.constant 0 : index
        %parallel_loop3A_414 = tpu.vector_load %arg8[%parallel_loop3A_412, %parallel_loop3A_413] {strides = array<i32>} : memref<64x16xi32, #tpu.memory_space<vmem>>, vector<16xi32>,
        tpu.vector_store %arg8[%parallel_loop3A_412, %parallel_loop3A_413], %parallel_loop3A_411 {strides = array<i32>} : memref<64x16xi32, #tpu.memory_space<vmem>>, vector<16xi32>,
      } {sc.loop_unroll_factor = 4 : i64, sc.parallel_access}
      %parallel_loop3A_363 = arith.constant 0 : i32
      %parallel_loop3A_364 = arith.constant 32 : i32
      %parallel_loop3A_365 = arith.constant 1 : i32
      scf.for %parallel_loop3A_391 = %parallel_loop3A_363 to %parallel_loop3A_364 step %parallel_loop3A_365  : i32 {
        %parallel_loop3A_392 = arith.constant 4 : i32
        %parallel_loop3A_393 = arith.shrsi %parallel_loop3A_391, %parallel_loop3A_392 : i32
        %parallel_loop3A_394 = arith.constant 5 : i32
        %parallel_loop3A_395 = arith.shli %parallel_loop3A_393, %parallel_loop3A_394 : i32
        %parallel_loop3A_396 = arith.constant 15 : i32
        %parallel_loop3A_397 = arith.andi %parallel_loop3A_391, %parallel_loop3A_396 : i32
        %parallel_loop3A_398 = arith.ori %parallel_loop3A_395, %parallel_loop3A_397 : i32
        %parallel_loop3A_399 = arith.constant 16 : i32
        %parallel_loop3A_400 = arith.ori %parallel_loop3A_398, %parallel_loop3A_399 : i32
        %parallel_loop3A_401 = arith.index_cast %parallel_loop3A_398 : i32 to index
        %parallel_loop3A_402 = arith.constant 0 : index
        %parallel_loop3A_403 = tpu.vector_load %arg8[%parallel_loop3A_401, %parallel_loop3A_402] {strides = array<i32>} : memref<64x16xi32, #tpu.memory_space<vmem>>, vector<16xi32>,
        %parallel_loop3A_404 = arith.index_cast %parallel_loop3A_400 : i32 to index
        %parallel_loop3A_405 = arith.constant 0 : index
        %parallel_loop3A_406 = tpu.vector_load %arg8[%parallel_loop3A_404, %parallel_loop3A_405] {strides = array<i32>} : memref<64x16xi32, #tpu.memory_space<vmem>>, vector<16xi32>,
        %parallel_loop3A_407 = arith.maxsi %parallel_loop3A_403, %parallel_loop3A_406 : vector<16xi32>
        %parallel_loop3A_408 = arith.index_cast %parallel_loop3A_398 : i32 to index
        %parallel_loop3A_409 = arith.constant 0 : index
        %parallel_loop3A_410 = tpu.vector_load %arg8[%parallel_loop3A_408, %parallel_loop3A_409] {strides = array<i32>} : memref<64x16xi32, #tpu.memory_space<vmem>>, vector<16xi32>,
        tpu.vector_store %arg8[%parallel_loop3A_408, %parallel_loop3A_409], %parallel_loop3A_407 {strides = array<i32>} : memref<64x16xi32, #tpu.memory_space<vmem>>, vector<16xi32>,
        %parallel_loop3A_411 = arith.minsi %parallel_loop3A_403, %parallel_loop3A_406 : vector<16xi32>
        %parallel_loop3A_412 = arith.index_cast %parallel_loop3A_400 : i32 to index
        %parallel_loop3A_413 = arith.constant 0 : index
        %parallel_loop3A_414 = tpu.vector_load %arg8[%parallel_loop3A_412, %parallel_loop3A_413] {strides = array<i32>} : memref<64x16xi32, #tpu.memory_space<vmem>>, vector<16xi32>,
        tpu.vector_store %arg8[%parallel_loop3A_412, %parallel_loop3A_413], %parallel_loop3A_411 {strides = array<i32>} : memref<64x16xi32, #tpu.memory_space<vmem>>, vector<16xi32>,
      } {sc.loop_unroll_factor = 4 : i64, sc.parallel_access}
      %parallel_loop3A_366 = arith.constant 0 : i32
      %parallel_loop3A_367 = arith.constant 32 : i32
      %parallel_loop3A_368 = arith.constant 1 : i32
      scf.for %parallel_loop3A_391 = %parallel_loop3A_366 to %parallel_loop3A_367 step %parallel_loop3A_368  : i32 {
        %parallel_loop3A_392 = arith.constant 3 : i32
        %parallel_loop3A_393 = arith.shrsi %parallel_loop3A_391, %parallel_loop3A_392 : i32
        %parallel_loop3A_394 = arith.constant 4 : i32
        %parallel_loop3A_395 = arith.shli %parallel_loop3A_393, %parallel_loop3A_394 : i32
        %parallel_loop3A_396 = arith.constant 7 : i32
        %parallel_loop3A_397 = arith.andi %parallel_loop3A_391, %parallel_loop3A_396 : i32
        %parallel_loop3A_398 = arith.ori %parallel_loop3A_395, %parallel_loop3A_397 : i32
        %parallel_loop3A_399 = arith.constant 8 : i32
        %parallel_loop3A_400 = arith.ori %parallel_loop3A_398, %parallel_loop3A_399 : i32
        %parallel_loop3A_401 = arith.index_cast %parallel_loop3A_398 : i32 to index
        %parallel_loop3A_402 = arith.constant 0 : index
        %parallel_loop3A_403 = tpu.vector_load %arg8[%parallel_loop3A_401, %parallel_loop3A_402] {strides = array<i32>} : memref<64x16xi32, #tpu.memory_space<vmem>>, vector<16xi32>,
        %parallel_loop3A_404 = arith.index_cast %parallel_loop3A_400 : i32 to index
        %parallel_loop3A_405 = arith.constant 0 : index
        %parallel_loop3A_406 = tpu.vector_load %arg8[%parallel_loop3A_404, %parallel_loop3A_405] {strides = array<i32>} : memref<64x16xi32, #tpu.memory_space<vmem>>, vector<16xi32>,
        %parallel_loop3A_407 = arith.maxsi %parallel_loop3A_403, %parallel_loop3A_406 : vector<16xi32>
        %parallel_loop3A_408 = arith.index_cast %parallel_loop3A_398 : i32 to index
        %parallel_loop3A_409 = arith.constant 0 : index
        %parallel_loop3A_410 = tpu.vector_load %arg8[%parallel_loop3A_408, %parallel_loop3A_409] {strides = array<i32>} : memref<64x16xi32, #tpu.memory_space<vmem>>, vector<16xi32>,
        tpu.vector_store %arg8[%parallel_loop3A_408, %parallel_loop3A_409], %parallel_loop3A_407 {strides = array<i32>} : memref<64x16xi32, #tpu.memory_space<vmem>>, vector<16xi32>,
        %parallel_loop3A_411 = arith.minsi %parallel_loop3A_403, %parallel_loop3A_406 : vector<16xi32>
        %parallel_loop3A_412 = arith.index_cast %parallel_loop3A_400 : i32 to index
        %parallel_loop3A_413 = arith.constant 0 : index
        %parallel_loop3A_414 = tpu.vector_load %arg8[%parallel_loop3A_412, %parallel_loop3A_413] {strides = array<i32>} : memref<64x16xi32, #tpu.memory_space<vmem>>, vector<16xi32>,
        tpu.vector_store %arg8[%parallel_loop3A_412, %parallel_loop3A_413], %parallel_loop3A_411 {strides = array<i32>} : memref<64x16xi32, #tpu.memory_space<vmem>>, vector<16xi32>,
      } {sc.loop_unroll_factor = 4 : i64, sc.parallel_access}
      %parallel_loop3A_369 = arith.constant 0 : i32
      %parallel_loop3A_370 = arith.constant 32 : i32
      %parallel_loop3A_371 = arith.constant 1 : i32
      scf.for %parallel_loop3A_391 = %parallel_loop3A_369 to %parallel_loop3A_370 step %parallel_loop3A_371  : i32 {
        %parallel_loop3A_392 = arith.constant 2 : i32
        %parallel_loop3A_393 = arith.shrsi %parallel_loop3A_391, %parallel_loop3A_392 : i32
        %parallel_loop3A_394 = arith.constant 3 : i32
        %parallel_loop3A_395 = arith.shli %parallel_loop3A_393, %parallel_loop3A_394 : i32
        %parallel_loop3A_396 = arith.constant 3 : i32
        %parallel_loop3A_397 = arith.andi %parallel_loop3A_391, %parallel_loop3A_396 : i32
        %parallel_loop3A_398 = arith.ori %parallel_loop3A_395, %parallel_loop3A_397 : i32
        %parallel_loop3A_399 = arith.constant 4 : i32
        %parallel_loop3A_400 = arith.ori %parallel_loop3A_398, %parallel_loop3A_399 : i32
        %parallel_loop3A_401 = arith.index_cast %parallel_loop3A_398 : i32 to index
        %parallel_loop3A_402 = arith.constant 0 : index
        %parallel_loop3A_403 = tpu.vector_load %arg8[%parallel_loop3A_401, %parallel_loop3A_402] {strides = array<i32>} : memref<64x16xi32, #tpu.memory_space<vmem>>, vector<16xi32>,
        %parallel_loop3A_404 = arith.index_cast %parallel_loop3A_400 : i32 to index
        %parallel_loop3A_405 = arith.constant 0 : index
        %parallel_loop3A_406 = tpu.vector_load %arg8[%parallel_loop3A_404, %parallel_loop3A_405] {strides = array<i32>} : memref<64x16xi32, #tpu.memory_space<vmem>>, vector<16xi32>,
        %parallel_loop3A_407 = arith.maxsi %parallel_loop3A_403, %parallel_loop3A_406 : vector<16xi32>
        %parallel_loop3A_408 = arith.index_cast %parallel_loop3A_398 : i32 to index
        %parallel_loop3A_409 = arith.constant 0 : index
        %parallel_loop3A_410 = tpu.vector_load %arg8[%parallel_loop3A_408, %parallel_loop3A_409] {strides = array<i32>} : memref<64x16xi32, #tpu.memory_space<vmem>>, vector<16xi32>,
        tpu.vector_store %arg8[%parallel_loop3A_408, %parallel_loop3A_409], %parallel_loop3A_407 {strides = array<i32>} : memref<64x16xi32, #tpu.memory_space<vmem>>, vector<16xi32>,
        %parallel_loop3A_411 = arith.minsi %parallel_loop3A_403, %parallel_loop3A_406 : vector<16xi32>
        %parallel_loop3A_412 = arith.index_cast %parallel_loop3A_400 : i32 to index
        %parallel_loop3A_413 = arith.constant 0 : index
        %parallel_loop3A_414 = tpu.vector_load %arg8[%parallel_loop3A_412, %parallel_loop3A_413] {strides = array<i32>} : memref<64x16xi32, #tpu.memory_space<vmem>>, vector<16xi32>,
        tpu.vector_store %arg8[%parallel_loop3A_412, %parallel_loop3A_413], %parallel_loop3A_411 {strides = array<i32>} : memref<64x16xi32, #tpu.memory_space<vmem>>, vector<16xi32>,
      } {sc.loop_unroll_factor = 4 : i64, sc.parallel_access}
      %parallel_loop3A_372 = arith.constant 0 : i32
      %parallel_loop3A_373 = arith.constant 32 : i32
      %parallel_loop3A_374 = arith.constant 1 : i32
      scf.for %parallel_loop3A_391 = %parallel_loop3A_372 to %parallel_loop3A_373 step %parallel_loop3A_374  : i32 {
        %parallel_loop3A_392 = arith.constant 1 : i32
        %parallel_loop3A_393 = arith.shrsi %parallel_loop3A_391, %parallel_loop3A_392 : i32
        %parallel_loop3A_394 = arith.constant 2 : i32
        %parallel_loop3A_395 = arith.shli %parallel_loop3A_393, %parallel_loop3A_394 : i32
        %parallel_loop3A_396 = arith.constant 1 : i32
        %parallel_loop3A_397 = arith.andi %parallel_loop3A_391, %parallel_loop3A_396 : i32
        %parallel_loop3A_398 = arith.ori %parallel_loop3A_395, %parallel_loop3A_397 : i32
        %parallel_loop3A_399 = arith.constant 2 : i32
        %parallel_loop3A_400 = arith.ori %parallel_loop3A_398, %parallel_loop3A_399 : i32
        %parallel_loop3A_401 = arith.index_cast %parallel_loop3A_398 : i32 to index
        %parallel_loop3A_402 = arith.constant 0 : index
        %parallel_loop3A_403 = tpu.vector_load %arg8[%parallel_loop3A_401, %parallel_loop3A_402] {strides = array<i32>} : memref<64x16xi32, #tpu.memory_space<vmem>>, vector<16xi32>,
        %parallel_loop3A_404 = arith.index_cast %parallel_loop3A_400 : i32 to index
        %parallel_loop3A_405 = arith.constant 0 : index
        %parallel_loop3A_406 = tpu.vector_load %arg8[%parallel_loop3A_404, %parallel_loop3A_405] {strides = array<i32>} : memref<64x16xi32, #tpu.memory_space<vmem>>, vector<16xi32>,
        %parallel_loop3A_407 = arith.maxsi %parallel_loop3A_403, %parallel_loop3A_406 : vector<16xi32>
        %parallel_loop3A_408 = arith.index_cast %parallel_loop3A_398 : i32 to index
        %parallel_loop3A_409 = arith.constant 0 : index
        %parallel_loop3A_410 = tpu.vector_load %arg8[%parallel_loop3A_408, %parallel_loop3A_409] {strides = array<i32>} : memref<64x16xi32, #tpu.memory_space<vmem>>, vector<16xi32>,
        tpu.vector_store %arg8[%parallel_loop3A_408, %parallel_loop3A_409], %parallel_loop3A_407 {strides = array<i32>} : memref<64x16xi32, #tpu.memory_space<vmem>>, vector<16xi32>,
        %parallel_loop3A_411 = arith.minsi %parallel_loop3A_403, %parallel_loop3A_406 : vector<16xi32>
        %parallel_loop3A_412 = arith.index_cast %parallel_loop3A_400 : i32 to index
        %parallel_loop3A_413 = arith.constant 0 : index
        %parallel_loop3A_414 = tpu.vector_load %arg8[%parallel_loop3A_412, %parallel_loop3A_413] {strides = array<i32>} : memref<64x16xi32, #tpu.memory_space<vmem>>, vector<16xi32>,
        tpu.vector_store %arg8[%parallel_loop3A_412, %parallel_loop3A_413], %parallel_loop3A_411 {strides = array<i32>} : memref<64x16xi32, #tpu.memory_space<vmem>>, vector<16xi32>,
      } {sc.loop_unroll_factor = 4 : i64, sc.parallel_access}
      %parallel_loop3A_375 = arith.constant 0 : i32
      %parallel_loop3A_376 = arith.constant 32 : i32
      %parallel_loop3A_377 = arith.constant 1 : i32
      scf.for %parallel_loop3A_391 = %parallel_loop3A_375 to %parallel_loop3A_376 step %parallel_loop3A_377  : i32 {
        %parallel_loop3A_392 = arith.constant 0 : i32
        %parallel_loop3A_393 = arith.shrsi %parallel_loop3A_391, %parallel_loop3A_392 : i32
        %parallel_loop3A_394 = arith.constant 1 : i32
        %parallel_loop3A_395 = arith.shli %parallel_loop3A_393, %parallel_loop3A_394 : i32
        %parallel_loop3A_396 = arith.constant 0 : i32
        %parallel_loop3A_397 = arith.andi %parallel_loop3A_391, %parallel_loop3A_396 : i32
        %parallel_loop3A_398 = arith.ori %parallel_loop3A_395, %parallel_loop3A_397 : i32
        %parallel_loop3A_399 = arith.constant 1 : i32
        %parallel_loop3A_400 = arith.ori %parallel_loop3A_398, %parallel_loop3A_399 : i32
        %parallel_loop3A_401 = arith.index_cast %parallel_loop3A_398 : i32 to index
        %parallel_loop3A_402 = arith.constant 0 : index
        %parallel_loop3A_403 = tpu.vector_load %arg8[%parallel_loop3A_401, %parallel_loop3A_402] {strides = array<i32>} : memref<64x16xi32, #tpu.memory_space<vmem>>, vector<16xi32>,
        %parallel_loop3A_404 = arith.index_cast %parallel_loop3A_400 : i32 to index
        %parallel_loop3A_405 = arith.constant 0 : index
        %parallel_loop3A_406 = tpu.vector_load %arg8[%parallel_loop3A_404, %parallel_loop3A_405] {strides = array<i32>} : memref<64x16xi32, #tpu.memory_space<vmem>>, vector<16xi32>,
        %parallel_loop3A_407 = arith.maxsi %parallel_loop3A_403, %parallel_loop3A_406 : vector<16xi32>
        %parallel_loop3A_408 = arith.index_cast %parallel_loop3A_398 : i32 to index
        %parallel_loop3A_409 = arith.constant 0 : index
        %parallel_loop3A_410 = tpu.vector_load %arg8[%parallel_loop3A_408, %parallel_loop3A_409] {strides = array<i32>} : memref<64x16xi32, #tpu.memory_space<vmem>>, vector<16xi32>,
        tpu.vector_store %arg8[%parallel_loop3A_408, %parallel_loop3A_409], %parallel_loop3A_407 {strides = array<i32>} : memref<64x16xi32, #tpu.memory_space<vmem>>, vector<16xi32>,
        %parallel_loop3A_411 = arith.minsi %parallel_loop3A_403, %parallel_loop3A_406 : vector<16xi32>
        %parallel_loop3A_412 = arith.index_cast %parallel_loop3A_400 : i32 to index
        %parallel_loop3A_413 = arith.constant 0 : index
        %parallel_loop3A_414 = tpu.vector_load %arg8[%parallel_loop3A_412, %parallel_loop3A_413] {strides = array<i32>} : memref<64x16xi32, #tpu.memory_space<vmem>>, vector<16xi32>,
        tpu.vector_store %arg8[%parallel_loop3A_412, %parallel_loop3A_413], %parallel_loop3A_411 {strides = array<i32>} : memref<64x16xi32, #tpu.memory_space<vmem>>, vector<16xi32>,
      } {sc.loop_unroll_factor = 4 : i64, sc.parallel_access}
      %mul3A_378 = arith.constant 64 : i32
      %mul3A_379 = vector.broadcast %mul3A_378 : i32 to vector<16xi32>
      %mul3A_380 = arith.muli %iota3A, %mul3A_379 : vector<16xi32>
      %parallel_loop3A_381 = arith.constant 0 : i32
      %parallel_loop3A_382 = arith.constant 64 : i32
      %parallel_loop3A_383 = arith.constant 1 : i32
      scf.for %parallel_loop3A_391 = %parallel_loop3A_381 to %parallel_loop3A_382 step %parallel_loop3A_383  : i32 {
        %parallel_loop3A_392 = arith.index_cast %parallel_loop3A_391 : i32 to index
        %parallel_loop3A_393 = arith.constant 0 : index
        %parallel_loop3A_394 = tpu.vector_load %arg8[%parallel_loop3A_392, %parallel_loop3A_393] {strides = array<i32>} : memref<64x16xi32, #tpu.memory_space<vmem>>, vector<16xi32>,
        %parallel_loop3A_395 = arith.constant 0 : i32
        %parallel_loop3A_396 = vector.broadcast %parallel_loop3A_395 : i32 to vector<16xi32>
        %parallel_loop3A_397 = arith.cmpi sge, %parallel_loop3A_394, %parallel_loop3A_396 : vector<16xi32>
        %parallel_loop3A_398 = arith.constant 2147483647 : i32
        %parallel_loop3A_399 = vector.broadcast %parallel_loop3A_398 : i32 to vector<16xi32>
        %parallel_loop3A_400 = arith.xori %parallel_loop3A_394, %parallel_loop3A_399 : vector<16xi32>
        %parallel_loop3A_401 = arith.select %parallel_loop3A_397, %parallel_loop3A_394, %parallel_loop3A_400 : vector<16xi1>, vector<16xi32>
        %parallel_loop3A_402 = vector.bitcast %parallel_loop3A_401 : vector<16xi32> to vector<16xf32>
        %parallel_loop3A_403 = vector.broadcast %parallel_loop3A_391 : i32 to vector<16xi32>
        %parallel_loop3A_404 = arith.addi %mul3A_380, %parallel_loop3A_403 : vector<16xi32>
        tpu.vector_store_idx %arg9[%parallel_loop3A_404], %parallel_loop3A_402 : memref<1024xf32, #tpu.memory_space<vmem>>[vector<16xi32>], vector<16xf32>,
      } {sc.loop_unroll_factor = 4 : i64, sc.parallel_access}
      %mul3A_384 = arith.constant 64 : i32
      %mul3A_385 = arith.muli %select_n3A_95, %mul3A_384 : i32
      %mul3A_386 = arith.constant 16 : i32
      %mul3A_387 = arith.muli %mul3A_385, %mul3A_386 : i32
      "tpu.region"() ({
        %run_scoped3A = tpu.sem_alloc : memref<!tpu.dma_semaphore, #tpu.memory_space<semaphore_mem>>
        %dma_start3A_391 = tpu.memref_slice %arg3[%select_n3A_79, %mul3A_387] : memref<32x8192xf32, #tpu.memory_space<hbm>> -> memref<1x1024xf32, #tpu.memory_space<hbm>>
        %dma_start3A_392 = tpu.memref_squeeze %dma_start3A_391 : memref<1x1024xf32, #tpu.memory_space<hbm>> -> memref<1024xf32, #tpu.memory_space<hbm>>
        %dma_start3A_393 = tpu.memref_slice %arg3[%select_n3A_79, %mul3A_387] : memref<32x8192xf32, #tpu.memory_space<hbm>> -> memref<1x1024xf32, #tpu.memory_space<hbm>>
        %dma_start3A_394 = tpu.memref_squeeze %dma_start3A_393 : memref<1x1024xf32, #tpu.memory_space<hbm>> -> memref<1024xf32, #tpu.memory_space<hbm>>
        tpu.enqueue_dma source(%arg9 : memref<1024xf32, #tpu.memory_space<vmem>>) target(%dma_start3A_394 : memref<1024xf32, #tpu.memory_space<hbm>>) target_semaphore(%run_scoped3A : memref<!tpu.dma_semaphore, #tpu.memory_space<semaphore_mem>>)
        %dma_wait3A_395 = tpu.memref_slice %arg3[%select_n3A_79, %mul3A_387] : memref<32x8192xf32, #tpu.memory_space<hbm>> -> memref<1x1024xf32, #tpu.memory_space<hbm>>
        %dma_wait3A_396 = tpu.memref_squeeze %dma_wait3A_395 : memref<1x1024xf32, #tpu.memory_space<hbm>> -> memref<1024xf32, #tpu.memory_space<hbm>>
        %dma_wait3A_397 = tpu.memref_slice %arg3[%select_n3A_79, %mul3A_387] : memref<32x8192xf32, #tpu.memory_space<hbm>> -> memref<1x1024xf32, #tpu.memory_space<hbm>>
        %dma_wait3A_398 = tpu.memref_squeeze %dma_wait3A_397 : memref<1x1024xf32, #tpu.memory_space<hbm>> -> memref<1024xf32, #tpu.memory_space<hbm>>
        tpu.wait_dma2 semaphore(%run_scoped3A : memref<!tpu.dma_semaphore, #tpu.memory_space<semaphore_mem>>) src(%arg9 : memref<1024xf32, #tpu.memory_space<vmem>>) dst(%dma_wait3A_398 : memref<1024xf32, #tpu.memory_space<hbm>>)
        tpu.yield
      }) : () -> ()
      %sub3A_388 = arith.constant 1 : i32
      %sub3A_389 = vector.broadcast %sub3A_388 : i32 to vector<16xi32>
      %sub3A_390 = arith.subi %sub3A_117, %sub3A_389 : vector<16xi32>
      scf.yield %sub3A_390 : vector<16xi32>
    }
    %scan3A_45 = arith.constant 8 : i32
    return
  }
}

</mosaic_0001>

<sc_bundles>
// kernel: kernel.3.cloned.1.call-start
scs
__scs_entry_jumppad:
0x0: {  	(pc) =	sbr.rel $0x88, $3  }
0x1: {  	(tag) =	ssettag $0x0;
	lr =	simm.s32 $0x1  }
0x2: {  	[smem:$0x3FA0] =	sst lr;
	_ =	strace $0xD0000000  }
0x3: {  	_ = 	snop  }
0x4: {  	_ = 	snop  }
0x5: {  	_ = 	snop  }
0x6: {  	_ = 	snop  }
0x7: {  	_ = 	snop  }
__scs_overlays_trampoline_lowered:
0x8: {  	[smem:$0x3FAF] =	sst s0  }
0x9: {  	[smem:$0x3FB0] =	sst s1  }
0xa: {  	[smem:$0x3FB1] =	sst s2  }
0xb: {  	[smem:$0x3FB2] =	sst s3  }
0xc: {  	[smem:$0x3FB3] =	sst s4  }
0xd: {  	[smem:$0x3FB4] =	sst s5  }
0xe: {  	[smem:$0x3FB5] =	sst s6  }
0xf: {  	[smem:$0x3FB6] =	sst s7  }
0x10: {  	[smem:$0x3FB7] =	sst s8  }
0x11: {  	[smem:$0x3FB8] =	sst s9;
	s0 =	simm.s32 @!p0 $0x0  }
0x12: {  	s1 =	sld [smem:$0x3F9E];
	s0 =	simm.s32 @p0 $0x1  }
0x13: {  	[smem:$0x3FB9] =	sst s0;
	s0 =	simm.s32 @!p1 $0x0  }
0x14: {  	s2 =	sld [smem:$0x3F9D];
	s0 =	simm.s32 @p1 $0x1  }
0x15: {  	[smem:$0x3FBA] =	sst s0;
	s0 =	simm.s32 @!p2 $0x0  }
0x16: {  	s3 =	sld [smem:$0x3FDB];
	s0 =	simm.s32 @p2 $0x1  }
0x17: {  	s4 =	simm.s32 $0x1BF5;
	[smem:$0x3FBC] =	sst s0  }
0x18: {  	s0 =	sld [smem:$0x3F9F];
	_ =	swait.ge [sflag:s4], $0x0  }
0x19: {  	s7 =	sld [smem:$0x3FA0]  }
0x1a: {  	s8 =	sadd.s32 $0xFFFFE003, lr  }
0x1b: {  	s9 =	sadd.s32 $0xFFFFFEF7, lr;
	s5 =	simm.s32 $0xFFFFFFFF;
	p2 =	slt.u32 s8, $0xFFFFF086  }
0x1c: {  	p1 =	slt.u32 s9, $0xF7A;
	s5 =	simm.s32 @!p2 $0x0  }
0x1d: {  	s5 =	simm.s32 @p1 $0x1;
	p0 =	seq.s32 s7, s2  }
0x1e: {  	s7 =	smul.u32 @!p0 $0xF7A, s2;
	p2 =	seq.s32 @!p0 s5, $0x0  }
0x1f: {  	s9 =	smul.u32 $0xF7A, s1;
	s8 =	simm.s32 @!p0 $0x1BF5;
	p2 =	por !p2, p0  }
0x20: {  	[sflag:s8] =	ssyncset.s32 @!p0 $0xFFFFF086;
	s6 =	sadd.s32 @!p0 s3, s7;
	s7 =	simm.s32 @!p0 $0x108  }
0x21: {  	s3 =	sadd.s32 s3, s9;
	s6 =	sadd.s32 @!p0 $0x88, s6;
	s7 =	simm.s32 @p2 $0x1082  }
0x22: {  	[simem:s7], [sflag:s8] =	dma.local @!p0 [hbm:s6], $0xF7A  }
0x23: {  	s9 =	sor.u32 $0xD0000000, s2;
	s6 =	simm.s32 $0x108;
	_ =	swait.ge @!p0 [sflag:s8], $0x0  }
0x24: {  	s3 =	sadd.s32 $0x88, s3;
	s6 =	simm.s32 @!p1 $0x1082;
	[sflag:s4] =	ssyncset.s32 $0xFFFFF086  }
0x25: {  	[simem:s6], [sflag:s4] =	dma.local [hbm:s3], $0xF7A  }
0x26: {  	[smem:$0x3FA0] =	sst s1;
	(tag) =	ssettag s2;
	_ =	strace s9  }
0x27: {  	s1 =	sld [smem:$0x3FB0]  }
0x28: {  	s2 =	sld [smem:$0x3FB1]  }
0x29: {  	s4 =	sld [smem:$0x3FB3]  }
0x2a: {  	p0 =	seq.s32 s5, $0x0;
	s5 =	sld [smem:$0x3FB4]  }
0x2b: {  	s6 =	sld [smem:$0x3FB5]  }
0x2c: {  	s7 =	sld [smem:$0x3FB6]  }
0x2d: {  	s3 =	simm.s32 $0x108;
	s8 =	sld [smem:$0x3FB7]  }
0x2e: {  	s3 =	simm.s32 @!p0 $0x1082;
	s9 =	sld [smem:$0x3FB8]  }
0x2f: {  	lr =	sadd.s32 s0, s3;
	s0 =	sld [smem:$0x3FAF]  }
0x30: {  	s3 =	sld [smem:$0x3FB2]  }
0x31: {  	[smem:$0x3FBB] =	sst s10  }
0x32: {  	s10 =	sld [smem:$0x3FB9];
	_ =	sdelay $0x3  }
0x33: {  	p0 =	seq.s32 s10, $0x1;
	s10 =	sld [smem:$0x3FBB];
	_ =	sdelay $0x3  }
0x34: {  	[smem:$0x3FBB] =	sst s10  }
0x35: {  	s10 =	sld [smem:$0x3FBA];
	_ =	sdelay $0x3  }
0x36: {  	p1 =	seq.s32 s10, $0x1;
	s10 =	sld [smem:$0x3FBB];
	_ =	sdelay $0x3  }
0x37: {  	[smem:$0x3FBB] =	sst s10  }
0x38: {  	s10 =	sld [smem:$0x3FBC]  }
0x39: {  	_ = 	snop;
	(pc) =	sbr.ind lr, $3  }
0x3a: {  	_ = 	snop  }
0x3b: {  	_ = 	snop  }
0x3c: {  	p2 =	seq.s32 s10, $0x1;
	s10 =	sld [smem:$0x3FBB]  }
0x3d: {  	_ =	shalt  }
0x3e: {  	_ =	shalt  }
0x3f: {  	_ =	shalt  }
0x40: {  	_ =	shalt  }
0x41: {  	_ =	shalt  }
0x42: {  	_ =	shalt  }
0x43: {  	_ =	shalt  }
0x44: {  	_ =	shalt  }
0x45: {  	_ =	shalt  }
0x46: {  	_ =	shalt  }
0x47: {  	_ =	shalt  }
0x48: {  	_ =	shalt  }
0x49: {  	_ =	shalt  }
0x4a: {  	_ =	shalt  }
0x4b: {  	_ =	shalt  }
0x4c: {  	_ =	shalt  }
0x4d: {  	_ =	shalt  }
0x4e: {  	_ =	shalt  }
0x4f: {  	_ =	shalt  }
0x50: {  	_ =	shalt  }
0x51: {  	_ =	shalt  }
0x52: {  	_ =	shalt  }
0x53: {  	_ =	shalt  }
0x54: {  	_ =	shalt  }
0x55: {  	_ =	shalt  }
0x56: {  	_ =	shalt  }
0x57: {  	_ =	shalt  }
0x58: {  	_ =	shalt  }
0x59: {  	_ =	shalt  }
0x5a: {  	_ =	shalt  }
0x5b: {  	_ =	shalt  }
0x5c: {  	_ =	shalt  }
0x5d: {  	_ =	shalt  }
0x5e: {  	_ =	shalt  }
0x5f: {  	_ =	shalt  }
0x60: {  	_ =	shalt  }
0x61: {  	_ =	shalt  }
0x62: {  	_ =	shalt  }
0x63: {  	_ =	shalt  }
0x64: {  	_ =	shalt  }
0x65: {  	_ =	shalt  }
0x66: {  	_ =	shalt  }
0x67: {  	_ =	shalt  }
0x68: {  	_ =	shalt  }
0x69: {  	_ =	shalt  }
0x6a: {  	_ =	shalt  }
0x6b: {  	_ =	shalt  }
0x6c: {  	_ =	shalt  }
0x6d: {  	_ =	shalt  }
0x6e: {  	_ =	shalt  }
0x6f: {  	_ =	shalt  }
0x70: {  	_ =	shalt  }
0x71: {  	_ =	shalt  }
0x72: {  	_ =	shalt  }
0x73: {  	_ =	shalt  }
0x74: {  	_ =	shalt  }
0x75: {  	_ =	shalt  }
0x76: {  	_ =	shalt  }
0x77: {  	_ =	shalt  }
0x78: {  	_ =	shalt  }
0x79: {  	_ =	shalt  }
0x7a: {  	_ =	shalt  }
0x7b: {  	_ =	shalt  }
0x7c: {  	_ =	shalt  }
0x7d: {  	_ =	shalt  }
0x7e: {  	_ =	shalt  }
0x7f: {  	_ =	shalt  }
0x80: {  	_ =	shalt  }
0x81: {  	_ =	shalt  }
0x82: {  	_ =	shalt  }
0x83: {  	_ =	shalt  }
0x84: {  	_ =	shalt  }
0x85: {  	_ =	shalt  }
0x86: {  	_ =	shalt  }
0x87: {  	_ =	shalt  }
.Lfunc_end0:
.L_simem_size_0:
called_computation_lowered:
.L_overlay_start_0:
0x88: {  	s2 =	sld [smem:$0x3FD9]  }
0x89: {  	s3 =	sld [smem:$0x3FFE];
	_ =	sdelay $0x1  }
0x8a: {  	s1 =	srdreg.scid  }
0x8b: {  	s0 =	sand.u32 $0x1, s1  }
0x8c: {  	s17 =	sshll.u32 s0, $0xA;
	s2 =	sadd.s32 s3, s2  }
0x8d: {  	s2 =	sadd.s32 s2, s17  }
0x8e: {  	[smem:$0x3FC7] =	sst s2  }
0x8f: {  	_ = 	snop  }
0x90: {  	s2 =	sld [smem:$0x3FC9];
	(tm) =	ssettm $0x1  }
0x91: {  	s18 =	sld [smem:$0x3FFB];
	_ =	sdelay $0x3  }
0x92: {  	_ =	strace s18  }
0x93: {  	s3 =	sld [smem:$0x3FFC];
	_ =	sdelay $0x3  }
0x94: {  	_ =	strace s3  }
0x95: {  	s3 =	sld [smem:$0x3FFD];
	_ =	sdelay $0x3  }
0x96: {  	_ =	strace s3  }
0x97: {  	_ =	strace $0x8FFFFFFF  }
0x98: {  	s19 =	sld [smem:$0x3FDB];
	_ =	sdelay $0x1  }
0x99: {  	s4 =	simm.s32 $_scs_section_size  }
0x9a: {  	s5 =	simm.s32 $_size__tile_overlayer_lowered;
	s6 =	simm.s32 $_tile_overlayer_lowered  }
0x9b: {  	s22 =	simm.s32 $0x1BFF;
	s21 =	sshll.u32 s6, $0x1;
	s3 =	sadd.s32 s4, s19  }
0x9c: {  	s7 =	simm.s32 $0x0;
	s20 =	sshll.u32 s5, $0x1;
	s5 =	sadd.s32 s21, s3  }
0x9d: {  	[timem:s7], [sflag:s22] =	dma.local [hbm:s5], s20  }
0x9e: {  	_ =	swait.ge [sflag:s22], s20  }
0x9f: {  	s4 =	ssub.s32 $0x0, s20;
	[sflag:s22] =	ssyncset.done $0x0  }
0xa0: {  	[sflag:s22] =	ssyncadd.s32 s4;
	_ =	sdelay $0x1  }
0xa1: {  	s23 =	simm.s32 $0x1B8B  }
0xa2: {  	_ =	swait.ge [sflag:s23], $0x1  }
0xa3: {  	[sflag:s23] =	ssyncset.done $0x0  }
0xa4: {  	s25 =	simm.s32 $0x1B8E;
	s24 =	sld [smem:$0x3FFE];
	[sflag:s23] =	ssyncadd.s32 $0xFFFFFFFF  }
0xa5: {  	s26 =	simm.s32 $execute0_lowered;
	[smem:$0x3FD2] =	sst s25  }
0xa6: {  	s5 =	sshll.u32 s26, $0x1;
	_ =	strace $0x80000046;
	[dreg:$0x1] =	wrdreg $0xFFFFFFFF  }
0xa7: {  	s28 =	simm.s32 $_size_execute0_lowered;
	s3 =	sadd.s32 s3, s5;
	[dreg:$0x0] =	wrdreg $0x0  }
0xa8: {  	s5 =	sshll.u32 s28, $0x1;
	[dreg:$0x2] =	wrdreg s3  }
0xa9: {  	[dreg:$0x3] =	wrdreg s5  }
0xaa: {  	[dreg:$0x4] =	wrdreg $0xC0  }
0xab: {  	_ =	task [dreg:s7], $0x5FFFF  }
0xac: {  	[dreg:$0x1] =	wrdreg $0xFFFFFFFF  }
0xad: {  	[dreg:$0x0] =	wrdreg $0x60  }
0xae: {  	[dreg:$0x2] =	wrdreg s2  }
0xaf: {  	[dreg:$0x3] =	wrdreg s24  }
0xb0: {  	[dreg:$0x4] =	wrdreg $0x9  }
0xb1: {  	_ =	task.clear_ibuf [dreg:s7], $0x5FFFF;
	_ =	strace $0x90000046  }
0xb2: {  	s29 =	simm.s32 $0x9;
	_ =	strace $0x80000048  }
0xb3: {  	_ =	swait.ge [sflag:s29], $0x1  }
0xb4: {  	[sflag:s29] =	ssyncadd.s32 $0xFFFFFFFF  }
0xb5: {  	_ =	strace $0x90000048  }
0xb6: {  	_ =	sfence  }
0xb7: {  	s30 =	sld [smem:$0x0];
	_ =	sdelay $0x2  }
0xb8: {  	s31 =	sshll.u32 s1, $0xD;
	s1 =	sshrl.u32 s1, $0x2  }
0xb9: {  	s3 =	sand.u32 $0x4000, s31;
	s1 =	sadd.s32 s1, s30  }
0xba: {  	s0 =	sor.u32 s3, s0;
	s1 =	sshll.u32 s1, $0x11  }
0xbb: {  	s0 =	sor.u32 s1, s0  }
0xbc: {  	s0 =	sadd.s32 $0x8F2B, s0  }
0xbd: {  	[sflag:s0] =	ssyncadd.remote.s32 $0x1  }
0xbe: {  	_ =	sfence.sel $0xFFFF  }
0xbf: {  	[dreg:$0x0] =	wrdreg $0xFFFFFFFF;
	(pc) =	sbr.abs _section_cstart, $3  }
0xc0: {  	[dreg:$0x1] =	wrdreg $0xFFFFFFFF  }
0xc1: {  	_ =	task.clear_ibuf [dreg:s7], $0x2FFFF;
	_ =	strace $0x9FFFFFFF  }
0xc2: {  	(tm) =	ssettm $0x7FFFFFFF  }
0xc3: {  	_ =	shalt  }
tec
execute0_lowered:
.L_overlay_start_1:
0x0: {  	(tag) =	ssettag $0x1  }
0x1: {  	s1 =	rddreg [dreg:$0x0];
	s2 =	simm.s32 $0x0  }
0x2: {  	[smem:$0x7FF] =	sst s2  }
0x3: {  	s0 =	rddreg [dreg:$0x1];
	v0 =	vimm.s32 $0x80000000;
	_ =	strace $0x80000047  }
0x4: {  	(xrf0) =	vmin.scan.msk.u32 $0xffff, v0;
	_ =	sdelay $0x5  }
0x5: {  	v0, _, _ =	vpop (xrf0)  }
0x6: {  	(v2sf) =	vpush v0, $0xF;
	_ =	sdelay $0x6  }
0x7: {  	s3 =	srdreg.scid;
	s29 =	stileid.u32  }
0x8: {  	s12 =	simm.s32 $0x1;
	s13 =	simm.s32 $0x10000;
	s14 =	simm.s32 $0x15000  }
0x9: {  	s15 =	simm.s32 $0x14000;
	s16 =	simm.s32 $0x17000;
	s3 =	sand.u32 $0x1, s3  }
0xa: {  	s17 =	simm.s32 $0x17400;
	s4 =	sshll.u32 s29, $0x4;
	s5 =	sshll.u32 s3, $0x3  }
.Ltmp0:
0xb: {  	s3 =	ssub.s32 $0x2, s3;
	s4 =	sor.u32 s5, s4;
	(pc) =	sbr.rel .LBB2_1-.Ltmp0, $4  }
0xc: {  	s18 =	simm.s32 $0x2;
	s30 =	sshrl.u32 s3, $0x1;
	s6 =	sshll.u32 s4, $0xD  }
0xd: {  	s5 =	sadd.s32 $0x400, s0;
	s0 =	ssub.s32 s3, s30;
	s31 =	sadd.s32 s1, s6  }
0xe: {  	v2 =	vimm.s32 $0x1;
	v3 =	vimm.s32 $0x0;
	s2 =	simm.s32 $0x0;
	s0 =	smax.u32 s0, $0x1;
	[dreg:$0x3] =	wrdreg s31;
	v0 =	vlaneseq.u32  }
0xf: {  	vm0 =	vmxor vm0, vm0;
	v4 =	vimm.f32 $0.0e+00;
	s7 =	sshrl.u32 s4, $0x3;
	[dreg:$0x4] =	wrdreg s0;
	v1 =	vor.u32 $0x2000, v0;
	s8 =	spop (v2sf)  }
.LBB2_340:
0x10: {  	s2 =	rddreg [dreg:$0x5]  }
0x11: {  	s0 =	rddreg [dreg:$0x4];
	s2 =	sadd.s32 $0x1, s2  }
0x12: {  	p0 =	sne.s32 s2, s0  }
.Ltmp1:
0x13: {  	_ = 	snop;
	(pc) =	sbr.rel @!p0 .LBB2_341-.Ltmp1, $1  }
0x14: {  	_ =	sdelay $0x3  }
.LBB2_1:
0x15: {  	[dreg:$0x5] =	wrdreg s2  }
0x16: {  	s0 =	simm.s32 $0x0;
	s31 =	rddreg [dreg:$0x3]  }
0x17: {  	s3 =	simm.s32 $0x10;
	s6 =	simm.s32 $0x80;
	s20 =	simm.s32 $0x0  }
0x18: {  	v9 =	vimm.s32 $0x400;
	[tilespmem:s0], [sflag:$0x1] =	stream.strided.gather [hbm4b:s31+s3], $0x10000, s6, s3, $0x38;
	[tilespmem:$0x17800] =	vst v63  }
.LBB2_2:
0x19: {  	_ =	swait.ge [sflag:s12], $0x10000  }
0x1a: {  	[sflag:s12] =	ssyncset.done $0x0  }
0x1b: {  	s0 =	simm.s32 $0x10040;
	v18 =	vimm.s32 $0x0;
	[sflag:s12] =	ssyncadd.s32 $0xFFFF0000  }
0x1c: {  	[tilespmem:s0+$0x30] =	vst v18  }
0x1d: {  	[tilespmem:s0+$0xFFFFFFC0] =	vst v18  }
0x1e: {  	[tilespmem:s0+$0xFFFFFFD0] =	vst v18  }
0x1f: {  	[tilespmem:s0+$0xFFFFFFE0] =	vst v18  }
0x20: {  	[tilespmem:s0+$0xFFFFFFF0] =	vst v18  }
0x21: {  	[tilespmem:s0+$0x0] =	vst v18  }
0x22: {  	s3 =	simm.s32 $0x0;
	s21 =	simm.s32 $0x40;
	[tilespmem:s0+$0x10] =	vst v18  }
.LBB2_3:
0x23: {  	s3 =	sadd.s32 $0x8, s3;
	[tilespmem:s0+$0x20] =	vst v18;
	s0 =	sadd.s32 $0x80, s0  }
0x24: {  	[tilespmem:s0+$0x30] =	vst v18;
	p0 =	slt.u32 s3, $0x3F8  }
0x25: {  	[tilespmem:s0+$0xFFFFFFC0] =	vst v18  }
.Ltmp2:
0x26: {  	[tilespmem:s0+$0xFFFFFFD0] =	vst v18;
	(pc) =	sbr.rel @p0 .LBB2_3-.Ltmp2, $4  }
0x27: {  	[tilespmem:s0+$0xFFFFFFE0] =	vst v18  }
0x28: {  	[tilespmem:s0+$0xFFFFFFF0] =	vst v18  }
0x29: {  	[tilespmem:s0+$0x0] =	vst v18  }
0x2a: {  	[tilespmem:s0+$0x10] =	vst v18  }
0x2b: {  	[tilespmem:s0+$0x20] =	vst v18  }
0x2c: {  	v6 =	vld [tilespmem:s21+$0xFFFFFFE0]  }
0x2d: {  	v5 =	vld [tilespmem:s21+$0x30]  }
0x2e: {  	v7 =	vld [tilespmem:s21+$0xFFFFFFF0]  }
0x2f: {  	v10 =	vld [tilespmem:s21+$0x20]  }
0x30: {  	v13 =	vld [tilespmem:s21+$0xFFFFFFC0]  }
0x31: {  	v17 =	vld [tilespmem:s21+$0xFFFFFFD0]  }
0x32: {  	v21 =	vld [tilespmem:s21+$0x0]  }
0x33: {  	v8 =	vshll.u32 v18, $0x4;
	v11 =	vld [tilespmem:s21+$0x10]  }
0x34: {  	v8 =	vand.u32 $0x1FF0, v8;
	v12 =	vxor.u32 $0x7FFFFFFF, v5  }
0x35: {  	vm1 =	vlt.s32 v5, $0x0;
	v14 =	vxor.u32 $0x7FFFFFFF, v7;
	vm2 =	vlt.s32 v7, $0x0  }
0x36: {  	v19 =	vxor.u32 $0x7FFFFFFF, v10;
	v25 =	vxor.u32 $0x7FFFFFFF, v13;
	vm3 =	vlt.s32 v17, $0x0  }
0x37: {  	v27 =	vxor.u32 $0x7FFFFFFF, v21;
	v5 =	vsel vm1, v12, v5;
	v12 =	vxor.u32 $0x7FFFFFFF, v6  }
0x38: {  	vm1 =	vlt.s32 v6, $0x0;
	v7 =	vsel vm2, v14, v7;
	vm2 =	vlt.s32 v11, $0x0  }
0x39: {  	v14 =	vxor.u32 $0x7FFFFFFF, v17;
	v20 =	vshra.s32 v5, $0x16;
	v6 =	vsel vm1, v12, v6  }
0x3a: {  	v22 =	vshra.s32 v7, $0x16;
	v12 =	vxor.u32 $0x7FFFFFFF, v11;
	vm1 =	vlt.s32 v13, $0x0  }
0x3b: {  	v14 =	vsel vm3, v14, v17;
	vm3 =	vlt.s32 v10, $0x0;
	v23 =	vshra.s32 v6, $0x16  }
0x3c: {  	v24 =	vshll.u32 v22, $0x4;
	v15 =	vshll.u32 v20, $0x4;
	v26 =	vshra.s32 v14, $0x16  }
0x3d: {  	v10 =	vsel vm3, v19, v10;
	vm3 =	vlt.s32 v21, $0x0;
	vm7 =	vge.s32 v20, v9  }
0x3e: {  	v13 =	vsel vm1, v25, v13;
	v11 =	vsel vm2, v12, v11;
	vm4 =	vge.s32 v22, v9  }
0x3f: {  	v16 =	vshll.u32 v23, $0x4;
	v24 =	vadd.s32 v1, v24;
	vm8 =	vge.s32 v23, v9  }
0x40: {  	v19 =	vshll.u32 v26, $0x4;
	v17 =	vsel vm7, $0x1, v3;
	vm6 =	vge.s32 v26, v9  }
0x41: {  	v23 =	vshra.s32 v10, $0x16;
	v20 =	vshra.s32 v13, $0x16;
	v12 =	vsel vm3, v27, v21  }
0x42: {  	v31 =	vshra.s32 v11, $0x16;
	v28 =	vsel vm8, $0x1, v3;
	v26 =	vsel vm6, $0x1, v3  }
0x43: {  	vm1 =	vge.s32 v23, v9;
	vm5 =	vge.s32 v20, v9;
	v29 =	vshll.u32 v23, $0x4  }
0x44: {  	v30 =	vadd.s32 v1, v19;
	v21 =	vshra.s32 v12, $0x16;
	v19 =	vsel vm5, $0x1, v3  }
0x45: {  	vm2 =	vge.s32 v31, v9;
	v27 =	vsel vm1, $0x1, v3;
	v25 =	vadd.s32 v19, v18  }
0x46: {  	v22 =	vadd.s32 v1, v29;
	vm3 =	vge.s32 v21, v9;
	v23 =	vadd.s32 v26, v25  }
0x47: {  	[tilespmem:s21+$0xFFFFFFF0] =	vst v7;
	v18 =	vshll.u32 v21, $0x4;
	v19 =	vsel vm4, $0x1, v3;
	v28 =	vadd.s32 v28, v23  }
0x48: {  	[tilespmem:s21+$0xFFFFFFD0] =	vst v14;
	v26 =	vsel vm2, $0x1, v3;
	v21 =	vadd.s32 v19, v28;
	v19 =	vsel vm3, $0x1, v3  }
0x49: {  	v18 =	vadd.s32 v1, v18;
	[tilespmem:v24+s13+$0x0] =	vst.idx.add.s32.msk $0xffff, v2;
	v24 =	vadd.s32 v19, v21;
	v19 =	vshll.u32 v31, $0x4  }
0x4a: {  	[tilespmem:v30+s13+$0x0] =	vst.idx.add.s32.msk $0xffff, v2;
	v30 =	vshll.u32 v21, $0x4;
	v29 =	vadd.s32 v26, v24;
	v24 =	vshll.u32 v24, $0x4  }
0x4b: {  	v19 =	vadd.s32 v1, v19;
	v21 =	vand.u32 $0x1FF0, v24;
	v26 =	vadd.s32 v27, v29  }
0x4c: {  	[tilespmem:s21+$0x20] =	vst v10;
	v24 =	vand.u32 $0x1FF0, v30;
	v29 =	vshll.u32 v29, $0x4;
	v30 =	vshll.u32 v26, $0x4  }
0x4d: {  	s24 =	simm.s32 $0x0;
	s25 =	simm.s32 $0xC0;
	[tilespmem:v22+s13+$0x0] =	vst.idx.add.s32.msk $0xffff, v2;
	v27 =	vshll.u32 v28, $0x4;
	v28 =	vand.u32 $0x1FF0, v29;
	v22 =	vand.u32 $0x1FF0, v30  }
.LBB2_5:
0x4e: {  	v25 =	vshll.u32 v25, $0x4;
	v23 =	vshll.u32 v23, $0x4  }
0x4f: {  	v29 =	vld [tilespmem:s25+$0xFFFFFFE0];
	s24 =	sadd.s32 $0x8, s24;
	v26 =	vadd.s32 v17, v26;
	s22 =	simm.s32 $0x400;
	s23 =	simm.s32 $0x13FF0;
	vm10 =	vmmov vm8;
	vm9 =	vmmov vm7  }
0x50: {  	v20 =	vshll.u32 v20, $0x4;
	v17 =	vld [tilespmem:s25+$0x30];
	p0 =	slt.u32 s24, $0xFF8;
	v25 =	vand.u32 $0x1FF0, v25;
	v23 =	vand.u32 $0x1FF0, v23  }
0x51: {  	v20 =	vadd.s32 v1, v20;
	v30 =	vld [tilespmem:s25+$0xFFFFFFF0];
	v25 =	vor.u32 v0, v25;
	v23 =	vor.u32 v0, v23;
	[tilespmem:s21+$0x30] =	vst v5  }
0x52: {  	v16 =	vadd.s32 v1, v16;
	v15 =	vadd.s32 v1, v15;
	v31 =	vshll.u32 v26, $0x4;
	v32 =	vld [tilespmem:s25+$0x20];
	[tilespmem:s21+$0xFFFFFFE0] =	vst v6  }
0x53: {  	v34 =	vor.u32 v0, v8;
	v28 =	vor.u32 v0, v28;
	v8 =	vand.u32 $0x1FF0, v31;
	v33 =	vld [tilespmem:s25+$0x10];
	[tilespmem:s21+$0x0] =	vst v12  }
0x54: {  	v27 =	vand.u32 $0x1FF0, v27;
	v24 =	vor.u32 v0, v24;
	v21 =	vor.u32 v0, v21;
	v31 =	vld [tilespmem:s25+$0x0];
	[tilespmem:s21+$0x10] =	vst v11  }
0x55: {  	v27 =	vor.u32 v0, v27;
	v35 =	vld [tilespmem:s25+$0xFFFFFFC0];
	v36 =	vxor.u32 $0x7FFFFFFF, v17;
	vm7 =	vlt.s32 v17, $0x0;
	[tilespmem:s21+$0xFFFFFFC0] =	vst v13;
	s21 =	smov.u32 s25  }
0x56: {  	v37 =	vld [tilespmem:s25+$0xFFFFFFD0];
	v38 =	vxor.u32 $0x7FFFFFFF, v30;
	vm8 =	vlt.s32 v30, $0x0;
	v36 =	vsel vm7, v36, v17;
	[tilespmem:v25+s14+$0x0] =	vst.idx.msk vm6, v14  }
0x57: {  	v14 =	vxor.u32 $0x7FFFFFFF, v29;
	v17 =	vxor.u32 $0x7FFFFFFF, v32;
	v25 =	vshra.s32 v36, $0x16;
	[tilespmem:v15+s13+$0x0] =	vst.idx.add.s32.msk $0xffff, v2  }
0x58: {  	vm6 =	vlt.s32 v29, $0x0;
	v30 =	vsel vm8, v38, v30;
	[tilespmem:v20+s13+$0x0] =	vst.idx.add.s32.msk $0xffff, v2;
	v20 =	vor.u32 v0, v22  }
0x59: {  	v22 =	vsel vm6, v14, v29;
	v29 =	vshra.s32 v30, $0x16;
	v38 =	vxor.u32 $0x7FFFFFFF, v33;
	[tilespmem:s25+$0xFFFFFFF0] =	vst v30  }
0x5a: {  	v15 =	vshll.u32 v25, $0x4;
	v39 =	vshra.s32 v22, $0x16;
	v40 =	vshll.u32 v29, $0x4;
	[tilespmem:v16+s13+$0x0] =	vst.idx.add.s32.msk $0xffff, v2  }
0x5b: {  	vm11 =	vlt.s32 v33, $0x0;
	v41 =	vxor.u32 $0x7FFFFFFF, v35;
	v16 =	vshll.u32 v39, $0x4;
	[tilespmem:v34+s14+$0x0] =	vst.idx.msk vm5, v13  }
0x5c: {  	vm5 =	vlt.s32 v35, $0x0;
	v13 =	vxor.u32 $0x7FFFFFFF, v37;
	vm6 =	vlt.s32 v37, $0x0;
	[tilespmem:v19+s13+$0x0] =	vst.idx.add.s32.msk $0xffff, v2  }
0x5d: {  	v14 =	vsel vm6, v13, v37;
	v19 =	vadd.s32 v1, v40;
	vm6 =	vlt.s32 v32, $0x0;
	[tilespmem:v18+s13+$0x0] =	vst.idx.add.s32.msk $0xffff, v2  }
0x5e: {  	v34 =	vxor.u32 $0x7FFFFFFF, v31;
	v18 =	vshra.s32 v14, $0x16;
	[tilespmem:v28+s14+$0x0] =	vst.idx.msk vm1, v10;
	v10 =	vsel vm6, v17, v32  }
0x5f: {  	vm7 =	vge.s32 v25, v9;
	vm12 =	vlt.s32 v31, $0x0;
	vm8 =	vge.s32 v39, v9;
	[tilespmem:v27+s14+$0x0] =	vst.idx.msk vm4, v7  }
0x60: {  	v25 =	vshll.u32 v18, $0x4;
	v17 =	vsel vm7, $0x1, v3;
	v27 =	vsel vm8, $0x1, v3;
	v7 =	vmovc v30;
	[tilespmem:v23+s14+$0x0] =	vst.idx.msk vm10, v6;
	v6 =	vmovc v22  }
0x61: {  	v13 =	vsel vm5, v41, v35;
	vm6 =	vge.s32 v18, v9;
	v18 =	vshra.s32 v10, $0x16;
	[tilespmem:v20+s14+$0x0] =	vst.idx.msk vm9, v5  }
0x62: {  	v22 =	vsel vm6, $0x1, v3;
	vm1 =	vge.s32 v18, v9;
	v20 =	vshra.s32 v13, $0x16;
	v5 =	vmovc v36;
	[tilespmem:v24+s14+$0x0] =	vst.idx.msk vm3, v12  }
0x63: {  	v18 =	vshll.u32 v18, $0x4;
	vm5 =	vge.s32 v20, v9;
	[tilespmem:v21+s14+$0x0] =	vst.idx.msk vm2, v11;
	v11 =	vsel vm11, v38, v33  }
0x64: {  	v12 =	vsel vm12, v34, v31;
	v24 =	vsel vm1, $0x1, v3;
	v21 =	vadd.s32 v1, v25;
	[tilespmem:v19+s13+$0x0] =	vst.idx.add.s32.msk $0xffff, v2  }
0x65: {  	v28 =	vshra.s32 v12, $0x16;
	v19 =	vsel vm5, $0x1, v3;
	v30 =	vshra.s32 v11, $0x16  }
0x66: {  	vm4 =	vge.s32 v29, v9;
	v25 =	vadd.s32 v19, v26;
	v19 =	vshll.u32 v28, $0x4  }
0x67: {  	vm2 =	vge.s32 v30, v9;
	v23 =	vadd.s32 v22, v25;
	v22 =	vadd.s32 v1, v18  }
0x68: {  	vm3 =	vge.s32 v28, v9;
	v18 =	vsel vm4, $0x1, v3;
	v27 =	vadd.s32 v27, v23;
	[tilespmem:s25+$0xFFFFFFD0] =	vst v14  }
0x69: {  	v26 =	vsel vm3, $0x1, v3;
	v28 =	vsel vm2, $0x1, v3;
	[tilespmem:v21+s13+$0x0] =	vst.idx.add.s32.msk $0xffff, v2;
	v21 =	vadd.s32 v18, v27  }
.Ltmp3:
0x6a: {  	v18 =	vadd.s32 v1, v19;
	v19 =	vshll.u32 v30, $0x4;
	v26 =	vadd.s32 v26, v21;
	(pc) =	sbr.rel @p0 .LBB2_5-.Ltmp3, $4  }
0x6b: {  	v19 =	vadd.s32 v1, v19;
	v29 =	vshll.u32 v26, $0x4;
	v28 =	vadd.s32 v28, v26;
	[tilespmem:s25+$0x20] =	vst v10  }
0x6c: {  	v30 =	vshll.u32 v21, $0x4;
	v21 =	vand.u32 $0x1FF0, v29;
	[tilespmem:v22+s13+$0x0] =	vst.idx.add.s32.msk $0xffff, v2;
	v26 =	vadd.s32 v24, v28  }
0x6d: {  	v24 =	vand.u32 $0x1FF0, v30;
	v22 =	vshll.u32 v28, $0x4;
	v29 =	vshll.u32 v26, $0x4  }
0x6e: {  	v27 =	vshll.u32 v27, $0x4;
	s25 =	sadd.s32 $0x80, s25;
	v28 =	vand.u32 $0x1FF0, v22;
	v22 =	vand.u32 $0x1FF0, v29  }
0x6f: {  	[tilespmem:s21+$0x30] =	vst v5  }
0x70: {  	[tilespmem:s21+$0xFFFFFFE0] =	vst v6  }
0x71: {  	v15 =	vadd.s32 v1, v15;
	[tilespmem:s21+$0x0] =	vst v12  }
0x72: {  	v25 =	vshll.u32 v25, $0x4;
	v20 =	vshll.u32 v20, $0x4;
	v16 =	vadd.s32 v1, v16;
	[tilespmem:s21+$0x10] =	vst v11  }
0x73: {  	[tilespmem:s21+$0xFFFFFFC0] =	vst v13;
	v25 =	vand.u32 $0x1FF0, v25;
	v20 =	vadd.s32 v1, v20  }
0x74: {  	[tilespmem:v19+s13+$0x0] =	vst.idx.add.s32.msk $0xffff, v2;
	v25 =	vor.u32 v0, v25  }
0x75: {  	v8 =	vor.u32 v0, v8;
	[tilespmem:v18+s13+$0x0] =	vst.idx.add.s32.msk $0xffff, v2  }
0x76: {  	v59 =	vor.u32 v0, v28;
	[tilespmem:v15+s13+$0x0] =	vst.idx.add.s32.msk $0xffff, v2  }
0x77: {  	v62 =	vor.u32 v0, v24;
	[tilespmem:v16+s13+$0x0] =	vst.idx.add.s32.msk $0xffff, v2  }
0x78: {  	v60 =	vand.u32 $0x1FF0, v27;
	v63 =	vor.u32 v0, v21;
	[tilespmem:v20+s13+$0x0] =	vst.idx.add.s32.msk $0xffff, v2  }
0x79: {  	v58 =	vshll.u32 v23, $0x4;
	vm7 =	vmmov vm7;
	v61 =	vor.u32 v0, v60;
	[tilespmem:v25+s14+$0x0] =	vst.idx.msk vm6, v14  }
0x7a: {  	v14 =	vand.u32 $0x1FF0, v58;
	[tilespmem:v8+s14+$0x0] =	vst.idx.msk vm5, v13;
	v8 =	vor.u32 v0, v22  }
0x7b: {  	[tilespmem:v59+s14+$0x0] =	vst.idx.msk vm1, v10;
	v14 =	vor.u32 v0, v14  }
0x7c: {  	[tilespmem:v62+s14+$0x0] =	vst.idx.msk vm3, v12  }
0x7d: {  	[tilespmem:v63+s14+$0x0] =	vst.idx.msk vm2, v11  }
0x7e: {  	[tilespmem:v61+s14+$0x0] =	vst.idx.msk vm4, v7  }
0x7f: {  	[tilespmem:v8+s14+$0x0] =	vst.idx.msk vm7, v5  }
0x80: {  	vm15 =	vmmov vm8;
	[tilespmem:v14+s14+$0x0] =	vst.idx.msk vm8, v6;
	v6 =	vadd.s32 v17, v26  }
.LBB2_7:
0x81: {  	v5 =	vld [tilespmem:s23+$0x0];
	_ =	sdelay $0x4  }
0x82: {  	v5 =	vxor.u32 $0x80000000, v5  }
0x83: {  	(xrf0) =	vmax.scan.msk.u32 $0xffff, v5;
	_ =	sdelay $0x5  }
0x84: {  	v5, _, _ =	vpop (xrf0)  }
0x85: {  	(v2sf) =	vpush v5, $0xF;
	_ =	sdelay $0xd  }
0x86: {  	s22 =	sadd.s32 $0xFFFFFFFF, s22  }
0x87: {  	p0 =	slt.s32 s22, $0x0;
	s3 =	spop (v2sf)  }
0x88: {  	p1 =	seq.s32 @!p0 s3, $0x80000000  }
0x89: {  	p1 =	por p0, !p1  }
.Ltmp4:
0x8a: {  	_ = 	snop;
	(pc) =	sbr.rel @!p1 .LBB2_7-.Ltmp4, $2  }
0x8b: {  	_ =	sdelay $0x2  }
0x8c: {  	s0 =	smov.u32 s23;
	s23 =	sadd.s32 $0xFFFFFFF0, s23  }
0x8d: {  	p1 =	sgt.u32 @!p0 s8, $0x8000003F  }
0x8e: {  	p1 =	por p0, p1  }
.Ltmp5:
0x8f: {  	_ = 	snop;
	(pc) =	sbr.rel @p1 .LBB2_342-.Ltmp5, $2  }
0x90: {  	_ =	sdelay $0x2  }
0x91: {  	v8 =	vimm.s32 $0x0  }
0x92: {  	v7 =	vimm.s32 $0x0;
	v5 =	vimm.s32 $0x0  }
.LBB2_10:
0x93: {  	v10 =	vld [tilespmem:s0+$0x0];
	_ =	sdelay $0x4  }
0x94: {  	v10 =	vadd.s32 v8, v10  }
0x95: {  	v11 =	vxor.u32 $0x80000000, v10  }
0x96: {  	(xrf0) =	vmin.scan.msk.u32 $0xffff, v11;
	_ =	sdelay $0x5  }
0x97: {  	v11, _, _ =	vpop (xrf0)  }
0x98: {  	(v2sf) =	vpush v11, $0xF;
	_ =	sdelay $0xe  }
0x99: {  	p0 =	sne.s32 s22, $0x0;
	s3 =	spop (v2sf)  }
0x9a: {  	p1 =	slt.u32 @p0 s3, $0x80000040  }
0x9b: {  	p1 =	por !p0, !p1  }
.Ltmp6:
0x9c: {  	_ = 	snop;
	(pc) =	sbr.rel @!p1 .LBB2_10-.Ltmp6, $4  }
0x9d: {  	_ = 	snop  }
0x9e: {  	vm1 =	vlt.s32 v8, $0x40;
	vm2 =	vgt.s32 v10, $0x3F  }
0x9f: {  	vm1 =	vmand vm1, vm2  }
0xa0: {  	s0 =	sadd.s32 $0xFFFFFFF0, s0;
	v5 =	vsel vm1, s22, v5;
	v7 =	vsel vm1, v8, v7;
	s22 =	sadd.s32 $0xFFFFFFFF, s22;
	v8 =	vmov v10  }
.Ltmp7:
0xa1: {  	(pc) =	sbr.rel .LBB2_12-.Ltmp7, $2  }
0xa2: {  	_ =	sdelay $0x2  }
0xa3: {  	v5 =	vpsel p0, v5, v5;
	v7 =	vpsel p0, v7, v7  }
.LBB2_342:
0xa4: {  	v5 =	vpsel p0, $0x0, v8;
	v7 =	vpsel p0, $0x0, v8  }
.LBB2_12:
0xa5: {  	p0 =	sne.s32 s20, $0x0  }
.Ltmp8:
0xa6: {  	_ = 	snop;
	(pc) =	sbr.rel @p0 .LBB2_20-.Ltmp8, $2  }
0xa7: {  	_ =	sdelay $0x2  }
0xa8: {  	v8 =	vadd.s32 $0xFFFFFE00, v5  }
0xa9: {  	s0 =	simm.s32 $0x40  }
0xaa: {  	v21 =	vld [tilespmem:s0+$0xFFFFFFC0]  }
0xab: {  	v10 =	vld [tilespmem:s0+$0x10]  }
0xac: {  	v29 =	vld [tilespmem:s0+$0xFFFFFFF0]  }
0xad: {  	v23 =	vld [tilespmem:s0+$0xFFFFFFD0]  }
0xae: {  	v22 =	vld [tilespmem:s0+$0x20]  }
0xaf: {  	v25 =	vld [tilespmem:s0+$0xFFFFFFE0];
	_ =	sdelay $0x1  }
0xb0: {  	v16 =	vld [tilespmem:s0+$0x0];
	v11 =	vshra.s32 v21, $0x16  }
0xb1: {  	v12 =	vshra.s32 v10, $0x16;
	v14 =	vshra.s32 v29, $0x16;
	v15 =	vshra.s32 v23, $0x16  }
0xb2: {  	v26 =	vshra.s32 v22, $0x16;
	vm5 =	vge.s32 v11, v8;
	vm6 =	vge.s32 v12, v8  }
0xb3: {  	v12 =	vshra.s32 v25, $0x16;
	vm3 =	vge.s32 v14, v8;
	vm2 =	vge.s32 v15, v8  }
0xb4: {  	p2 =	por $0x0, $0x0;
	v11 =	vsel vm5, $0x1, v3;
	vm1 =	vge.s32 v12, v8;
	v14 =	vsel vm2, $0x1, v3  }
.Ltmp9:
0xb5: {  	v27 =	vsel vm6, $0x1, v3;
	v13 =	vadd.s32 v11, v6;
	v11 =	vshra.s32 v16, $0x16;
	(pc) =	sbr.rel @p2 .LBB2_14-.Ltmp9, $4  }
0xb6: {  	v12 =	vsel vm1, $0x1, v3;
	vm7 =	vge.s32 v11, v8;
	v11 =	vadd.s32 v14, v13  }
0xb7: {  	v14 =	vsel vm3, $0x1, v3;
	v17 =	vshll.u32 v11, $0x4;
	v11 =	vadd.s32 v12, v11  }
0xb8: {  	v15 =	vsel vm7, $0x1, v3;
	v32 =	vshll.u32 v11, $0x4;
	v11 =	vadd.s32 v14, v11  }
0xb9: {  	p1 =	por $0x0, $0x0;
	v24 =	vld [tilespmem:s0+$0x30];
	s0 =	simm.s32 $0xC0;
	v30 =	vand.u32 $0x1FF0, v17;
	v14 =	vshll.u32 v11, $0x4;
	v28 =	vadd.s32 v15, v11  }
0xba: {  	v6 =	vshll.u32 v6, $0x4;
	v12 =	vand.u32 $0x1FF0, v32  }
0xbb: {  	vm9 =	vmmov vm5;
	vm4 =	vmmov vm6;
	v13 =	vshll.u32 v13, $0x4  }
0xbc: {  	v11 =	vld [tilespmem:s0+$0xFFFFFFC0];
	vm8 =	vmmov vm7;
	v30 =	vor.u32 v0, v30;
	v33 =	vshll.u32 v28, $0x4  }
0xbd: {  	vm10 =	vge.s32 v26, v8;
	v20 =	vadd.s32 v27, v28;
	v14 =	vand.u32 $0x1FF0, v14  }
0xbe: {  	v17 =	vld [tilespmem:s0+$0x10];
	v6 =	vand.u32 $0x1FF0, v6;
	v18 =	vor.u32 v0, v12;
	v26 =	vsel vm10, $0x1, v3  }
0xbf: {  	v19 =	vld [tilespmem:s0+$0xFFFFFFF0];
	v27 =	vshll.u32 v20, $0x4;
	v14 =	vor.u32 v0, v14;
	v63 =	vor.u32 v0, v6  }
0xc0: {  	v12 =	vld [tilespmem:s0+$0x0];
	v6 =	vand.u32 $0x1FF0, v13;
	v27 =	vand.u32 $0x1FF0, v27;
	v15 =	vshra.s32 v24, $0x16  }
0xc1: {  	v31 =	vor.u32 v0, v6;
	vm11 =	vge.s32 v15, v8;
	v13 =	vshra.s32 v11, $0x16;
	v15 =	vld [tilespmem:s0+$0xFFFFFFE0]  }
0xc2: {  	v27 =	vor.u32 v0, v27;
	vm5 =	vge.s32 v13, v8;
	v13 =	vadd.s32 v26, v20;
	v20 =	vld [tilespmem:s0+$0xFFFFFFD0]  }
0xc3: {  	v34 =	vshra.s32 v17, $0x16;
	v6 =	vsel vm11, $0x1, v3;
	v28 =	vshll.u32 v13, $0x4  }
0xc4: {  	[tilespmem:v18+s14+$0x0] =	vst.idx.msk vm3, v29;
	vm6 =	vge.s32 v34, v8;
	v29 =	vshra.s32 v19, $0x16;
	v18 =	vld [tilespmem:s0+$0x20];
	v28 =	vand.u32 $0x1FF0, v28  }
0xc5: {  	[tilespmem:v30+s14+$0x0] =	vst.idx.msk vm1, v25;
	v26 =	vsel vm5, $0x1, v3;
	v6 =	vadd.s32 v6, v13;
	v28 =	vor.u32 v0, v28  }
0xc6: {  	vm3 =	vge.s32 v29, v8;
	v13 =	vadd.s32 v26, v6;
	v26 =	vshra.s32 v12, $0x16;
	[tilespmem:v31+s14+$0x0] =	vst.idx.msk vm2, v23  }
0xc7: {  	[tilespmem:v27+s14+$0x0] =	vst.idx.msk vm10, v22;
	v27 =	vsel vm6, $0x1, v3;
	v25 =	vshra.s32 v15, $0x16;
	v23 =	vshra.s32 v20, $0x16  }
0xc8: {  	p2 =	por $0x0, $0x0;
	vm7 =	vge.s32 v26, v8;
	vm1 =	vge.s32 v25, v8;
	vm2 =	vge.s32 v23, v8  }
.Ltmp10:
0xc9: {  	[tilespmem:v63+s14+$0x0] =	vst.idx.msk vm9, v21;
	v25 =	vand.u32 $0x1FF0, v33;
	v26 =	vshra.s32 v18, $0x16;
	v29 =	vsel vm2, $0x1, v3;
	(pc) =	sbr.rel @p2 .LBB2_16-.Ltmp10, $4  }
0xca: {  	v23 =	vsel vm1, $0x1, v3;
	v31 =	vor.u32 v0, v25;
	v21 =	vadd.s32 v29, v13;
	[tilespmem:v28+s14+$0x0] =	vst.idx.msk vm11, v24;
	v24 =	vld [tilespmem:s0+$0x30]  }
0xcb: {  	v25 =	vsel vm3, $0x1, v3;
	v28 =	vshll.u32 v21, $0x4;
	v21 =	vadd.s32 v23, v21  }
0xcc: {  	v29 =	vsel vm7, $0x1, v3;
	v32 =	vshll.u32 v21, $0x4;
	v21 =	vadd.s32 v25, v21  }
0xcd: {  	s21 =	simm.s32 $0x8;
	s22 =	simm.s32 $0x140;
	p1 =	por $0x1, $0x1;
	[tilespmem:v14+s14+$0x0] =	vst.idx.msk vm8, v16;
	v30 =	vand.u32 $0x1FF0, v28;
	v14 =	vshll.u32 v21, $0x4;
	v28 =	vadd.s32 v29, v21  }
.LBB2_17:
0xce: {  	v6 =	vshll.u32 v6, $0x4;
	v21 =	vand.u32 $0x1FF0, v32  }
0xcf: {  	v16 =	vld [tilespmem:s22+$0xFFFFFFC0];
	s21 =	sadd.s32 $0x8, s21;
	v22 =	vshra.s32 v24, $0x16;
	[tilespmem:v31+s14+$0x0] =	vst.idx.msk vm4, v10;
	v10 =	vmovc v17;
	vm11 =	vmmov vm5;
	vm4 =	vmmov vm6  }
0xd0: {  	v13 =	vshll.u32 v13, $0x4;
	v23 =	vld [tilespmem:s22+$0x30];
	p2 =	sgt.u32 s21, $0xFF7;
	v6 =	vand.u32 $0x1FF0, v6;
	v21 =	vor.u32 v0, v21  }
0xd1: {  	vm8 =	vmmov vm7;
	v13 =	vand.u32 $0x1FF0, v13;
	v25 =	vld [tilespmem:s22+$0x20];
	v6 =	vor.u32 v0, v6  }
0xd2: {  	v30 =	vor.u32 v0, v30;
	vm10 =	vge.s32 v22, v8;
	v31 =	vor.u32 v0, v13;
	v29 =	vld [tilespmem:s22+$0x0]  }
0xd3: {  	vm9 =	vge.s32 v26, v8;
	v22 =	vshll.u32 v28, $0x4;
	v13 =	vsel vm10, $0x1, v3;
	v17 =	vld [tilespmem:s22+$0x10]  }
0xd4: {  	v27 =	vadd.s32 v27, v28;
	v28 =	vsel vm9, $0x1, v3;
	v26 =	vshra.s32 v16, $0x16;
	v32 =	vld [tilespmem:s22+$0xFFFFFFF0]  }
0xd5: {  	vm5 =	vge.s32 v26, v8;
	v26 =	vld [tilespmem:s22+$0xFFFFFFE0];
	[tilespmem:v21+s14+$0x0] =	vst.idx.msk vm3, v19;
	v19 =	vshll.u32 v27, $0x4;
	v21 =	vadd.s32 v28, v27  }
0xd6: {  	v27 =	vsel vm5, $0x1, v3;
	v28 =	vld [tilespmem:s22+$0xFFFFFFD0];
	[tilespmem:v6+s14+$0x0] =	vst.idx.msk vm11, v11;
	v33 =	vshll.u32 v21, $0x4;
	v6 =	vadd.s32 v13, v21;
	v11 =	vmovc v16  }
0xd7: {  	v13 =	vadd.s32 v27, v6;
	v16 =	vshra.s32 v29, $0x16;
	[tilespmem:v31+s14+$0x0] =	vst.idx.msk vm2, v20;
	v20 =	vand.u32 $0x1FF0, v33  }
0xd8: {  	v31 =	vand.u32 $0x1FF0, v19;
	v21 =	vshra.s32 v17, $0x16;
	[tilespmem:v30+s14+$0x0] =	vst.idx.msk vm1, v15;
	v27 =	vor.u32 v0, v20  }
0xd9: {  	v33 =	vshra.s32 v32, $0x16;
	vm6 =	vge.s32 v21, v8;
	v21 =	vor.u32 v0, v31;
	v19 =	vmovc v32  }
0xda: {  	v14 =	vand.u32 $0x1FF0, v14;
	v30 =	vshra.s32 v26, $0x16;
	vm3 =	vge.s32 v33, v8;
	v15 =	vmovc v26  }
0xdb: {  	v14 =	vor.u32 v0, v14;
	v26 =	vshra.s32 v28, $0x16;
	vm1 =	vge.s32 v30, v8;
	v20 =	vmovc v28  }
0xdc: {  	v22 =	vand.u32 $0x1FF0, v22;
	vm2 =	vge.s32 v26, v8;
	v26 =	vsel vm1, $0x1, v3  }
.Ltmp11:
0xdd: {  	vm7 =	vge.s32 v16, v8;
	v31 =	vor.u32 v0, v22;
	v28 =	vsel vm2, $0x1, v3;
	[tilespmem:v27+s14+$0x0] =	vst.idx.msk vm10, v24;
	(pc) =	sbr.rel @!p2 .LBB2_17-.Ltmp11, $4  }
0xde: {  	v22 =	vsel vm3, $0x1, v3;
	v24 =	vmovc v23;
	v16 =	vadd.s32 v28, v13;
	v28 =	vsel vm7, $0x1, v3;
	[tilespmem:v21+s14+$0x0] =	vst.idx.msk vm9, v18  }
0xdf: {  	v18 =	vmovc v25;
	v21 =	vshll.u32 v16, $0x4;
	v16 =	vadd.s32 v26, v16;
	v26 =	vshra.s32 v25, $0x16  }
0xe0: {  	v27 =	vsel vm6, $0x1, v3;
	v32 =	vshll.u32 v16, $0x4;
	v16 =	vadd.s32 v22, v16;
	[tilespmem:v14+s14+$0x0] =	vst.idx.msk vm8, v12;
	v12 =	vmovc v29  }
0xe1: {  	s22 =	sadd.s32 $0x80, s22;
	v30 =	vand.u32 $0x1FF0, v21;
	v14 =	vshll.u32 v16, $0x4;
	v28 =	vadd.s32 v28, v16  }
0xe2: {  	v33 =	vmov v10;
	v10 =	vmov v17;
	v29 =	vmov v19  }
0xe3: {  	v21 =	vmovc v11;
	v23 =	vmovc v20;
	v25 =	vmov v15;
	v22 =	vmov v18;
	v16 =	vmov v12  }
.LBB2_19:
0xe4: {  	v6 =	vshll.u32 v6, $0x4  }
0xe5: {  	v11 =	vand.u32 $0x1FF0, v32;
	v12 =	vshra.s32 v24, $0x16;
	vm5 =	vmmov vm5  }
0xe6: {  	v13 =	vshll.u32 v13, $0x4;
	vm8 =	vge.s32 v26, v8;
	v15 =	vadd.s32 v27, v28  }
0xe7: {  	v18 =	vor.u32 v0, v30;
	v19 =	vshll.u32 v28, $0x4;
	v6 =	vand.u32 $0x1FF0, v6  }
0xe8: {  	v11 =	vor.u32 v0, v11;
	v17 =	vsel vm8, $0x1, v3;
	v13 =	vand.u32 $0x1FF0, v13  }
0xe9: {  	vm9 =	vge.s32 v12, v8;
	v6 =	vor.u32 v0, v6;
	v17 =	vadd.s32 v17, v15  }
0xea: {  	v62 =	vand.u32 $0x1FF0, v19;
	v13 =	vor.u32 v0, v13;
	v61 =	vshll.u32 v17, $0x4  }
0xeb: {  	[tilespmem:v31+s14+$0x0] =	vst.idx.msk @p1 vm4, v33;
	v15 =	vshll.u32 v15, $0x4;
	v63 =	vor.u32 v0, v62;
	v12 =	vand.u32 $0x1FF0, v61  }
0xec: {  	v15 =	vand.u32 $0x1FF0, v15;
	v12 =	vor.u32 v0, v12;
	[tilespmem:v18+s14+$0x0] =	vst.idx.msk vm1, v25  }
0xed: {  	v14 =	vand.u32 $0x1FF0, v14;
	[tilespmem:v11+s14+$0x0] =	vst.idx.msk vm3, v29;
	v11 =	vor.u32 v0, v15  }
0xee: {  	[tilespmem:v6+s14+$0x0] =	vst.idx.msk vm5, v21;
	v6 =	vor.u32 v0, v14  }
0xef: {  	[tilespmem:v13+s14+$0x0] =	vst.idx.msk vm2, v23  }
0xf0: {  	[tilespmem:v63+s14+$0x0] =	vst.idx.msk vm6, v10  }
0xf1: {  	[tilespmem:v12+s14+$0x0] =	vst.idx.msk vm9, v24  }
0xf2: {  	[tilespmem:v11+s14+$0x0] =	vst.idx.msk vm8, v22;
	v11 =	vsel vm9, $0x1, v3  }
0xf3: {  	vm15 =	vmmov vm7;
	vm3 =	vmmov vm6;
	[tilespmem:v6+s14+$0x0] =	vst.idx.msk vm7, v16;
	v6 =	vadd.s32 v11, v17  }
.LBB2_20:
0xf4: {  	vm1 =	vmmov vm0  }
0xf5: {  	vm2 =	vgt.s32 v9, v8;
	vm1 =	vmneg @p0 vm1  }
0xf6: {  	vm3 =	vgt.s32 v6, $0x1FF;
	vm1 =	vmand vm1, vm2  }
0xf7: {  	v9 =	vxor.u32 $0x80000000, v6;
	vm1 =	vmor vm1, vm3  }
0xf8: {  	(xrf0) =	vmax.scan.msk.u32 $0xffff, v9;
	v9 =	vsel vm1, $0x3F800000, v4  }
0xf9: {  	(xrf0) =	vmax.scan.msk.f32 $0xffff, v9;
	_ =	sdelay $0x4  }
0xfa: {  	v9, _, _ =	vpop (xrf0)  }
0xfb: {  	(v2sf) =	vpush v9, $0xF;
	v9, _, _ =	vpop (xrf0)  }
0xfc: {  	(v2sf) =	vpush v9, $0xF;
	_ =	sdelay $0xd  }
0xfd: {  	s0 =	spop (v2sf)  }
0xfe: {  	p1 =	seq.s32 s20, $0x7;
	s28 =	spop (v2sf)  }
0xff: {  	p2 =	sgt.f32 @!p1 s28, $0.0e+00;
	_ =	sdelay $0x1  }
0x100: {  	s22 =	sor.u32 s4, s20;
	p1 =	por p2, p1  }
0x101: {  	s3 =	sadd.s32 @!p1 $0x1, s22  }
0x102: {  	s6 =	sshll.u32 @!p1 s3, $0x1  }
0x103: {  	s23 =	sxor.u32 $0x80000000, s0;
	s3 =	sshll.u32 @!p1 s3, $0xD;
	s6 =	sand.u32 @!p1 $0xE, s6  }
0x104: {  	s10 =	simm.s32 @!p1 $0x0;
	s3 =	sand.u32 @!p1 $0xFFF0000, s3;
	s6 =	sadd.s32 @!p1 s1, s6  }
0x105: {  	s0 =	sadd.s32 @!p1 s3, s6;
	s3 =	simm.s32 @!p1 $0x10;
	s6 =	simm.s32 @!p1 $0x80  }
0x106: {  	[tilespmem:s10], [sflag:$0x1] =	stream.strided.gather @!p1 [hbm4b:s0+s3], $0x10000, s6, s3, $0x38;
	[tilespmem:$0x17800] =	vst v63  }
0x107: {  	s0 =	simm.s32 $0x14040  }
0x108: {  	[tilespmem:s0+$0xFFFFFFC0] =	vst v3  }
0x109: {  	[tilespmem:s0+$0x30] =	vst v3  }
0x10a: {  	p5 =	seq.s32 s22, $0x0;
	[tilespmem:s0+$0x20] =	vst v3  }
0x10b: {  	p6 =	por !p0, !p5;
	[tilespmem:s0+$0x10] =	vst v3  }
0x10c: {  	s9 =	simm.s32 $0x1;
	p0 =	por !p6, !p6;
	[tilespmem:s0+$0x0] =	vst v3  }
0x10d: {  	s9 =	simm.s32 @!p0 $0x0;
	p0 =	slt.s32 s23, $0x200;
	[tilespmem:s0+$0xFFFFFFF0] =	vst v3  }
0x10e: {  	s21 =	ssub.s32 s7, s9;
	s23 =	simm.s32 @!p0 $0x200;
	s3 =	simm.s32 $0x0;
	[tilespmem:s0+$0xFFFFFFE0] =	vst v3  }
.LBB2_21:
0x10f: {  	s3 =	sadd.s32 $0x8, s3;
	[tilespmem:s0+$0xFFFFFFD0] =	vst v3;
	s0 =	sadd.s32 $0x80, s0  }
0x110: {  	[tilespmem:s0+$0xFFFFFFC0] =	vst v3;
	p0 =	slt.u32 s3, $0xF8  }
0x111: {  	[tilespmem:s0+$0x30] =	vst v3  }
.Ltmp12:
0x112: {  	[tilespmem:s0+$0x20] =	vst v3;
	(pc) =	sbr.rel @p0 .LBB2_21-.Ltmp12, $4  }
0x113: {  	[tilespmem:s0+$0x10] =	vst v3  }
0x114: {  	[tilespmem:s0+$0x0] =	vst v3  }
0x115: {  	[tilespmem:s0+$0xFFFFFFF0] =	vst v3  }
0x116: {  	[tilespmem:s0+$0xFFFFFFE0] =	vst v3  }
0x117: {  	s3 =	sshrl.u32 s23, $0x1F  }
0x118: {  	s3 =	sadd.s32 s3, s23  }
0x119: {  	s24 =	sand.u32 $0xFFFFFFFE, s3  }
0x11a: {  	p0 =	slt.s32 s24, $0x1  }
.Ltmp13:
0x11b: {  	_ = 	snop;
	(pc) =	sbr.rel @p0 .LBB2_25-.Ltmp13, $2  }
0x11c: {  	_ =	sdelay $0x2  }
0x11d: {  	[tilespmem:s0+$0xFFFFFFD0] =	vst v3  }
0x11e: {  	p3 =	sgt.s32 s24, $0x2  }
.Ltmp14:
0x11f: {  	_ = 	snop;
	(pc) =	sbr.rel @!p3 .LBB2_24-.Ltmp14, $4  }
0x120: {  	_ = 	snop  }
0x121: {  	s6 =	simm.s32 $0x15010  }
0x122: {  	s0 =	simm.s32 $0x0;
	v13 =	vld [tilespmem:s6+$0x0]  }
0x123: {  	s3 =	simm.s32 $0x2;
	p1 =	por $0x0, $0x0;
	p2 =	por $0x0, $0x0;
	v9 =	vld [tilespmem:s6+$0xFFFFFFF0]  }
0x124: {  	_ = 	snop  }
0x125: {  	p3 =	sgt.s32 s24, $0x4  }
.Ltmp15:
0x126: {  	_ = 	snop;
	(pc) =	sbr.rel @!p3 .LBB2_33-.Ltmp15, $4  }
0x127: {  	vm2 =	vgt.s32 v6, s0;
	s6 =	simm.s32 $0x1  }
0x128: {  	s31 =	simm.s32 $0x15030;
	vm4 =	vgt.s32 v6, s6;
	v11 =	vshrl.u32 v13, $0xA;
	v10 =	vshra.s32 v9, $0x16  }
0x129: {  	v14 =	vld [tilespmem:s31+$0x0];
	v9 =	vshrl.u32 v9, $0xA;
	vm3 =	veq.s32 v10, v8;
	v10 =	vshra.s32 v13, $0x16  }
0x12a: {  	s0 =	simm.s32 $0x4;
	p1 =	por $0x1, $0x1;
	v12 =	vand.u32 $0xFF0, v9;
	v9 =	vld [tilespmem:s31+$0xFFFFFFF0];
	vm3 =	vmand vm2, vm3;
	vm6 =	veq.s32 v10, v8  }
0x12b: {  	_ = 	snop  }
0x12c: {  	v15 =	vor.u32 v0, v12;
	p3 =	sgt.s32 s24, $0x6  }
.Ltmp16:
0x12d: {  	v10 =	vand.u32 $0xFF0, v11;
	vm2 =	vmand vm4, vm6;
	(pc) =	sbr.rel @!p3 .LBB2_35-.Ltmp16, $4  }
0x12e: {  	vm4 =	vgt.s32 v6, s3;
	s3 =	simm.s32 $0x15050;
	v10 =	vor.u32 v0, v10  }
0x12f: {  	v13 =	vld [tilespmem:s3+$0x0];
	v11 =	vshrl.u32 v14, $0xA;
	v14 =	vshra.s32 v14, $0x16;
	v12 =	vshra.s32 v9, $0x16  }
0x130: {  	s6 =	simm.s32 $0x3;
	v16 =	vshrl.u32 v9, $0xA;
	v9 =	vld [tilespmem:s3+$0xFFFFFFF0];
	vm6 =	veq.s32 v14, v8;
	vm5 =	veq.s32 v12, v8  }
0x131: {  	s10 =	simm.s32 $0x6;
	p2 =	por $0x1, $0x1;
	v12 =	vand.u32 $0xFF0, v16;
	[tilespmem:v15+s15+$0x0] =	vst.idx.add.s32.msk vm3, v2;
	vm5 =	vmand vm4, vm5;
	vm4 =	vgt.s32 v6, s6  }
.LBB2_36:
0x132: {  	s6 =	smov.u32 s10;
	s10 =	sadd.s32 $0x2, s10  }
0x133: {  	v14 =	vor.u32 v0, v12;
	v11 =	vand.u32 $0xFF0, v11;
	[tilespmem:v10+s15+$0x0] =	vst.idx.add.s32.msk vm2, v2;
	vm2 =	vmand vm4, vm6;
	p3 =	slt.s32 s10, s24  }
.Ltmp17:
0x134: {  	v10 =	vor.u32 v0, v11;
	(pc) =	sbr.rel @p3 .LBB2_36-.Ltmp17, $4  }
0x135: {  	vm3 =	vgt.s32 v6, s0;
	s3 =	sadd.s32 $0x20, s3;
	v15 =	vmov v13  }
0x136: {  	v13 =	vld [tilespmem:s3+$0x0];
	v12 =	vshra.s32 v9, $0x16;
	v16 =	vshrl.u32 v9, $0xA;
	v11 =	vshrl.u32 v15, $0xA  }
0x137: {  	s9 =	sadd.s32 $0x1, s0;
	s0 =	smov.u32 s6;
	v15 =	vshra.s32 v15, $0x16;
	v9 =	vld [tilespmem:s3+$0xFFFFFFF0];
	vm7 =	veq.s32 v12, v8;
	v12 =	vand.u32 $0xFF0, v16  }
0x138: {  	vm4 =	vgt.s32 v6, s9;
	vm6 =	veq.s32 v15, v8;
	[tilespmem:v14+s15+$0x0] =	vst.idx.add.s32.msk vm5, v2;
	vm5 =	vmand vm3, vm7  }
0x139: {  	_ =	sdelay $0x1  }
0x13a: {  	s3 =	smov.u32 s0;
	vm3 =	vmmov vm5;
	v14 =	vmov v13  }
.LBB2_38:
0x13b: {  	v11 =	vand.u32 @p1 $0xFF0, v11  }
0x13c: {  	v12 =	vor.u32 @p1 v0, v12;
	vm4 =	vmand @p1 vm4, vm6;
	vm5 =	vgt.s32 v6, s3  }
0x13d: {  	v13 =	vshra.s32 v9, $0x16;
	v9 =	vshrl.u32 v9, $0xA;
	v62 =	vshrl.u32 v14, $0xA  }
0x13e: {  	s0 =	sadd.s32 $0x1, s3;
	v63 =	vshra.s32 v14, $0x16;
	v11 =	vor.u32 @p1 v0, v11;
	vm14 =	veq.s32 v13, v8  }
0x13f: {  	v9 =	vand.u32 $0xFF0, v9;
	vm4 =	vmmov @p1 vm4;
	vm15 =	vgt.s32 v6, s0  }
0x140: {  	vm7 =	veq.s32 v63, v8;
	vm5 =	vmand vm5, vm14;
	v11 =	vpsel p1, v11, v0  }
0x141: {  	v13 =	vand.u32 $0xFF0, v62;
	vm6 =	vmand vm15, vm7;
	v9 =	vor.u32 v0, v9  }
0x142: {  	v13 =	vor.u32 v0, v13  }
0x143: {  	[tilespmem:v10+s15+$0x0] =	vst.idx.add.s32.msk @p2 vm2, v2  }
0x144: {  	[tilespmem:v12+s15+$0x0] =	vst.idx.add.s32.msk @p1 vm3, v2  }
0x145: {  	[tilespmem:v11+s15+$0x0] =	vst.idx.add.s32.msk @p1 vm4, v2  }
0x146: {  	[tilespmem:v9+s15+$0x0] =	vst.idx.add.s32.msk vm5, v2  }
0x147: {  	[tilespmem:v13+s15+$0x0] =	vst.idx.add.s32.msk vm6, v2  }
.LBB2_25:
0x148: {  	p1 =	slt.s32 s24, s23  }
.Ltmp18:
0x149: {  	_ = 	snop;
	(pc) =	sbr.rel @!p1 .LBB2_26-.Ltmp18, $4  }
0x14a: {  	_ = 	snop  }
0x14b: {  	s30 =	ssub.s32 s23, s24  }
0x14c: {  	s0 =	sshll.u32 s23, $0x6;
	s3 =	sshll.u32 s30, $0x6  }
0x14d: {  	s25 =	ssub.s32 $0x0, s30;
	s26 =	ssub.s32 s0, s3  }
0x14e: {  	s3 =	sshra.s32 s26, $0x2  }
0x14f: {  	s0 =	ssub.s32 $0x0, s30;
	s3 =	sadd.s32 $0x15000, s3  }
.LBB2_40:
0x150: {  	v9 =	vld [tilespmem:s3+$0x0];
	_ =	sdelay $0x4  }
0x151: {  	s6 =	sadd.s32 s0, s23;
	v10 =	vshra.s32 v9, $0x16  }
0x152: {  	vm2 =	vgt.s32 v6, s6;
	v9 =	vshrl.u32 v9, $0xA;
	vm3 =	veq.s32 v10, v8  }
0x153: {  	s0 =	sadd.s32 $0x1, s0;
	v9 =	vand.u32 $0xFF0, v9;
	vm2 =	vmand vm2, vm3  }
0x154: {  	p2 =	seq.s32 s0, $0x0;
	v9 =	vor.u32 v0, v9  }
.Ltmp19:
0x155: {  	_ = 	snop;
	(pc) =	sbr.rel @!p2 .LBB2_40-.Ltmp19, $2  }
0x156: {  	_ =	sdelay $0x2  }
0x157: {  	s3 =	sadd.s32 $0x10, s3;
	[tilespmem:v9+s15+$0x0] =	vst.idx.add.s32.msk vm2, v2  }
.LBB2_26:
0x158: {  	s3 =	simm.s32 $0x100;
	s6 =	simm.s32 $0x14FF0  }
.LBB2_27:
0x159: {  	v9 =	vld [tilespmem:s6+$0x0];
	_ =	sdelay $0x4  }
0x15a: {  	v9 =	vxor.u32 $0x80000000, v9  }
0x15b: {  	(xrf0) =	vmax.scan.msk.u32 $0xffff, v9;
	_ =	sdelay $0x5  }
0x15c: {  	v9, _, _ =	vpop (xrf0)  }
0x15d: {  	(v2sf) =	vpush v9, $0xF;
	_ =	sdelay $0xd  }
0x15e: {  	s3 =	sadd.s32 $0xFFFFFFFF, s3  }
0x15f: {  	s0 =	smov.u32 s6;
	p2 =	slt.s32 s3, $0x0;
	s6 =	spop (v2sf)  }
0x160: {  	p3 =	seq.s32 @!p2 s6, $0x80000000  }
0x161: {  	p3 =	por p2, !p3  }
.Ltmp20:
0x162: {  	_ = 	snop;
	(pc) =	sbr.rel @!p3 .LBB2_27-.Ltmp20, $2  }
0x163: {  	_ =	sdelay $0x2  }
0x164: {  	s6 =	sadd.s32 $0xFFFFFFF0, s0  }
0x165: {  	v9 =	vxor.u32 $0x80000000, v7  }
0x166: {  	(xrf0) =	vmin.scan.msk.u32 $0xffff, v9;
	_ =	sdelay $0x5  }
0x167: {  	v9, _, _ =	vpop (xrf0)  }
0x168: {  	(v2sf) =	vpush v9, $0xF;
	_ =	sdelay $0xe  }
0x169: {  	s29 =	spop (v2sf)  }
0x16a: {  	p3 =	sgt.u32 @!p2 s29, $0x8000003F  }
0x16b: {  	p3 =	por p2, p3  }
.Ltmp21:
0x16c: {  	_ = 	snop;
	(pc) =	sbr.rel @p3 .LBB2_41-.Ltmp21, $2  }
0x16d: {  	_ =	sdelay $0x2  }
0x16e: {  	v9 =	vimm.s32 $0x0  }
0x16f: {  	v10 =	vimm.s32 $0x0;
	v11 =	vmov v7  }
.LBB2_30:
0x170: {  	v12 =	vld [tilespmem:s0+$0x0];
	_ =	sdelay $0x4  }
0x171: {  	v12 =	vadd.s32 v11, v12  }
0x172: {  	v13 =	vxor.u32 $0x80000000, v12  }
0x173: {  	(xrf0) =	vmin.scan.msk.u32 $0xffff, v13;
	_ =	sdelay $0x5  }
0x174: {  	v13, _, _ =	vpop (xrf0)  }
0x175: {  	(v2sf) =	vpush v13, $0xF;
	_ =	sdelay $0xe  }
0x176: {  	p2 =	sne.s32 s3, $0x0;
	s6 =	spop (v2sf)  }
0x177: {  	p3 =	slt.u32 @p2 s6, $0x80000040  }
0x178: {  	p3 =	por !p2, !p3  }
.Ltmp22:
0x179: {  	_ = 	snop;
	(pc) =	sbr.rel @!p3 .LBB2_30-.Ltmp22, $4  }
0x17a: {  	_ = 	snop  }
0x17b: {  	vm2 =	vlt.s32 v11, $0x40;
	vm3 =	vgt.s32 v12, $0x3F  }
0x17c: {  	vm2 =	vmand vm2, vm3  }
0x17d: {  	s0 =	sadd.s32 $0xFFFFFFF0, s0;
	v10 =	vsel vm2, s3, v10;
	v9 =	vsel vm2, v11, v9;
	s3 =	sadd.s32 $0xFFFFFFFF, s3;
	v11 =	vmov v12  }
.Ltmp23:
0x17e: {  	(pc) =	sbr.rel .LBB2_42-.Ltmp23, $2  }
0x17f: {  	_ =	sdelay $0x2  }
0x180: {  	v10 =	vpsel p2, v10, v10;
	v11 =	vpsel p2, v9, v9  }
.LBB2_41:
0x181: {  	v10 =	vpsel p2, $0x0, v9;
	v11 =	vpsel p2, $0x0, v9  }
.LBB2_42:
0x182: {  	s0 =	simm.s32 $0x14040  }
0x183: {  	[tilespmem:s0+$0xFFFFFFC0] =	vst v3  }
0x184: {  	[tilespmem:s0+$0x30] =	vst v3  }
0x185: {  	[tilespmem:s0+$0x20] =	vst v3  }
0x186: {  	[tilespmem:s0+$0x10] =	vst v3  }
0x187: {  	[tilespmem:s0+$0x0] =	vst v3  }
0x188: {  	[tilespmem:s0+$0xFFFFFFF0] =	vst v3  }
0x189: {  	s3 =	simm.s32 $0x0;
	[tilespmem:s0+$0xFFFFFFE0] =	vst v3  }
.LBB2_43:
0x18a: {  	s3 =	sadd.s32 $0x8, s3;
	[tilespmem:s0+$0xFFFFFFD0] =	vst v3;
	s0 =	sadd.s32 $0x80, s0  }
0x18b: {  	[tilespmem:s0+$0xFFFFFFC0] =	vst v3;
	p2 =	slt.u32 s3, $0x78  }
0x18c: {  	[tilespmem:s0+$0x30] =	vst v3  }
.Ltmp24:
0x18d: {  	[tilespmem:s0+$0x20] =	vst v3;
	(pc) =	sbr.rel @p2 .LBB2_43-.Ltmp24, $4  }
0x18e: {  	[tilespmem:s0+$0x10] =	vst v3  }
0x18f: {  	[tilespmem:s0+$0x0] =	vst v3  }
0x190: {  	[tilespmem:s0+$0xFFFFFFF0] =	vst v3  }
0x191: {  	[tilespmem:s0+$0xFFFFFFE0] =	vst v3  }
.Ltmp25:
0x192: {  	(pc) =	sbr.rel @p0 .LBB2_47-.Ltmp25, $3  }
0x193: {  	_ =	sdelay $0x1  }
0x194: {  	v9 =	vshll.u32 v8, $0x8  }
0x195: {  	[tilespmem:s0+$0xFFFFFFD0] =	vst v3;
	v10 =	vor.u32 v9, v10  }
0x196: {  	p4 =	sgt.s32 s24, $0x2  }
.Ltmp26:
0x197: {  	_ = 	snop;
	(pc) =	sbr.rel @!p4 .LBB2_46-.Ltmp26, $4  }
0x198: {  	_ = 	snop  }
0x199: {  	s6 =	simm.s32 $0x15010  }
0x19a: {  	s0 =	simm.s32 $0x0;
	v16 =	vld [tilespmem:s6+$0x0]  }
0x19b: {  	s3 =	simm.s32 $0x2;
	p2 =	por $0x0, $0x0;
	p3 =	por $0x0, $0x0;
	v12 =	vld [tilespmem:s6+$0xFFFFFFF0]  }
0x19c: {  	_ = 	snop  }
0x19d: {  	p4 =	sgt.s32 s24, $0x4  }
.Ltmp27:
0x19e: {  	_ = 	snop;
	(pc) =	sbr.rel @!p4 .LBB2_55-.Ltmp27, $4  }
0x19f: {  	vm2 =	vgt.s32 v6, s0;
	s6 =	simm.s32 $0x1  }
0x1a0: {  	s31 =	simm.s32 $0x15030;
	vm4 =	vgt.s32 v6, s6;
	v14 =	vshrl.u32 v16, $0x3;
	v13 =	vshra.s32 v12, $0xE  }
0x1a1: {  	v17 =	vld [tilespmem:s31+$0x0];
	v12 =	vshrl.u32 v12, $0x3;
	vm3 =	veq.s32 v13, v10;
	v13 =	vshra.s32 v16, $0xE  }
0x1a2: {  	s0 =	simm.s32 $0x4;
	p2 =	por $0x1, $0x1;
	v15 =	vand.u32 $0x7F0, v12;
	v12 =	vld [tilespmem:s31+$0xFFFFFFF0];
	vm3 =	vmand vm2, vm3;
	vm6 =	veq.s32 v13, v10  }
0x1a3: {  	_ = 	snop  }
0x1a4: {  	v18 =	vor.u32 v0, v15;
	p4 =	sgt.s32 s24, $0x6  }
.Ltmp28:
0x1a5: {  	v13 =	vand.u32 $0x7F0, v14;
	vm2 =	vmand vm4, vm6;
	(pc) =	sbr.rel @!p4 .LBB2_57-.Ltmp28, $4  }
0x1a6: {  	vm4 =	vgt.s32 v6, s3;
	s3 =	simm.s32 $0x15050;
	v13 =	vor.u32 v0, v13  }
0x1a7: {  	v16 =	vld [tilespmem:s3+$0x0];
	v14 =	vshrl.u32 v17, $0x3;
	v17 =	vshra.s32 v17, $0xE;
	v15 =	vshra.s32 v12, $0xE  }
0x1a8: {  	s6 =	simm.s32 $0x3;
	v19 =	vshrl.u32 v12, $0x3;
	v12 =	vld [tilespmem:s3+$0xFFFFFFF0];
	vm6 =	veq.s32 v17, v10;
	vm5 =	veq.s32 v15, v10  }
0x1a9: {  	s10 =	simm.s32 $0x6;
	p3 =	por $0x1, $0x1;
	v15 =	vand.u32 $0x7F0, v19;
	[tilespmem:v18+s15+$0x0] =	vst.idx.add.s32.msk vm3, v2;
	vm5 =	vmand vm4, vm5;
	vm4 =	vgt.s32 v6, s6  }
.LBB2_58:
0x1aa: {  	s6 =	smov.u32 s10;
	s10 =	sadd.s32 $0x2, s10  }
0x1ab: {  	v17 =	vor.u32 v0, v15;
	v14 =	vand.u32 $0x7F0, v14;
	[tilespmem:v13+s15+$0x0] =	vst.idx.add.s32.msk vm2, v2;
	vm2 =	vmand vm4, vm6;
	p4 =	slt.s32 s10, s24  }
.Ltmp29:
0x1ac: {  	v13 =	vor.u32 v0, v14;
	(pc) =	sbr.rel @p4 .LBB2_58-.Ltmp29, $4  }
0x1ad: {  	vm3 =	vgt.s32 v6, s0;
	s3 =	sadd.s32 $0x20, s3;
	v18 =	vmov v16  }
0x1ae: {  	v16 =	vld [tilespmem:s3+$0x0];
	v15 =	vshra.s32 v12, $0xE;
	v19 =	vshrl.u32 v12, $0x3;
	v14 =	vshrl.u32 v18, $0x3  }
0x1af: {  	s9 =	sadd.s32 $0x1, s0;
	s0 =	smov.u32 s6;
	v18 =	vshra.s32 v18, $0xE;
	v12 =	vld [tilespmem:s3+$0xFFFFFFF0];
	vm7 =	veq.s32 v15, v10;
	v15 =	vand.u32 $0x7F0, v19  }
0x1b0: {  	vm4 =	vgt.s32 v6, s9;
	vm6 =	veq.s32 v18, v10;
	[tilespmem:v17+s15+$0x0] =	vst.idx.add.s32.msk vm5, v2;
	vm5 =	vmand vm3, vm7  }
0x1b1: {  	_ =	sdelay $0x1  }
0x1b2: {  	s3 =	smov.u32 s0;
	vm3 =	vmmov vm5;
	v17 =	vmov v16  }
.LBB2_60:
0x1b3: {  	v14 =	vand.u32 @p2 $0x7F0, v14  }
0x1b4: {  	v15 =	vor.u32 @p2 v0, v15;
	vm4 =	vmand @p2 vm4, vm6;
	vm5 =	vgt.s32 v6, s3  }
0x1b5: {  	v16 =	vshra.s32 v12, $0xE;
	v61 =	vshrl.u32 v12, $0x3;
	v62 =	vshrl.u32 v17, $0x3  }
0x1b6: {  	s0 =	sadd.s32 $0x1, s3;
	v63 =	vshra.s32 v17, $0xE;
	v14 =	vor.u32 @p2 v0, v14;
	vm14 =	veq.s32 v16, v10  }
0x1b7: {  	v12 =	vand.u32 $0x7F0, v61;
	vm4 =	vmmov @p2 vm4;
	vm15 =	vgt.s32 v6, s0  }
0x1b8: {  	vm7 =	veq.s32 v63, v10;
	vm5 =	vmand vm5, vm14;
	v14 =	vpsel p2, v14, v0  }
0x1b9: {  	v16 =	vand.u32 $0x7F0, v62;
	vm6 =	vmand vm15, vm7;
	v12 =	vor.u32 v0, v12  }
0x1ba: {  	v16 =	vor.u32 v0, v16  }
0x1bb: {  	[tilespmem:v13+s15+$0x0] =	vst.idx.add.s32.msk @p3 vm2, v2  }
0x1bc: {  	[tilespmem:v15+s15+$0x0] =	vst.idx.add.s32.msk @p2 vm3, v2  }
0x1bd: {  	[tilespmem:v14+s15+$0x0] =	vst.idx.add.s32.msk @p2 vm4, v2  }
0x1be: {  	[tilespmem:v12+s15+$0x0] =	vst.idx.add.s32.msk vm5, v2  }
0x1bf: {  	[tilespmem:v16+s15+$0x0] =	vst.idx.add.s32.msk vm6, v2  }
.LBB2_47:
.Ltmp30:
0x1c0: {  	(pc) =	sbr.rel @!p1 .LBB2_48-.Ltmp30, $1  }
0x1c1: {  	_ =	sdelay $0x3  }
0x1c2: {  	s3 =	sshra.s32 s26, $0x2  }
0x1c3: {  	s0 =	ssub.s32 $0x0, s30;
	s3 =	sadd.s32 $0x15000, s3  }
.LBB2_62:
0x1c4: {  	v12 =	vld [tilespmem:s3+$0x0];
	_ =	sdelay $0x4  }
0x1c5: {  	s6 =	sadd.s32 s0, s23;
	v13 =	vshra.s32 v12, $0xE  }
0x1c6: {  	vm2 =	vgt.s32 v6, s6;
	v12 =	vshrl.u32 v12, $0x3;
	vm3 =	veq.s32 v13, v10  }
0x1c7: {  	s0 =	sadd.s32 $0x1, s0;
	v12 =	vand.u32 $0x7F0, v12;
	vm2 =	vmand vm2, vm3  }
0x1c8: {  	p2 =	seq.s32 s0, $0x0;
	v12 =	vor.u32 v0, v12  }
.Ltmp31:
0x1c9: {  	_ = 	snop;
	(pc) =	sbr.rel @!p2 .LBB2_62-.Ltmp31, $2  }
0x1ca: {  	_ =	sdelay $0x2  }
0x1cb: {  	s3 =	sadd.s32 $0x10, s3;
	[tilespmem:v12+s15+$0x0] =	vst.idx.add.s32.msk vm2, v2  }
.LBB2_48:
0x1cc: {  	s3 =	simm.s32 $0x80;
	s6 =	simm.s32 $0x147F0  }
.LBB2_49:
0x1cd: {  	v12 =	vld [tilespmem:s6+$0x0];
	_ =	sdelay $0x4  }
0x1ce: {  	v12 =	vxor.u32 $0x80000000, v12  }
0x1cf: {  	(xrf0) =	vmax.scan.msk.u32 $0xffff, v12;
	_ =	sdelay $0x5  }
0x1d0: {  	v12, _, _ =	vpop (xrf0)  }
0x1d1: {  	(v2sf) =	vpush v12, $0xF;
	_ =	sdelay $0xd  }
0x1d2: {  	s3 =	sadd.s32 $0xFFFFFFFF, s3  }
0x1d3: {  	s0 =	smov.u32 s6;
	p2 =	slt.s32 s3, $0x0;
	s6 =	spop (v2sf)  }
0x1d4: {  	p3 =	seq.s32 @!p2 s6, $0x80000000  }
0x1d5: {  	p3 =	por p2, !p3  }
.Ltmp32:
0x1d6: {  	_ = 	snop;
	(pc) =	sbr.rel @!p3 .LBB2_49-.Ltmp32, $2  }
0x1d7: {  	_ =	sdelay $0x2  }
0x1d8: {  	s6 =	sadd.s32 $0xFFFFFFF0, s0  }
0x1d9: {  	v12 =	vxor.u32 $0x80000000, v11  }
0x1da: {  	(xrf0) =	vmin.scan.msk.u32 $0xffff, v12;
	_ =	sdelay $0x5  }
0x1db: {  	v12, _, _ =	vpop (xrf0)  }
0x1dc: {  	(v2sf) =	vpush v12, $0xF;
	_ =	sdelay $0xe  }
0x1dd: {  	s6 =	spop (v2sf)  }
0x1de: {  	p3 =	sgt.u32 @!p2 s6, $0x8000003F  }
0x1df: {  	p3 =	por p2, p3  }
.Ltmp33:
0x1e0: {  	_ = 	snop;
	(pc) =	sbr.rel @p3 .LBB2_63-.Ltmp33, $2  }
0x1e1: {  	_ =	sdelay $0x2  }
0x1e2: {  	v13 =	vimm.s32 $0x0  }
0x1e3: {  	v12 =	vimm.s32 $0x0  }
.LBB2_52:
0x1e4: {  	v14 =	vld [tilespmem:s0+$0x0];
	_ =	sdelay $0x4  }
0x1e5: {  	v14 =	vadd.s32 v11, v14  }
0x1e6: {  	v15 =	vxor.u32 $0x80000000, v14  }
0x1e7: {  	(xrf0) =	vmin.scan.msk.u32 $0xffff, v15;
	_ =	sdelay $0x5  }
0x1e8: {  	v15, _, _ =	vpop (xrf0)  }
0x1e9: {  	(v2sf) =	vpush v15, $0xF;
	_ =	sdelay $0xe  }
0x1ea: {  	p2 =	sne.s32 s3, $0x0;
	s6 =	spop (v2sf)  }
0x1eb: {  	p3 =	slt.u32 @p2 s6, $0x80000040  }
0x1ec: {  	p3 =	por !p2, !p3  }
.Ltmp34:
0x1ed: {  	_ = 	snop;
	(pc) =	sbr.rel @!p3 .LBB2_52-.Ltmp34, $4  }
0x1ee: {  	_ = 	snop  }
0x1ef: {  	vm2 =	vlt.s32 v11, $0x40;
	vm3 =	vgt.s32 v14, $0x3F  }
0x1f0: {  	vm2 =	vmand vm2, vm3  }
0x1f1: {  	s0 =	sadd.s32 $0xFFFFFFF0, s0;
	v12 =	vsel vm2, s3, v12;
	v13 =	vsel vm2, v11, v13;
	s3 =	sadd.s32 $0xFFFFFFFF, s3;
	v11 =	vmov v14  }
.Ltmp35:
0x1f2: {  	(pc) =	sbr.rel .LBB2_64-.Ltmp35, $2  }
0x1f3: {  	_ =	sdelay $0x2  }
0x1f4: {  	v12 =	vpsel p2, v12, v12;
	v11 =	vpsel p2, v13, v13  }
.LBB2_63:
0x1f5: {  	v12 =	vpsel p2, $0x0, v13;
	v11 =	vpsel p2, $0x0, v13  }
.LBB2_64:
0x1f6: {  	s0 =	simm.s32 $0x14040  }
0x1f7: {  	[tilespmem:s0+$0xFFFFFFC0] =	vst v3  }
0x1f8: {  	[tilespmem:s0+$0x30] =	vst v3  }
0x1f9: {  	[tilespmem:s0+$0x20] =	vst v3  }
0x1fa: {  	[tilespmem:s0+$0x10] =	vst v3  }
0x1fb: {  	[tilespmem:s0+$0x0] =	vst v3  }
0x1fc: {  	[tilespmem:s0+$0xFFFFFFF0] =	vst v3  }
0x1fd: {  	s3 =	simm.s32 $0x0;
	[tilespmem:s0+$0xFFFFFFE0] =	vst v3  }
.LBB2_65:
0x1fe: {  	s3 =	sadd.s32 $0x8, s3;
	[tilespmem:s0+$0xFFFFFFD0] =	vst v3;
	s0 =	sadd.s32 $0x80, s0  }
0x1ff: {  	[tilespmem:s0+$0xFFFFFFC0] =	vst v3;
	p2 =	slt.u32 s3, $0x78  }
0x200: {  	[tilespmem:s0+$0x30] =	vst v3  }
.Ltmp36:
0x201: {  	[tilespmem:s0+$0x20] =	vst v3;
	(pc) =	sbr.rel @p2 .LBB2_65-.Ltmp36, $4  }
0x202: {  	[tilespmem:s0+$0x10] =	vst v3  }
0x203: {  	[tilespmem:s0+$0x0] =	vst v3  }
0x204: {  	[tilespmem:s0+$0xFFFFFFF0] =	vst v3  }
0x205: {  	[tilespmem:s0+$0xFFFFFFE0] =	vst v3  }
.Ltmp37:
0x206: {  	(pc) =	sbr.rel @p0 .LBB2_69-.Ltmp37, $3  }
0x207: {  	_ =	sdelay $0x1  }
0x208: {  	v10 =	vshll.u32 v10, $0x7  }
0x209: {  	[tilespmem:s0+$0xFFFFFFD0] =	vst v3;
	v10 =	vor.u32 v10, v12  }
0x20a: {  	p4 =	sgt.s32 s24, $0x2  }
.Ltmp38:
0x20b: {  	_ = 	snop;
	(pc) =	sbr.rel @!p4 .LBB2_68-.Ltmp38, $4  }
0x20c: {  	_ = 	snop  }
0x20d: {  	s6 =	simm.s32 $0x15010  }
0x20e: {  	s0 =	simm.s32 $0x0;
	v16 =	vld [tilespmem:s6+$0x0]  }
0x20f: {  	s3 =	simm.s32 $0x2;
	p2 =	por $0x0, $0x0;
	p3 =	por $0x0, $0x0;
	v12 =	vld [tilespmem:s6+$0xFFFFFFF0]  }
0x210: {  	_ = 	snop  }
0x211: {  	p4 =	sgt.s32 s24, $0x4  }
.Ltmp39:
0x212: {  	_ = 	snop;
	(pc) =	sbr.rel @!p4 .LBB2_75-.Ltmp39, $4  }
0x213: {  	vm2 =	vgt.s32 v6, s0;
	s6 =	simm.s32 $0x1  }
0x214: {  	s31 =	simm.s32 $0x15030;
	vm4 =	vgt.s32 v6, s6;
	v14 =	vshll.u32 v16, $0x4;
	v13 =	vshra.s32 v12, $0x7  }
0x215: {  	v17 =	vld [tilespmem:s31+$0x0];
	v12 =	vshll.u32 v12, $0x4;
	vm3 =	veq.s32 v13, v10;
	v13 =	vshra.s32 v16, $0x7  }
0x216: {  	s0 =	simm.s32 $0x4;
	p2 =	por $0x1, $0x1;
	v15 =	vand.u32 $0x7F0, v12;
	v12 =	vld [tilespmem:s31+$0xFFFFFFF0];
	vm3 =	vmand vm2, vm3;
	vm6 =	veq.s32 v13, v10  }
0x217: {  	_ = 	snop  }
0x218: {  	v18 =	vor.u32 v0, v15;
	p4 =	sgt.s32 s24, $0x6  }
.Ltmp40:
0x219: {  	v13 =	vand.u32 $0x7F0, v14;
	vm2 =	vmand vm4, vm6;
	(pc) =	sbr.rel @!p4 .LBB2_77-.Ltmp40, $4  }
0x21a: {  	vm4 =	vgt.s32 v6, s3;
	s3 =	simm.s32 $0x15050;
	v13 =	vor.u32 v0, v13  }
0x21b: {  	v16 =	vld [tilespmem:s3+$0x0];
	v14 =	vshll.u32 v17, $0x4;
	v17 =	vshra.s32 v17, $0x7;
	v15 =	vshra.s32 v12, $0x7  }
0x21c: {  	s6 =	simm.s32 $0x3;
	v19 =	vshll.u32 v12, $0x4;
	v12 =	vld [tilespmem:s3+$0xFFFFFFF0];
	vm6 =	veq.s32 v17, v10;
	vm5 =	veq.s32 v15, v10  }
0x21d: {  	s10 =	simm.s32 $0x6;
	p3 =	por $0x1, $0x1;
	v15 =	vand.u32 $0x7F0, v19;
	[tilespmem:v18+s15+$0x0] =	vst.idx.add.s32.msk vm3, v2;
	vm5 =	vmand vm4, vm5;
	vm4 =	vgt.s32 v6, s6  }
.LBB2_78:
0x21e: {  	s6 =	smov.u32 s10;
	s10 =	sadd.s32 $0x2, s10  }
0x21f: {  	v17 =	vor.u32 v0, v15;
	v14 =	vand.u32 $0x7F0, v14;
	[tilespmem:v13+s15+$0x0] =	vst.idx.add.s32.msk vm2, v2;
	vm2 =	vmand vm4, vm6;
	p4 =	slt.s32 s10, s24  }
.Ltmp41:
0x220: {  	v13 =	vor.u32 v0, v14;
	(pc) =	sbr.rel @p4 .LBB2_78-.Ltmp41, $4  }
0x221: {  	vm3 =	vgt.s32 v6, s0;
	s3 =	sadd.s32 $0x20, s3;
	v18 =	vmov v16  }
0x222: {  	v16 =	vld [tilespmem:s3+$0x0];
	v15 =	vshra.s32 v12, $0x7;
	v19 =	vshll.u32 v12, $0x4;
	v14 =	vshll.u32 v18, $0x4  }
0x223: {  	s9 =	sadd.s32 $0x1, s0;
	s0 =	smov.u32 s6;
	v18 =	vshra.s32 v18, $0x7;
	v12 =	vld [tilespmem:s3+$0xFFFFFFF0];
	vm7 =	veq.s32 v15, v10;
	v15 =	vand.u32 $0x7F0, v19  }
0x224: {  	vm4 =	vgt.s32 v6, s9;
	vm6 =	veq.s32 v18, v10;
	[tilespmem:v17+s15+$0x0] =	vst.idx.add.s32.msk vm5, v2;
	vm5 =	vmand vm3, vm7  }
0x225: {  	_ =	sdelay $0x1  }
0x226: {  	s3 =	smov.u32 s0;
	vm3 =	vmmov vm5;
	v17 =	vmov v16  }
.LBB2_80:
0x227: {  	v14 =	vand.u32 @p2 $0x7F0, v14  }
0x228: {  	v15 =	vor.u32 @p2 v0, v15;
	vm4 =	vmand @p2 vm4, vm6;
	vm5 =	vgt.s32 v6, s3  }
0x229: {  	v16 =	vshra.s32 v12, $0x7;
	v61 =	vshll.u32 v12, $0x4;
	v62 =	vshll.u32 v17, $0x4  }
0x22a: {  	s0 =	sadd.s32 $0x1, s3;
	v63 =	vshra.s32 v17, $0x7;
	v14 =	vor.u32 @p2 v0, v14;
	vm14 =	veq.s32 v16, v10  }
0x22b: {  	v12 =	vand.u32 $0x7F0, v61;
	vm4 =	vmmov @p2 vm4;
	vm15 =	vgt.s32 v6, s0  }
0x22c: {  	vm7 =	veq.s32 v63, v10;
	vm5 =	vmand vm5, vm14;
	v14 =	vpsel p2, v14, v0  }
0x22d: {  	v16 =	vand.u32 $0x7F0, v62;
	vm6 =	vmand vm15, vm7;
	v12 =	vor.u32 v0, v12  }
0x22e: {  	v16 =	vor.u32 v0, v16  }
0x22f: {  	[tilespmem:v13+s15+$0x0] =	vst.idx.add.s32.msk @p3 vm2, v2  }
0x230: {  	[tilespmem:v15+s15+$0x0] =	vst.idx.add.s32.msk @p2 vm3, v2  }
0x231: {  	[tilespmem:v14+s15+$0x0] =	vst.idx.add.s32.msk @p2 vm4, v2  }
0x232: {  	[tilespmem:v12+s15+$0x0] =	vst.idx.add.s32.msk vm5, v2  }
0x233: {  	[tilespmem:v16+s15+$0x0] =	vst.idx.add.s32.msk vm6, v2  }
.LBB2_69:
.Ltmp42:
0x234: {  	(pc) =	sbr.rel @!p1 .LBB2_70-.Ltmp42, $1  }
0x235: {  	_ =	sdelay $0x3  }
0x236: {  	s3 =	sshra.s32 s26, $0x2  }
0x237: {  	s0 =	ssub.s32 $0x0, s30;
	s3 =	sadd.s32 $0x15000, s3  }
.LBB2_82:
0x238: {  	v12 =	vld [tilespmem:s3+$0x0];
	_ =	sdelay $0x4  }
0x239: {  	s6 =	sadd.s32 s0, s23;
	v13 =	vshra.s32 v12, $0x7  }
0x23a: {  	vm2 =	vgt.s32 v6, s6;
	v12 =	vshll.u32 v12, $0x4;
	vm3 =	veq.s32 v13, v10  }
0x23b: {  	s0 =	sadd.s32 $0x1, s0;
	v12 =	vand.u32 $0x7F0, v12;
	vm2 =	vmand vm2, vm3  }
0x23c: {  	p1 =	seq.s32 s0, $0x0;
	v12 =	vor.u32 v0, v12  }
.Ltmp43:
0x23d: {  	_ = 	snop;
	(pc) =	sbr.rel @!p1 .LBB2_82-.Ltmp43, $2  }
0x23e: {  	_ =	sdelay $0x2  }
0x23f: {  	s3 =	sadd.s32 $0x10, s3;
	[tilespmem:v12+s15+$0x0] =	vst.idx.add.s32.msk vm2, v2  }
.LBB2_70:
0x240: {  	s3 =	simm.s32 $0x80;
	s6 =	simm.s32 $0x147F0  }
.LBB2_71:
0x241: {  	v12 =	vld [tilespmem:s6+$0x0];
	_ =	sdelay $0x4  }
0x242: {  	v12 =	vxor.u32 $0x80000000, v12  }
0x243: {  	(xrf0) =	vmax.scan.msk.u32 $0xffff, v12;
	_ =	sdelay $0x5  }
0x244: {  	v12, _, _ =	vpop (xrf0)  }
0x245: {  	(v2sf) =	vpush v12, $0xF;
	_ =	sdelay $0xd  }
0x246: {  	s3 =	sadd.s32 $0xFFFFFFFF, s3  }
0x247: {  	s0 =	smov.u32 s6;
	p1 =	slt.s32 s3, $0x0;
	s6 =	spop (v2sf)  }
0x248: {  	p2 =	seq.s32 @!p1 s6, $0x80000000  }
0x249: {  	p2 =	por p1, !p2  }
.Ltmp44:
0x24a: {  	_ = 	snop;
	(pc) =	sbr.rel @!p2 .LBB2_71-.Ltmp44, $2  }
0x24b: {  	_ =	sdelay $0x2  }
0x24c: {  	s6 =	sadd.s32 $0xFFFFFFF0, s0  }
0x24d: {  	v12 =	vxor.u32 $0x80000000, v11  }
0x24e: {  	(xrf0) =	vmin.scan.msk.u32 $0xffff, v12;
	_ =	sdelay $0x5  }
0x24f: {  	v12, _, _ =	vpop (xrf0)  }
0x250: {  	(v2sf) =	vpush v12, $0xF;
	_ =	sdelay $0xe  }
0x251: {  	s6 =	spop (v2sf)  }
0x252: {  	p2 =	sgt.u32 @!p1 s6, $0x8000003F  }
0x253: {  	p2 =	por p1, p2  }
.Ltmp45:
0x254: {  	_ = 	snop;
	(pc) =	sbr.rel @p2 .LBB2_73-.Ltmp45, $2  }
0x255: {  	_ =	sdelay $0x2  }
0x256: {  	v12 =	vimm.s32 $0x0  }
.LBB2_83:
0x257: {  	v13 =	vld [tilespmem:s0+$0x0];
	_ =	sdelay $0x4  }
0x258: {  	v13 =	vadd.s32 v11, v13  }
0x259: {  	v14 =	vxor.u32 $0x80000000, v13  }
0x25a: {  	(xrf0) =	vmin.scan.msk.u32 $0xffff, v14;
	_ =	sdelay $0x5  }
0x25b: {  	v14, _, _ =	vpop (xrf0)  }
0x25c: {  	(v2sf) =	vpush v14, $0xF;
	_ =	sdelay $0xe  }
0x25d: {  	p1 =	sne.s32 s3, $0x0;
	s6 =	spop (v2sf)  }
0x25e: {  	p2 =	slt.u32 @p1 s6, $0x80000040  }
0x25f: {  	p2 =	por !p1, !p2  }
.Ltmp46:
0x260: {  	_ = 	snop;
	(pc) =	sbr.rel @!p2 .LBB2_83-.Ltmp46, $4  }
0x261: {  	_ = 	snop  }
0x262: {  	vm2 =	vlt.s32 v11, $0x40;
	vm3 =	vgt.s32 v13, $0x3F  }
0x263: {  	vm2 =	vmand vm2, vm3  }
0x264: {  	s0 =	sadd.s32 $0xFFFFFFF0, s0;
	v11 =	vmov v13;
	v12 =	vsel vm2, s3, v12;
	s3 =	sadd.s32 $0xFFFFFFFF, s3  }
.Ltmp47:
0x265: {  	(pc) =	sbr.rel .LBB2_85-.Ltmp47, $2  }
0x266: {  	_ =	sdelay $0x2  }
0x267: {  	v11 =	vpsel p1, v12, v12  }
.LBB2_73:
0x268: {  	v11 =	vpsel p1, $0x0, v12  }
.LBB2_85:
0x269: {  	p1 =	sgt.f32 s28, $0.0e+00  }
.Ltmp48:
0x26a: {  	_ = 	snop;
	(pc) =	sbr.rel @!p1 .LBB2_91-.Ltmp48, $1  }
0x26b: {  	_ =	sdelay $0x3  }
0x26c: {  	s0 =	simm.s32 $0x14040  }
0x26d: {  	[tilespmem:s0+$0xFFFFFFC0] =	vst v3  }
0x26e: {  	[tilespmem:s0+$0x30] =	vst v3  }
0x26f: {  	[tilespmem:s0+$0x20] =	vst v3  }
0x270: {  	[tilespmem:s0+$0x10] =	vst v3  }
0x271: {  	[tilespmem:s0+$0x0] =	vst v3  }
0x272: {  	[tilespmem:s0+$0xFFFFFFF0] =	vst v3  }
0x273: {  	s3 =	simm.s32 $0x0;
	[tilespmem:s0+$0xFFFFFFE0] =	vst v3  }
.LBB2_87:
0x274: {  	s3 =	sadd.s32 $0x8, s3;
	[tilespmem:s0+$0xFFFFFFD0] =	vst v3;
	s0 =	sadd.s32 $0x80, s0  }
0x275: {  	[tilespmem:s0+$0xFFFFFFC0] =	vst v3;
	p2 =	slt.u32 s3, $0xF8  }
0x276: {  	[tilespmem:s0+$0x30] =	vst v3  }
.Ltmp49:
0x277: {  	[tilespmem:s0+$0x20] =	vst v3;
	(pc) =	sbr.rel @p2 .LBB2_87-.Ltmp49, $4  }
0x278: {  	[tilespmem:s0+$0x10] =	vst v3  }
0x279: {  	[tilespmem:s0+$0x0] =	vst v3  }
0x27a: {  	[tilespmem:s0+$0xFFFFFFF0] =	vst v3  }
0x27b: {  	[tilespmem:s0+$0xFFFFFFE0] =	vst v3  }
0x27c: {  	[tilespmem:s0+$0xFFFFFFD0] =	vst v3;
	s30 =	simm.s32 $0x10  }
0x27d: {  	v12 =	vld [tilespmem:s30+$0xFFFFFFF0];
	_ =	sdelay $0x1  }
0x27e: {  	v13 =	vld [tilespmem:s30+$0x0];
	_ =	sdelay $0x1  }
0x27f: {  	s31 =	simm.s32 $0x30  }
0x280: {  	v16 =	vld [tilespmem:s31+$0x0];
	v14 =	vshra.s32 v12, $0x16;
	v12 =	vshrl.u32 v12, $0xA  }
0x281: {  	v15 =	vld [tilespmem:s31+$0xFFFFFFF0];
	vm2 =	veq.s32 v14, v8;
	v12 =	vand.u32 $0xFF0, v12  }
0x282: {  	v14 =	vshrl.u32 v13, $0xA;
	v13 =	vshra.s32 v13, $0x16;
	vm5 =	vmand vm1, vm2  }
0x283: {  	v17 =	vor.u32 v0, v12;
	vm2 =	veq.s32 v13, v8  }
0x284: {  	v12 =	vand.u32 $0xFF0, v14;
	vm2 =	vmand vm1, vm2  }
0x285: {  	s0 =	simm.s32 $0x50;
	v12 =	vor.u32 v0, v12  }
0x286: {  	v18 =	vshra.s32 v15, $0x16;
	v15 =	vshrl.u32 v15, $0xA;
	v19 =	vshrl.u32 v16, $0xA;
	v13 =	vld [tilespmem:s0+$0x0]  }
0x287: {  	v16 =	vshra.s32 v16, $0x16;
	vm3 =	veq.s32 v18, v8;
	v15 =	vand.u32 $0xFF0, v15;
	v14 =	vld [tilespmem:s0+$0xFFFFFFF0]  }
0x288: {  	s3 =	simm.s32 $0x4;
	vm4 =	veq.s32 v16, v8;
	v16 =	vand.u32 $0xFF0, v19;
	vm3 =	vmand vm1, vm3;
	[tilespmem:v17+s15+$0x0] =	vst.idx.add.s32.msk vm5, v2  }
.LBB2_89:
0x289: {  	s3 =	sadd.s32 $0x2, s3  }
0x28a: {  	v17 =	vor.u32 v0, v15;
	[tilespmem:v12+s15+$0x0] =	vst.idx.add.s32.msk vm2, v2;
	vm2 =	vmand vm1, vm4;
	p2 =	slt.u32 s3, $0xFFE  }
.Ltmp50:
0x28b: {  	v12 =	vor.u32 v0, v16;
	(pc) =	sbr.rel @p2 .LBB2_89-.Ltmp50, $4  }
0x28c: {  	s0 =	sadd.s32 $0x20, s0;
	v16 =	vmov v13  }
0x28d: {  	v13 =	vld [tilespmem:s0+$0x0];
	v15 =	vshra.s32 v14, $0x16;
	v18 =	vshrl.u32 v14, $0xA;
	v19 =	vshrl.u32 v16, $0xA  }
0x28e: {  	v16 =	vshra.s32 v16, $0x16;
	v14 =	vld [tilespmem:s0+$0xFFFFFFF0];
	vm5 =	veq.s32 v15, v8;
	v15 =	vand.u32 $0xFF0, v18  }
0x28f: {  	vm4 =	veq.s32 v16, v8;
	v16 =	vand.u32 $0xFF0, v19;
	[tilespmem:v17+s15+$0x0] =	vst.idx.add.s32.msk vm3, v2;
	vm3 =	vmand vm1, vm5  }
0x290: {  	_ =	sdelay $0x1  }
0x291: {  	vm4 =	vmand vm1, vm4;
	v61 =	vor.u32 v0, v16  }
0x292: {  	v18 =	vshra.s32 v13, $0x16;
	v63 =	vshrl.u32 v13, $0xA;
	v17 =	vshra.s32 v14, $0x16  }
0x293: {  	vm6 =	veq.s32 v18, v8;
	v62 =	vshrl.u32 v14, $0xA;
	v13 =	vand.u32 $0xFF0, v63  }
0x294: {  	vm5 =	veq.s32 v17, v8;
	v8 =	vor.u32 v0, v15;
	vm6 =	vmand vm1, vm6  }
0x295: {  	v14 =	vand.u32 $0xFF0, v62;
	v13 =	vor.u32 v0, v13;
	vm5 =	vmand vm1, vm5  }
0x296: {  	v14 =	vor.u32 v0, v14  }
0x297: {  	[tilespmem:v12+s15+$0x0] =	vst.idx.add.s32.msk vm2, v2  }
0x298: {  	[tilespmem:v61+s15+$0x0] =	vst.idx.add.s32.msk vm4, v2  }
0x299: {  	[tilespmem:v8+s15+$0x0] =	vst.idx.add.s32.msk vm3, v2  }
0x29a: {  	[tilespmem:v13+s15+$0x0] =	vst.idx.add.s32.msk vm6, v2  }
0x29b: {  	[tilespmem:v14+s15+$0x0] =	vst.idx.add.s32.msk vm5, v2  }
.LBB2_91:
0x29c: {  	s0 =	simm.s32 $0xFF  }
0x29d: {  	s0 =	simm.s32 @!p1 $0xFFFFFFFF  }
0x29e: {  	s3 =	sshll.u32 s0, $0x6  }
0x29f: {  	v8 =	vshll.u32 v10, $0x7;
	s28 =	simm.s32 $0x7F;
	s6 =	sshra.s32 s3, $0x2  }
0x2a0: {  	v8 =	vor.u32 v8, v11;
	s28 =	simm.s32 @!p1 $0xFFFFFFFF;
	s3 =	sadd.s32 $0x1, s0;
	s6 =	sadd.s32 $0x14000, s6  }
.LBB2_92:
0x2a1: {  	v10 =	vld [tilespmem:s6+$0x0];
	_ =	sdelay $0x4  }
0x2a2: {  	v10 =	vxor.u32 $0x80000000, v10  }
0x2a3: {  	(xrf0) =	vmax.scan.msk.u32 $0xffff, v10;
	_ =	sdelay $0x5  }
0x2a4: {  	v10, _, _ =	vpop (xrf0)  }
0x2a5: {  	(v2sf) =	vpush v10, $0xF;
	_ =	sdelay $0xd  }
0x2a6: {  	s3 =	sadd.s32 $0xFFFFFFFF, s3  }
0x2a7: {  	s0 =	smov.u32 s6;
	p2 =	slt.s32 s3, $0x0;
	s6 =	spop (v2sf)  }
0x2a8: {  	p3 =	seq.s32 @!p2 s6, $0x80000000  }
0x2a9: {  	p3 =	por p2, !p3  }
.Ltmp51:
0x2aa: {  	_ = 	snop;
	(pc) =	sbr.rel @!p3 .LBB2_92-.Ltmp51, $2  }
0x2ab: {  	_ =	sdelay $0x2  }
0x2ac: {  	s6 =	sadd.s32 $0xFFFFFFF0, s0  }
0x2ad: {  	p3 =	sgt.u32 @!p2 s29, $0x8000003F  }
0x2ae: {  	p3 =	por p2, p3  }
.Ltmp52:
0x2af: {  	_ = 	snop;
	(pc) =	sbr.rel @p3 .LBB2_343-.Ltmp52, $2  }
0x2b0: {  	_ =	sdelay $0x2  }
0x2b1: {  	v10 =	vimm.s32 $0x0  }
0x2b2: {  	v11 =	vimm.s32 $0x0  }
.LBB2_95:
0x2b3: {  	v12 =	vld [tilespmem:s0+$0x0];
	_ =	sdelay $0x4  }
0x2b4: {  	v12 =	vadd.s32 v7, v12  }
0x2b5: {  	v13 =	vxor.u32 $0x80000000, v12  }
0x2b6: {  	(xrf0) =	vmin.scan.msk.u32 $0xffff, v13;
	_ =	sdelay $0x5  }
0x2b7: {  	v13, _, _ =	vpop (xrf0)  }
0x2b8: {  	(v2sf) =	vpush v13, $0xF;
	_ =	sdelay $0xe  }
0x2b9: {  	p2 =	sne.s32 s3, $0x0;
	s6 =	spop (v2sf)  }
0x2ba: {  	p3 =	slt.u32 @p2 s6, $0x80000040  }
0x2bb: {  	p2 =	por !p2, !p3  }
.Ltmp53:
0x2bc: {  	_ = 	snop;
	(pc) =	sbr.rel @!p2 .LBB2_95-.Ltmp53, $4  }
0x2bd: {  	_ = 	snop  }
0x2be: {  	vm2 =	vlt.s32 v7, $0x40;
	vm3 =	vgt.s32 v12, $0x3F  }
0x2bf: {  	vm2 =	vmand vm2, vm3  }
0x2c0: {  	s0 =	sadd.s32 $0xFFFFFFF0, s0;
	v11 =	vsel vm2, s3, v11;
	v10 =	vsel vm2, v7, v10;
	s3 =	sadd.s32 $0xFFFFFFFF, s3;
	v7 =	vmov v12  }
.Ltmp54:
0x2c1: {  	(pc) =	sbr.rel .LBB2_97-.Ltmp54, $2  }
0x2c2: {  	_ =	sdelay $0x2  }
0x2c3: {  	v7 =	vor.u32 v9, v11  }
.LBB2_343:
0x2c4: {  	v7 =	vpsel p2, v9, v9;
	v10 =	vpsel p2, $0x0, v10  }
.LBB2_97:
.Ltmp55:
0x2c5: {  	(pc) =	sbr.rel @!p1 .LBB2_103-.Ltmp55, $1  }
0x2c6: {  	_ =	sdelay $0x3  }
0x2c7: {  	s0 =	simm.s32 $0x14040  }
0x2c8: {  	[tilespmem:s0+$0xFFFFFFC0] =	vst v3  }
0x2c9: {  	[tilespmem:s0+$0x30] =	vst v3  }
0x2ca: {  	[tilespmem:s0+$0x20] =	vst v3  }
0x2cb: {  	[tilespmem:s0+$0x10] =	vst v3  }
0x2cc: {  	[tilespmem:s0+$0x0] =	vst v3  }
0x2cd: {  	[tilespmem:s0+$0xFFFFFFF0] =	vst v3  }
0x2ce: {  	s3 =	simm.s32 $0x0;
	[tilespmem:s0+$0xFFFFFFE0] =	vst v3  }
.LBB2_99:
0x2cf: {  	s3 =	sadd.s32 $0x8, s3;
	[tilespmem:s0+$0xFFFFFFD0] =	vst v3;
	s0 =	sadd.s32 $0x80, s0  }
0x2d0: {  	[tilespmem:s0+$0xFFFFFFC0] =	vst v3;
	p2 =	slt.u32 s3, $0x78  }
0x2d1: {  	[tilespmem:s0+$0x30] =	vst v3  }
.Ltmp56:
0x2d2: {  	[tilespmem:s0+$0x20] =	vst v3;
	(pc) =	sbr.rel @p2 .LBB2_99-.Ltmp56, $4  }
0x2d3: {  	[tilespmem:s0+$0x10] =	vst v3  }
0x2d4: {  	[tilespmem:s0+$0x0] =	vst v3  }
0x2d5: {  	[tilespmem:s0+$0xFFFFFFF0] =	vst v3  }
0x2d6: {  	[tilespmem:s0+$0xFFFFFFE0] =	vst v3  }
0x2d7: {  	[tilespmem:s0+$0xFFFFFFD0] =	vst v3;
	s30 =	simm.s32 $0x10  }
0x2d8: {  	v9 =	vld [tilespmem:s30+$0xFFFFFFF0];
	_ =	sdelay $0x1  }
0x2d9: {  	v11 =	vld [tilespmem:s30+$0x0];
	_ =	sdelay $0x1  }
0x2da: {  	s31 =	simm.s32 $0x30  }
0x2db: {  	v14 =	vld [tilespmem:s31+$0x0];
	v12 =	vshra.s32 v9, $0xE;
	v9 =	vshrl.u32 v9, $0x3  }
0x2dc: {  	v13 =	vld [tilespmem:s31+$0xFFFFFFF0];
	vm2 =	veq.s32 v12, v7;
	v9 =	vand.u32 $0x7F0, v9  }
0x2dd: {  	v12 =	vshrl.u32 v11, $0x3;
	v11 =	vshra.s32 v11, $0xE;
	vm5 =	vmand vm1, vm2  }
0x2de: {  	v15 =	vor.u32 v0, v9;
	vm2 =	veq.s32 v11, v7  }
0x2df: {  	v9 =	vand.u32 $0x7F0, v12;
	vm2 =	vmand vm1, vm2  }
0x2e0: {  	s0 =	simm.s32 $0x50;
	v9 =	vor.u32 v0, v9  }
0x2e1: {  	v16 =	vshra.s32 v13, $0xE;
	v13 =	vshrl.u32 v13, $0x3;
	v17 =	vshrl.u32 v14, $0x3;
	v11 =	vld [tilespmem:s0+$0x0]  }
0x2e2: {  	v14 =	vshra.s32 v14, $0xE;
	vm3 =	veq.s32 v16, v7;
	v13 =	vand.u32 $0x7F0, v13;
	v12 =	vld [tilespmem:s0+$0xFFFFFFF0]  }
0x2e3: {  	s3 =	simm.s32 $0x4;
	vm4 =	veq.s32 v14, v7;
	v14 =	vand.u32 $0x7F0, v17;
	vm3 =	vmand vm1, vm3;
	[tilespmem:v15+s15+$0x0] =	vst.idx.add.s32.msk vm5, v2  }
.LBB2_101:
0x2e4: {  	s3 =	sadd.s32 $0x2, s3  }
0x2e5: {  	v15 =	vor.u32 v0, v13;
	[tilespmem:v9+s15+$0x0] =	vst.idx.add.s32.msk vm2, v2;
	vm2 =	vmand vm1, vm4;
	p2 =	slt.u32 s3, $0xFFE  }
.Ltmp57:
0x2e6: {  	v9 =	vor.u32 v0, v14;
	(pc) =	sbr.rel @p2 .LBB2_101-.Ltmp57, $4  }
0x2e7: {  	s0 =	sadd.s32 $0x20, s0;
	v14 =	vmov v11  }
0x2e8: {  	v11 =	vld [tilespmem:s0+$0x0];
	v13 =	vshra.s32 v12, $0xE;
	v16 =	vshrl.u32 v12, $0x3;
	v17 =	vshrl.u32 v14, $0x3  }
0x2e9: {  	v14 =	vshra.s32 v14, $0xE;
	v12 =	vld [tilespmem:s0+$0xFFFFFFF0];
	vm5 =	veq.s32 v13, v7;
	v13 =	vand.u32 $0x7F0, v16  }
0x2ea: {  	vm4 =	veq.s32 v14, v7;
	v14 =	vand.u32 $0x7F0, v17;
	[tilespmem:v15+s15+$0x0] =	vst.idx.add.s32.msk vm3, v2;
	vm3 =	vmand vm1, vm5  }
0x2eb: {  	_ = 	snop  }
0x2ec: {  	v13 =	vor.u32 v0, v13;
	vm4 =	vmand vm1, vm4  }
0x2ed: {  	v14 =	vor.u32 v0, v14;
	v63 =	vshrl.u32 v11, $0x3;
	v11 =	vshra.s32 v11, $0xE  }
0x2ee: {  	v15 =	vshra.s32 v12, $0xE;
	v62 =	vshrl.u32 v12, $0x3;
	vm6 =	veq.s32 v11, v7  }
0x2ef: {  	v11 =	vand.u32 $0x7F0, v63;
	vm5 =	veq.s32 v15, v7;
	vm6 =	vmand vm1, vm6  }
0x2f0: {  	v12 =	vand.u32 $0x7F0, v62;
	v11 =	vor.u32 v0, v11;
	vm5 =	vmand vm1, vm5  }
0x2f1: {  	v12 =	vor.u32 v0, v12  }
0x2f2: {  	[tilespmem:v9+s15+$0x0] =	vst.idx.add.s32.msk vm2, v2  }
0x2f3: {  	[tilespmem:v13+s15+$0x0] =	vst.idx.add.s32.msk vm3, v2  }
0x2f4: {  	[tilespmem:v14+s15+$0x0] =	vst.idx.add.s32.msk vm4, v2  }
0x2f5: {  	[tilespmem:v11+s15+$0x0] =	vst.idx.add.s32.msk vm6, v2  }
0x2f6: {  	[tilespmem:v12+s15+$0x0] =	vst.idx.add.s32.msk vm5, v2  }
.LBB2_103:
0x2f7: {  	s0 =	sshll.u32 s28, $0x6  }
0x2f8: {  	s0 =	sshra.s32 s0, $0x2  }
0x2f9: {  	s28 =	sadd.s32 $0x1, s28;
	s29 =	sadd.s32 $0x14000, s0  }
0x2fa: {  	s3 =	smov.u32 s28;
	s6 =	smov.u32 s29  }
.LBB2_104:
0x2fb: {  	v9 =	vld [tilespmem:s6+$0x0];
	_ =	sdelay $0x4  }
0x2fc: {  	v9 =	vxor.u32 $0x80000000, v9  }
0x2fd: {  	(xrf0) =	vmax.scan.msk.u32 $0xffff, v9;
	_ =	sdelay $0x5  }
0x2fe: {  	v9, _, _ =	vpop (xrf0)  }
0x2ff: {  	(v2sf) =	vpush v9, $0xF;
	_ =	sdelay $0xd  }
0x300: {  	s3 =	sadd.s32 $0xFFFFFFFF, s3  }
0x301: {  	s0 =	smov.u32 s6;
	p2 =	slt.s32 s3, $0x0;
	s6 =	spop (v2sf)  }
0x302: {  	p3 =	seq.s32 @!p2 s6, $0x80000000  }
0x303: {  	p3 =	por p2, !p3  }
.Ltmp58:
0x304: {  	_ = 	snop;
	(pc) =	sbr.rel @!p3 .LBB2_104-.Ltmp58, $2  }
0x305: {  	_ =	sdelay $0x2  }
0x306: {  	s6 =	sadd.s32 $0xFFFFFFF0, s0  }
0x307: {  	v9 =	vxor.u32 $0x80000000, v10  }
0x308: {  	(xrf0) =	vmin.scan.msk.u32 $0xffff, v9;
	_ =	sdelay $0x5  }
0x309: {  	v9, _, _ =	vpop (xrf0)  }
0x30a: {  	(v2sf) =	vpush v9, $0xF;
	_ =	sdelay $0xe  }
0x30b: {  	s6 =	spop (v2sf)  }
0x30c: {  	p3 =	sgt.u32 @!p2 s6, $0x8000003F  }
0x30d: {  	p3 =	por p2, p3  }
.Ltmp59:
0x30e: {  	_ = 	snop;
	(pc) =	sbr.rel @p3 .LBB2_344-.Ltmp59, $2  }
0x30f: {  	_ =	sdelay $0x2  }
0x310: {  	v9 =	vimm.s32 $0x0  }
0x311: {  	v11 =	vimm.s32 $0x0  }
.LBB2_107:
0x312: {  	v12 =	vld [tilespmem:s0+$0x0];
	_ =	sdelay $0x4  }
0x313: {  	v12 =	vadd.s32 v10, v12  }
0x314: {  	v13 =	vxor.u32 $0x80000000, v12  }
0x315: {  	(xrf0) =	vmin.scan.msk.u32 $0xffff, v13;
	_ =	sdelay $0x5  }
0x316: {  	v13, _, _ =	vpop (xrf0)  }
0x317: {  	(v2sf) =	vpush v13, $0xF;
	_ =	sdelay $0xe  }
0x318: {  	p2 =	sne.s32 s3, $0x0;
	s6 =	spop (v2sf)  }
0x319: {  	p3 =	slt.u32 @p2 s6, $0x80000040  }
0x31a: {  	p3 =	por !p2, !p3  }
.Ltmp60:
0x31b: {  	_ = 	snop;
	(pc) =	sbr.rel @!p3 .LBB2_107-.Ltmp60, $4  }
0x31c: {  	_ = 	snop  }
0x31d: {  	vm2 =	vlt.s32 v10, $0x40;
	vm3 =	vgt.s32 v12, $0x3F  }
0x31e: {  	vm2 =	vmand vm2, vm3  }
0x31f: {  	s0 =	sadd.s32 $0xFFFFFFF0, s0;
	v11 =	vsel vm2, s3, v11;
	v9 =	vsel vm2, v10, v9;
	s3 =	sadd.s32 $0xFFFFFFFF, s3;
	v10 =	vmov v12  }
.Ltmp61:
0x320: {  	(pc) =	sbr.rel .LBB2_109-.Ltmp61, $2  }
0x321: {  	_ =	sdelay $0x2  }
0x322: {  	v10 =	vpsel p2, v11, v11;
	v9 =	vpsel p2, v9, v9  }
.LBB2_344:
0x323: {  	v10 =	vpsel p2, $0x0, v9;
	v9 =	vpsel p2, $0x0, v9  }
.LBB2_109:
.Ltmp62:
0x324: {  	(pc) =	sbr.rel @!p1 .LBB2_115-.Ltmp62, $3  }
0x325: {  	_ =	sdelay $0x1  }
0x326: {  	v7 =	vshll.u32 v7, $0x7  }
0x327: {  	v7 =	vor.u32 v7, v10  }
0x328: {  	s0 =	simm.s32 $0x14040  }
0x329: {  	[tilespmem:s0+$0xFFFFFFC0] =	vst v3  }
0x32a: {  	[tilespmem:s0+$0x30] =	vst v3  }
0x32b: {  	[tilespmem:s0+$0x20] =	vst v3  }
0x32c: {  	[tilespmem:s0+$0x10] =	vst v3  }
0x32d: {  	[tilespmem:s0+$0x0] =	vst v3  }
0x32e: {  	[tilespmem:s0+$0xFFFFFFF0] =	vst v3  }
0x32f: {  	s3 =	simm.s32 $0x0;
	[tilespmem:s0+$0xFFFFFFE0] =	vst v3  }
.LBB2_111:
0x330: {  	s3 =	sadd.s32 $0x8, s3;
	[tilespmem:s0+$0xFFFFFFD0] =	vst v3;
	s0 =	sadd.s32 $0x80, s0  }
0x331: {  	[tilespmem:s0+$0xFFFFFFC0] =	vst v3;
	p2 =	slt.u32 s3, $0x78  }
0x332: {  	[tilespmem:s0+$0x30] =	vst v3  }
.Ltmp63:
0x333: {  	[tilespmem:s0+$0x20] =	vst v3;
	(pc) =	sbr.rel @p2 .LBB2_111-.Ltmp63, $4  }
0x334: {  	[tilespmem:s0+$0x10] =	vst v3  }
0x335: {  	[tilespmem:s0+$0x0] =	vst v3  }
0x336: {  	[tilespmem:s0+$0xFFFFFFF0] =	vst v3  }
0x337: {  	[tilespmem:s0+$0xFFFFFFE0] =	vst v3  }
0x338: {  	[tilespmem:s0+$0xFFFFFFD0] =	vst v3;
	s30 =	simm.s32 $0x10  }
0x339: {  	v10 =	vld [tilespmem:s30+$0xFFFFFFF0];
	_ =	sdelay $0x1  }
0x33a: {  	v11 =	vld [tilespmem:s30+$0x0];
	_ =	sdelay $0x1  }
0x33b: {  	s31 =	simm.s32 $0x30  }
0x33c: {  	v14 =	vld [tilespmem:s31+$0x0];
	v12 =	vshra.s32 v10, $0x7;
	v10 =	vshll.u32 v10, $0x4  }
0x33d: {  	v13 =	vld [tilespmem:s31+$0xFFFFFFF0];
	vm2 =	veq.s32 v12, v7;
	v10 =	vand.u32 $0x7F0, v10  }
0x33e: {  	v12 =	vshll.u32 v11, $0x4;
	v11 =	vshra.s32 v11, $0x7;
	vm5 =	vmand vm1, vm2  }
0x33f: {  	v15 =	vor.u32 v0, v10;
	vm2 =	veq.s32 v11, v7  }
0x340: {  	v10 =	vand.u32 $0x7F0, v12;
	vm2 =	vmand vm1, vm2  }
0x341: {  	s0 =	simm.s32 $0x50;
	v10 =	vor.u32 v0, v10  }
0x342: {  	v16 =	vshra.s32 v13, $0x7;
	v13 =	vshll.u32 v13, $0x4;
	v17 =	vshll.u32 v14, $0x4;
	v11 =	vld [tilespmem:s0+$0x0]  }
0x343: {  	v14 =	vshra.s32 v14, $0x7;
	vm3 =	veq.s32 v16, v7;
	v13 =	vand.u32 $0x7F0, v13;
	v12 =	vld [tilespmem:s0+$0xFFFFFFF0]  }
0x344: {  	s3 =	simm.s32 $0x4;
	vm4 =	veq.s32 v14, v7;
	v14 =	vand.u32 $0x7F0, v17;
	vm3 =	vmand vm1, vm3;
	[tilespmem:v15+s15+$0x0] =	vst.idx.add.s32.msk vm5, v2  }
.LBB2_113:
0x345: {  	s3 =	sadd.s32 $0x2, s3  }
0x346: {  	v15 =	vor.u32 v0, v13;
	[tilespmem:v10+s15+$0x0] =	vst.idx.add.s32.msk vm2, v2;
	vm2 =	vmand vm1, vm4;
	p2 =	slt.u32 s3, $0xFFE  }
.Ltmp64:
0x347: {  	v10 =	vor.u32 v0, v14;
	(pc) =	sbr.rel @p2 .LBB2_113-.Ltmp64, $4  }
0x348: {  	s0 =	sadd.s32 $0x20, s0;
	v14 =	vmov v11  }
0x349: {  	v11 =	vld [tilespmem:s0+$0x0];
	v13 =	vshra.s32 v12, $0x7;
	v16 =	vshll.u32 v12, $0x4;
	v17 =	vshll.u32 v14, $0x4  }
0x34a: {  	v14 =	vshra.s32 v14, $0x7;
	v12 =	vld [tilespmem:s0+$0xFFFFFFF0];
	vm5 =	veq.s32 v13, v7;
	v13 =	vand.u32 $0x7F0, v16  }
0x34b: {  	vm4 =	veq.s32 v14, v7;
	v14 =	vand.u32 $0x7F0, v17;
	[tilespmem:v15+s15+$0x0] =	vst.idx.add.s32.msk vm3, v2;
	vm3 =	vmand vm1, vm5  }
0x34c: {  	_ = 	snop  }
0x34d: {  	v13 =	vor.u32 v0, v13;
	vm4 =	vmand vm1, vm4  }
0x34e: {  	v14 =	vor.u32 v0, v14;
	v63 =	vshll.u32 v11, $0x4;
	v11 =	vshra.s32 v11, $0x7  }
0x34f: {  	v15 =	vshra.s32 v12, $0x7;
	v62 =	vshll.u32 v12, $0x4;
	vm6 =	veq.s32 v11, v7  }
0x350: {  	v11 =	vand.u32 $0x7F0, v63;
	vm5 =	veq.s32 v15, v7;
	vm6 =	vmand vm1, vm6  }
0x351: {  	v12 =	vand.u32 $0x7F0, v62;
	v11 =	vor.u32 v0, v11;
	vm5 =	vmand vm1, vm5  }
0x352: {  	v12 =	vor.u32 v0, v12  }
0x353: {  	[tilespmem:v10+s15+$0x0] =	vst.idx.add.s32.msk vm2, v2  }
0x354: {  	[tilespmem:v13+s15+$0x0] =	vst.idx.add.s32.msk vm3, v2  }
0x355: {  	[tilespmem:v14+s15+$0x0] =	vst.idx.add.s32.msk vm4, v2  }
0x356: {  	[tilespmem:v11+s15+$0x0] =	vst.idx.add.s32.msk vm6, v2  }
0x357: {  	[tilespmem:v12+s15+$0x0] =	vst.idx.add.s32.msk vm5, v2  }
.LBB2_115:
0x358: {  	v10 =	vld [tilespmem:s29+$0x0];
	_ =	sdelay $0x4  }
0x359: {  	v10 =	vxor.u32 $0x80000000, v10  }
0x35a: {  	(xrf0) =	vmax.scan.msk.u32 $0xffff, v10;
	_ =	sdelay $0x5  }
0x35b: {  	v10, _, _ =	vpop (xrf0)  }
0x35c: {  	(v2sf) =	vpush v10, $0xF;
	_ =	sdelay $0xd  }
0x35d: {  	s28 =	sadd.s32 $0xFFFFFFFF, s28  }
0x35e: {  	p2 =	slt.s32 s28, $0x0;
	s3 =	spop (v2sf)  }
0x35f: {  	p3 =	seq.s32 @!p2 s3, $0x80000000  }
0x360: {  	p3 =	por p2, !p3  }
.Ltmp65:
0x361: {  	_ = 	snop;
	(pc) =	sbr.rel @!p3 .LBB2_115-.Ltmp65, $2  }
0x362: {  	_ =	sdelay $0x2  }
0x363: {  	s0 =	smov.u32 s29;
	s29 =	sadd.s32 $0xFFFFFFF0, s29  }
0x364: {  	v10 =	vxor.u32 $0x80000000, v9  }
0x365: {  	(xrf0) =	vmin.scan.msk.u32 $0xffff, v10;
	_ =	sdelay $0x5  }
0x366: {  	v10, _, _ =	vpop (xrf0)  }
0x367: {  	(v2sf) =	vpush v10, $0xF;
	_ =	sdelay $0xe  }
0x368: {  	s3 =	spop (v2sf)  }
0x369: {  	p3 =	sgt.u32 @!p2 s3, $0x8000003F  }
0x36a: {  	p3 =	por p2, p3  }
.Ltmp66:
0x36b: {  	_ = 	snop;
	(pc) =	sbr.rel @p3 .LBB2_117-.Ltmp66, $2  }
0x36c: {  	_ =	sdelay $0x2  }
0x36d: {  	v10 =	vimm.s32 $0x0  }
.LBB2_118:
0x36e: {  	v11 =	vld [tilespmem:s0+$0x0];
	_ =	sdelay $0x4  }
0x36f: {  	v11 =	vadd.s32 v9, v11  }
0x370: {  	v12 =	vxor.u32 $0x80000000, v11  }
0x371: {  	(xrf0) =	vmin.scan.msk.u32 $0xffff, v12;
	_ =	sdelay $0x5  }
0x372: {  	v12, _, _ =	vpop (xrf0)  }
0x373: {  	(v2sf) =	vpush v12, $0xF;
	_ =	sdelay $0xe  }
0x374: {  	p2 =	sne.s32 s28, $0x0;
	s3 =	spop (v2sf)  }
0x375: {  	p3 =	slt.u32 @p2 s3, $0x80000040  }
0x376: {  	p3 =	por !p2, !p3  }
.Ltmp67:
0x377: {  	_ = 	snop;
	(pc) =	sbr.rel @!p3 .LBB2_118-.Ltmp67, $4  }
0x378: {  	_ = 	snop  }
0x379: {  	vm2 =	vlt.s32 v9, $0x40;
	vm3 =	vgt.s32 v11, $0x3F  }
0x37a: {  	vm2 =	vmand vm2, vm3  }
0x37b: {  	s0 =	sadd.s32 $0xFFFFFFF0, s0;
	v9 =	vmov v11;
	v10 =	vsel vm2, s28, v10;
	s28 =	sadd.s32 $0xFFFFFFFF, s28  }
.Ltmp68:
0x37c: {  	(pc) =	sbr.rel .LBB2_120-.Ltmp68, $2  }
0x37d: {  	_ =	sdelay $0x2  }
0x37e: {  	v9 =	vpsel p2, v10, v10  }
.LBB2_117:
0x37f: {  	v9 =	vpsel p2, $0x0, v10  }
.LBB2_120:
.Ltmp69:
0x380: {  	(pc) =	sbr.rel @p0 .LBB2_121-.Ltmp69, $4  }
0x381: {  	_ = 	snop  }
0x382: {  	v7 =	vshll.u32 v7, $0x7  }
0x383: {  	v7 =	vor.u32 v7, v9  }
0x384: {  	vm2 =	vmneg vm1;
	v7 =	vsel vm1, v7, v8  }
0x385: {  	s6 =	simm.s32 $0x15010  }
0x386: {  	p3 =	sgt.s32 s24, $0x2;
	v14 =	vld [tilespmem:s6+$0xFFFFFFF0]  }
.Ltmp70:
0x387: {  	_ = 	snop;
	(pc) =	sbr.rel @!p3 .LBB2_138-.Ltmp70, $3  }
0x388: {  	v8 =	vld [tilespmem:s6+$0x0];
	_ =	sdelay $0x1  }
0x389: {  	s0 =	simm.s32 $0x0;
	s3 =	simm.s32 $0x2  }
0x38a: {  	v9 =	vimm.s32 $0x0;
	p0 =	por $0x0, $0x0;
	p2 =	por $0x0, $0x0;
	s6 =	simm.s32 $0x15030;
	vm4 =	vgt.s32 v14, v7  }
0x38b: {  	v10 =	vld [tilespmem:s6+$0xFFFFFFF0];
	p3 =	sgt.s32 s24, $0x4  }
.Ltmp71:
0x38c: {  	vm3 =	vgt.s32 v6, s0;
	v11 =	vshll.u32 v9, $0x4;
	(pc) =	sbr.rel @!p3 .LBB2_140-.Ltmp71, $4  }
0x38d: {  	vm3 =	vmand vm3, vm4;
	v12 =	vor.u32 v0, v11;
	v11 =	vld [tilespmem:s6+$0x0]  }
0x38e: {  	s31 =	simm.s32 $0x1;
	vm5 =	vmand vm3, vm2  }
0x38f: {  	vm6 =	vgt.s32 v8, v7;
	vm3 =	vgt.s32 v6, s31;
	v13 =	vsel vm5, $0x1, v3  }
0x390: {  	s0 =	simm.s32 $0x4;
	p0 =	por $0x1, $0x1;
	s6 =	simm.s32 $0x15050;
	vm7 =	vmand vm3, vm6;
	v15 =	vadd.s32 v13, v9;
	vm4 =	vgt.s32 v10, v7  }
0x391: {  	_ =	sdelay $0x1  }
0x392: {  	v16 =	vld [tilespmem:s6+$0xFFFFFFF0];
	vm3 =	vmand vm7, vm2;
	p3 =	sgt.s32 s24, $0x6  }
.Ltmp72:
0x393: {  	v13 =	vshll.u32 v15, $0x4;
	vm6 =	vgt.s32 v6, s3;
	s31 =	simm.s32 $0x3;
	v17 =	vsel vm3, $0x1, v3;
	(pc) =	sbr.rel @!p3 .LBB2_142-.Ltmp72, $4  }
0x394: {  	v18 =	vld [tilespmem:s6+$0x0];
	v13 =	vor.u32 v0, v13;
	vm4 =	vmand vm6, vm4;
	vm7 =	vgt.s32 v6, s31  }
0x395: {  	[tilespmem:v12+s16+$0x0] =	vst.idx.msk vm5, v14;
	vm5 =	vgt.s32 v11, v7;
	v15 =	vadd.s32 v17, v15;
	vm6 =	vmand vm4, vm2  }
0x396: {  	vm7 =	vmand vm7, vm5;
	v17 =	vshll.u32 v15, $0x4;
	v14 =	vsel vm6, $0x1, v3  }
0x397: {  	s3 =	simm.s32 $0x6;
	s10 =	simm.s32 $0x15070;
	p2 =	por $0x1, $0x1;
	v12 =	vor.u32 v0, v17;
	v15 =	vadd.s32 v14, v15;
	vm4 =	vgt.s32 v16, v7  }
.LBB2_143:
0x398: {  	s6 =	smov.u32 s3;
	s3 =	sadd.s32 $0x2, s3  }
0x399: {  	v14 =	vld [tilespmem:s10+$0xFFFFFFF0];
	v17 =	vshll.u32 v15, $0x4;
	[tilespmem:v13+s16+$0x0] =	vst.idx.msk vm3, v8;
	vm3 =	vmand vm7, vm2;
	v8 =	vmovc v11;
	v11 =	vmov v18;
	p3 =	slt.s32 s3, s24  }
.Ltmp73:
0x39a: {  	vm5 =	vgt.s32 v6, s0;
	v18 =	vld [tilespmem:s10+$0x0];
	v13 =	vor.u32 v0, v17;
	v17 =	vsel vm3, $0x1, v3;
	(pc) =	sbr.rel @p3 .LBB2_143-.Ltmp73, $4  }
0x39b: {  	s9 =	sadd.s32 $0x1, s0;
	vm4 =	vmand vm5, vm4;
	s0 =	smov.u32 s6;
	v15 =	vadd.s32 v17, v15  }
0x39c: {  	vm5 =	vgt.s32 v6, s9;
	v17 =	vshll.u32 v15, $0x4;
	[tilespmem:v12+s16+$0x0] =	vst.idx.msk vm6, v10;
	vm6 =	vmand vm4, vm2;
	v10 =	vmovc v16  }
0x39d: {  	vm7 =	vgt.s32 v11, v7;
	v12 =	vor.u32 v0, v17;
	v17 =	vsel vm6, $0x1, v3  }
0x39e: {  	s10 =	sadd.s32 $0x20, s10;
	vm7 =	vmand vm5, vm7;
	vm4 =	vgt.s32 v14, v7;
	v15 =	vadd.s32 v17, v15;
	v16 =	vmovc v14  }
0x39f: {  	v17 =	vmov v8  }
0x3a0: {  	v8 =	vmovc v11;
	v14 =	vmovc v10;
	v11 =	vmov v18;
	s3 =	smov.u32 s0;
	vm5 =	vmmov vm6;
	v10 =	vmov v16  }
.LBB2_145:
0x3a1: {  	vm6 =	vmand @p0 vm7, vm2;
	vm14 =	vgt.s32 v6, s3  }
0x3a2: {  	s0 =	sadd.s32 $0x1, s3;
	vm8 =	vgt.s32 v11, v7;
	v16 =	vshll.u32 @p0 v15, $0x4;
	vm4 =	vmand vm14, vm4  }
0x3a3: {  	vm15 =	vgt.s32 v6, s0;
	v18 =	vsel @p0 vm6, $0x1, v3;
	v16 =	vor.u32 @p0 v0, v16  }
0x3a4: {  	vm6 =	vmmov @p0 vm6;
	v15 =	vadd.s32 @p0 v18, v15;
	vm4 =	vmand vm4, vm2  }
0x3a5: {  	vm7 =	vmand vm15, vm8;
	v9 =	vpsel p0, v15, v9;
	v60 =	vsel vm4, $0x1, v3  }
0x3a6: {  	v15 =	vpsel p0, v16, v0;
	v61 =	vshll.u32 v9, $0x4;
	v9 =	vadd.s32 v60, v9  }
0x3a7: {  	vm7 =	vmand vm7, vm2;
	v62 =	vor.u32 v0, v61;
	v63 =	vshll.u32 v9, $0x4  }
0x3a8: {  	v18 =	vor.u32 v0, v63  }
.Ltmp74:
0x3a9: {  	[tilespmem:v13+s16+$0x0] =	vst.idx.msk @p2 vm3, v17;
	(pc) =	sbr.rel .LBB2_122-.Ltmp74, $4  }
0x3aa: {  	[tilespmem:v12+s16+$0x0] =	vst.idx.msk @p0 vm5, v14;
	v8 =	vpsel p0, v8, v0  }
0x3ab: {  	[tilespmem:v15+s16+$0x0] =	vst.idx.msk @p0 vm6, v8  }
0x3ac: {  	v8 =	vsel vm7, $0x1, v3;
	[tilespmem:v62+s16+$0x0] =	vst.idx.msk vm4, v10  }
0x3ad: {  	v8 =	vadd.s32 v8, v9;
	[tilespmem:v18+s16+$0x0] =	vst.idx.msk vm7, v11  }
.LBB2_121:
0x3ae: {  	v8 =	vimm.s32 $0x0  }
.LBB2_122:
0x3af: {  	p0 =	sge.s32 s24, s23  }
.Ltmp75:
0x3b0: {  	_ = 	snop;
	(pc) =	sbr.rel @p0 .LBB2_125-.Ltmp75, $1  }
0x3b1: {  	_ =	sdelay $0x3  }
0x3b2: {  	s0 =	sshra.s32 s26, $0x2  }
0x3b3: {  	s0 =	sadd.s32 $0x15000, s0  }
.LBB2_124:
0x3b4: {  	v9 =	vld [tilespmem:s0+$0x0];
	_ =	sdelay $0x3  }
0x3b5: {  	s3 =	sadd.s32 s25, s23  }
0x3b6: {  	vm3 =	vgt.s32 v6, s3;
	vm4 =	vgt.s32 v9, v7  }
0x3b7: {  	vm3 =	vmand vm3, vm4  }
0x3b8: {  	v10 =	vshll.u32 v8, $0x4;
	s25 =	sadd.s32 $0x1, s25;
	vm3 =	vmand vm3, vm2  }
0x3b9: {  	v10 =	vor.u32 v0, v10;
	p0 =	seq.s32 s25, $0x0  }
.Ltmp76:
0x3ba: {  	_ = 	snop;
	(pc) =	sbr.rel @!p0 .LBB2_124-.Ltmp76, $3  }
0x3bb: {  	_ =	sdelay $0x1  }
0x3bc: {  	v11 =	vsel vm3, $0x1, v3  }
0x3bd: {  	s0 =	sadd.s32 $0x10, s0;
	v8 =	vadd.s32 v11, v8;
	[tilespmem:v10+s16+$0x0] =	vst.idx.msk vm3, v9  }
.LBB2_125:
.Ltmp77:
0x3be: {  	(pc) =	sbr.rel @!p1 .LBB2_129-.Ltmp77, $1  }
0x3bf: {  	_ =	sdelay $0x3  }
0x3c0: {  	s0 =	simm.s32 $0x10  }
0x3c1: {  	v13 =	vld [tilespmem:s0+$0xFFFFFFF0]  }
0x3c2: {  	v6 =	vld [tilespmem:s0+$0x0]  }
0x3c3: {  	s31 =	simm.s32 $0x30  }
0x3c4: {  	v9 =	vld [tilespmem:s31+$0x0];
	_ =	sdelay $0x1  }
0x3c5: {  	v10 =	vld [tilespmem:s31+$0xFFFFFFF0];
	vm2 =	vgt.s32 v13, v7  }
0x3c6: {  	v11 =	vshll.u32 v8, $0x4;
	vm5 =	vmand vm1, vm2;
	vm2 =	vgt.s32 v6, v7  }
0x3c7: {  	s3 =	simm.s32 $0x50;
	v14 =	vor.u32 v0, v11;
	vm2 =	vmand vm1, vm2;
	v12 =	vsel vm5, $0x1, v3  }
0x3c8: {  	v11 =	vld [tilespmem:s3+$0x0];
	vm3 =	vgt.s32 v9, v7;
	v8 =	vadd.s32 v12, v8;
	vm2 =	vmmov vm2  }
0x3c9: {  	vm4 =	vmand vm1, vm3;
	v12 =	vsel vm2, $0x1, v3;
	v15 =	vshll.u32 v8, $0x4  }
0x3ca: {  	vm3 =	vgt.s32 v10, v7;
	v16 =	vadd.s32 v12, v8;
	v12 =	vor.u32 v0, v15  }
0x3cb: {  	vm3 =	vmand vm1, vm3  }
0x3cc: {  	v8 =	vld [tilespmem:s3+$0xFFFFFFF0];
	v15 =	vshll.u32 v16, $0x4;
	[tilespmem:v14+s16+$0x0] =	vst.idx.msk vm5, v13;
	v14 =	vsel vm3, $0x1, v3  }
0x3cd: {  	s0 =	simm.s32 $0x4;
	s3 =	simm.s32 $0x70;
	v13 =	vor.u32 v0, v15;
	vm5 =	vgt.s32 v11, v7;
	v14 =	vadd.s32 v14, v16  }
.LBB2_127:
0x3ce: {  	s0 =	sadd.s32 $0x2, s0  }
0x3cf: {  	v15 =	vshll.u32 v14, $0x4;
	[tilespmem:v12+s16+$0x0] =	vst.idx.msk vm2, v6;
	v6 =	vmovc v9;
	v9 =	vmovc v11;
	v11 =	vld [tilespmem:s3+$0x0];
	vm2 =	vmmov vm4;
	vm4 =	vmand vm1, vm5;
	p0 =	slt.u32 s0, $0xFFE  }
.Ltmp78:
0x3d0: {  	v12 =	vor.u32 v0, v15;
	v15 =	vsel vm2, $0x1, v3;
	(pc) =	sbr.rel @p0 .LBB2_127-.Ltmp78, $4  }
0x3d1: {  	vm5 =	vgt.s32 v8, v7;
	v14 =	vadd.s32 v15, v14  }
0x3d2: {  	v15 =	vshll.u32 v14, $0x4;
	[tilespmem:v13+s16+$0x0] =	vst.idx.msk vm3, v10;
	vm3 =	vmand vm1, vm5;
	v10 =	vmov v8;
	v8 =	vld [tilespmem:s3+$0xFFFFFFF0]  }
0x3d3: {  	v13 =	vor.u32 v0, v15;
	v15 =	vsel vm3, $0x1, v3  }
0x3d4: {  	s3 =	sadd.s32 $0x20, s3;
	vm5 =	vgt.s32 v11, v7;
	v14 =	vadd.s32 v15, v14  }
0x3d5: {  	_ =	sdelay $0x1  }
0x3d6: {  	vm4 =	vmmov vm4;
	vm6 =	vgt.s32 v8, v7  }
0x3d7: {  	vm5 =	vmand vm1, vm5;
	v15 =	vsel vm4, $0x1, v3;
	vm1 =	vmand vm1, vm6  }
0x3d8: {  	v16 =	vshll.u32 v14, $0x4;
	v60 =	vadd.s32 v15, v14;
	v61 =	vsel vm1, $0x1, v3  }
0x3d9: {  	v16 =	vor.u32 v0, v16;
	v17 =	vshll.u32 v60, $0x4;
	v14 =	vadd.s32 v61, v60  }
0x3da: {  	vm5 =	vmmov vm5;
	v62 =	vor.u32 v0, v17;
	v63 =	vshll.u32 v14, $0x4  }
0x3db: {  	p0 =	sne.s32 s20, $0x7;
	v17 =	vor.u32 v0, v63  }
0x3dc: {  	[tilespmem:v12+s16+$0x0] =	vst.idx.msk vm2, v6;
	s0 =	sadd.s32 @p0 $0x1, s22  }
0x3dd: {  	[tilespmem:v13+s16+$0x0] =	vst.idx.msk vm3, v10;
	s3 =	sshll.u32 @p0 s0, $0x1  }
0x3de: {  	s0 =	sshll.u32 @p0 s0, $0xD;
	s3 =	sand.u32 @p0 $0xE, s3;
	[tilespmem:v16+s16+$0x0] =	vst.idx.msk vm4, v9  }
0x3df: {  	s6 =	simm.s32 @p0 $0x80;
	s0 =	sand.u32 @p0 $0xFFF0000, s0;
	s3 =	sadd.s32 @p0 s1, s3;
	[tilespmem:v62+s16+$0x0] =	vst.idx.msk vm1, v8  }
0x3e0: {  	s9 =	simm.s32 @p0 $0x0;
	v6 =	vsel vm5, $0x1, v3;
	s0 =	sadd.s32 @p0 s0, s3;
	s3 =	simm.s32 @p0 $0x10;
	[tilespmem:v17+s16+$0x0] =	vst.idx.msk vm5, v11  }
0x3e1: {  	v8 =	vadd.s32 v6, v14;
	[tilespmem:s9], [sflag:$0x1] =	stream.strided.gather @p0 [hbm4b:s0+s3], $0x10000, s6, s3, $0x38;
	[tilespmem:$0x17800] =	vst v63  }
.LBB2_129:
0x3e2: {  	s0 =	simm.s32 $0x17020  }
0x3e3: {  	v11 =	vld [tilespmem:s0+$0x10]  }
0x3e4: {  	v10 =	vld [tilespmem:s0+$0xFFFFFFF0]  }
0x3e5: {  	v6 =	vld [tilespmem:s0+$0x0]  }
0x3e6: {  	s6 =	simm.s32 $0x3;
	v9 =	vld [tilespmem:s0+$0xFFFFFFE0]  }
0x3e7: {  	s3 =	simm.s32 $0x0;
	s10 =	simm.s32 $0x4;
	s9 =	simm.s32 $0x1;
	vm2 =	vgt.s32 v8, s6  }
0x3e8: {  	s11 =	simm.s32 $0x17060;
	s22 =	simm.s32 $0x17080;
	vm1 =	vgt.s32 v8, s9;
	s6 =	simm.s32 $0x2;
	v11 =	vsel vm2, v11, v7  }
.LBB2_130:
0x3e9: {  	v12 =	vld [tilespmem:s11+$0x10];
	p0 =	slt.u32 s10, $0x3C;
	v13 =	vsel vm1, v10, v7;
	vm1 =	vgt.s32 v8, s6;
	[tilespmem:s0+$0x10] =	vst v11;
	s6 =	smov.u32 s10;
	s10 =	sadd.s32 $0x4, s10  }
.Ltmp79:
0x3ea: {  	vm2 =	vgt.s32 v8, s3;
	v10 =	vld [tilespmem:s11+$0xFFFFFFF0];
	[tilespmem:s0+$0xFFFFFFF0] =	vst v13;
	v11 =	vsel vm1, v6, v7;
	s3 =	smov.u32 s6;
	(pc) =	sbr.rel @p0 .LBB2_130-.Ltmp79, $4  }
0x3eb: {  	v6 =	vld [tilespmem:s11+$0x0];
	v13 =	vsel vm2, v9, v7;
	[tilespmem:s0+$0x0] =	vst v11  }
0x3ec: {  	s6 =	sadd.s32 $0x3, s3;
	v9 =	vld [tilespmem:s11+$0xFFFFFFE0];
	[tilespmem:s0+$0xFFFFFFE0] =	vst v13;
	s0 =	smov.u32 s11  }
0x3ed: {  	s9 =	sadd.s32 $0x1, s3;
	vm2 =	vgt.s32 v8, s6  }
0x3ee: {  	vm1 =	vgt.s32 v8, s9;
	s6 =	sadd.s32 $0x2, s3;
	s11 =	sadd.s32 $0x40, s11;
	v11 =	vsel vm2, v12, v7  }
0x3ef: {  	v10 =	vsel vm1, v10, v7;
	vm1 =	vgt.s32 v8, s6;
	[tilespmem:s0+$0x10] =	vst v11  }
0x3f0: {  	vm2 =	vgt.s32 v8, s3;
	[tilespmem:s0+$0xFFFFFFF0] =	vst v10;
	v6 =	vsel vm1, v6, v7  }
0x3f1: {  	v7 =	vsel vm2, v9, v7;
	[tilespmem:s0+$0x0] =	vst v6  }
0x3f2: {  	[tilespmem:s0+$0xFFFFFFE0] =	vst v7  }
0x3f3: {  	v6 =	vld [tilespmem:s22+$0x40]  }
0x3f4: {  	v7 =	vld [tilespmem:s22+$0x50]  }
0x3f5: {  	v9 =	vld [tilespmem:s22+$0xFFFFFF90]  }
0x3f6: {  	v8 =	vld [tilespmem:s22+$0xFFFFFFC0]  }
0x3f7: {  	v13 =	vld [tilespmem:s22+$0xFFFFFF80]  }
0x3f8: {  	v10 =	vld [tilespmem:s22+$0xFFFFFFD0]  }
0x3f9: {  	v11 =	vld [tilespmem:s22+$0x0]  }
0x3fa: {  	s23 =	simm.s32 $0x17180;
	v12 =	vld [tilespmem:s22+$0x10];
	vm1 =	vlt.s32 v6, v7  }
0x3fb: {  	v15 =	vld [tilespmem:s23+$0x40];
	v14 =	vsel vm1, v6, v7  }
0x3fc: {  	vm2 =	vlt.s32 v13, v9;
	v6 =	vsel vm1, v7, v6;
	[tilespmem:s22+$0x50] =	vst v14;
	v14 =	vld [tilespmem:s23+$0x50]  }
0x3fd: {  	vm1 =	vlt.s32 v8, v10;
	v7 =	vld [tilespmem:s23+$0xFFFFFF90];
	v63 =	vsel vm2, v9, v13;
	[tilespmem:s22+$0x40] =	vst v6  }
0x3fe: {  	v17 =	vsel vm2, v13, v9;
	v16 =	vsel vm1, v10, v8;
	v6 =	vsel vm1, v8, v10;
	v8 =	vld [tilespmem:s23+$0xFFFFFFC0];
	[tilespmem:s22+$0xFFFFFF80] =	vst v63  }
0x3ff: {  	v10 =	vld [tilespmem:s23+$0xFFFFFFD0];
	[tilespmem:s22+$0xFFFFFF90] =	vst v17  }
0x400: {  	v9 =	vld [tilespmem:s23+$0x10];
	vm1 =	vlt.s32 v11, v12;
	[tilespmem:s22+$0xFFFFFFC0] =	vst v16  }
0x401: {  	[tilespmem:s22+$0xFFFFFFD0] =	vst v6;
	v62 =	vsel vm1, v12, v11;
	v6 =	vld [tilespmem:s23+$0x0];
	vm2 =	vlt.s32 v15, v14  }
0x402: {  	s3 =	simm.s32 $0x17280;
	s0 =	simm.s32 $0x4;
	v12 =	vsel vm1, v11, v12;
	v11 =	vld [tilespmem:s23+$0xFFFFFF80];
	[tilespmem:s22+$0x0] =	vst v62;
	v13 =	vsel vm2, v14, v15;
	v14 =	vsel vm2, v15, v14  }
.LBB2_132:
0x403: {  	v15 =	vld [tilespmem:s3+$0x40];
	[tilespmem:s23+$0x50] =	vst v14  }
0x404: {  	s0 =	sadd.s32 $0x4, s0;
	v14 =	vld [tilespmem:s3+$0x50];
	vm1 =	vlt.s32 v8, v10;
	[tilespmem:s22+$0x10] =	vst v12;
	s22 =	smov.u32 s23;
	s23 =	smov.u32 s3  }
0x405: {  	p0 =	slt.u32 s0, $0xC;
	v16 =	vld [tilespmem:s3+$0xFFFFFF90];
	v12 =	vsel vm1, v10, v8;
	v17 =	vsel vm1, v8, v10;
	[tilespmem:s22+$0x40] =	vst v13  }
.Ltmp80:
0x406: {  	v8 =	vld [tilespmem:s3+$0xFFFFFFC0];
	[tilespmem:s22+$0xFFFFFFC0] =	vst v12;
	vm1 =	vlt.s32 v6, v9;
	(pc) =	sbr.rel @p0 .LBB2_132-.Ltmp80, $4  }
0x407: {  	v10 =	vld [tilespmem:s3+$0xFFFFFFD0];
	vm2 =	vlt.s32 v11, v7;
	[tilespmem:s22+$0xFFFFFFD0] =	vst v17;
	v13 =	vsel vm1, v9, v6;
	v12 =	vsel vm1, v6, v9  }
0x408: {  	v6 =	vld [tilespmem:s3+$0x0];
	v17 =	vsel vm2, v7, v11;
	v18 =	vsel vm2, v11, v7;
	[tilespmem:s22+$0x0] =	vst v13  }
0x409: {  	v9 =	vld [tilespmem:s3+$0x10];
	vm1 =	vlt.s32 v15, v14;
	[tilespmem:s22+$0xFFFFFF80] =	vst v17  }
0x40a: {  	s3 =	sadd.s32 $0x100, s3;
	v11 =	vld [tilespmem:s23+$0xFFFFFF80];
	v13 =	vsel vm1, v14, v15;
	v14 =	vsel vm1, v15, v14;
	[tilespmem:s22+$0xFFFFFF90] =	vst v18;
	v7 =	vmov v16  }
0x40b: {  	[tilespmem:s23+$0x50] =	vst v14  }
0x40c: {  	[tilespmem:s22+$0x10] =	vst v12;
	vm1 =	vlt.s32 v8, v10  }
0x40d: {  	[tilespmem:s23+$0x40] =	vst v13;
	v12 =	vsel vm1, v10, v8  }
0x40e: {  	v8 =	vsel vm1, v8, v10;
	[tilespmem:s23+$0xFFFFFFC0] =	vst v12;
	vm1 =	vlt.s32 v6, v9  }
0x40f: {  	[tilespmem:s23+$0xFFFFFFD0] =	vst v8;
	v8 =	vsel vm1, v9, v6  }
0x410: {  	vm2 =	vlt.s32 v11, v7;
	v6 =	vsel vm1, v6, v9;
	[tilespmem:s23+$0x0] =	vst v8  }
0x411: {  	v10 =	vsel vm2, v7, v11;
	[tilespmem:s23+$0x10] =	vst v6  }
0x412: {  	v7 =	vsel vm2, v11, v7;
	[tilespmem:s23+$0xFFFFFF80] =	vst v10  }
0x413: {  	s24 =	simm.s32 $0x170A0;
	[tilespmem:s23+$0xFFFFFF90] =	vst v7  }
0x414: {  	v6 =	vld [tilespmem:s24+$0x40]  }
0x415: {  	v7 =	vld [tilespmem:s24+$0x50]  }
0x416: {  	v9 =	vld [tilespmem:s24+$0xFFFFFF90]  }
0x417: {  	v8 =	vld [tilespmem:s24+$0xFFFFFFC0]  }
0x418: {  	v13 =	vld [tilespmem:s24+$0xFFFFFF80]  }
0x419: {  	v10 =	vld [tilespmem:s24+$0xFFFFFFD0]  }
0x41a: {  	v11 =	vld [tilespmem:s24+$0x0]  }
0x41b: {  	s22 =	simm.s32 $0x171A0;
	v12 =	vld [tilespmem:s24+$0x10];
	vm1 =	vgt.s32 v6, v7  }
0x41c: {  	v15 =	vld [tilespmem:s22+$0x40];
	v14 =	vsel vm1, v6, v7  }
0x41d: {  	vm2 =	vgt.s32 v13, v9;
	v6 =	vsel vm1, v7, v6;
	[tilespmem:s24+$0x50] =	vst v14;
	v14 =	vld [tilespmem:s22+$0x50]  }
0x41e: {  	vm1 =	vgt.s32 v8, v10;
	v7 =	vld [tilespmem:s22+$0xFFFFFF90];
	v63 =	vsel vm2, v9, v13;
	[tilespmem:s24+$0x40] =	vst v6  }
0x41f: {  	v17 =	vsel vm2, v13, v9;
	v16 =	vsel vm1, v10, v8;
	v6 =	vsel vm1, v8, v10;
	v8 =	vld [tilespmem:s22+$0xFFFFFFC0];
	[tilespmem:s24+$0xFFFFFF80] =	vst v63  }
0x420: {  	v10 =	vld [tilespmem:s22+$0xFFFFFFD0];
	[tilespmem:s24+$0xFFFFFF90] =	vst v17  }
0x421: {  	v9 =	vld [tilespmem:s22+$0x10];
	vm1 =	vgt.s32 v11, v12;
	[tilespmem:s24+$0xFFFFFFC0] =	vst v16  }
0x422: {  	[tilespmem:s24+$0xFFFFFFD0] =	vst v6;
	v62 =	vsel vm1, v12, v11;
	v6 =	vld [tilespmem:s22+$0x0];
	vm2 =	vgt.s32 v15, v14  }
0x423: {  	s0 =	simm.s32 $0x4;
	s3 =	simm.s32 $0x172A0;
	v12 =	vsel vm1, v11, v12;
	v11 =	vld [tilespmem:s22+$0xFFFFFF80];
	[tilespmem:s24+$0x0] =	vst v62;
	v13 =	vsel vm2, v14, v15;
	v14 =	vsel vm2, v15, v14  }
.LBB2_134:
0x424: {  	v15 =	vld [tilespmem:s3+$0x40];
	[tilespmem:s22+$0x50] =	vst v14  }
0x425: {  	s0 =	sadd.s32 $0x4, s0;
	v14 =	vld [tilespmem:s3+$0x50];
	vm1 =	vgt.s32 v8, v10;
	[tilespmem:s24+$0x10] =	vst v12;
	s24 =	smov.u32 s22;
	s22 =	smov.u32 s3  }
0x426: {  	p0 =	slt.u32 s0, $0xC;
	v16 =	vld [tilespmem:s3+$0xFFFFFF90];
	v12 =	vsel vm1, v10, v8;
	v17 =	vsel vm1, v8, v10;
	[tilespmem:s24+$0x40] =	vst v13  }
.Ltmp81:
0x427: {  	v8 =	vld [tilespmem:s3+$0xFFFFFFC0];
	[tilespmem:s24+$0xFFFFFFC0] =	vst v12;
	vm1 =	vgt.s32 v6, v9;
	(pc) =	sbr.rel @p0 .LBB2_134-.Ltmp81, $4  }
0x428: {  	v10 =	vld [tilespmem:s3+$0xFFFFFFD0];
	vm2 =	vgt.s32 v11, v7;
	[tilespmem:s24+$0xFFFFFFD0] =	vst v17;
	v13 =	vsel vm1, v9, v6;
	v12 =	vsel vm1, v6, v9  }
0x429: {  	v6 =	vld [tilespmem:s3+$0x0];
	v17 =	vsel vm2, v7, v11;
	v18 =	vsel vm2, v11, v7;
	[tilespmem:s24+$0x0] =	vst v13  }
0x42a: {  	v9 =	vld [tilespmem:s3+$0x10];
	vm1 =	vgt.s32 v15, v14;
	[tilespmem:s24+$0xFFFFFF80] =	vst v17  }
0x42b: {  	s3 =	sadd.s32 $0x100, s3;
	v11 =	vld [tilespmem:s22+$0xFFFFFF80];
	v13 =	vsel vm1, v14, v15;
	v14 =	vsel vm1, v15, v14;
	[tilespmem:s24+$0xFFFFFF90] =	vst v18;
	v7 =	vmov v16  }
0x42c: {  	[tilespmem:s22+$0x50] =	vst v14  }
0x42d: {  	[tilespmem:s24+$0x10] =	vst v12;
	vm1 =	vgt.s32 v8, v10  }
0x42e: {  	[tilespmem:s22+$0x40] =	vst v13;
	v12 =	vsel vm1, v10, v8  }
0x42f: {  	v8 =	vsel vm1, v8, v10;
	[tilespmem:s22+$0xFFFFFFC0] =	vst v12;
	vm1 =	vgt.s32 v6, v9  }
0x430: {  	[tilespmem:s22+$0xFFFFFFD0] =	vst v8;
	v8 =	vsel vm1, v9, v6  }
0x431: {  	vm2 =	vgt.s32 v11, v7;
	v6 =	vsel vm1, v6, v9;
	[tilespmem:s22+$0x0] =	vst v8  }
0x432: {  	v10 =	vsel vm2, v7, v11;
	[tilespmem:s22+$0x10] =	vst v6  }
0x433: {  	v7 =	vsel vm2, v11, v7;
	[tilespmem:s22+$0xFFFFFF80] =	vst v10  }
0x434: {  	s23 =	simm.s32 $0x17080;
	[tilespmem:s22+$0xFFFFFF90] =	vst v7  }
0x435: {  	v11 =	vld [tilespmem:s23+$0x10]  }
0x436: {  	v14 =	vld [tilespmem:s23+$0x30]  }
0x437: {  	p1 =	por $0x1, $0x1;
	v13 =	vld [tilespmem:s23+$0xFFFFFFA0]  }
.Ltmp82:
0x438: {  	v7 =	vld [tilespmem:s23+$0xFFFFFF90];
	(pc) =	sbr.rel @!p1 .LBB2_136-.Ltmp82, $4  }
0x439: {  	v10 =	vld [tilespmem:s23+$0xFFFFFFB0]  }
0x43a: {  	v6 =	vld [tilespmem:s23+$0x0]  }
0x43b: {  	v8 =	vld [tilespmem:s23+$0x20];
	vm1 =	vgt.s32 v11, v14  }
0x43c: {  	p0 =	por $0x0, $0x0;
	s22 =	simm.s32 $0x17180;
	v9 =	vld [tilespmem:s23+$0xFFFFFF80];
	v12 =	vsel vm1, v11, v14;
	v15 =	vsel vm1, v14, v11  }
0x43d: {  	v16 =	vld [tilespmem:s22+$0x10]  }
0x43e: {  	[tilespmem:s23+$0x30] =	vst v15;
	v15 =	vld [tilespmem:s22+$0x30];
	vm1 =	vlt.s32 v7, v10  }
0x43f: {  	v11 =	vld [tilespmem:s22+$0xFFFFFFA0];
	[tilespmem:s23+$0x10] =	vst v12;
	p3 =	por $0x1, $0x1;
	v14 =	vsel vm1, v10, v7  }
.Ltmp83:
0x440: {  	v17 =	vsel vm1, v7, v10;
	v7 =	vld [tilespmem:s22+$0xFFFFFF90];
	[tilespmem:s23+$0xFFFFFF90] =	vst v14;
	vm1 =	vgt.s32 v6, v8;
	(pc) =	sbr.rel @!p3 .LBB2_147-.Ltmp83, $4  }
0x441: {  	v10 =	vld [tilespmem:s22+$0xFFFFFFB0];
	[tilespmem:s23+$0xFFFFFFB0] =	vst v17;
	vm2 =	vlt.s32 v9, v13;
	v12 =	vsel vm1, v6, v8  }
0x442: {  	v14 =	vsel vm1, v8, v6;
	v6 =	vld [tilespmem:s22+$0x0];
	v17 =	vsel vm2, v13, v9;
	[tilespmem:s23+$0x0] =	vst v12  }
0x443: {  	v8 =	vld [tilespmem:s22+$0x20];
	v13 =	vsel vm2, v9, v13;
	vm1 =	vgt.s32 v16, v15;
	[tilespmem:s23+$0xFFFFFF80] =	vst v17  }
0x444: {  	s0 =	simm.s32 $0x4;
	s3 =	simm.s32 $0x17280;
	p2 =	por $0x1, $0x1;
	v9 =	vld [tilespmem:s22+$0xFFFFFF80];
	v12 =	vsel vm1, v16, v15;
	v15 =	vsel vm1, v15, v16;
	[tilespmem:s23+$0xFFFFFFA0] =	vst v13  }
.LBB2_148:
0x445: {  	v13 =	vld [tilespmem:s3+$0x10];
	[tilespmem:s22+$0x30] =	vst v15  }
0x446: {  	s0 =	sadd.s32 $0x4, s0;
	v15 =	vld [tilespmem:s3+$0x30];
	vm1 =	vlt.s32 v7, v10;
	[tilespmem:s23+$0x20] =	vst v14;
	s23 =	smov.u32 s22;
	s22 =	smov.u32 s3  }
0x447: {  	p3 =	slt.u32 s0, $0xC;
	v16 =	vld [tilespmem:s3+$0xFFFFFFA0];
	v14 =	vsel vm1, v10, v7;
	v17 =	vsel vm1, v7, v10;
	[tilespmem:s23+$0x10] =	vst v12  }
.Ltmp84:
0x448: {  	v7 =	vld [tilespmem:s3+$0xFFFFFF90];
	[tilespmem:s23+$0xFFFFFF90] =	vst v14;
	vm1 =	vgt.s32 v6, v8;
	(pc) =	sbr.rel @p3 .LBB2_148-.Ltmp84, $4  }
0x449: {  	v10 =	vld [tilespmem:s3+$0xFFFFFFB0];
	vm2 =	vlt.s32 v9, v11;
	[tilespmem:s23+$0xFFFFFFB0] =	vst v17;
	v12 =	vsel vm1, v6, v8;
	v14 =	vsel vm1, v8, v6  }
0x44a: {  	v6 =	vld [tilespmem:s3+$0x0];
	v17 =	vsel vm2, v11, v9;
	v18 =	vsel vm2, v9, v11;
	[tilespmem:s23+$0x0] =	vst v12  }
0x44b: {  	v8 =	vld [tilespmem:s3+$0x20];
	vm1 =	vgt.s32 v13, v15;
	[tilespmem:s23+$0xFFFFFF80] =	vst v17  }
0x44c: {  	s3 =	sadd.s32 $0x100, s3;
	v9 =	vld [tilespmem:s22+$0xFFFFFF80];
	v12 =	vsel vm1, v13, v15;
	v15 =	vsel vm1, v15, v13;
	[tilespmem:s23+$0xFFFFFFA0] =	vst v18;
	v11 =	vmov v16  }
0x44d: {  	v13 =	vmov v11  }
.LBB2_150:
0x44e: {  	[tilespmem:s22+$0x30] =	vst v15  }
0x44f: {  	vm1 =	vlt.s32 v7, v10;
	[tilespmem:s23+$0x20] =	vst @p2 v14  }
0x450: {  	[tilespmem:s22+$0x10] =	vst v12;
	v11 =	vsel vm1, v10, v7  }
0x451: {  	v7 =	vsel vm1, v7, v10;
	[tilespmem:s22+$0xFFFFFF90] =	vst v11;
	vm1 =	vgt.s32 v6, v8  }
0x452: {  	[tilespmem:s22+$0xFFFFFFB0] =	vst v7;
	v7 =	vsel vm1, v6, v8  }
0x453: {  	vm2 =	vlt.s32 v9, v13;
	v6 =	vsel vm1, v8, v6;
	[tilespmem:s22+$0x0] =	vst v7  }
0x454: {  	v10 =	vsel vm2, v13, v9;
	[tilespmem:s22+$0x20] =	vst v6  }
0x455: {  	v7 =	vsel vm2, v9, v13;
	[tilespmem:s22+$0xFFFFFF80] =	vst v10  }
0x456: {  	s23 =	simm.s32 $0x170C0;
	[tilespmem:s22+$0xFFFFFFA0] =	vst v7  }
0x457: {  	v11 =	vld [tilespmem:s23+$0x10]  }
0x458: {  	v13 =	vld [tilespmem:s23+$0x30]  }
0x459: {  	v14 =	vld [tilespmem:s23+$0xFFFFFFA0]  }
.Ltmp85:
0x45a: {  	v7 =	vld [tilespmem:s23+$0xFFFFFF90];
	(pc) =	sbr.rel @!p1 .LBB2_151-.Ltmp85, $4  }
0x45b: {  	v10 =	vld [tilespmem:s23+$0xFFFFFFB0]  }
0x45c: {  	v6 =	vld [tilespmem:s23+$0x0]  }
0x45d: {  	v8 =	vld [tilespmem:s23+$0x20];
	vm1 =	vlt.s32 v11, v13  }
0x45e: {  	s22 =	simm.s32 $0x171C0;
	v9 =	vld [tilespmem:s23+$0xFFFFFF80];
	v12 =	vsel vm1, v11, v13;
	v15 =	vsel vm1, v13, v11  }
0x45f: {  	v16 =	vld [tilespmem:s22+$0x10]  }
0x460: {  	[tilespmem:s23+$0x30] =	vst v15;
	v15 =	vld [tilespmem:s22+$0x30];
	vm1 =	vgt.s32 v7, v10  }
0x461: {  	v11 =	vld [tilespmem:s22+$0xFFFFFFA0];
	[tilespmem:s23+$0x10] =	vst v12;
	p1 =	por $0x1, $0x1;
	v13 =	vsel vm1, v10, v7  }
.Ltmp86:
0x462: {  	v17 =	vsel vm1, v7, v10;
	v7 =	vld [tilespmem:s22+$0xFFFFFF90];
	[tilespmem:s23+$0xFFFFFF90] =	vst v13;
	vm1 =	vlt.s32 v6, v8;
	(pc) =	sbr.rel @!p1 .LBB2_153-.Ltmp86, $4  }
0x463: {  	v10 =	vld [tilespmem:s22+$0xFFFFFFB0];
	[tilespmem:s23+$0xFFFFFFB0] =	vst v17;
	vm2 =	vgt.s32 v9, v14;
	v12 =	vsel vm1, v6, v8  }
0x464: {  	v13 =	vsel vm1, v8, v6;
	v6 =	vld [tilespmem:s22+$0x0];
	v17 =	vsel vm2, v14, v9;
	[tilespmem:s23+$0x0] =	vst v12  }
0x465: {  	v8 =	vld [tilespmem:s22+$0x20];
	v14 =	vsel vm2, v9, v14;
	vm1 =	vlt.s32 v16, v15;
	[tilespmem:s23+$0xFFFFFF80] =	vst v17  }
0x466: {  	s0 =	simm.s32 $0x4;
	s3 =	simm.s32 $0x172C0;
	p0 =	por $0x1, $0x1;
	v9 =	vld [tilespmem:s22+$0xFFFFFF80];
	v12 =	vsel vm1, v16, v15;
	v15 =	vsel vm1, v15, v16;
	[tilespmem:s23+$0xFFFFFFA0] =	vst v14  }
.LBB2_154:
0x467: {  	v14 =	vld [tilespmem:s3+$0x10];
	[tilespmem:s22+$0x30] =	vst v15  }
0x468: {  	s0 =	sadd.s32 $0x4, s0;
	v15 =	vld [tilespmem:s3+$0x30];
	vm1 =	vgt.s32 v7, v10;
	[tilespmem:s23+$0x20] =	vst v13;
	s23 =	smov.u32 s22;
	s22 =	smov.u32 s3  }
0x469: {  	p1 =	slt.u32 s0, $0xC;
	v16 =	vld [tilespmem:s3+$0xFFFFFFA0];
	v13 =	vsel vm1, v10, v7;
	v17 =	vsel vm1, v7, v10;
	[tilespmem:s23+$0x10] =	vst v12  }
.Ltmp87:
0x46a: {  	v7 =	vld [tilespmem:s3+$0xFFFFFF90];
	[tilespmem:s23+$0xFFFFFF90] =	vst v13;
	vm1 =	vlt.s32 v6, v8;
	(pc) =	sbr.rel @p1 .LBB2_154-.Ltmp87, $4  }
0x46b: {  	v10 =	vld [tilespmem:s3+$0xFFFFFFB0];
	vm2 =	vgt.s32 v9, v11;
	[tilespmem:s23+$0xFFFFFFB0] =	vst v17;
	v12 =	vsel vm1, v6, v8;
	v13 =	vsel vm1, v8, v6  }
0x46c: {  	v6 =	vld [tilespmem:s3+$0x0];
	v17 =	vsel vm2, v11, v9;
	v18 =	vsel vm2, v9, v11;
	[tilespmem:s23+$0x0] =	vst v12  }
0x46d: {  	v8 =	vld [tilespmem:s3+$0x20];
	vm1 =	vlt.s32 v14, v15;
	[tilespmem:s23+$0xFFFFFF80] =	vst v17  }
0x46e: {  	s3 =	sadd.s32 $0x100, s3;
	v9 =	vld [tilespmem:s22+$0xFFFFFF80];
	v12 =	vsel vm1, v14, v15;
	v15 =	vsel vm1, v15, v14;
	[tilespmem:s23+$0xFFFFFFA0] =	vst v18;
	v11 =	vmov v16  }
0x46f: {  	v14 =	vmov v11  }
.LBB2_156:
0x470: {  	[tilespmem:s22+$0x30] =	vst v15  }
0x471: {  	vm1 =	vgt.s32 v7, v10;
	[tilespmem:s23+$0x20] =	vst @p0 v13  }
0x472: {  	[tilespmem:s22+$0x10] =	vst v12;
	v11 =	vsel vm1, v10, v7  }
0x473: {  	v7 =	vsel vm1, v7, v10;
	[tilespmem:s22+$0xFFFFFF90] =	vst v11;
	vm1 =	vlt.s32 v6, v8  }
0x474: {  	[tilespmem:s22+$0xFFFFFFB0] =	vst v7;
	v7 =	vsel vm1, v6, v8  }
0x475: {  	vm2 =	vgt.s32 v9, v14;
	v6 =	vsel vm1, v8, v6;
	[tilespmem:s22+$0x0] =	vst v7  }
0x476: {  	v10 =	vsel vm2, v14, v9;
	[tilespmem:s22+$0x20] =	vst v6  }
0x477: {  	v7 =	vsel vm2, v9, v14;
	[tilespmem:s22+$0xFFFFFF80] =	vst v10  }
0x478: {  	s23 =	simm.s32 $0x17080;
	[tilespmem:s22+$0xFFFFFFA0] =	vst v7  }
0x479: {  	v11 =	vld [tilespmem:s23+$0x20]  }
0x47a: {  	v14 =	vld [tilespmem:s23+$0x30]  }
0x47b: {  	p1 =	por $0x1, $0x1;
	v13 =	vld [tilespmem:s23+$0xFFFFFF90]  }
.Ltmp88:
0x47c: {  	v7 =	vld [tilespmem:s23+$0xFFFFFFA0];
	(pc) =	sbr.rel @!p1 .LBB2_157-.Ltmp88, $4  }
0x47d: {  	v10 =	vld [tilespmem:s23+$0xFFFFFFB0]  }
0x47e: {  	v6 =	vld [tilespmem:s23+$0x0]  }
0x47f: {  	v8 =	vld [tilespmem:s23+$0x10];
	vm1 =	vgt.s32 v11, v14  }
0x480: {  	p0 =	por $0x0, $0x0;
	s22 =	simm.s32 $0x17180;
	v9 =	vld [tilespmem:s23+$0xFFFFFF80];
	v12 =	vsel vm1, v11, v14;
	v15 =	vsel vm1, v14, v11  }
0x481: {  	v16 =	vld [tilespmem:s22+$0x20]  }
0x482: {  	[tilespmem:s23+$0x30] =	vst v15;
	v15 =	vld [tilespmem:s22+$0x30];
	vm1 =	vlt.s32 v7, v10  }
0x483: {  	v11 =	vld [tilespmem:s22+$0xFFFFFF90];
	[tilespmem:s23+$0x20] =	vst v12;
	p3 =	por $0x1, $0x1;
	v14 =	vsel vm1, v10, v7  }
.Ltmp89:
0x484: {  	v17 =	vsel vm1, v7, v10;
	v7 =	vld [tilespmem:s22+$0xFFFFFFA0];
	[tilespmem:s23+$0xFFFFFFA0] =	vst v14;
	vm1 =	vgt.s32 v6, v8;
	(pc) =	sbr.rel @!p3 .LBB2_159-.Ltmp89, $4  }
0x485: {  	v10 =	vld [tilespmem:s22+$0xFFFFFFB0];
	[tilespmem:s23+$0xFFFFFFB0] =	vst v17;
	vm2 =	vlt.s32 v9, v13;
	v12 =	vsel vm1, v6, v8  }
0x486: {  	v14 =	vsel vm1, v8, v6;
	v6 =	vld [tilespmem:s22+$0x0];
	v17 =	vsel vm2, v13, v9;
	[tilespmem:s23+$0x0] =	vst v12  }
0x487: {  	v8 =	vld [tilespmem:s22+$0x10];
	v13 =	vsel vm2, v9, v13;
	vm1 =	vgt.s32 v16, v15;
	[tilespmem:s23+$0xFFFFFF80] =	vst v17  }
0x488: {  	s0 =	simm.s32 $0x4;
	s3 =	simm.s32 $0x17280;
	p2 =	por $0x1, $0x1;
	v9 =	vld [tilespmem:s22+$0xFFFFFF80];
	v12 =	vsel vm1, v16, v15;
	v15 =	vsel vm1, v15, v16;
	[tilespmem:s23+$0xFFFFFF90] =	vst v13  }
.LBB2_160:
0x489: {  	v13 =	vld [tilespmem:s3+$0x20];
	[tilespmem:s22+$0x30] =	vst v15  }
0x48a: {  	s0 =	sadd.s32 $0x4, s0;
	v15 =	vld [tilespmem:s3+$0x30];
	vm1 =	vlt.s32 v7, v10;
	[tilespmem:s23+$0x10] =	vst v14;
	s23 =	smov.u32 s22;
	s22 =	smov.u32 s3  }
0x48b: {  	p3 =	slt.u32 s0, $0xC;
	v16 =	vld [tilespmem:s3+$0xFFFFFF90];
	v14 =	vsel vm1, v10, v7;
	v17 =	vsel vm1, v7, v10;
	[tilespmem:s23+$0x20] =	vst v12  }
.Ltmp90:
0x48c: {  	v7 =	vld [tilespmem:s3+$0xFFFFFFA0];
	[tilespmem:s23+$0xFFFFFFA0] =	vst v14;
	vm1 =	vgt.s32 v6, v8;
	(pc) =	sbr.rel @p3 .LBB2_160-.Ltmp90, $4  }
0x48d: {  	v10 =	vld [tilespmem:s3+$0xFFFFFFB0];
	vm2 =	vlt.s32 v9, v11;
	[tilespmem:s23+$0xFFFFFFB0] =	vst v17;
	v12 =	vsel vm1, v6, v8;
	v14 =	vsel vm1, v8, v6  }
0x48e: {  	v6 =	vld [tilespmem:s3+$0x0];
	v17 =	vsel vm2, v11, v9;
	v18 =	vsel vm2, v9, v11;
	[tilespmem:s23+$0x0] =	vst v12  }
0x48f: {  	v8 =	vld [tilespmem:s3+$0x10];
	vm1 =	vgt.s32 v13, v15;
	[tilespmem:s23+$0xFFFFFF80] =	vst v17  }
0x490: {  	s3 =	sadd.s32 $0x100, s3;
	v9 =	vld [tilespmem:s22+$0xFFFFFF80];
	v12 =	vsel vm1, v13, v15;
	v15 =	vsel vm1, v15, v13;
	[tilespmem:s23+$0xFFFFFF90] =	vst v18;
	v11 =	vmov v16  }
0x491: {  	v13 =	vmov v11  }
.LBB2_162:
0x492: {  	[tilespmem:s22+$0x30] =	vst v15  }
0x493: {  	vm1 =	vlt.s32 v7, v10;
	[tilespmem:s23+$0x10] =	vst @p2 v14  }
0x494: {  	[tilespmem:s22+$0x20] =	vst v12;
	v11 =	vsel vm1, v10, v7  }
0x495: {  	v7 =	vsel vm1, v7, v10;
	[tilespmem:s22+$0xFFFFFFA0] =	vst v11;
	vm1 =	vgt.s32 v6, v8  }
0x496: {  	[tilespmem:s22+$0xFFFFFFB0] =	vst v7;
	v7 =	vsel vm1, v6, v8  }
0x497: {  	vm2 =	vlt.s32 v9, v13;
	v6 =	vsel vm1, v8, v6;
	[tilespmem:s22+$0x0] =	vst v7  }
0x498: {  	v10 =	vsel vm2, v13, v9;
	[tilespmem:s22+$0x10] =	vst v6  }
0x499: {  	v7 =	vsel vm2, v9, v13;
	[tilespmem:s22+$0xFFFFFF80] =	vst v10  }
0x49a: {  	s23 =	simm.s32 $0x170C0;
	[tilespmem:s22+$0xFFFFFF90] =	vst v7  }
0x49b: {  	v11 =	vld [tilespmem:s23+$0x20]  }
0x49c: {  	v13 =	vld [tilespmem:s23+$0x30]  }
0x49d: {  	v14 =	vld [tilespmem:s23+$0xFFFFFF90]  }
.Ltmp91:
0x49e: {  	v7 =	vld [tilespmem:s23+$0xFFFFFFA0];
	(pc) =	sbr.rel @!p1 .LBB2_163-.Ltmp91, $4  }
0x49f: {  	v10 =	vld [tilespmem:s23+$0xFFFFFFB0]  }
0x4a0: {  	v6 =	vld [tilespmem:s23+$0x0]  }
0x4a1: {  	v8 =	vld [tilespmem:s23+$0x10];
	vm1 =	vlt.s32 v11, v13  }
0x4a2: {  	s22 =	simm.s32 $0x171C0;
	v9 =	vld [tilespmem:s23+$0xFFFFFF80];
	v12 =	vsel vm1, v11, v13;
	v15 =	vsel vm1, v13, v11  }
0x4a3: {  	v16 =	vld [tilespmem:s22+$0x20]  }
0x4a4: {  	[tilespmem:s23+$0x30] =	vst v15;
	v15 =	vld [tilespmem:s22+$0x30];
	vm1 =	vgt.s32 v7, v10  }
0x4a5: {  	v11 =	vld [tilespmem:s22+$0xFFFFFF90];
	[tilespmem:s23+$0x20] =	vst v12;
	p1 =	por $0x1, $0x1;
	v13 =	vsel vm1, v10, v7  }
.Ltmp92:
0x4a6: {  	v17 =	vsel vm1, v7, v10;
	v7 =	vld [tilespmem:s22+$0xFFFFFFA0];
	[tilespmem:s23+$0xFFFFFFA0] =	vst v13;
	vm1 =	vlt.s32 v6, v8;
	(pc) =	sbr.rel @!p1 .LBB2_165-.Ltmp92, $4  }
0x4a7: {  	v10 =	vld [tilespmem:s22+$0xFFFFFFB0];
	[tilespmem:s23+$0xFFFFFFB0] =	vst v17;
	vm2 =	vgt.s32 v9, v14;
	v12 =	vsel vm1, v6, v8  }
0x4a8: {  	v13 =	vsel vm1, v8, v6;
	v6 =	vld [tilespmem:s22+$0x0];
	v17 =	vsel vm2, v14, v9;
	[tilespmem:s23+$0x0] =	vst v12  }
0x4a9: {  	v8 =	vld [tilespmem:s22+$0x10];
	v14 =	vsel vm2, v9, v14;
	vm1 =	vlt.s32 v16, v15;
	[tilespmem:s23+$0xFFFFFF80] =	vst v17  }
0x4aa: {  	s0 =	simm.s32 $0x4;
	s3 =	simm.s32 $0x172C0;
	p0 =	por $0x1, $0x1;
	v9 =	vld [tilespmem:s22+$0xFFFFFF80];
	v12 =	vsel vm1, v16, v15;
	v15 =	vsel vm1, v15, v16;
	[tilespmem:s23+$0xFFFFFF90] =	vst v14  }
.LBB2_166:
0x4ab: {  	v14 =	vld [tilespmem:s3+$0x20];
	[tilespmem:s22+$0x30] =	vst v15  }
0x4ac: {  	s0 =	sadd.s32 $0x4, s0;
	v15 =	vld [tilespmem:s3+$0x30];
	vm1 =	vgt.s32 v7, v10;
	[tilespmem:s23+$0x10] =	vst v13;
	s23 =	smov.u32 s22;
	s22 =	smov.u32 s3  }
0x4ad: {  	p1 =	slt.u32 s0, $0xC;
	v16 =	vld [tilespmem:s3+$0xFFFFFF90];
	v13 =	vsel vm1, v10, v7;
	v17 =	vsel vm1, v7, v10;
	[tilespmem:s23+$0x20] =	vst v12  }
.Ltmp93:
0x4ae: {  	v7 =	vld [tilespmem:s3+$0xFFFFFFA0];
	[tilespmem:s23+$0xFFFFFFA0] =	vst v13;
	vm1 =	vlt.s32 v6, v8;
	(pc) =	sbr.rel @p1 .LBB2_166-.Ltmp93, $4  }
0x4af: {  	v10 =	vld [tilespmem:s3+$0xFFFFFFB0];
	vm2 =	vgt.s32 v9, v11;
	[tilespmem:s23+$0xFFFFFFB0] =	vst v17;
	v12 =	vsel vm1, v6, v8;
	v13 =	vsel vm1, v8, v6  }
0x4b0: {  	v6 =	vld [tilespmem:s3+$0x0];
	v17 =	vsel vm2, v11, v9;
	v18 =	vsel vm2, v9, v11;
	[tilespmem:s23+$0x0] =	vst v12  }
0x4b1: {  	v8 =	vld [tilespmem:s3+$0x10];
	vm1 =	vlt.s32 v14, v15;
	[tilespmem:s23+$0xFFFFFF80] =	vst v17  }
0x4b2: {  	s3 =	sadd.s32 $0x100, s3;
	v9 =	vld [tilespmem:s22+$0xFFFFFF80];
	v12 =	vsel vm1, v14, v15;
	v15 =	vsel vm1, v15, v14;
	[tilespmem:s23+$0xFFFFFF90] =	vst v18;
	v11 =	vmov v16  }
0x4b3: {  	v14 =	vmov v11  }
.LBB2_168:
0x4b4: {  	[tilespmem:s22+$0x30] =	vst v15  }
0x4b5: {  	vm1 =	vgt.s32 v7, v10;
	[tilespmem:s23+$0x10] =	vst @p0 v13  }
0x4b6: {  	[tilespmem:s22+$0x20] =	vst v12;
	v11 =	vsel vm1, v10, v7  }
0x4b7: {  	v7 =	vsel vm1, v7, v10;
	[tilespmem:s22+$0xFFFFFFA0] =	vst v11;
	vm1 =	vlt.s32 v6, v8  }
0x4b8: {  	[tilespmem:s22+$0xFFFFFFB0] =	vst v7;
	v7 =	vsel vm1, v6, v8  }
0x4b9: {  	vm2 =	vgt.s32 v9, v14;
	v6 =	vsel vm1, v8, v6;
	[tilespmem:s22+$0x0] =	vst v7  }
0x4ba: {  	v10 =	vsel vm2, v14, v9;
	[tilespmem:s22+$0x10] =	vst v6  }
0x4bb: {  	v7 =	vsel vm2, v9, v14;
	[tilespmem:s22+$0xFFFFFF80] =	vst v10  }
0x4bc: {  	s23 =	simm.s32 $0x17040;
	[tilespmem:s22+$0xFFFFFF90] =	vst v7  }
0x4bd: {  	v11 =	vld [tilespmem:s23+$0xFFFFFFF0]  }
0x4be: {  	v14 =	vld [tilespmem:s23+$0x30]  }
0x4bf: {  	p1 =	por $0x1, $0x1;
	v13 =	vld [tilespmem:s23+$0x0]  }
.Ltmp94:
0x4c0: {  	v7 =	vld [tilespmem:s23+$0xFFFFFFD0];
	(pc) =	sbr.rel @!p1 .LBB2_169-.Ltmp94, $4  }
0x4c1: {  	v10 =	vld [tilespmem:s23+$0x10]  }
0x4c2: {  	v6 =	vld [tilespmem:s23+$0xFFFFFFE0]  }
0x4c3: {  	v8 =	vld [tilespmem:s23+$0x20];
	vm1 =	vlt.s32 v11, v14  }
0x4c4: {  	p0 =	por $0x0, $0x0;
	s22 =	simm.s32 $0x17140;
	v9 =	vld [tilespmem:s23+$0xFFFFFFC0];
	v12 =	vsel vm1, v14, v11;
	v15 =	vsel vm1, v11, v14  }
0x4c5: {  	v16 =	vld [tilespmem:s22+$0xFFFFFFF0]  }
0x4c6: {  	[tilespmem:s23+$0x30] =	vst v15;
	v15 =	vld [tilespmem:s22+$0x30];
	vm1 =	vlt.s32 v7, v10  }
0x4c7: {  	v11 =	vld [tilespmem:s22+$0x0];
	[tilespmem:s23+$0xFFFFFFF0] =	vst v12;
	p3 =	por $0x1, $0x1;
	v14 =	vsel vm1, v10, v7  }
.Ltmp95:
0x4c8: {  	v17 =	vsel vm1, v7, v10;
	v7 =	vld [tilespmem:s22+$0xFFFFFFD0];
	[tilespmem:s23+$0xFFFFFFD0] =	vst v14;
	vm1 =	vlt.s32 v6, v8;
	(pc) =	sbr.rel @!p3 .LBB2_171-.Ltmp95, $4  }
0x4c9: {  	v10 =	vld [tilespmem:s22+$0x10];
	[tilespmem:s23+$0x10] =	vst v17;
	vm2 =	vlt.s32 v9, v13;
	v12 =	vsel vm1, v8, v6  }
0x4ca: {  	v14 =	vsel vm1, v6, v8;
	v6 =	vld [tilespmem:s22+$0xFFFFFFE0];
	v17 =	vsel vm2, v13, v9;
	[tilespmem:s23+$0xFFFFFFE0] =	vst v12  }
0x4cb: {  	v8 =	vld [tilespmem:s22+$0x20];
	v13 =	vsel vm2, v9, v13;
	vm1 =	vlt.s32 v16, v15;
	[tilespmem:s23+$0xFFFFFFC0] =	vst v17  }
0x4cc: {  	s0 =	simm.s32 $0x4;
	s3 =	simm.s32 $0x17240;
	p2 =	por $0x1, $0x1;
	v9 =	vld [tilespmem:s22+$0xFFFFFFC0];
	v12 =	vsel vm1, v15, v16;
	v15 =	vsel vm1, v16, v15;
	[tilespmem:s23+$0x0] =	vst v13  }
.LBB2_172:
0x4cd: {  	v13 =	vld [tilespmem:s3+$0xFFFFFFF0];
	[tilespmem:s22+$0x30] =	vst v15  }
0x4ce: {  	s0 =	sadd.s32 $0x4, s0;
	v15 =	vld [tilespmem:s3+$0x30];
	vm1 =	vlt.s32 v7, v10;
	[tilespmem:s23+$0x20] =	vst v14;
	s23 =	smov.u32 s22;
	s22 =	smov.u32 s3  }
0x4cf: {  	p3 =	slt.u32 s0, $0xC;
	v16 =	vld [tilespmem:s3+$0x0];
	v14 =	vsel vm1, v10, v7;
	v17 =	vsel vm1, v7, v10;
	[tilespmem:s23+$0xFFFFFFF0] =	vst v12  }
.Ltmp96:
0x4d0: {  	v7 =	vld [tilespmem:s3+$0xFFFFFFD0];
	[tilespmem:s23+$0xFFFFFFD0] =	vst v14;
	vm1 =	vlt.s32 v6, v8;
	(pc) =	sbr.rel @p3 .LBB2_172-.Ltmp96, $4  }
0x4d1: {  	v10 =	vld [tilespmem:s3+$0x10];
	vm2 =	vlt.s32 v9, v11;
	[tilespmem:s23+$0x10] =	vst v17;
	v12 =	vsel vm1, v8, v6;
	v14 =	vsel vm1, v6, v8  }
0x4d2: {  	v6 =	vld [tilespmem:s3+$0xFFFFFFE0];
	v17 =	vsel vm2, v11, v9;
	v18 =	vsel vm2, v9, v11;
	[tilespmem:s23+$0xFFFFFFE0] =	vst v12  }
0x4d3: {  	v8 =	vld [tilespmem:s3+$0x20];
	vm1 =	vlt.s32 v13, v15;
	[tilespmem:s23+$0xFFFFFFC0] =	vst v17  }
0x4d4: {  	s3 =	sadd.s32 $0x100, s3;
	v9 =	vld [tilespmem:s22+$0xFFFFFFC0];
	v12 =	vsel vm1, v15, v13;
	v15 =	vsel vm1, v13, v15;
	[tilespmem:s23+$0x0] =	vst v18;
	v11 =	vmov v16  }
0x4d5: {  	v13 =	vmov v11  }
.LBB2_174:
0x4d6: {  	[tilespmem:s22+$0x30] =	vst v15  }
0x4d7: {  	vm1 =	vlt.s32 v7, v10;
	[tilespmem:s23+$0x20] =	vst @p2 v14  }
0x4d8: {  	[tilespmem:s22+$0xFFFFFFF0] =	vst v12;
	v11 =	vsel vm1, v10, v7  }
0x4d9: {  	v7 =	vsel vm1, v7, v10;
	[tilespmem:s22+$0xFFFFFFD0] =	vst v11;
	vm1 =	vlt.s32 v6, v8  }
0x4da: {  	[tilespmem:s22+$0x10] =	vst v7;
	v7 =	vsel vm1, v8, v6  }
0x4db: {  	vm2 =	vlt.s32 v9, v13;
	v6 =	vsel vm1, v6, v8;
	[tilespmem:s22+$0xFFFFFFE0] =	vst v7  }
0x4dc: {  	v10 =	vsel vm2, v13, v9;
	[tilespmem:s22+$0x20] =	vst v6  }
0x4dd: {  	v7 =	vsel vm2, v9, v13;
	[tilespmem:s22+$0xFFFFFFC0] =	vst v10  }
0x4de: {  	s23 =	simm.s32 $0x170F0;
	[tilespmem:s22+$0x0] =	vst v7  }
0x4df: {  	v11 =	vld [tilespmem:s23+$0xFFFFFFC0]  }
0x4e0: {  	v13 =	vld [tilespmem:s23+$0x0]  }
0x4e1: {  	v14 =	vld [tilespmem:s23+$0xFFFFFFD0]  }
.Ltmp97:
0x4e2: {  	v7 =	vld [tilespmem:s23+$0xFFFFFFA0];
	(pc) =	sbr.rel @!p1 .LBB2_175-.Ltmp97, $4  }
0x4e3: {  	v10 =	vld [tilespmem:s23+$0xFFFFFFE0]  }
0x4e4: {  	v6 =	vld [tilespmem:s23+$0xFFFFFFB0]  }
0x4e5: {  	v8 =	vld [tilespmem:s23+$0xFFFFFFF0];
	vm1 =	vgt.s32 v11, v13  }
0x4e6: {  	s22 =	simm.s32 $0x171F0;
	v9 =	vld [tilespmem:s23+$0xFFFFFF90];
	v12 =	vsel vm1, v13, v11;
	v15 =	vsel vm1, v11, v13  }
0x4e7: {  	v16 =	vld [tilespmem:s22+$0xFFFFFFC0]  }
0x4e8: {  	[tilespmem:s23+$0x0] =	vst v15;
	v15 =	vld [tilespmem:s22+$0x0];
	vm1 =	vgt.s32 v7, v10  }
0x4e9: {  	v11 =	vld [tilespmem:s22+$0xFFFFFFD0];
	[tilespmem:s23+$0xFFFFFFC0] =	vst v12;
	p1 =	por $0x1, $0x1;
	v13 =	vsel vm1, v10, v7  }
.Ltmp98:
0x4ea: {  	v17 =	vsel vm1, v7, v10;
	v7 =	vld [tilespmem:s22+$0xFFFFFFA0];
	[tilespmem:s23+$0xFFFFFFA0] =	vst v13;
	vm1 =	vgt.s32 v6, v8;
	(pc) =	sbr.rel @!p1 .LBB2_177-.Ltmp98, $4  }
0x4eb: {  	v10 =	vld [tilespmem:s22+$0xFFFFFFE0];
	[tilespmem:s23+$0xFFFFFFE0] =	vst v17;
	vm2 =	vgt.s32 v9, v14;
	v12 =	vsel vm1, v8, v6  }
0x4ec: {  	v13 =	vsel vm1, v6, v8;
	v6 =	vld [tilespmem:s22+$0xFFFFFFB0];
	v17 =	vsel vm2, v14, v9;
	[tilespmem:s23+$0xFFFFFFB0] =	vst v12  }
0x4ed: {  	v8 =	vld [tilespmem:s22+$0xFFFFFFF0];
	v14 =	vsel vm2, v9, v14;
	vm1 =	vgt.s32 v16, v15;
	[tilespmem:s23+$0xFFFFFF90] =	vst v17  }
0x4ee: {  	s0 =	simm.s32 $0x4;
	s3 =	simm.s32 $0x172F0;
	p0 =	por $0x1, $0x1;
	v9 =	vld [tilespmem:s22+$0xFFFFFF90];
	v12 =	vsel vm1, v15, v16;
	v15 =	vsel vm1, v16, v15;
	[tilespmem:s23+$0xFFFFFFD0] =	vst v14  }
.LBB2_178:
0x4ef: {  	v14 =	vld [tilespmem:s3+$0xFFFFFFC0];
	[tilespmem:s22+$0x0] =	vst v15  }
0x4f0: {  	s0 =	sadd.s32 $0x4, s0;
	v15 =	vld [tilespmem:s3+$0x0];
	vm1 =	vgt.s32 v7, v10;
	[tilespmem:s23+$0xFFFFFFF0] =	vst v13;
	s23 =	smov.u32 s22;
	s22 =	smov.u32 s3  }
0x4f1: {  	p1 =	slt.u32 s0, $0xC;
	v16 =	vld [tilespmem:s3+$0xFFFFFFD0];
	v13 =	vsel vm1, v10, v7;
	v17 =	vsel vm1, v7, v10;
	[tilespmem:s23+$0xFFFFFFC0] =	vst v12  }
.Ltmp99:
0x4f2: {  	v7 =	vld [tilespmem:s3+$0xFFFFFFA0];
	[tilespmem:s23+$0xFFFFFFA0] =	vst v13;
	vm1 =	vgt.s32 v6, v8;
	(pc) =	sbr.rel @p1 .LBB2_178-.Ltmp99, $4  }
0x4f3: {  	v10 =	vld [tilespmem:s3+$0xFFFFFFE0];
	vm2 =	vgt.s32 v9, v11;
	[tilespmem:s23+$0xFFFFFFE0] =	vst v17;
	v12 =	vsel vm1, v8, v6;
	v13 =	vsel vm1, v6, v8  }
0x4f4: {  	v6 =	vld [tilespmem:s3+$0xFFFFFFB0];
	v17 =	vsel vm2, v11, v9;
	v18 =	vsel vm2, v9, v11;
	[tilespmem:s23+$0xFFFFFFB0] =	vst v12  }
0x4f5: {  	v8 =	vld [tilespmem:s3+$0xFFFFFFF0];
	vm1 =	vgt.s32 v14, v15;
	[tilespmem:s23+$0xFFFFFF90] =	vst v17  }
0x4f6: {  	s3 =	sadd.s32 $0x100, s3;
	v9 =	vld [tilespmem:s22+$0xFFFFFF90];
	v12 =	vsel vm1, v15, v14;
	v15 =	vsel vm1, v14, v15;
	[tilespmem:s23+$0xFFFFFFD0] =	vst v18;
	v11 =	vmov v16  }
0x4f7: {  	v14 =	vmov v11  }
.LBB2_180:
0x4f8: {  	[tilespmem:s22+$0x0] =	vst v15  }
0x4f9: {  	vm1 =	vgt.s32 v7, v10;
	[tilespmem:s23+$0xFFFFFFF0] =	vst @p0 v13  }
0x4fa: {  	[tilespmem:s22+$0xFFFFFFC0] =	vst v12;
	v11 =	vsel vm1, v10, v7  }
0x4fb: {  	v7 =	vsel vm1, v7, v10;
	[tilespmem:s22+$0xFFFFFFA0] =	vst v11;
	vm1 =	vgt.s32 v6, v8  }
0x4fc: {  	[tilespmem:s22+$0xFFFFFFE0] =	vst v7;
	v7 =	vsel vm1, v8, v6  }
0x4fd: {  	vm2 =	vgt.s32 v9, v14;
	v6 =	vsel vm1, v6, v8;
	[tilespmem:s22+$0xFFFFFFB0] =	vst v7  }
0x4fe: {  	v10 =	vsel vm2, v14, v9;
	[tilespmem:s22+$0xFFFFFFF0] =	vst v6  }
0x4ff: {  	v7 =	vsel vm2, v9, v14;
	[tilespmem:s22+$0xFFFFFF90] =	vst v10  }
0x500: {  	s23 =	simm.s32 $0x17040;
	[tilespmem:s22+$0xFFFFFFD0] =	vst v7  }
0x501: {  	v11 =	vld [tilespmem:s23+$0x10]  }
0x502: {  	v14 =	vld [tilespmem:s23+$0x30]  }
0x503: {  	p1 =	por $0x1, $0x1;
	v13 =	vld [tilespmem:s23+$0xFFFFFFE0]  }
.Ltmp100:
0x504: {  	v7 =	vld [tilespmem:s23+$0xFFFFFFD0];
	(pc) =	sbr.rel @!p1 .LBB2_181-.Ltmp100, $4  }
0x505: {  	v10 =	vld [tilespmem:s23+$0xFFFFFFF0]  }
0x506: {  	v6 =	vld [tilespmem:s23+$0x0]  }
0x507: {  	v8 =	vld [tilespmem:s23+$0x20];
	vm1 =	vlt.s32 v11, v14  }
0x508: {  	p0 =	por $0x0, $0x0;
	s22 =	simm.s32 $0x17140;
	v9 =	vld [tilespmem:s23+$0xFFFFFFC0];
	v12 =	vsel vm1, v14, v11;
	v15 =	vsel vm1, v11, v14  }
0x509: {  	v16 =	vld [tilespmem:s22+$0x10]  }
0x50a: {  	[tilespmem:s23+$0x30] =	vst v15;
	v15 =	vld [tilespmem:s22+$0x30];
	vm1 =	vlt.s32 v7, v10  }
0x50b: {  	v11 =	vld [tilespmem:s22+$0xFFFFFFE0];
	[tilespmem:s23+$0x10] =	vst v12;
	p3 =	por $0x1, $0x1;
	v14 =	vsel vm1, v10, v7  }
.Ltmp101:
0x50c: {  	v17 =	vsel vm1, v7, v10;
	v7 =	vld [tilespmem:s22+$0xFFFFFFD0];
	[tilespmem:s23+$0xFFFFFFD0] =	vst v14;
	vm1 =	vlt.s32 v6, v8;
	(pc) =	sbr.rel @!p3 .LBB2_183-.Ltmp101, $4  }
0x50d: {  	v10 =	vld [tilespmem:s22+$0xFFFFFFF0];
	[tilespmem:s23+$0xFFFFFFF0] =	vst v17;
	vm2 =	vlt.s32 v9, v13;
	v12 =	vsel vm1, v8, v6  }
0x50e: {  	v14 =	vsel vm1, v6, v8;
	v6 =	vld [tilespmem:s22+$0x0];
	v17 =	vsel vm2, v13, v9;
	[tilespmem:s23+$0x0] =	vst v12  }
0x50f: {  	v8 =	vld [tilespmem:s22+$0x20];
	v13 =	vsel vm2, v9, v13;
	vm1 =	vlt.s32 v16, v15;
	[tilespmem:s23+$0xFFFFFFC0] =	vst v17  }
0x510: {  	s0 =	simm.s32 $0x4;
	s3 =	simm.s32 $0x17240;
	p2 =	por $0x1, $0x1;
	v9 =	vld [tilespmem:s22+$0xFFFFFFC0];
	v12 =	vsel vm1, v15, v16;
	v15 =	vsel vm1, v16, v15;
	[tilespmem:s23+$0xFFFFFFE0] =	vst v13  }
.LBB2_184:
0x511: {  	v13 =	vld [tilespmem:s3+$0x10];
	[tilespmem:s22+$0x30] =	vst v15  }
0x512: {  	s0 =	sadd.s32 $0x4, s0;
	v15 =	vld [tilespmem:s3+$0x30];
	vm1 =	vlt.s32 v7, v10;
	[tilespmem:s23+$0x20] =	vst v14;
	s23 =	smov.u32 s22;
	s22 =	smov.u32 s3  }
0x513: {  	p3 =	slt.u32 s0, $0xC;
	v16 =	vld [tilespmem:s3+$0xFFFFFFE0];
	v14 =	vsel vm1, v10, v7;
	v17 =	vsel vm1, v7, v10;
	[tilespmem:s23+$0x10] =	vst v12  }
.Ltmp102:
0x514: {  	v7 =	vld [tilespmem:s3+$0xFFFFFFD0];
	[tilespmem:s23+$0xFFFFFFD0] =	vst v14;
	vm1 =	vlt.s32 v6, v8;
	(pc) =	sbr.rel @p3 .LBB2_184-.Ltmp102, $4  }
0x515: {  	v10 =	vld [tilespmem:s3+$0xFFFFFFF0];
	vm2 =	vlt.s32 v9, v11;
	[tilespmem:s23+$0xFFFFFFF0] =	vst v17;
	v12 =	vsel vm1, v8, v6;
	v14 =	vsel vm1, v6, v8  }
0x516: {  	v6 =	vld [tilespmem:s3+$0x0];
	v17 =	vsel vm2, v11, v9;
	v18 =	vsel vm2, v9, v11;
	[tilespmem:s23+$0x0] =	vst v12  }
0x517: {  	v8 =	vld [tilespmem:s3+$0x20];
	vm1 =	vlt.s32 v13, v15;
	[tilespmem:s23+$0xFFFFFFC0] =	vst v17  }
0x518: {  	s3 =	sadd.s32 $0x100, s3;
	v9 =	vld [tilespmem:s22+$0xFFFFFFC0];
	v12 =	vsel vm1, v15, v13;
	v15 =	vsel vm1, v13, v15;
	[tilespmem:s23+$0xFFFFFFE0] =	vst v18;
	v11 =	vmov v16  }
0x519: {  	v13 =	vmov v11  }
.LBB2_186:
0x51a: {  	[tilespmem:s22+$0x30] =	vst v15  }
0x51b: {  	vm1 =	vlt.s32 v7, v10;
	[tilespmem:s23+$0x20] =	vst @p2 v14  }
0x51c: {  	[tilespmem:s22+$0x10] =	vst v12;
	v11 =	vsel vm1, v10, v7  }
0x51d: {  	v7 =	vsel vm1, v7, v10;
	[tilespmem:s22+$0xFFFFFFD0] =	vst v11;
	vm1 =	vlt.s32 v6, v8  }
0x51e: {  	[tilespmem:s22+$0xFFFFFFF0] =	vst v7;
	v7 =	vsel vm1, v8, v6  }
0x51f: {  	vm2 =	vlt.s32 v9, v13;
	v6 =	vsel vm1, v6, v8;
	[tilespmem:s22+$0x0] =	vst v7  }
0x520: {  	v10 =	vsel vm2, v13, v9;
	[tilespmem:s22+$0x20] =	vst v6  }
0x521: {  	v7 =	vsel vm2, v9, v13;
	[tilespmem:s22+$0xFFFFFFC0] =	vst v10  }
0x522: {  	s23 =	simm.s32 $0x170F0;
	[tilespmem:s22+$0xFFFFFFE0] =	vst v7  }
0x523: {  	v11 =	vld [tilespmem:s23+$0xFFFFFFE0]  }
0x524: {  	v13 =	vld [tilespmem:s23+$0x0]  }
0x525: {  	v14 =	vld [tilespmem:s23+$0xFFFFFFB0]  }
.Ltmp103:
0x526: {  	v7 =	vld [tilespmem:s23+$0xFFFFFFA0];
	(pc) =	sbr.rel @!p1 .LBB2_187-.Ltmp103, $4  }
0x527: {  	v10 =	vld [tilespmem:s23+$0xFFFFFFC0]  }
0x528: {  	v6 =	vld [tilespmem:s23+$0xFFFFFFD0]  }
0x529: {  	v8 =	vld [tilespmem:s23+$0xFFFFFFF0];
	vm1 =	vgt.s32 v11, v13  }
0x52a: {  	s22 =	simm.s32 $0x171F0;
	v9 =	vld [tilespmem:s23+$0xFFFFFF90];
	v12 =	vsel vm1, v13, v11;
	v15 =	vsel vm1, v11, v13  }
0x52b: {  	v16 =	vld [tilespmem:s22+$0xFFFFFFE0]  }
0x52c: {  	[tilespmem:s23+$0x0] =	vst v15;
	v15 =	vld [tilespmem:s22+$0x0];
	vm1 =	vgt.s32 v7, v10  }
0x52d: {  	v11 =	vld [tilespmem:s22+$0xFFFFFFB0];
	[tilespmem:s23+$0xFFFFFFE0] =	vst v12;
	p1 =	por $0x1, $0x1;
	v13 =	vsel vm1, v10, v7  }
.Ltmp104:
0x52e: {  	v17 =	vsel vm1, v7, v10;
	v7 =	vld [tilespmem:s22+$0xFFFFFFA0];
	[tilespmem:s23+$0xFFFFFFA0] =	vst v13;
	vm1 =	vgt.s32 v6, v8;
	(pc) =	sbr.rel @!p1 .LBB2_189-.Ltmp104, $4  }
0x52f: {  	v10 =	vld [tilespmem:s22+$0xFFFFFFC0];
	[tilespmem:s23+$0xFFFFFFC0] =	vst v17;
	vm2 =	vgt.s32 v9, v14;
	v12 =	vsel vm1, v8, v6  }
0x530: {  	v13 =	vsel vm1, v6, v8;
	v6 =	vld [tilespmem:s22+$0xFFFFFFD0];
	v17 =	vsel vm2, v14, v9;
	[tilespmem:s23+$0xFFFFFFD0] =	vst v12  }
0x531: {  	v8 =	vld [tilespmem:s22+$0xFFFFFFF0];
	v14 =	vsel vm2, v9, v14;
	vm1 =	vgt.s32 v16, v15;
	[tilespmem:s23+$0xFFFFFF90] =	vst v17  }
0x532: {  	s0 =	simm.s32 $0x4;
	s3 =	simm.s32 $0x172F0;
	p0 =	por $0x1, $0x1;
	v9 =	vld [tilespmem:s22+$0xFFFFFF90];
	v12 =	vsel vm1, v15, v16;
	v15 =	vsel vm1, v16, v15;
	[tilespmem:s23+$0xFFFFFFB0] =	vst v14  }
.LBB2_190:
0x533: {  	v14 =	vld [tilespmem:s3+$0xFFFFFFE0];
	[tilespmem:s22+$0x0] =	vst v15  }
0x534: {  	s0 =	sadd.s32 $0x4, s0;
	v15 =	vld [tilespmem:s3+$0x0];
	vm1 =	vgt.s32 v7, v10;
	[tilespmem:s23+$0xFFFFFFF0] =	vst v13;
	s23 =	smov.u32 s22;
	s22 =	smov.u32 s3  }
0x535: {  	p1 =	slt.u32 s0, $0xC;
	v16 =	vld [tilespmem:s3+$0xFFFFFFB0];
	v13 =	vsel vm1, v10, v7;
	v17 =	vsel vm1, v7, v10;
	[tilespmem:s23+$0xFFFFFFE0] =	vst v12  }
.Ltmp105:
0x536: {  	v7 =	vld [tilespmem:s3+$0xFFFFFFA0];
	[tilespmem:s23+$0xFFFFFFA0] =	vst v13;
	vm1 =	vgt.s32 v6, v8;
	(pc) =	sbr.rel @p1 .LBB2_190-.Ltmp105, $4  }
0x537: {  	v10 =	vld [tilespmem:s3+$0xFFFFFFC0];
	vm2 =	vgt.s32 v9, v11;
	[tilespmem:s23+$0xFFFFFFC0] =	vst v17;
	v12 =	vsel vm1, v8, v6;
	v13 =	vsel vm1, v6, v8  }
0x538: {  	v6 =	vld [tilespmem:s3+$0xFFFFFFD0];
	v17 =	vsel vm2, v11, v9;
	v18 =	vsel vm2, v9, v11;
	[tilespmem:s23+$0xFFFFFFD0] =	vst v12  }
0x539: {  	v8 =	vld [tilespmem:s3+$0xFFFFFFF0];
	vm1 =	vgt.s32 v14, v15;
	[tilespmem:s23+$0xFFFFFF90] =	vst v17  }
0x53a: {  	s3 =	sadd.s32 $0x100, s3;
	v9 =	vld [tilespmem:s22+$0xFFFFFF90];
	v12 =	vsel vm1, v15, v14;
	v15 =	vsel vm1, v14, v15;
	[tilespmem:s23+$0xFFFFFFB0] =	vst v18;
	v11 =	vmov v16  }
0x53b: {  	v14 =	vmov v11  }
.LBB2_192:
0x53c: {  	[tilespmem:s22+$0x0] =	vst v15  }
0x53d: {  	vm1 =	vgt.s32 v7, v10;
	[tilespmem:s23+$0xFFFFFFF0] =	vst @p0 v13  }
0x53e: {  	[tilespmem:s22+$0xFFFFFFE0] =	vst v12;
	v11 =	vsel vm1, v10, v7  }
0x53f: {  	v7 =	vsel vm1, v7, v10;
	[tilespmem:s22+$0xFFFFFFA0] =	vst v11;
	vm1 =	vgt.s32 v6, v8  }
0x540: {  	[tilespmem:s22+$0xFFFFFFC0] =	vst v7;
	v7 =	vsel vm1, v8, v6  }
0x541: {  	vm2 =	vgt.s32 v9, v14;
	v6 =	vsel vm1, v6, v8;
	[tilespmem:s22+$0xFFFFFFD0] =	vst v7  }
0x542: {  	v10 =	vsel vm2, v14, v9;
	[tilespmem:s22+$0xFFFFFFF0] =	vst v6  }
0x543: {  	v7 =	vsel vm2, v9, v14;
	[tilespmem:s22+$0xFFFFFF90] =	vst v10  }
0x544: {  	s23 =	simm.s32 $0x17040;
	[tilespmem:s22+$0xFFFFFFB0] =	vst v7  }
0x545: {  	v11 =	vld [tilespmem:s23+$0x20]  }
0x546: {  	v14 =	vld [tilespmem:s23+$0x30]  }
0x547: {  	p1 =	por $0x1, $0x1;
	v13 =	vld [tilespmem:s23+$0xFFFFFFD0]  }
.Ltmp106:
0x548: {  	v7 =	vld [tilespmem:s23+$0xFFFFFFE0];
	(pc) =	sbr.rel @!p1 .LBB2_193-.Ltmp106, $4  }
0x549: {  	v10 =	vld [tilespmem:s23+$0xFFFFFFF0]  }
0x54a: {  	v6 =	vld [tilespmem:s23+$0x0]  }
0x54b: {  	v8 =	vld [tilespmem:s23+$0x10];
	vm1 =	vlt.s32 v11, v14  }
0x54c: {  	p0 =	por $0x0, $0x0;
	s22 =	simm.s32 $0x17140;
	v9 =	vld [tilespmem:s23+$0xFFFFFFC0];
	v12 =	vsel vm1, v14, v11;
	v15 =	vsel vm1, v11, v14  }
0x54d: {  	v16 =	vld [tilespmem:s22+$0x20]  }
0x54e: {  	[tilespmem:s23+$0x30] =	vst v15;
	v15 =	vld [tilespmem:s22+$0x30];
	vm1 =	vlt.s32 v7, v10  }
0x54f: {  	v11 =	vld [tilespmem:s22+$0xFFFFFFD0];
	[tilespmem:s23+$0x20] =	vst v12;
	p3 =	por $0x1, $0x1;
	v14 =	vsel vm1, v10, v7  }
.Ltmp107:
0x550: {  	v17 =	vsel vm1, v7, v10;
	v7 =	vld [tilespmem:s22+$0xFFFFFFE0];
	[tilespmem:s23+$0xFFFFFFE0] =	vst v14;
	vm1 =	vlt.s32 v6, v8;
	(pc) =	sbr.rel @!p3 .LBB2_195-.Ltmp107, $4  }
0x551: {  	v10 =	vld [tilespmem:s22+$0xFFFFFFF0];
	[tilespmem:s23+$0xFFFFFFF0] =	vst v17;
	vm2 =	vlt.s32 v9, v13;
	v12 =	vsel vm1, v8, v6  }
0x552: {  	v14 =	vsel vm1, v6, v8;
	v6 =	vld [tilespmem:s22+$0x0];
	v17 =	vsel vm2, v13, v9;
	[tilespmem:s23+$0x0] =	vst v12  }
0x553: {  	v8 =	vld [tilespmem:s22+$0x10];
	v13 =	vsel vm2, v9, v13;
	vm1 =	vlt.s32 v16, v15;
	[tilespmem:s23+$0xFFFFFFC0] =	vst v17  }
0x554: {  	s0 =	simm.s32 $0x4;
	s3 =	simm.s32 $0x17240;
	p2 =	por $0x1, $0x1;
	v9 =	vld [tilespmem:s22+$0xFFFFFFC0];
	v12 =	vsel vm1, v15, v16;
	v15 =	vsel vm1, v16, v15;
	[tilespmem:s23+$0xFFFFFFD0] =	vst v13  }
.LBB2_196:
0x555: {  	v13 =	vld [tilespmem:s3+$0x20];
	[tilespmem:s22+$0x30] =	vst v15  }
0x556: {  	s0 =	sadd.s32 $0x4, s0;
	v15 =	vld [tilespmem:s3+$0x30];
	vm1 =	vlt.s32 v7, v10;
	[tilespmem:s23+$0x10] =	vst v14;
	s23 =	smov.u32 s22;
	s22 =	smov.u32 s3  }
0x557: {  	p3 =	slt.u32 s0, $0xC;
	v16 =	vld [tilespmem:s3+$0xFFFFFFD0];
	v14 =	vsel vm1, v10, v7;
	v17 =	vsel vm1, v7, v10;
	[tilespmem:s23+$0x20] =	vst v12  }
.Ltmp108:
0x558: {  	v7 =	vld [tilespmem:s3+$0xFFFFFFE0];
	[tilespmem:s23+$0xFFFFFFE0] =	vst v14;
	vm1 =	vlt.s32 v6, v8;
	(pc) =	sbr.rel @p3 .LBB2_196-.Ltmp108, $4  }
0x559: {  	v10 =	vld [tilespmem:s3+$0xFFFFFFF0];
	vm2 =	vlt.s32 v9, v11;
	[tilespmem:s23+$0xFFFFFFF0] =	vst v17;
	v12 =	vsel vm1, v8, v6;
	v14 =	vsel vm1, v6, v8  }
0x55a: {  	v6 =	vld [tilespmem:s3+$0x0];
	v17 =	vsel vm2, v11, v9;
	v18 =	vsel vm2, v9, v11;
	[tilespmem:s23+$0x0] =	vst v12  }
0x55b: {  	v8 =	vld [tilespmem:s3+$0x10];
	vm1 =	vlt.s32 v13, v15;
	[tilespmem:s23+$0xFFFFFFC0] =	vst v17  }
0x55c: {  	s3 =	sadd.s32 $0x100, s3;
	v9 =	vld [tilespmem:s22+$0xFFFFFFC0];
	v12 =	vsel vm1, v15, v13;
	v15 =	vsel vm1, v13, v15;
	[tilespmem:s23+$0xFFFFFFD0] =	vst v18;
	v11 =	vmov v16  }
0x55d: {  	v13 =	vmov v11  }
.LBB2_198:
0x55e: {  	[tilespmem:s22+$0x30] =	vst v15  }
0x55f: {  	vm1 =	vlt.s32 v7, v10;
	[tilespmem:s23+$0x10] =	vst @p2 v14  }
0x560: {  	[tilespmem:s22+$0x20] =	vst v12;
	v11 =	vsel vm1, v10, v7  }
0x561: {  	v7 =	vsel vm1, v7, v10;
	[tilespmem:s22+$0xFFFFFFE0] =	vst v11;
	vm1 =	vlt.s32 v6, v8  }
0x562: {  	[tilespmem:s22+$0xFFFFFFF0] =	vst v7;
	v7 =	vsel vm1, v8, v6  }
0x563: {  	vm2 =	vlt.s32 v9, v13;
	v6 =	vsel vm1, v6, v8;
	[tilespmem:s22+$0x0] =	vst v7  }
0x564: {  	v10 =	vsel vm2, v13, v9;
	[tilespmem:s22+$0x10] =	vst v6  }
0x565: {  	v7 =	vsel vm2, v9, v13;
	[tilespmem:s22+$0xFFFFFFC0] =	vst v10  }
0x566: {  	s23 =	simm.s32 $0x170F0;
	[tilespmem:s22+$0xFFFFFFD0] =	vst v7  }
0x567: {  	v11 =	vld [tilespmem:s23+$0xFFFFFFF0]  }
0x568: {  	v14 =	vld [tilespmem:s23+$0x0]  }
0x569: {  	v12 =	vld [tilespmem:s23+$0xFFFFFFA0]  }
.Ltmp109:
0x56a: {  	v8 =	vld [tilespmem:s23+$0xFFFFFFB0];
	(pc) =	sbr.rel @!p1 .LBB2_199-.Ltmp109, $4  }
0x56b: {  	v10 =	vld [tilespmem:s23+$0xFFFFFFC0]  }
0x56c: {  	v6 =	vld [tilespmem:s23+$0xFFFFFFD0]  }
0x56d: {  	v7 =	vld [tilespmem:s23+$0xFFFFFFE0];
	vm1 =	vgt.s32 v11, v14  }
0x56e: {  	s22 =	simm.s32 $0x171F0;
	v9 =	vld [tilespmem:s23+$0xFFFFFF90];
	v13 =	vsel vm1, v14, v11;
	v15 =	vsel vm1, v11, v14  }
0x56f: {  	v16 =	vld [tilespmem:s22+$0xFFFFFFF0]  }
0x570: {  	[tilespmem:s23+$0x0] =	vst v15;
	v15 =	vld [tilespmem:s22+$0x0];
	vm1 =	vgt.s32 v8, v10  }
0x571: {  	v11 =	vld [tilespmem:s22+$0xFFFFFFA0];
	[tilespmem:s23+$0xFFFFFFF0] =	vst v13;
	p1 =	por $0x1, $0x1;
	v14 =	vsel vm1, v10, v8  }
.Ltmp110:
0x572: {  	v17 =	vsel vm1, v8, v10;
	v8 =	vld [tilespmem:s22+$0xFFFFFFB0];
	[tilespmem:s23+$0xFFFFFFB0] =	vst v14;
	vm1 =	vgt.s32 v6, v7;
	(pc) =	sbr.rel @!p1 .LBB2_201-.Ltmp110, $4  }
0x573: {  	v10 =	vld [tilespmem:s22+$0xFFFFFFC0];
	[tilespmem:s23+$0xFFFFFFC0] =	vst v17;
	vm2 =	vgt.s32 v9, v12;
	v13 =	vsel vm1, v7, v6  }
0x574: {  	v14 =	vsel vm1, v6, v7;
	v6 =	vld [tilespmem:s22+$0xFFFFFFD0];
	v17 =	vsel vm2, v12, v9;
	[tilespmem:s23+$0xFFFFFFD0] =	vst v13  }
0x575: {  	v7 =	vld [tilespmem:s22+$0xFFFFFFE0];
	v12 =	vsel vm2, v9, v12;
	vm1 =	vgt.s32 v16, v15;
	[tilespmem:s23+$0xFFFFFF90] =	vst v17  }
0x576: {  	s0 =	simm.s32 $0x4;
	s3 =	simm.s32 $0x172F0;
	p0 =	por $0x1, $0x1;
	v9 =	vld [tilespmem:s22+$0xFFFFFF90];
	v13 =	vsel vm1, v15, v16;
	v15 =	vsel vm1, v16, v15;
	[tilespmem:s23+$0xFFFFFFA0] =	vst v12  }
.LBB2_202:
0x577: {  	v12 =	vld [tilespmem:s3+$0xFFFFFFF0];
	[tilespmem:s22+$0x0] =	vst v15  }
0x578: {  	s0 =	sadd.s32 $0x4, s0;
	v15 =	vld [tilespmem:s3+$0x0];
	vm1 =	vgt.s32 v8, v10;
	[tilespmem:s23+$0xFFFFFFE0] =	vst v14;
	s23 =	smov.u32 s22;
	s22 =	smov.u32 s3  }
0x579: {  	p1 =	slt.u32 s0, $0xC;
	v16 =	vld [tilespmem:s3+$0xFFFFFFA0];
	v14 =	vsel vm1, v10, v8;
	v17 =	vsel vm1, v8, v10;
	[tilespmem:s23+$0xFFFFFFF0] =	vst v13  }
.Ltmp111:
0x57a: {  	v8 =	vld [tilespmem:s3+$0xFFFFFFB0];
	[tilespmem:s23+$0xFFFFFFB0] =	vst v14;
	vm1 =	vgt.s32 v6, v7;
	(pc) =	sbr.rel @p1 .LBB2_202-.Ltmp111, $4  }
0x57b: {  	v10 =	vld [tilespmem:s3+$0xFFFFFFC0];
	vm2 =	vgt.s32 v9, v11;
	[tilespmem:s23+$0xFFFFFFC0] =	vst v17;
	v13 =	vsel vm1, v7, v6;
	v14 =	vsel vm1, v6, v7  }
0x57c: {  	v6 =	vld [tilespmem:s3+$0xFFFFFFD0];
	v17 =	vsel vm2, v11, v9;
	v18 =	vsel vm2, v9, v11;
	[tilespmem:s23+$0xFFFFFFD0] =	vst v13  }
0x57d: {  	v7 =	vld [tilespmem:s3+$0xFFFFFFE0];
	vm1 =	vgt.s32 v12, v15;
	[tilespmem:s23+$0xFFFFFF90] =	vst v17  }
0x57e: {  	s3 =	sadd.s32 $0x100, s3;
	v9 =	vld [tilespmem:s22+$0xFFFFFF90];
	v13 =	vsel vm1, v15, v12;
	v15 =	vsel vm1, v12, v15;
	[tilespmem:s23+$0xFFFFFFA0] =	vst v18;
	v11 =	vmov v16  }
0x57f: {  	v12 =	vmov v11  }
.LBB2_204:
0x580: {  	[tilespmem:s22+$0x0] =	vst v15  }
0x581: {  	vm1 =	vgt.s32 v8, v10;
	[tilespmem:s23+$0xFFFFFFE0] =	vst @p0 v14  }
0x582: {  	[tilespmem:s22+$0xFFFFFFF0] =	vst v13;
	v11 =	vsel vm1, v10, v8  }
0x583: {  	v8 =	vsel vm1, v8, v10;
	[tilespmem:s22+$0xFFFFFFB0] =	vst v11;
	vm1 =	vgt.s32 v6, v7  }
0x584: {  	[tilespmem:s22+$0xFFFFFFC0] =	vst v8;
	v8 =	vsel vm1, v7, v6  }
0x585: {  	s0 =	simm.s32 $0x0;
	s3 =	simm.s32 $0x0;
	vm2 =	vgt.s32 v9, v12;
	v6 =	vsel vm1, v6, v7;
	[tilespmem:s22+$0xFFFFFFD0] =	vst v8  }
0x586: {  	s0 =	sand.u32 $0x20, s0;
	s3 =	sand.u32 $0x4, s3;
	v10 =	vsel vm2, v12, v9;
	[tilespmem:s22+$0xFFFFFFE0] =	vst v6  }
0x587: {  	p1 =	por $0x1, $0x1;
	s0 =	sor.u32 s3, s0;
	v8 =	vsel vm2, v9, v12;
	[tilespmem:s22+$0xFFFFFF90] =	vst v10  }
.Ltmp112:
0x588: {  	s23 =	sshll.u32 s0, $0x4;
	[tilespmem:s22+$0xFFFFFFA0] =	vst v8;
	(pc) =	sbr.rel @!p1 .LBB2_205-.Ltmp112, $4  }
0x589: {  	v7 =	vld [tilespmem:s23+$0x17030]  }
0x58a: {  	v9 =	vld [tilespmem:s23+$0x170B0]  }
0x58b: {  	v6 =	vld [tilespmem:s23+$0x17000]  }
0x58c: {  	p0 =	por $0x0, $0x0;
	v8 =	vld [tilespmem:s23+$0x17080]  }
0x58d: {  	s0 =	simm.s32 $0x4;
	v12 =	vld [tilespmem:s23+$0x17010];
	s3 =	simm.s32 $0x10  }
0x58e: {  	v14 =	vld [tilespmem:s23+$0x17090];
	s6 =	sand.u32 $0x20, s3;
	s9 =	sand.u32 $0x4, s0  }
0x58f: {  	v10 =	vld [tilespmem:s23+$0x17020];
	p2 =	por $0x1, $0x1;
	s6 =	sor.u32 s9, s6;
	vm1 =	vgt.s32 v7, v9  }
.Ltmp113:
0x590: {  	v11 =	vld [tilespmem:s23+$0x170A0];
	s22 =	sshll.u32 s6, $0x4;
	v13 =	vsel vm1, v7, v9;
	v9 =	vsel vm1, v9, v7;
	(pc) =	sbr.rel @!p2 .LBB2_208-.Ltmp113, $4  }
0x591: {  	v7 =	vld [tilespmem:s22+$0x17030];
	vm1 =	vlt.s32 v6, v8;
	[tilespmem:s23+$0x170B0] =	vst v9  }
0x592: {  	v9 =	vld [tilespmem:s22+$0x170B0];
	[tilespmem:s23+$0x17030] =	vst v13;
	v15 =	vsel vm1, v8, v6  }
0x593: {  	v16 =	vsel vm1, v6, v8;
	v6 =	vld [tilespmem:s22+$0x17000];
	vm1 =	vgt.s32 v12, v14;
	[tilespmem:s23+$0x17000] =	vst v15  }
0x594: {  	p0 =	por $0x1, $0x1;
	v8 =	vld [tilespmem:s22+$0x17080];
	[tilespmem:s23+$0x17080] =	vst v16;
	v13 =	vsel vm1, v12, v14;
	v12 =	vsel vm1, v14, v12  }
.LBB2_207:
0x595: {  	s0 =	sadd.s32 $0x4, s0;
	v14 =	vld [tilespmem:s22+$0x17010];
	s3 =	sadd.s32 $0x10, s3;
	[tilespmem:s23+$0x17010] =	vst v13;
	vm1 =	vgt.s32 v10, v11  }
0x596: {  	s6 =	sand.u32 $0x20, s3;
	s9 =	sand.u32 $0x4, s0;
	p2 =	slt.u32 s0, $0xC;
	v15 =	vld [tilespmem:s22+$0x17090];
	[tilespmem:s23+$0x17090] =	vst v12;
	v12 =	vsel vm1, v10, v11;
	v13 =	vsel vm1, v11, v10  }
0x597: {  	s6 =	sor.u32 s9, s6;
	v10 =	vld [tilespmem:s22+$0x17020];
	vm1 =	vgt.s32 v7, v9;
	[tilespmem:s23+$0x17020] =	vst v12  }
.Ltmp114:
0x598: {  	v11 =	vld [tilespmem:s22+$0x170A0];
	v12 =	vsel vm1, v7, v9;
	v9 =	vsel vm1, v9, v7;
	[tilespmem:s23+$0x170A0] =	vst v13;
	s23 =	smov.u32 s22;
	s22 =	sshll.u32 s6, $0x4;
	(pc) =	sbr.rel @p2 .LBB2_207-.Ltmp114, $4  }
0x599: {  	v7 =	vld [tilespmem:s22+$0x17030];
	vm1 =	vlt.s32 v6, v8;
	[tilespmem:s23+$0x170B0] =	vst v9  }
0x59a: {  	v9 =	vld [tilespmem:s22+$0x170B0];
	v13 =	vsel vm1, v8, v6;
	v16 =	vsel vm1, v6, v8;
	[tilespmem:s23+$0x17030] =	vst v12  }
0x59b: {  	v6 =	vld [tilespmem:s22+$0x17000];
	[tilespmem:s23+$0x17000] =	vst v13;
	vm1 =	vgt.s32 v14, v15  }
0x59c: {  	v8 =	vld [tilespmem:s22+$0x17080];
	[tilespmem:s23+$0x17080] =	vst v16;
	v13 =	vsel vm1, v14, v15;
	v12 =	vsel vm1, v15, v14  }
.LBB2_208:
0x59d: {  	v14 =	vld [tilespmem:s22+$0x17010];
	[tilespmem:s23+$0x17010] =	vst @p0 v13;
	vm1 =	vgt.s32 @p0 v10, v11  }
0x59e: {  	v62 =	vld [tilespmem:s22+$0x17090];
	[tilespmem:s23+$0x17090] =	vst @p0 v12;
	v12 =	vsel @p0 vm1, v10, v11  }
0x59f: {  	v63 =	vld [tilespmem:s22+$0x170A0];
	v10 =	vsel @p0 vm1, v11, v10;
	vm1 =	vgt.s32 v7, v9;
	[tilespmem:s23+$0x17020] =	vst @p0 v12  }
0x5a0: {  	v11 =	vld [tilespmem:s22+$0x17020];
	[tilespmem:s23+$0x170A0] =	vst @p0 v10;
	v15 =	vsel vm1, v9, v7  }
0x5a1: {  	v7 =	vsel vm1, v7, v9;
	vm1 =	vlt.s32 v6, v8;
	[tilespmem:s22+$0x170B0] =	vst v15  }
0x5a2: {  	[tilespmem:s22+$0x17030] =	vst v7;
	v9 =	vsel vm1, v8, v6  }
0x5a3: {  	v6 =	vsel vm1, v6, v8;
	vm1 =	vgt.s32 v14, v62;
	[tilespmem:s22+$0x17000] =	vst v9  }
0x5a4: {  	s0 =	simm.s32 $0x1;
	p0 =	por $0x0, $0x0;
	[tilespmem:s22+$0x17080] =	vst v6;
	v6 =	vsel vm1, v14, v62  }
0x5a5: {  	s0 =	simm.s32 @!p0 $0x0;
	v7 =	vsel vm1, v62, v14;
	vm1 =	vgt.s32 v11, v63;
	[tilespmem:s22+$0x17010] =	vst v6  }
0x5a6: {  	s0 =	sshll.u32 s0, $0x6;
	[tilespmem:s22+$0x17090] =	vst v7;
	v6 =	vsel vm1, v11, v63  }
0x5a7: {  	s6 =	sadd.s32 $0x0, s0;
	v7 =	vsel vm1, v63, v11;
	[tilespmem:s22+$0x17020] =	vst v6  }
0x5a8: {  	[tilespmem:s22+$0x170A0] =	vst v7;
	s22 =	sor.u32 $0x130, s6  }
.Ltmp115:
0x5a9: {  	s31 =	sor.u32 $0x1B0, s6;
	v6 =	vld [tilespmem:s22+$0x17000];
	(pc) =	sbr.rel @!p1 .LBB2_209-.Ltmp115, $4  }
0x5aa: {  	s0 =	sor.u32 $0x100, s6;
	v9 =	vld [tilespmem:s31+$0x17000]  }
0x5ab: {  	s30 =	sor.u32 $0x180, s6;
	v8 =	vld [tilespmem:s0+$0x17000]  }
0x5ac: {  	p2 =	por !p0, !p0;
	s23 =	sor.u32 $0x110, s6;
	v10 =	vld [tilespmem:s30+$0x17000]  }
0x5ad: {  	s3 =	sor.u32 $0x190, s6;
	s11 =	sor.u32 $0x120, s6;
	s10 =	sor.u32 $0x1A0, s6;
	v7 =	vld [tilespmem:s23+$0x17000]  }
0x5ae: {  	s6 =	simm.s32 $0x1  }
0x5af: {  	v11 =	vld [tilespmem:s3+$0x17000];
	s6 =	simm.s32 @!p2 $0x0  }
0x5b0: {  	v13 =	vld [tilespmem:s11+$0x17000];
	vm1 =	vlt.s32 v6, v9;
	s6 =	sshll.u32 s6, $0x6  }
0x5b1: {  	v14 =	vld [tilespmem:s10+$0x17000];
	v12 =	vsel vm1, v6, v9;
	s6 =	sadd.s32 $0x100, s6  }
0x5b2: {  	p3 =	por $0x1, $0x1;
	v9 =	vsel vm1, v9, v6;
	vm2 =	vgt.s32 v8, v10;
	[tilespmem:s22+$0x17000] =	vst v12;
	s24 =	sor.u32 $0x130, s6  }
.Ltmp116:
0x5b3: {  	s25 =	sor.u32 $0x1B0, s6;
	v12 =	vsel vm2, v10, v8;
	[tilespmem:s31+$0x17000] =	vst v9;
	v6 =	vld [tilespmem:s24+$0x17000];
	(pc) =	sbr.rel @!p3 .LBB2_211-.Ltmp116, $4  }
0x5b4: {  	s26 =	sor.u32 $0x100, s6;
	v10 =	vsel vm2, v8, v10;
	v9 =	vld [tilespmem:s25+$0x17000];
	[tilespmem:s0+$0x17000] =	vst v12;
	vm1 =	vlt.s32 v7, v11  }
0x5b5: {  	p1 =	por $0x1, $0x1;
	p2 =	por !p2, !p2;
	s28 =	sor.u32 $0x180, s6;
	v8 =	vld [tilespmem:s26+$0x17000];
	[tilespmem:s30+$0x17000] =	vst v10;
	v12 =	vsel vm1, v7, v11  }
0x5b6: {  	s31 =	simm.s32 $0x100;
	s29 =	sor.u32 $0x110, s6;
	s22 =	sor.u32 $0x120, s6;
	v11 =	vsel vm1, v11, v7;
	v10 =	vld [tilespmem:s28+$0x17000];
	vm1 =	vlt.s32 v13, v14;
	[tilespmem:s23+$0x17000] =	vst v12  }
0x5b7: {  	s0 =	simm.s32 $0x4;
	s30 =	sor.u32 $0x190, s6;
	v7 =	vld [tilespmem:s29+$0x17000];
	s23 =	sor.u32 $0x1A0, s6;
	v12 =	vsel vm1, v13, v14;
	[tilespmem:s3+$0x17000] =	vst v11;
	v11 =	vsel vm1, v14, v13  }
.LBB2_212:
0x5b8: {  	s3 =	simm.s32 $0x1  }
0x5b9: {  	v13 =	vld [tilespmem:s30+$0x17000];
	[tilespmem:s11+$0x17000] =	vst v12;
	s11 =	smov.u32 s22;
	s3 =	simm.s32 @!p2 $0x0  }
0x5ba: {  	s31 =	sadd.s32 $0x100, s31;
	s0 =	sadd.s32 $0x4, s0;
	vm1 =	vlt.s32 v6, v9;
	s3 =	sshll.u32 s3, $0x6;
	v14 =	vld [tilespmem:s11+$0x17000];
	[tilespmem:s10+$0x17000] =	vst v11  }
0x5bb: {  	p3 =	slt.u32 s0, $0xC;
	v12 =	vsel vm1, v6, v9;
	s3 =	sadd.s32 s3, s31;
	v11 =	vld [tilespmem:s23+$0x17000]  }
0x5bc: {  	v9 =	vsel vm1, v9, v6;
	vm2 =	vgt.s32 v8, v10;
	s6 =	sor.u32 $0x100, s3;
	[tilespmem:s24+$0x17000] =	vst v12;
	s24 =	sor.u32 $0x130, s3;
	s9 =	sor.u32 $0x180, s3  }
.Ltmp117:
0x5bd: {  	s19 =	sor.u32 $0x110, s3;
	v12 =	vsel vm2, v10, v8;
	v10 =	vsel vm2, v8, v10;
	v6 =	vld [tilespmem:s24+$0x17000];
	[tilespmem:s25+$0x17000] =	vst v9;
	s25 =	sor.u32 $0x1B0, s3;
	(pc) =	sbr.rel @p3 .LBB2_212-.Ltmp117, $4  }
0x5be: {  	s2 =	sor.u32 $0x190, s3;
	s22 =	sor.u32 $0x120, s3;
	s3 =	sor.u32 $0x1A0, s3;
	vm1 =	vlt.s32 v7, v13;
	v9 =	vld [tilespmem:s25+$0x17000];
	[tilespmem:s26+$0x17000] =	vst v12  }
0x5bf: {  	s10 =	smov.u32 s23;
	v12 =	vsel vm1, v7, v13;
	v13 =	vsel vm1, v13, v7;
	s26 =	smov.u32 s6;
	v8 =	vld [tilespmem:s6+$0x17000];
	[tilespmem:s28+$0x17000] =	vst v10;
	s28 =	smov.u32 s9  }
0x5c0: {  	s23 =	smov.u32 s3;
	v10 =	vld [tilespmem:s28+$0x17000];
	[tilespmem:s29+$0x17000] =	vst v12;
	vm1 =	vlt.s32 v14, v11;
	s29 =	smov.u32 s19  }
0x5c1: {  	p2 =	por !p2, !p2;
	v7 =	vld [tilespmem:s29+$0x17000];
	[tilespmem:s30+$0x17000] =	vst v13;
	v12 =	vsel vm1, v14, v11;
	v11 =	vsel vm1, v11, v14;
	s30 =	smov.u32 s2  }
0x5c2: {  	s6 =	smov.u32 s11  }
0x5c3: {  	s9 =	smov.u32 s10;
	s3 =	smov.u32 s30;
	s11 =	smov.u32 s22  }
0x5c4: {  	s10 =	smov.u32 s23;
	s22 =	smov.u32 s24;
	s31 =	smov.u32 s25  }
0x5c5: {  	s0 =	smov.u32 s26;
	s30 =	smov.u32 s28;
	s23 =	smov.u32 s29  }
.LBB2_214:
0x5c6: {  	v13 =	vld [tilespmem:s3+$0x17000]  }
0x5c7: {  	[tilespmem:s6+$0x17000] =	vst @p1 v12;
	v63 =	vld [tilespmem:s11+$0x17000];
	vm1 =	vlt.s32 v6, v9  }
0x5c8: {  	vm2 =	vgt.s32 v8, v10;
	[tilespmem:s9+$0x17000] =	vst @p1 v11;
	v11 =	vld [tilespmem:s10+$0x17000];
	v14 =	vsel vm1, v6, v9  }
0x5c9: {  	v6 =	vsel vm1, v9, v6;
	v9 =	vsel vm2, v10, v8;
	[tilespmem:s22+$0x17000] =	vst v14  }
0x5ca: {  	[tilespmem:s0+$0x17000] =	vst v9  }
0x5cb: {  	[tilespmem:s31+$0x17000] =	vst v6;
	v6 =	vsel vm2, v8, v10;
	vm1 =	vlt.s32 v7, v13  }
0x5cc: {  	[tilespmem:s30+$0x17000] =	vst v6;
	v6 =	vsel vm1, v7, v13  }
0x5cd: {  	s2 =	simm.s32 $0x0;
	s31 =	simm.s32 $0x0;
	v7 =	vsel vm1, v13, v7;
	vm1 =	vlt.s32 v63, v11;
	[tilespmem:s23+$0x17000] =	vst v6  }
0x5ce: {  	s2 =	sand.u32 $0x4, s2;
	s0 =	sand.u32 $0x10, s31;
	v6 =	vsel vm1, v63, v11;
	[tilespmem:s3+$0x17000] =	vst v7  }
0x5cf: {  	p1 =	por $0x1, $0x1;
	s0 =	sor.u32 s2, s0;
	v7 =	vsel vm1, v11, v63;
	[tilespmem:s11+$0x17000] =	vst v6  }
.Ltmp118:
0x5d0: {  	s23 =	sshll.u32 s0, $0x5;
	[tilespmem:s10+$0x17000] =	vst v7;
	(pc) =	sbr.rel @!p1 .LBB2_215-.Ltmp118, $4  }
0x5d1: {  	v7 =	vld [tilespmem:s23+$0x17030]  }
0x5d2: {  	v9 =	vld [tilespmem:s23+$0x17070]  }
0x5d3: {  	v6 =	vld [tilespmem:s23+$0x17000]  }
0x5d4: {  	v8 =	vld [tilespmem:s23+$0x17040]  }
0x5d5: {  	s0 =	simm.s32 $0x4;
	v12 =	vld [tilespmem:s23+$0x17010];
	s3 =	simm.s32 $0x8  }
0x5d6: {  	v14 =	vld [tilespmem:s23+$0x17050];
	s2 =	sand.u32 $0x10, s3;
	s6 =	sand.u32 $0x4, s0  }
0x5d7: {  	v10 =	vld [tilespmem:s23+$0x17020];
	p2 =	por $0x1, $0x1;
	s2 =	sor.u32 s6, s2;
	vm1 =	vlt.s32 v7, v9  }
.Ltmp119:
0x5d8: {  	v11 =	vld [tilespmem:s23+$0x17060];
	s22 =	sshll.u32 s2, $0x5;
	v13 =	vsel vm1, v9, v7;
	v9 =	vsel vm1, v7, v9;
	(pc) =	sbr.rel @!p2 .LBB2_218-.Ltmp119, $4  }
0x5d9: {  	v7 =	vld [tilespmem:s22+$0x17030];
	vm1 =	vlt.s32 v6, v8;
	[tilespmem:s23+$0x17070] =	vst v9  }
0x5da: {  	v9 =	vld [tilespmem:s22+$0x17070];
	[tilespmem:s23+$0x17030] =	vst v13;
	v15 =	vsel vm1, v8, v6  }
0x5db: {  	v16 =	vsel vm1, v6, v8;
	v6 =	vld [tilespmem:s22+$0x17000];
	vm1 =	vlt.s32 v12, v14;
	[tilespmem:s23+$0x17000] =	vst v15  }
0x5dc: {  	p0 =	por $0x1, $0x1;
	v8 =	vld [tilespmem:s22+$0x17040];
	[tilespmem:s23+$0x17040] =	vst v16;
	v13 =	vsel vm1, v14, v12;
	v12 =	vsel vm1, v12, v14  }
.LBB2_217:
0x5dd: {  	s0 =	sadd.s32 $0x4, s0;
	v14 =	vld [tilespmem:s22+$0x17010];
	s3 =	sadd.s32 $0x8, s3;
	[tilespmem:s23+$0x17010] =	vst v13;
	vm1 =	vlt.s32 v10, v11  }
0x5de: {  	s2 =	sand.u32 $0x10, s3;
	s6 =	sand.u32 $0x4, s0;
	p2 =	slt.u32 s0, $0xC;
	v15 =	vld [tilespmem:s22+$0x17050];
	[tilespmem:s23+$0x17050] =	vst v12;
	v12 =	vsel vm1, v11, v10;
	v13 =	vsel vm1, v10, v11  }
0x5df: {  	s2 =	sor.u32 s6, s2;
	v10 =	vld [tilespmem:s22+$0x17020];
	vm1 =	vlt.s32 v7, v9;
	[tilespmem:s23+$0x17020] =	vst v12  }
.Ltmp120:
0x5e0: {  	v11 =	vld [tilespmem:s22+$0x17060];
	v12 =	vsel vm1, v9, v7;
	v9 =	vsel vm1, v7, v9;
	[tilespmem:s23+$0x17060] =	vst v13;
	s23 =	smov.u32 s22;
	s22 =	sshll.u32 s2, $0x5;
	(pc) =	sbr.rel @p2 .LBB2_217-.Ltmp120, $4  }
0x5e1: {  	v7 =	vld [tilespmem:s22+$0x17030];
	vm1 =	vlt.s32 v6, v8;
	[tilespmem:s23+$0x17070] =	vst v9  }
0x5e2: {  	v9 =	vld [tilespmem:s22+$0x17070];
	v13 =	vsel vm1, v8, v6;
	v16 =	vsel vm1, v6, v8;
	[tilespmem:s23+$0x17030] =	vst v12  }
0x5e3: {  	v6 =	vld [tilespmem:s22+$0x17000];
	[tilespmem:s23+$0x17000] =	vst v13;
	vm1 =	vlt.s32 v14, v15  }
0x5e4: {  	v8 =	vld [tilespmem:s22+$0x17040];
	[tilespmem:s23+$0x17040] =	vst v16;
	v13 =	vsel vm1, v15, v14;
	v12 =	vsel vm1, v14, v15  }
.LBB2_218:
0x5e5: {  	v14 =	vld [tilespmem:s22+$0x17010];
	[tilespmem:s23+$0x17010] =	vst @p0 v13;
	vm1 =	vlt.s32 @p0 v10, v11  }
0x5e6: {  	v62 =	vld [tilespmem:s22+$0x17050];
	[tilespmem:s23+$0x17050] =	vst @p0 v12;
	v12 =	vsel @p0 vm1, v11, v10  }
0x5e7: {  	v63 =	vld [tilespmem:s22+$0x17060];
	v10 =	vsel @p0 vm1, v10, v11;
	vm1 =	vlt.s32 v7, v9;
	[tilespmem:s23+$0x17020] =	vst @p0 v12  }
0x5e8: {  	v11 =	vld [tilespmem:s22+$0x17020];
	[tilespmem:s23+$0x17060] =	vst @p0 v10;
	v15 =	vsel vm1, v7, v9  }
0x5e9: {  	v7 =	vsel vm1, v9, v7;
	vm1 =	vlt.s32 v6, v8;
	[tilespmem:s22+$0x17070] =	vst v15  }
0x5ea: {  	[tilespmem:s22+$0x17030] =	vst v7;
	v9 =	vsel vm1, v8, v6  }
0x5eb: {  	v6 =	vsel vm1, v6, v8;
	vm1 =	vlt.s32 v14, v62;
	[tilespmem:s22+$0x17000] =	vst v9  }
0x5ec: {  	s0 =	simm.s32 $0x1;
	p0 =	por $0x0, $0x0;
	[tilespmem:s22+$0x17040] =	vst v6;
	v6 =	vsel vm1, v62, v14  }
0x5ed: {  	s0 =	simm.s32 @!p0 $0x0;
	v7 =	vsel vm1, v14, v62;
	vm1 =	vlt.s32 v11, v63;
	[tilespmem:s22+$0x17010] =	vst v6  }
0x5ee: {  	s0 =	sshll.u32 s0, $0x7;
	[tilespmem:s22+$0x17050] =	vst v7;
	v6 =	vsel vm1, v63, v11  }
0x5ef: {  	s2 =	sadd.s32 $0x0, s0;
	v7 =	vsel vm1, v11, v63;
	[tilespmem:s22+$0x17020] =	vst v6  }
0x5f0: {  	s11 =	sor.u32 $0x130, s2;
	[tilespmem:s22+$0x17060] =	vst v7  }
.Ltmp121:
0x5f1: {  	s31 =	sor.u32 $0x170, s2;
	v6 =	vld [tilespmem:s11+$0x17000];
	(pc) =	sbr.rel @!p1 .LBB2_219-.Ltmp121, $4  }
0x5f2: {  	s0 =	sor.u32 $0x100, s2;
	v9 =	vld [tilespmem:s31+$0x17000]  }
0x5f3: {  	s3 =	sor.u32 $0x140, s2;
	v8 =	vld [tilespmem:s0+$0x17000]  }
0x5f4: {  	p2 =	por !p0, !p0;
	s10 =	sor.u32 $0x110, s2;
	v10 =	vld [tilespmem:s3+$0x17000]  }
0x5f5: {  	s30 =	sor.u32 $0x150, s2;
	s23 =	sor.u32 $0x160, s2;
	s22 =	sor.u32 $0x120, s2;
	v7 =	vld [tilespmem:s10+$0x17000]  }
0x5f6: {  	s2 =	simm.s32 $0x1  }
0x5f7: {  	v11 =	vld [tilespmem:s30+$0x17000];
	s2 =	simm.s32 @!p2 $0x0  }
0x5f8: {  	v13 =	vld [tilespmem:s22+$0x17000];
	vm1 =	vlt.s32 v6, v9;
	s2 =	sshll.u32 s2, $0x7  }
0x5f9: {  	v14 =	vld [tilespmem:s23+$0x17000];
	v12 =	vsel vm1, v6, v9;
	s2 =	sadd.s32 $0x100, s2  }
0x5fa: {  	p3 =	por $0x1, $0x1;
	v9 =	vsel vm1, v9, v6;
	vm2 =	vgt.s32 v8, v10;
	[tilespmem:s11+$0x17000] =	vst v12;
	s24 =	sor.u32 $0x130, s2  }
.Ltmp122:
0x5fb: {  	s25 =	sor.u32 $0x170, s2;
	v12 =	vsel vm2, v10, v8;
	[tilespmem:s31+$0x17000] =	vst v9;
	v6 =	vld [tilespmem:s24+$0x17000];
	(pc) =	sbr.rel @!p3 .LBB2_221-.Ltmp122, $4  }
0x5fc: {  	s26 =	sor.u32 $0x100, s2;
	v10 =	vsel vm2, v8, v10;
	v9 =	vld [tilespmem:s25+$0x17000];
	[tilespmem:s0+$0x17000] =	vst v12;
	vm1 =	vlt.s32 v7, v11  }
0x5fd: {  	p1 =	por $0x1, $0x1;
	p2 =	por !p2, !p2;
	s28 =	sor.u32 $0x140, s2;
	v8 =	vld [tilespmem:s26+$0x17000];
	[tilespmem:s3+$0x17000] =	vst v10;
	v12 =	vsel vm1, v7, v11  }
0x5fe: {  	s31 =	simm.s32 $0x100;
	s29 =	sor.u32 $0x110, s2;
	s11 =	sor.u32 $0x120, s2;
	v11 =	vsel vm1, v11, v7;
	v10 =	vld [tilespmem:s28+$0x17000];
	vm1 =	vlt.s32 v13, v14;
	[tilespmem:s10+$0x17000] =	vst v12  }
0x5ff: {  	s0 =	simm.s32 $0x4;
	s3 =	sor.u32 $0x150, s2;
	v7 =	vld [tilespmem:s29+$0x17000];
	s10 =	sor.u32 $0x160, s2;
	v12 =	vsel vm1, v13, v14;
	[tilespmem:s30+$0x17000] =	vst v11;
	v11 =	vsel vm1, v14, v13  }
.LBB2_222:
0x600: {  	s2 =	simm.s32 $0x1  }
0x601: {  	v13 =	vld [tilespmem:s3+$0x17000];
	[tilespmem:s22+$0x17000] =	vst v12;
	s22 =	smov.u32 s11;
	s2 =	simm.s32 @!p2 $0x0  }
0x602: {  	s31 =	sadd.s32 $0x100, s31;
	s0 =	sadd.s32 $0x4, s0;
	vm1 =	vlt.s32 v6, v9;
	s2 =	sshll.u32 s2, $0x7;
	v14 =	vld [tilespmem:s22+$0x17000];
	[tilespmem:s23+$0x17000] =	vst v11  }
0x603: {  	p3 =	slt.u32 s0, $0xC;
	v12 =	vsel vm1, v6, v9;
	s2 =	sadd.s32 s2, s31;
	v11 =	vld [tilespmem:s10+$0x17000]  }
0x604: {  	v9 =	vsel vm1, v9, v6;
	vm2 =	vgt.s32 v8, v10;
	s6 =	sor.u32 $0x100, s2;
	[tilespmem:s24+$0x17000] =	vst v12;
	s24 =	sor.u32 $0x130, s2;
	s9 =	sor.u32 $0x140, s2  }
.Ltmp123:
0x605: {  	s19 =	sor.u32 $0x110, s2;
	v12 =	vsel vm2, v10, v8;
	v10 =	vsel vm2, v8, v10;
	v6 =	vld [tilespmem:s24+$0x17000];
	[tilespmem:s25+$0x17000] =	vst v9;
	s25 =	sor.u32 $0x170, s2;
	(pc) =	sbr.rel @p3 .LBB2_222-.Ltmp123, $4  }
0x606: {  	s30 =	sor.u32 $0x150, s2;
	s11 =	sor.u32 $0x120, s2;
	s2 =	sor.u32 $0x160, s2;
	vm1 =	vlt.s32 v7, v13;
	v9 =	vld [tilespmem:s25+$0x17000];
	[tilespmem:s26+$0x17000] =	vst v12  }
0x607: {  	s23 =	smov.u32 s10;
	v12 =	vsel vm1, v7, v13;
	v13 =	vsel vm1, v13, v7;
	s26 =	smov.u32 s6;
	v8 =	vld [tilespmem:s6+$0x17000];
	[tilespmem:s28+$0x17000] =	vst v10;
	s28 =	smov.u32 s9  }
0x608: {  	s10 =	smov.u32 s2;
	v10 =	vld [tilespmem:s28+$0x17000];
	[tilespmem:s29+$0x17000] =	vst v12;
	vm1 =	vlt.s32 v14, v11;
	s29 =	smov.u32 s19  }
0x609: {  	p2 =	por !p2, !p2;
	v7 =	vld [tilespmem:s29+$0x17000];
	[tilespmem:s3+$0x17000] =	vst v13;
	v12 =	vsel vm1, v14, v11;
	v11 =	vsel vm1, v11, v14;
	s3 =	smov.u32 s30  }
0x60a: {  	s6 =	smov.u32 s22  }
0x60b: {  	s9 =	smov.u32 s23;
	s30 =	smov.u32 s3;
	s22 =	smov.u32 s11  }
0x60c: {  	s23 =	smov.u32 s10;
	s11 =	smov.u32 s24;
	s31 =	smov.u32 s25  }
0x60d: {  	s0 =	smov.u32 s26;
	s3 =	smov.u32 s28;
	s10 =	smov.u32 s29  }
.LBB2_224:
0x60e: {  	v13 =	vld [tilespmem:s30+$0x17000]  }
0x60f: {  	[tilespmem:s6+$0x17000] =	vst @p1 v12;
	v63 =	vld [tilespmem:s22+$0x17000];
	vm1 =	vlt.s32 v6, v9  }
0x610: {  	vm2 =	vgt.s32 v8, v10;
	[tilespmem:s9+$0x17000] =	vst @p1 v11;
	v11 =	vld [tilespmem:s23+$0x17000];
	v14 =	vsel vm1, v6, v9  }
0x611: {  	v6 =	vsel vm1, v9, v6;
	v9 =	vsel vm2, v10, v8;
	[tilespmem:s11+$0x17000] =	vst v14  }
0x612: {  	[tilespmem:s0+$0x17000] =	vst v9  }
0x613: {  	[tilespmem:s31+$0x17000] =	vst v6;
	v6 =	vsel vm2, v8, v10;
	vm1 =	vlt.s32 v7, v13  }
0x614: {  	[tilespmem:s3+$0x17000] =	vst v6;
	v6 =	vsel vm1, v7, v13  }
0x615: {  	s2 =	simm.s32 $0x0;
	s31 =	simm.s32 $0x0;
	v7 =	vsel vm1, v13, v7;
	vm1 =	vlt.s32 v63, v11;
	[tilespmem:s10+$0x17000] =	vst v6  }
0x616: {  	s2 =	sand.u32 $0x4, s2;
	s0 =	sand.u32 $0x10, s31;
	v6 =	vsel vm1, v63, v11;
	[tilespmem:s30+$0x17000] =	vst v7  }
0x617: {  	p1 =	por $0x1, $0x1;
	s0 =	sor.u32 s2, s0;
	v7 =	vsel vm1, v11, v63;
	[tilespmem:s22+$0x17000] =	vst v6  }
.Ltmp124:
0x618: {  	[tilespmem:s23+$0x17000] =	vst v7;
	s23 =	sshll.u32 s0, $0x5;
	(pc) =	sbr.rel @!p1 .LBB2_225-.Ltmp124, $4  }
0x619: {  	v7 =	vld [tilespmem:s23+$0x17050]  }
0x61a: {  	v9 =	vld [tilespmem:s23+$0x17070]  }
0x61b: {  	v6 =	vld [tilespmem:s23+$0x17000]  }
0x61c: {  	v8 =	vld [tilespmem:s23+$0x17020]  }
0x61d: {  	s0 =	simm.s32 $0x4;
	v12 =	vld [tilespmem:s23+$0x17010];
	s3 =	simm.s32 $0x8  }
0x61e: {  	v14 =	vld [tilespmem:s23+$0x17030];
	s2 =	sand.u32 $0x10, s3;
	s6 =	sand.u32 $0x4, s0  }
0x61f: {  	v10 =	vld [tilespmem:s23+$0x17040];
	p2 =	por $0x1, $0x1;
	s2 =	sor.u32 s6, s2;
	vm1 =	vgt.s32 v7, v9  }
.Ltmp125:
0x620: {  	v11 =	vld [tilespmem:s23+$0x17060];
	s22 =	sshll.u32 s2, $0x5;
	v13 =	vsel vm1, v7, v9;
	v9 =	vsel vm1, v9, v7;
	(pc) =	sbr.rel @!p2 .LBB2_228-.Ltmp125, $4  }
0x621: {  	v7 =	vld [tilespmem:s22+$0x17050];
	vm1 =	vlt.s32 v6, v8;
	[tilespmem:s23+$0x17070] =	vst v9  }
0x622: {  	v9 =	vld [tilespmem:s22+$0x17070];
	[tilespmem:s23+$0x17050] =	vst v13;
	v15 =	vsel vm1, v8, v6  }
0x623: {  	v16 =	vsel vm1, v6, v8;
	v6 =	vld [tilespmem:s22+$0x17000];
	vm1 =	vlt.s32 v12, v14;
	[tilespmem:s23+$0x17000] =	vst v15  }
0x624: {  	p0 =	por $0x1, $0x1;
	v8 =	vld [tilespmem:s22+$0x17020];
	[tilespmem:s23+$0x17020] =	vst v16;
	v13 =	vsel vm1, v14, v12;
	v12 =	vsel vm1, v12, v14  }
.LBB2_227:
0x625: {  	s0 =	sadd.s32 $0x4, s0;
	v14 =	vld [tilespmem:s22+$0x17010];
	s3 =	sadd.s32 $0x8, s3;
	[tilespmem:s23+$0x17010] =	vst v13;
	vm1 =	vgt.s32 v10, v11  }
0x626: {  	s2 =	sand.u32 $0x10, s3;
	s6 =	sand.u32 $0x4, s0;
	p2 =	slt.u32 s0, $0xC;
	v15 =	vld [tilespmem:s22+$0x17030];
	[tilespmem:s23+$0x17030] =	vst v12;
	v12 =	vsel vm1, v10, v11;
	v13 =	vsel vm1, v11, v10  }
0x627: {  	s2 =	sor.u32 s6, s2;
	v10 =	vld [tilespmem:s22+$0x17040];
	vm1 =	vgt.s32 v7, v9;
	[tilespmem:s23+$0x17040] =	vst v12  }
.Ltmp126:
0x628: {  	v11 =	vld [tilespmem:s22+$0x17060];
	v12 =	vsel vm1, v7, v9;
	v9 =	vsel vm1, v9, v7;
	[tilespmem:s23+$0x17060] =	vst v13;
	s23 =	smov.u32 s22;
	s22 =	sshll.u32 s2, $0x5;
	(pc) =	sbr.rel @p2 .LBB2_227-.Ltmp126, $4  }
0x629: {  	v7 =	vld [tilespmem:s22+$0x17050];
	vm1 =	vlt.s32 v6, v8;
	[tilespmem:s23+$0x17070] =	vst v9  }
0x62a: {  	v9 =	vld [tilespmem:s22+$0x17070];
	v13 =	vsel vm1, v8, v6;
	v16 =	vsel vm1, v6, v8;
	[tilespmem:s23+$0x17050] =	vst v12  }
0x62b: {  	v6 =	vld [tilespmem:s22+$0x17000];
	[tilespmem:s23+$0x17000] =	vst v13;
	vm1 =	vlt.s32 v14, v15  }
0x62c: {  	v8 =	vld [tilespmem:s22+$0x17020];
	[tilespmem:s23+$0x17020] =	vst v16;
	v13 =	vsel vm1, v15, v14;
	v12 =	vsel vm1, v14, v15  }
.LBB2_228:
0x62d: {  	v14 =	vld [tilespmem:s22+$0x17010];
	[tilespmem:s23+$0x17010] =	vst @p0 v13;
	vm1 =	vgt.s32 @p0 v10, v11  }
0x62e: {  	v62 =	vld [tilespmem:s22+$0x17030];
	[tilespmem:s23+$0x17030] =	vst @p0 v12;
	v12 =	vsel @p0 vm1, v10, v11  }
0x62f: {  	v63 =	vld [tilespmem:s22+$0x17060];
	v10 =	vsel @p0 vm1, v11, v10;
	vm1 =	vgt.s32 v7, v9;
	[tilespmem:s23+$0x17040] =	vst @p0 v12  }
0x630: {  	v11 =	vld [tilespmem:s22+$0x17040];
	[tilespmem:s23+$0x17060] =	vst @p0 v10;
	v15 =	vsel vm1, v9, v7  }
0x631: {  	v7 =	vsel vm1, v7, v9;
	vm1 =	vlt.s32 v6, v8;
	[tilespmem:s22+$0x17070] =	vst v15  }
0x632: {  	[tilespmem:s22+$0x17050] =	vst v7;
	v9 =	vsel vm1, v8, v6  }
0x633: {  	v6 =	vsel vm1, v6, v8;
	vm1 =	vlt.s32 v14, v62;
	[tilespmem:s22+$0x17000] =	vst v9  }
0x634: {  	s0 =	simm.s32 $0x1;
	p0 =	por $0x0, $0x0;
	[tilespmem:s22+$0x17020] =	vst v6;
	v6 =	vsel vm1, v62, v14  }
0x635: {  	s0 =	simm.s32 @!p0 $0x0;
	v7 =	vsel vm1, v14, v62;
	vm1 =	vgt.s32 v11, v63;
	[tilespmem:s22+$0x17010] =	vst v6  }
0x636: {  	s0 =	sshll.u32 s0, $0x7;
	[tilespmem:s22+$0x17030] =	vst v7;
	v6 =	vsel vm1, v11, v63  }
0x637: {  	s2 =	sadd.s32 $0x0, s0;
	v7 =	vsel vm1, v63, v11;
	[tilespmem:s22+$0x17040] =	vst v6  }
0x638: {  	s11 =	sor.u32 $0x150, s2;
	[tilespmem:s22+$0x17060] =	vst v7  }
.Ltmp127:
0x639: {  	s31 =	sor.u32 $0x170, s2;
	v6 =	vld [tilespmem:s11+$0x17000];
	(pc) =	sbr.rel @!p1 .LBB2_229-.Ltmp127, $4  }
0x63a: {  	s0 =	sor.u32 $0x100, s2;
	v9 =	vld [tilespmem:s31+$0x17000]  }
0x63b: {  	s3 =	sor.u32 $0x120, s2;
	v8 =	vld [tilespmem:s0+$0x17000]  }
0x63c: {  	p2 =	por !p0, !p0;
	s10 =	sor.u32 $0x110, s2;
	v10 =	vld [tilespmem:s3+$0x17000]  }
0x63d: {  	s30 =	sor.u32 $0x130, s2;
	s23 =	sor.u32 $0x160, s2;
	s22 =	sor.u32 $0x140, s2;
	v7 =	vld [tilespmem:s10+$0x17000]  }
0x63e: {  	s2 =	simm.s32 $0x1  }
0x63f: {  	v11 =	vld [tilespmem:s30+$0x17000];
	s2 =	simm.s32 @!p2 $0x0  }
0x640: {  	v13 =	vld [tilespmem:s22+$0x17000];
	vm1 =	vlt.s32 v6, v9;
	s2 =	sshll.u32 s2, $0x7  }
0x641: {  	v14 =	vld [tilespmem:s23+$0x17000];
	v12 =	vsel vm1, v6, v9;
	s2 =	sadd.s32 $0x100, s2  }
0x642: {  	p3 =	por $0x1, $0x1;
	v9 =	vsel vm1, v9, v6;
	vm2 =	vgt.s32 v8, v10;
	[tilespmem:s11+$0x17000] =	vst v12;
	s24 =	sor.u32 $0x150, s2  }
.Ltmp128:
0x643: {  	s25 =	sor.u32 $0x170, s2;
	v12 =	vsel vm2, v10, v8;
	[tilespmem:s31+$0x17000] =	vst v9;
	v6 =	vld [tilespmem:s24+$0x17000];
	(pc) =	sbr.rel @!p3 .LBB2_231-.Ltmp128, $4  }
0x644: {  	s26 =	sor.u32 $0x100, s2;
	v10 =	vsel vm2, v8, v10;
	v9 =	vld [tilespmem:s25+$0x17000];
	[tilespmem:s0+$0x17000] =	vst v12;
	vm1 =	vlt.s32 v7, v11  }
0x645: {  	p1 =	por $0x1, $0x1;
	p2 =	por !p2, !p2;
	s28 =	sor.u32 $0x120, s2;
	v8 =	vld [tilespmem:s26+$0x17000];
	[tilespmem:s3+$0x17000] =	vst v10;
	v12 =	vsel vm1, v7, v11  }
0x646: {  	s31 =	simm.s32 $0x100;
	s29 =	sor.u32 $0x110, s2;
	s11 =	sor.u32 $0x140, s2;
	v11 =	vsel vm1, v11, v7;
	v10 =	vld [tilespmem:s28+$0x17000];
	vm1 =	vlt.s32 v13, v14;
	[tilespmem:s10+$0x17000] =	vst v12  }
0x647: {  	s0 =	simm.s32 $0x4;
	s3 =	sor.u32 $0x130, s2;
	v7 =	vld [tilespmem:s29+$0x17000];
	s10 =	sor.u32 $0x160, s2;
	v12 =	vsel vm1, v13, v14;
	[tilespmem:s30+$0x17000] =	vst v11;
	v11 =	vsel vm1, v14, v13  }
.LBB2_232:
0x648: {  	s2 =	simm.s32 $0x1  }
0x649: {  	v13 =	vld [tilespmem:s3+$0x17000];
	[tilespmem:s22+$0x17000] =	vst v12;
	s22 =	smov.u32 s11;
	s2 =	simm.s32 @!p2 $0x0  }
0x64a: {  	s31 =	sadd.s32 $0x100, s31;
	s0 =	sadd.s32 $0x4, s0;
	vm1 =	vlt.s32 v6, v9;
	s2 =	sshll.u32 s2, $0x7;
	v14 =	vld [tilespmem:s22+$0x17000];
	[tilespmem:s23+$0x17000] =	vst v11  }
0x64b: {  	p3 =	slt.u32 s0, $0xC;
	v12 =	vsel vm1, v6, v9;
	s2 =	sadd.s32 s2, s31;
	v11 =	vld [tilespmem:s10+$0x17000]  }
0x64c: {  	v9 =	vsel vm1, v9, v6;
	vm2 =	vgt.s32 v8, v10;
	s6 =	sor.u32 $0x100, s2;
	[tilespmem:s24+$0x17000] =	vst v12;
	s24 =	sor.u32 $0x150, s2;
	s9 =	sor.u32 $0x120, s2  }
.Ltmp129:
0x64d: {  	s19 =	sor.u32 $0x110, s2;
	v12 =	vsel vm2, v10, v8;
	v10 =	vsel vm2, v8, v10;
	v6 =	vld [tilespmem:s24+$0x17000];
	[tilespmem:s25+$0x17000] =	vst v9;
	s25 =	sor.u32 $0x170, s2;
	(pc) =	sbr.rel @p3 .LBB2_232-.Ltmp129, $4  }
0x64e: {  	s30 =	sor.u32 $0x130, s2;
	s11 =	sor.u32 $0x140, s2;
	s2 =	sor.u32 $0x160, s2;
	vm1 =	vlt.s32 v7, v13;
	v9 =	vld [tilespmem:s25+$0x17000];
	[tilespmem:s26+$0x17000] =	vst v12  }
0x64f: {  	s23 =	smov.u32 s10;
	v12 =	vsel vm1, v7, v13;
	v13 =	vsel vm1, v13, v7;
	s26 =	smov.u32 s6;
	v8 =	vld [tilespmem:s6+$0x17000];
	[tilespmem:s28+$0x17000] =	vst v10;
	s28 =	smov.u32 s9  }
0x650: {  	s10 =	smov.u32 s2;
	v10 =	vld [tilespmem:s28+$0x17000];
	[tilespmem:s29+$0x17000] =	vst v12;
	vm1 =	vlt.s32 v14, v11;
	s29 =	smov.u32 s19  }
0x651: {  	p2 =	por !p2, !p2;
	v7 =	vld [tilespmem:s29+$0x17000];
	[tilespmem:s3+$0x17000] =	vst v13;
	v12 =	vsel vm1, v14, v11;
	v11 =	vsel vm1, v11, v14;
	s3 =	smov.u32 s30  }
0x652: {  	s6 =	smov.u32 s22  }
0x653: {  	s9 =	smov.u32 s23;
	s30 =	smov.u32 s3;
	s22 =	smov.u32 s11  }
0x654: {  	s23 =	smov.u32 s10;
	s11 =	smov.u32 s24;
	s31 =	smov.u32 s25  }
0x655: {  	s0 =	smov.u32 s26;
	s3 =	smov.u32 s28;
	s10 =	smov.u32 s29  }
.LBB2_234:
0x656: {  	v13 =	vld [tilespmem:s30+$0x17000]  }
0x657: {  	[tilespmem:s6+$0x17000] =	vst @p1 v12;
	v63 =	vld [tilespmem:s22+$0x17000];
	vm1 =	vlt.s32 v6, v9  }
0x658: {  	vm2 =	vgt.s32 v8, v10;
	[tilespmem:s9+$0x17000] =	vst @p1 v11;
	v11 =	vld [tilespmem:s23+$0x17000];
	v14 =	vsel vm1, v6, v9  }
0x659: {  	v6 =	vsel vm1, v9, v6;
	v9 =	vsel vm2, v10, v8;
	[tilespmem:s11+$0x17000] =	vst v14  }
0x65a: {  	[tilespmem:s0+$0x17000] =	vst v9  }
0x65b: {  	[tilespmem:s31+$0x17000] =	vst v6;
	v6 =	vsel vm2, v8, v10;
	vm1 =	vlt.s32 v7, v13  }
0x65c: {  	[tilespmem:s3+$0x17000] =	vst v6;
	v6 =	vsel vm1, v7, v13  }
0x65d: {  	s2 =	simm.s32 $0x0;
	s31 =	simm.s32 $0x0;
	v7 =	vsel vm1, v13, v7;
	vm1 =	vlt.s32 v63, v11;
	[tilespmem:s10+$0x17000] =	vst v6  }
0x65e: {  	s2 =	sand.u32 $0x4, s2;
	s0 =	sand.u32 $0x10, s31;
	v6 =	vsel vm1, v63, v11;
	[tilespmem:s30+$0x17000] =	vst v7  }
0x65f: {  	p1 =	por $0x1, $0x1;
	s0 =	sor.u32 s2, s0;
	v7 =	vsel vm1, v11, v63;
	[tilespmem:s22+$0x17000] =	vst v6  }
.Ltmp130:
0x660: {  	[tilespmem:s23+$0x17000] =	vst v7;
	s23 =	sshll.u32 s0, $0x5;
	(pc) =	sbr.rel @!p1 .LBB2_235-.Ltmp130, $4  }
0x661: {  	v7 =	vld [tilespmem:s23+$0x17060]  }
0x662: {  	v9 =	vld [tilespmem:s23+$0x17070]  }
0x663: {  	v6 =	vld [tilespmem:s23+$0x17000]  }
0x664: {  	v8 =	vld [tilespmem:s23+$0x17010]  }
0x665: {  	s0 =	simm.s32 $0x4;
	v12 =	vld [tilespmem:s23+$0x17020];
	s3 =	simm.s32 $0x8  }
0x666: {  	v14 =	vld [tilespmem:s23+$0x17030];
	s2 =	sand.u32 $0x10, s3;
	s6 =	sand.u32 $0x4, s0  }
0x667: {  	v10 =	vld [tilespmem:s23+$0x17040];
	p2 =	por $0x1, $0x1;
	s2 =	sor.u32 s6, s2;
	vm1 =	vgt.s32 v7, v9  }
.Ltmp131:
0x668: {  	v11 =	vld [tilespmem:s23+$0x17050];
	s22 =	sshll.u32 s2, $0x5;
	v13 =	vsel vm1, v7, v9;
	v9 =	vsel vm1, v9, v7;
	(pc) =	sbr.rel @!p2 .LBB2_238-.Ltmp131, $4  }
0x669: {  	v7 =	vld [tilespmem:s22+$0x17060];
	vm1 =	vlt.s32 v6, v8;
	[tilespmem:s23+$0x17070] =	vst v9  }
0x66a: {  	v9 =	vld [tilespmem:s22+$0x17070];
	[tilespmem:s23+$0x17060] =	vst v13;
	v15 =	vsel vm1, v8, v6  }
0x66b: {  	v16 =	vsel vm1, v6, v8;
	v6 =	vld [tilespmem:s22+$0x17000];
	vm1 =	vgt.s32 v12, v14;
	[tilespmem:s23+$0x17000] =	vst v15  }
0x66c: {  	p0 =	por $0x1, $0x1;
	v8 =	vld [tilespmem:s22+$0x17010];
	[tilespmem:s23+$0x17010] =	vst v16;
	v13 =	vsel vm1, v12, v14;
	v12 =	vsel vm1, v14, v12  }
.LBB2_237:
0x66d: {  	s0 =	sadd.s32 $0x4, s0;
	v14 =	vld [tilespmem:s22+$0x17020];
	s3 =	sadd.s32 $0x8, s3;
	[tilespmem:s23+$0x17020] =	vst v13;
	vm1 =	vgt.s32 v10, v11  }
0x66e: {  	s2 =	sand.u32 $0x10, s3;
	s6 =	sand.u32 $0x4, s0;
	p2 =	slt.u32 s0, $0xC;
	v15 =	vld [tilespmem:s22+$0x17030];
	[tilespmem:s23+$0x17030] =	vst v12;
	v12 =	vsel vm1, v10, v11;
	v13 =	vsel vm1, v11, v10  }
0x66f: {  	s2 =	sor.u32 s6, s2;
	v10 =	vld [tilespmem:s22+$0x17040];
	vm1 =	vgt.s32 v7, v9;
	[tilespmem:s23+$0x17040] =	vst v12  }
.Ltmp132:
0x670: {  	v11 =	vld [tilespmem:s22+$0x17050];
	v12 =	vsel vm1, v7, v9;
	v9 =	vsel vm1, v9, v7;
	[tilespmem:s23+$0x17050] =	vst v13;
	s23 =	smov.u32 s22;
	s22 =	sshll.u32 s2, $0x5;
	(pc) =	sbr.rel @p2 .LBB2_237-.Ltmp132, $4  }
0x671: {  	v7 =	vld [tilespmem:s22+$0x17060];
	vm1 =	vlt.s32 v6, v8;
	[tilespmem:s23+$0x17070] =	vst v9  }
0x672: {  	v9 =	vld [tilespmem:s22+$0x17070];
	v13 =	vsel vm1, v8, v6;
	v16 =	vsel vm1, v6, v8;
	[tilespmem:s23+$0x17060] =	vst v12  }
0x673: {  	v6 =	vld [tilespmem:s22+$0x17000];
	[tilespmem:s23+$0x17000] =	vst v13;
	vm1 =	vgt.s32 v14, v15  }
0x674: {  	v8 =	vld [tilespmem:s22+$0x17010];
	[tilespmem:s23+$0x17010] =	vst v16;
	v13 =	vsel vm1, v14, v15;
	v12 =	vsel vm1, v15, v14  }
.LBB2_238:
0x675: {  	v14 =	vld [tilespmem:s22+$0x17020];
	[tilespmem:s23+$0x17020] =	vst @p0 v13;
	vm1 =	vgt.s32 @p0 v10, v11  }
0x676: {  	v62 =	vld [tilespmem:s22+$0x17030];
	[tilespmem:s23+$0x17030] =	vst @p0 v12;
	v12 =	vsel @p0 vm1, v10, v11  }
0x677: {  	v63 =	vld [tilespmem:s22+$0x17050];
	v10 =	vsel @p0 vm1, v11, v10;
	vm1 =	vgt.s32 v7, v9;
	[tilespmem:s23+$0x17040] =	vst @p0 v12  }
0x678: {  	v11 =	vld [tilespmem:s22+$0x17040];
	[tilespmem:s23+$0x17050] =	vst @p0 v10;
	v15 =	vsel vm1, v9, v7  }
0x679: {  	v7 =	vsel vm1, v7, v9;
	vm1 =	vlt.s32 v6, v8;
	[tilespmem:s22+$0x17070] =	vst v15  }
0x67a: {  	[tilespmem:s22+$0x17060] =	vst v7;
	v9 =	vsel vm1, v8, v6  }
0x67b: {  	v6 =	vsel vm1, v6, v8;
	vm1 =	vgt.s32 v14, v62;
	[tilespmem:s22+$0x17000] =	vst v9  }
0x67c: {  	s0 =	simm.s32 $0x1;
	p0 =	por $0x0, $0x0;
	[tilespmem:s22+$0x17010] =	vst v6;
	v6 =	vsel vm1, v14, v62  }
0x67d: {  	s0 =	simm.s32 @!p0 $0x0;
	v7 =	vsel vm1, v62, v14;
	vm1 =	vgt.s32 v11, v63;
	[tilespmem:s22+$0x17020] =	vst v6  }
0x67e: {  	s0 =	sshll.u32 s0, $0x7;
	[tilespmem:s22+$0x17030] =	vst v7;
	v6 =	vsel vm1, v11, v63  }
0x67f: {  	s2 =	sadd.s32 $0x0, s0;
	v7 =	vsel vm1, v63, v11;
	[tilespmem:s22+$0x17040] =	vst v6  }
0x680: {  	s11 =	sor.u32 $0x160, s2;
	[tilespmem:s22+$0x17050] =	vst v7  }
.Ltmp133:
0x681: {  	s31 =	sor.u32 $0x170, s2;
	v6 =	vld [tilespmem:s11+$0x17000];
	(pc) =	sbr.rel @!p1 .LBB2_239-.Ltmp133, $4  }
0x682: {  	s0 =	sor.u32 $0x100, s2;
	v9 =	vld [tilespmem:s31+$0x17000]  }
0x683: {  	s3 =	sor.u32 $0x110, s2;
	v8 =	vld [tilespmem:s0+$0x17000]  }
0x684: {  	p2 =	por !p0, !p0;
	s10 =	sor.u32 $0x120, s2;
	v10 =	vld [tilespmem:s3+$0x17000]  }
0x685: {  	s30 =	sor.u32 $0x130, s2;
	s23 =	sor.u32 $0x150, s2;
	s22 =	sor.u32 $0x140, s2;
	v7 =	vld [tilespmem:s10+$0x17000]  }
0x686: {  	s2 =	simm.s32 $0x1  }
0x687: {  	v11 =	vld [tilespmem:s30+$0x17000];
	s2 =	simm.s32 @!p2 $0x0  }
0x688: {  	v13 =	vld [tilespmem:s22+$0x17000];
	vm1 =	vlt.s32 v6, v9;
	s2 =	sshll.u32 s2, $0x7  }
0x689: {  	v14 =	vld [tilespmem:s23+$0x17000];
	v12 =	vsel vm1, v6, v9;
	s2 =	sadd.s32 $0x100, s2  }
0x68a: {  	p3 =	por $0x1, $0x1;
	v9 =	vsel vm1, v9, v6;
	vm2 =	vgt.s32 v8, v10;
	[tilespmem:s11+$0x17000] =	vst v12;
	s24 =	sor.u32 $0x160, s2  }
.Ltmp134:
0x68b: {  	s25 =	sor.u32 $0x170, s2;
	v12 =	vsel vm2, v10, v8;
	[tilespmem:s31+$0x17000] =	vst v9;
	v6 =	vld [tilespmem:s24+$0x17000];
	(pc) =	sbr.rel @!p3 .LBB2_241-.Ltmp134, $4  }
0x68c: {  	s26 =	sor.u32 $0x100, s2;
	v10 =	vsel vm2, v8, v10;
	v9 =	vld [tilespmem:s25+$0x17000];
	[tilespmem:s0+$0x17000] =	vst v12;
	vm1 =	vlt.s32 v7, v11  }
0x68d: {  	p1 =	por $0x1, $0x1;
	p2 =	por !p2, !p2;
	s28 =	sor.u32 $0x110, s2;
	v8 =	vld [tilespmem:s26+$0x17000];
	[tilespmem:s3+$0x17000] =	vst v10;
	v12 =	vsel vm1, v7, v11  }
0x68e: {  	s31 =	simm.s32 $0x100;
	s29 =	sor.u32 $0x120, s2;
	s11 =	sor.u32 $0x140, s2;
	v11 =	vsel vm1, v11, v7;
	v10 =	vld [tilespmem:s28+$0x17000];
	vm1 =	vlt.s32 v13, v14;
	[tilespmem:s10+$0x17000] =	vst v12  }
0x68f: {  	s0 =	simm.s32 $0x4;
	s3 =	sor.u32 $0x130, s2;
	v7 =	vld [tilespmem:s29+$0x17000];
	s10 =	sor.u32 $0x150, s2;
	v12 =	vsel vm1, v13, v14;
	[tilespmem:s30+$0x17000] =	vst v11;
	v11 =	vsel vm1, v14, v13  }
.LBB2_242:
0x690: {  	s2 =	simm.s32 $0x1  }
0x691: {  	v13 =	vld [tilespmem:s3+$0x17000];
	[tilespmem:s22+$0x17000] =	vst v12;
	s22 =	smov.u32 s11;
	s2 =	simm.s32 @!p2 $0x0  }
0x692: {  	s31 =	sadd.s32 $0x100, s31;
	s0 =	sadd.s32 $0x4, s0;
	vm1 =	vlt.s32 v6, v9;
	s2 =	sshll.u32 s2, $0x7;
	v14 =	vld [tilespmem:s22+$0x17000];
	[tilespmem:s23+$0x17000] =	vst v11  }
0x693: {  	p3 =	slt.u32 s0, $0xC;
	v12 =	vsel vm1, v6, v9;
	s2 =	sadd.s32 s2, s31;
	v11 =	vld [tilespmem:s10+$0x17000]  }
0x694: {  	v9 =	vsel vm1, v9, v6;
	vm2 =	vgt.s32 v8, v10;
	s6 =	sor.u32 $0x100, s2;
	[tilespmem:s24+$0x17000] =	vst v12;
	s24 =	sor.u32 $0x160, s2;
	s9 =	sor.u32 $0x110, s2  }
.Ltmp135:
0x695: {  	s19 =	sor.u32 $0x120, s2;
	v12 =	vsel vm2, v10, v8;
	v10 =	vsel vm2, v8, v10;
	v6 =	vld [tilespmem:s24+$0x17000];
	[tilespmem:s25+$0x17000] =	vst v9;
	s25 =	sor.u32 $0x170, s2;
	(pc) =	sbr.rel @p3 .LBB2_242-.Ltmp135, $4  }
0x696: {  	s30 =	sor.u32 $0x130, s2;
	s11 =	sor.u32 $0x140, s2;
	s2 =	sor.u32 $0x150, s2;
	vm1 =	vlt.s32 v7, v13;
	v9 =	vld [tilespmem:s25+$0x17000];
	[tilespmem:s26+$0x17000] =	vst v12  }
0x697: {  	s23 =	smov.u32 s10;
	v12 =	vsel vm1, v7, v13;
	v13 =	vsel vm1, v13, v7;
	s26 =	smov.u32 s6;
	v8 =	vld [tilespmem:s6+$0x17000];
	[tilespmem:s28+$0x17000] =	vst v10;
	s28 =	smov.u32 s9  }
0x698: {  	s10 =	smov.u32 s2;
	v10 =	vld [tilespmem:s28+$0x17000];
	[tilespmem:s29+$0x17000] =	vst v12;
	vm1 =	vlt.s32 v14, v11;
	s29 =	smov.u32 s19  }
0x699: {  	p2 =	por !p2, !p2;
	v7 =	vld [tilespmem:s29+$0x17000];
	[tilespmem:s3+$0x17000] =	vst v13;
	v12 =	vsel vm1, v14, v11;
	v11 =	vsel vm1, v11, v14;
	s3 =	smov.u32 s30  }
0x69a: {  	s6 =	smov.u32 s22  }
0x69b: {  	s9 =	smov.u32 s23;
	s30 =	smov.u32 s3;
	s22 =	smov.u32 s11  }
0x69c: {  	s23 =	smov.u32 s10;
	s11 =	smov.u32 s24;
	s31 =	smov.u32 s25  }
0x69d: {  	s0 =	smov.u32 s26;
	s3 =	smov.u32 s28;
	s10 =	smov.u32 s29  }
.LBB2_244:
0x69e: {  	v13 =	vld [tilespmem:s30+$0x17000]  }
0x69f: {  	[tilespmem:s6+$0x17000] =	vst @p1 v12;
	v12 =	vld [tilespmem:s22+$0x17000];
	vm1 =	vlt.s32 v6, v9  }
0x6a0: {  	vm2 =	vgt.s32 v8, v10;
	[tilespmem:s9+$0x17000] =	vst @p1 v11;
	v11 =	vld [tilespmem:s23+$0x17000];
	v14 =	vsel vm1, v6, v9  }
0x6a1: {  	v6 =	vsel vm1, v9, v6;
	v9 =	vsel vm2, v10, v8;
	[tilespmem:s11+$0x17000] =	vst v14  }
0x6a2: {  	[tilespmem:s0+$0x17000] =	vst v9  }
0x6a3: {  	[tilespmem:s31+$0x17000] =	vst v6;
	v6 =	vsel vm2, v8, v10;
	vm1 =	vlt.s32 v7, v13  }
0x6a4: {  	[tilespmem:s3+$0x17000] =	vst v6;
	v6 =	vsel vm1, v7, v13  }
0x6a5: {  	v7 =	vsel vm1, v13, v7;
	vm1 =	vlt.s32 v12, v11;
	[tilespmem:s10+$0x17000] =	vst v6  }
0x6a6: {  	v6 =	vsel vm1, v12, v11;
	[tilespmem:s30+$0x17000] =	vst v7  }
0x6a7: {  	v7 =	vsel vm1, v11, v12;
	[tilespmem:s22+$0x17000] =	vst v6  }
0x6a8: {  	s24 =	simm.s32 $0x17100;
	[tilespmem:s23+$0x17000] =	vst v7  }
0x6a9: {  	v11 =	vld [tilespmem:s24+$0xFFFFFF30]  }
0x6aa: {  	v14 =	vld [tilespmem:s24+$0x30]  }
0x6ab: {  	p1 =	por $0x1, $0x1;
	v13 =	vld [tilespmem:s24+$0x0]  }
.Ltmp136:
0x6ac: {  	v7 =	vld [tilespmem:s24+$0xFFFFFF10];
	(pc) =	sbr.rel @!p1 .LBB2_245-.Ltmp136, $4  }
0x6ad: {  	v10 =	vld [tilespmem:s24+$0x10]  }
0x6ae: {  	v6 =	vld [tilespmem:s24+$0xFFFFFF20]  }
0x6af: {  	v8 =	vld [tilespmem:s24+$0x20];
	vm1 =	vlt.s32 v11, v14  }
0x6b0: {  	s22 =	simm.s32 $0x17140;
	v9 =	vld [tilespmem:s24+$0xFFFFFF00];
	v12 =	vsel vm1, v14, v11;
	v15 =	vsel vm1, v11, v14  }
0x6b1: {  	v16 =	vld [tilespmem:s22+$0xFFFFFF30]  }
0x6b2: {  	[tilespmem:s24+$0x30] =	vst v15;
	v15 =	vld [tilespmem:s22+$0x30];
	vm1 =	vlt.s32 v7, v10  }
0x6b3: {  	v11 =	vld [tilespmem:s22+$0x0];
	[tilespmem:s24+$0xFFFFFF30] =	vst v12;
	p2 =	por $0x1, $0x1;
	v14 =	vsel vm1, v10, v7  }
.Ltmp137:
0x6b4: {  	v17 =	vsel vm1, v7, v10;
	v7 =	vld [tilespmem:s22+$0xFFFFFF10];
	[tilespmem:s24+$0xFFFFFF10] =	vst v14;
	vm1 =	vlt.s32 v6, v8;
	(pc) =	sbr.rel @!p2 .LBB2_247-.Ltmp137, $4  }
0x6b5: {  	v10 =	vld [tilespmem:s22+$0x10];
	[tilespmem:s24+$0x10] =	vst v17;
	vm2 =	vlt.s32 v9, v13;
	v12 =	vsel vm1, v8, v6  }
0x6b6: {  	v14 =	vsel vm1, v6, v8;
	v6 =	vld [tilespmem:s22+$0xFFFFFF20];
	v17 =	vsel vm2, v13, v9;
	[tilespmem:s24+$0xFFFFFF20] =	vst v12  }
0x6b7: {  	v8 =	vld [tilespmem:s22+$0x20];
	v13 =	vsel vm2, v9, v13;
	vm1 =	vlt.s32 v16, v15;
	[tilespmem:s24+$0xFFFFFF00] =	vst v17  }
0x6b8: {  	s0 =	simm.s32 $0x4;
	s3 =	simm.s32 $0x17180;
	p0 =	por $0x1, $0x1;
	v9 =	vld [tilespmem:s22+$0xFFFFFF00];
	v12 =	vsel vm1, v15, v16;
	v15 =	vsel vm1, v16, v15;
	[tilespmem:s24+$0x0] =	vst v13  }
.LBB2_248:
0x6b9: {  	v13 =	vld [tilespmem:s3+$0xFFFFFF30];
	[tilespmem:s22+$0x30] =	vst v15  }
0x6ba: {  	s0 =	sadd.s32 $0x4, s0;
	v15 =	vld [tilespmem:s3+$0x30];
	vm1 =	vlt.s32 v7, v10;
	[tilespmem:s24+$0x20] =	vst v14;
	s24 =	smov.u32 s22;
	s22 =	smov.u32 s3  }
0x6bb: {  	p2 =	slt.u32 s0, $0xC;
	v16 =	vld [tilespmem:s3+$0x0];
	v14 =	vsel vm1, v10, v7;
	v17 =	vsel vm1, v7, v10;
	[tilespmem:s24+$0xFFFFFF30] =	vst v12  }
.Ltmp138:
0x6bc: {  	v7 =	vld [tilespmem:s3+$0xFFFFFF10];
	[tilespmem:s24+$0xFFFFFF10] =	vst v14;
	vm1 =	vlt.s32 v6, v8;
	(pc) =	sbr.rel @p2 .LBB2_248-.Ltmp138, $4  }
0x6bd: {  	v10 =	vld [tilespmem:s3+$0x10];
	vm2 =	vlt.s32 v9, v11;
	[tilespmem:s24+$0x10] =	vst v17;
	v12 =	vsel vm1, v8, v6;
	v14 =	vsel vm1, v6, v8  }
0x6be: {  	v6 =	vld [tilespmem:s3+$0xFFFFFF20];
	v17 =	vsel vm2, v11, v9;
	v18 =	vsel vm2, v9, v11;
	[tilespmem:s24+$0xFFFFFF20] =	vst v12  }
0x6bf: {  	v8 =	vld [tilespmem:s3+$0x20];
	vm1 =	vlt.s32 v13, v15;
	[tilespmem:s24+$0xFFFFFF00] =	vst v17  }
0x6c0: {  	s3 =	sadd.s32 $0x40, s3;
	v9 =	vld [tilespmem:s22+$0xFFFFFF00];
	v12 =	vsel vm1, v15, v13;
	v15 =	vsel vm1, v13, v15;
	[tilespmem:s24+$0x0] =	vst v18;
	v11 =	vmov v16  }
0x6c1: {  	v13 =	vmov v11  }
.LBB2_250:
0x6c2: {  	[tilespmem:s22+$0x30] =	vst v15  }
0x6c3: {  	vm1 =	vlt.s32 v7, v10;
	[tilespmem:s24+$0x20] =	vst @p0 v14  }
0x6c4: {  	[tilespmem:s22+$0xFFFFFF30] =	vst v12;
	v11 =	vsel vm1, v10, v7  }
0x6c5: {  	v7 =	vsel vm1, v7, v10;
	[tilespmem:s22+$0xFFFFFF10] =	vst v11;
	vm1 =	vlt.s32 v6, v8  }
0x6c6: {  	[tilespmem:s22+$0x10] =	vst v7;
	v7 =	vsel vm1, v8, v6  }
0x6c7: {  	vm2 =	vlt.s32 v9, v13;
	v6 =	vsel vm1, v6, v8;
	[tilespmem:s22+$0xFFFFFF20] =	vst v7  }
0x6c8: {  	v10 =	vsel vm2, v13, v9;
	[tilespmem:s22+$0x20] =	vst v6  }
0x6c9: {  	v7 =	vsel vm2, v9, v13;
	[tilespmem:s22+$0xFFFFFF00] =	vst v10  }
0x6ca: {  	s23 =	simm.s32 $0x17330;
	[tilespmem:s22+$0x0] =	vst v7  }
0x6cb: {  	v11 =	vld [tilespmem:s23+$0xFFFFFF00]  }
0x6cc: {  	v14 =	vld [tilespmem:s23+$0x0]  }
0x6cd: {  	v12 =	vld [tilespmem:s23+$0xFFFFFFD0]  }
.Ltmp139:
0x6ce: {  	v8 =	vld [tilespmem:s23+$0xFFFFFEE0];
	(pc) =	sbr.rel @!p1 .LBB2_251-.Ltmp139, $4  }
0x6cf: {  	v10 =	vld [tilespmem:s23+$0xFFFFFFE0]  }
0x6d0: {  	v6 =	vld [tilespmem:s23+$0xFFFFFEF0]  }
0x6d1: {  	v7 =	vld [tilespmem:s23+$0xFFFFFFF0];
	vm1 =	vgt.s32 v11, v14  }
0x6d2: {  	p0 =	por $0x0, $0x0;
	s22 =	simm.s32 $0x17370;
	v9 =	vld [tilespmem:s23+$0xFFFFFED0];
	v13 =	vsel vm1, v14, v11;
	v15 =	vsel vm1, v11, v14  }
0x6d3: {  	v16 =	vld [tilespmem:s22+$0xFFFFFF00]  }
0x6d4: {  	[tilespmem:s23+$0x0] =	vst v15;
	v15 =	vld [tilespmem:s22+$0x0];
	vm1 =	vgt.s32 v8, v10  }
0x6d5: {  	v11 =	vld [tilespmem:s22+$0xFFFFFFD0];
	[tilespmem:s23+$0xFFFFFF00] =	vst v13;
	p2 =	por $0x1, $0x1;
	v14 =	vsel vm1, v10, v8  }
.Ltmp140:
0x6d6: {  	v17 =	vsel vm1, v8, v10;
	v8 =	vld [tilespmem:s22+$0xFFFFFEE0];
	[tilespmem:s23+$0xFFFFFEE0] =	vst v14;
	vm1 =	vgt.s32 v6, v7;
	(pc) =	sbr.rel @!p2 .LBB2_253-.Ltmp140, $4  }
0x6d7: {  	v10 =	vld [tilespmem:s22+$0xFFFFFFE0];
	[tilespmem:s23+$0xFFFFFFE0] =	vst v17;
	vm2 =	vgt.s32 v9, v12;
	v13 =	vsel vm1, v7, v6  }
0x6d8: {  	v14 =	vsel vm1, v6, v7;
	v6 =	vld [tilespmem:s22+$0xFFFFFEF0];
	v17 =	vsel vm2, v12, v9;
	[tilespmem:s23+$0xFFFFFEF0] =	vst v13  }
0x6d9: {  	v7 =	vld [tilespmem:s22+$0xFFFFFFF0];
	v12 =	vsel vm2, v9, v12;
	vm1 =	vgt.s32 v16, v15;
	[tilespmem:s23+$0xFFFFFED0] =	vst v17  }
0x6da: {  	s0 =	simm.s32 $0x4;
	s3 =	simm.s32 $0x173B0;
	p1 =	por $0x1, $0x1;
	v9 =	vld [tilespmem:s22+$0xFFFFFED0];
	v13 =	vsel vm1, v15, v16;
	v15 =	vsel vm1, v16, v15;
	[tilespmem:s23+$0xFFFFFFD0] =	vst v12  }
.LBB2_254:
0x6db: {  	v12 =	vld [tilespmem:s3+$0xFFFFFF00];
	[tilespmem:s22+$0x0] =	vst v15  }
0x6dc: {  	s0 =	sadd.s32 $0x4, s0;
	v15 =	vld [tilespmem:s3+$0x0];
	vm1 =	vgt.s32 v8, v10;
	[tilespmem:s23+$0xFFFFFFF0] =	vst v14;
	s23 =	smov.u32 s22;
	s22 =	smov.u32 s3  }
0x6dd: {  	p2 =	slt.u32 s0, $0xC;
	v16 =	vld [tilespmem:s3+$0xFFFFFFD0];
	v14 =	vsel vm1, v10, v8;
	v17 =	vsel vm1, v8, v10;
	[tilespmem:s23+$0xFFFFFF00] =	vst v13  }
.Ltmp141:
0x6de: {  	v8 =	vld [tilespmem:s3+$0xFFFFFEE0];
	[tilespmem:s23+$0xFFFFFEE0] =	vst v14;
	vm1 =	vgt.s32 v6, v7;
	(pc) =	sbr.rel @p2 .LBB2_254-.Ltmp141, $4  }
0x6df: {  	v10 =	vld [tilespmem:s3+$0xFFFFFFE0];
	vm2 =	vgt.s32 v9, v11;
	[tilespmem:s23+$0xFFFFFFE0] =	vst v17;
	v13 =	vsel vm1, v7, v6;
	v14 =	vsel vm1, v6, v7  }
0x6e0: {  	v6 =	vld [tilespmem:s3+$0xFFFFFEF0];
	v17 =	vsel vm2, v11, v9;
	v18 =	vsel vm2, v9, v11;
	[tilespmem:s23+$0xFFFFFEF0] =	vst v13  }
0x6e1: {  	v7 =	vld [tilespmem:s3+$0xFFFFFFF0];
	vm1 =	vgt.s32 v12, v15;
	[tilespmem:s23+$0xFFFFFED0] =	vst v17  }
0x6e2: {  	s3 =	sadd.s32 $0x40, s3;
	v9 =	vld [tilespmem:s22+$0xFFFFFED0];
	v13 =	vsel vm1, v15, v12;
	v15 =	vsel vm1, v12, v15;
	[tilespmem:s23+$0xFFFFFFD0] =	vst v18;
	v11 =	vmov v16  }
0x6e3: {  	v12 =	vmov v11  }
.LBB2_256:
0x6e4: {  	[tilespmem:s22+$0x0] =	vst v15  }
0x6e5: {  	vm1 =	vgt.s32 v8, v10;
	[tilespmem:s23+$0xFFFFFFF0] =	vst @p1 v14  }
0x6e6: {  	[tilespmem:s22+$0xFFFFFF00] =	vst v13;
	v11 =	vsel vm1, v10, v8  }
0x6e7: {  	v8 =	vsel vm1, v8, v10;
	[tilespmem:s22+$0xFFFFFEE0] =	vst v11;
	vm1 =	vgt.s32 v6, v7  }
0x6e8: {  	[tilespmem:s22+$0xFFFFFFE0] =	vst v8;
	v8 =	vsel vm1, v7, v6  }
0x6e9: {  	s0 =	simm.s32 $0x0;
	s2 =	simm.s32 $0x0;
	vm2 =	vgt.s32 v9, v12;
	v6 =	vsel vm1, v6, v7;
	[tilespmem:s22+$0xFFFFFEF0] =	vst v8  }
0x6ea: {  	s0 =	sand.u32 $0x10, s0;
	s2 =	sand.u32 $0x4, s2;
	v10 =	vsel vm2, v12, v9;
	[tilespmem:s22+$0xFFFFFFF0] =	vst v6  }
0x6eb: {  	p1 =	por $0x1, $0x1;
	s0 =	sor.u32 s2, s0;
	v8 =	vsel vm2, v9, v12;
	[tilespmem:s22+$0xFFFFFED0] =	vst v10  }
.Ltmp142:
0x6ec: {  	[tilespmem:s22+$0xFFFFFFD0] =	vst v8;
	s22 =	sshll.u32 s0, $0x4;
	(pc) =	sbr.rel @!p1 .LBB2_257-.Ltmp142, $4  }
0x6ed: {  	v7 =	vld [tilespmem:s22+$0x17030]  }
0x6ee: {  	v9 =	vld [tilespmem:s22+$0x170B0]  }
0x6ef: {  	v6 =	vld [tilespmem:s22+$0x17000]  }
0x6f0: {  	s23 =	simm.s32 $0x8;
	v8 =	vld [tilespmem:s22+$0x17080]  }
0x6f1: {  	s0 =	simm.s32 $0x4;
	v12 =	vld [tilespmem:s22+$0x17010];
	s3 =	simm.s32 $0x8  }
0x6f2: {  	v14 =	vld [tilespmem:s22+$0x17090];
	s2 =	sand.u32 $0x10, s3;
	s6 =	sand.u32 $0x4, s0  }
0x6f3: {  	v10 =	vld [tilespmem:s22+$0x17020];
	p2 =	por $0x1, $0x1;
	s2 =	sor.u32 s6, s2;
	vm1 =	vgt.s32 v7, v9  }
.Ltmp143:
0x6f4: {  	v11 =	vld [tilespmem:s22+$0x170A0];
	s24 =	sshll.u32 s2, $0x4;
	v13 =	vsel vm1, v7, v9;
	v9 =	vsel vm1, v9, v7;
	(pc) =	sbr.rel @!p2 .LBB2_259-.Ltmp143, $4  }
0x6f5: {  	v7 =	vld [tilespmem:s24+$0x17030];
	vm1 =	vlt.s32 v6, v8;
	[tilespmem:s22+$0x170B0] =	vst v9  }
0x6f6: {  	v9 =	vld [tilespmem:s24+$0x170B0];
	[tilespmem:s22+$0x17030] =	vst v13;
	v15 =	vsel vm1, v8, v6  }
0x6f7: {  	v16 =	vsel vm1, v6, v8;
	v6 =	vld [tilespmem:s24+$0x17000];
	vm1 =	vgt.s32 v12, v14;
	[tilespmem:s22+$0x17000] =	vst v15  }
0x6f8: {  	p0 =	por $0x1, $0x1;
	s10 =	smov.u32 s22;
	v8 =	vld [tilespmem:s24+$0x17080];
	[tilespmem:s22+$0x17080] =	vst v16;
	v13 =	vsel vm1, v12, v14;
	v12 =	vsel vm1, v14, v12  }
.LBB2_260:
0x6f9: {  	s0 =	sadd.s32 $0x4, s0;
	v14 =	vld [tilespmem:s24+$0x17010];
	s3 =	sadd.s32 $0x8, s3;
	[tilespmem:s10+$0x17010] =	vst v13;
	vm1 =	vgt.s32 v10, v11  }
0x6fa: {  	s2 =	sand.u32 $0x10, s3;
	s6 =	sand.u32 $0x4, s0;
	p2 =	slt.u32 s0, $0xC;
	v15 =	vld [tilespmem:s24+$0x17090];
	[tilespmem:s10+$0x17090] =	vst v12;
	v12 =	vsel vm1, v10, v11;
	v13 =	vsel vm1, v11, v10  }
0x6fb: {  	s2 =	sor.u32 s6, s2;
	v10 =	vld [tilespmem:s24+$0x17020];
	vm1 =	vgt.s32 v7, v9;
	[tilespmem:s10+$0x17020] =	vst v12  }
.Ltmp144:
0x6fc: {  	v11 =	vld [tilespmem:s24+$0x170A0];
	v12 =	vsel vm1, v7, v9;
	v9 =	vsel vm1, v9, v7;
	[tilespmem:s10+$0x170A0] =	vst v13;
	s10 =	smov.u32 s24;
	s24 =	sshll.u32 s2, $0x4;
	(pc) =	sbr.rel @p2 .LBB2_260-.Ltmp144, $4  }
0x6fd: {  	v7 =	vld [tilespmem:s24+$0x17030];
	vm1 =	vlt.s32 v6, v8;
	[tilespmem:s10+$0x170B0] =	vst v9  }
0x6fe: {  	v9 =	vld [tilespmem:s24+$0x170B0];
	v13 =	vsel vm1, v8, v6;
	v16 =	vsel vm1, v6, v8;
	[tilespmem:s10+$0x17030] =	vst v12  }
0x6ff: {  	v6 =	vld [tilespmem:s24+$0x17000];
	[tilespmem:s10+$0x17000] =	vst v13;
	vm1 =	vgt.s32 v14, v15  }
0x700: {  	v8 =	vld [tilespmem:s24+$0x17080];
	[tilespmem:s10+$0x17080] =	vst v16;
	v13 =	vsel vm1, v14, v15;
	v12 =	vsel vm1, v15, v14  }
.LBB2_261:
0x701: {  	v14 =	vld [tilespmem:s24+$0x17010];
	[tilespmem:s10+$0x17010] =	vst @p0 v13;
	vm1 =	vgt.s32 @p0 v10, v11  }
0x702: {  	v62 =	vld [tilespmem:s24+$0x17090];
	[tilespmem:s10+$0x17090] =	vst @p0 v12;
	v12 =	vsel @p0 vm1, v10, v11  }
0x703: {  	v63 =	vld [tilespmem:s24+$0x170A0];
	v10 =	vsel @p0 vm1, v11, v10;
	vm1 =	vgt.s32 v7, v9;
	[tilespmem:s10+$0x17020] =	vst @p0 v12  }
0x704: {  	v11 =	vld [tilespmem:s24+$0x17020];
	[tilespmem:s10+$0x170A0] =	vst @p0 v10;
	v15 =	vsel vm1, v9, v7  }
0x705: {  	v7 =	vsel vm1, v7, v9;
	vm1 =	vlt.s32 v6, v8;
	[tilespmem:s24+$0x170B0] =	vst v15  }
0x706: {  	[tilespmem:s24+$0x17030] =	vst v7;
	v9 =	vsel vm1, v8, v6  }
0x707: {  	v6 =	vsel vm1, v6, v8;
	vm1 =	vgt.s32 v14, v62;
	[tilespmem:s24+$0x17000] =	vst v9  }
0x708: {  	[tilespmem:s24+$0x17080] =	vst v6;
	v6 =	vsel vm1, v14, v62  }
0x709: {  	v7 =	vsel vm1, v62, v14;
	vm1 =	vgt.s32 v11, v63;
	[tilespmem:s24+$0x17010] =	vst v6  }
0x70a: {  	[tilespmem:s24+$0x17090] =	vst v7;
	v6 =	vsel vm1, v11, v63  }
0x70b: {  	v7 =	vsel vm1, v63, v11;
	[tilespmem:s24+$0x17020] =	vst v6  }
.Ltmp145:
0x70c: {  	[tilespmem:s24+$0x170A0] =	vst v7;
	(pc) =	sbr.rel @!p1 .LBB2_262-.Ltmp145, $4  }
0x70d: {  	v7 =	vld [tilespmem:s22+$0x17230]  }
0x70e: {  	v9 =	vld [tilespmem:s22+$0x172B0]  }
0x70f: {  	v6 =	vld [tilespmem:s22+$0x17200]  }
0x710: {  	p0 =	por $0x0, $0x0;
	v8 =	vld [tilespmem:s22+$0x17280]  }
0x711: {  	s0 =	simm.s32 $0x4;
	v12 =	vld [tilespmem:s22+$0x17210]  }
0x712: {  	s2 =	sand.u32 $0x10, s23;
	v14 =	vld [tilespmem:s22+$0x17290];
	s3 =	sand.u32 $0x4, s0  }
0x713: {  	v10 =	vld [tilespmem:s22+$0x17220];
	p2 =	por $0x1, $0x1;
	s2 =	sor.u32 s3, s2;
	vm1 =	vgt.s32 v7, v9  }
.Ltmp146:
0x714: {  	v11 =	vld [tilespmem:s22+$0x172A0];
	s24 =	sshll.u32 s2, $0x4;
	v13 =	vsel vm1, v9, v7;
	v9 =	vsel vm1, v7, v9;
	(pc) =	sbr.rel @!p2 .LBB2_265-.Ltmp146, $4  }
0x715: {  	v7 =	vld [tilespmem:s24+$0x17230];
	vm1 =	vgt.s32 v6, v8;
	[tilespmem:s22+$0x172B0] =	vst v9  }
0x716: {  	v9 =	vld [tilespmem:s24+$0x172B0];
	[tilespmem:s22+$0x17230] =	vst v13;
	v15 =	vsel vm1, v8, v6  }
0x717: {  	v16 =	vsel vm1, v6, v8;
	v6 =	vld [tilespmem:s24+$0x17200];
	vm1 =	vgt.s32 v12, v14;
	[tilespmem:s22+$0x17200] =	vst v15  }
0x718: {  	p1 =	por $0x1, $0x1;
	v8 =	vld [tilespmem:s24+$0x17280];
	[tilespmem:s22+$0x17280] =	vst v16;
	v13 =	vsel vm1, v14, v12;
	v12 =	vsel vm1, v12, v14  }
.LBB2_264:
0x719: {  	s0 =	sadd.s32 $0x4, s0;
	v14 =	vld [tilespmem:s24+$0x17210];
	s23 =	sadd.s32 $0x8, s23;
	[tilespmem:s22+$0x17210] =	vst v13;
	vm1 =	vgt.s32 v10, v11  }
0x71a: {  	s2 =	sand.u32 $0x10, s23;
	s3 =	sand.u32 $0x4, s0;
	p2 =	slt.u32 s0, $0xC;
	v15 =	vld [tilespmem:s24+$0x17290];
	[tilespmem:s22+$0x17290] =	vst v12;
	v12 =	vsel vm1, v11, v10;
	v13 =	vsel vm1, v10, v11  }
0x71b: {  	s2 =	sor.u32 s3, s2;
	v10 =	vld [tilespmem:s24+$0x17220];
	vm1 =	vgt.s32 v7, v9;
	[tilespmem:s22+$0x17220] =	vst v12  }
.Ltmp147:
0x71c: {  	v11 =	vld [tilespmem:s24+$0x172A0];
	v12 =	vsel vm1, v9, v7;
	v9 =	vsel vm1, v7, v9;
	[tilespmem:s22+$0x172A0] =	vst v13;
	s22 =	smov.u32 s24;
	s24 =	sshll.u32 s2, $0x4;
	(pc) =	sbr.rel @p2 .LBB2_264-.Ltmp147, $4  }
0x71d: {  	v7 =	vld [tilespmem:s24+$0x17230];
	vm1 =	vgt.s32 v6, v8;
	[tilespmem:s22+$0x172B0] =	vst v9  }
0x71e: {  	v9 =	vld [tilespmem:s24+$0x172B0];
	v13 =	vsel vm1, v8, v6;
	v16 =	vsel vm1, v6, v8;
	[tilespmem:s22+$0x17230] =	vst v12  }
0x71f: {  	v6 =	vld [tilespmem:s24+$0x17200];
	[tilespmem:s22+$0x17200] =	vst v13;
	vm1 =	vgt.s32 v14, v15  }
0x720: {  	v8 =	vld [tilespmem:s24+$0x17280];
	[tilespmem:s22+$0x17280] =	vst v16;
	v13 =	vsel vm1, v15, v14;
	v12 =	vsel vm1, v14, v15  }
.LBB2_265:
0x721: {  	v14 =	vld [tilespmem:s24+$0x17210];
	[tilespmem:s22+$0x17210] =	vst @p1 v13;
	vm1 =	vgt.s32 @p1 v10, v11  }
0x722: {  	v13 =	vld [tilespmem:s24+$0x17290];
	[tilespmem:s22+$0x17290] =	vst @p1 v12;
	v12 =	vsel @p1 vm1, v11, v10  }
0x723: {  	v10 =	vsel @p1 vm1, v10, v11;
	v11 =	vld [tilespmem:s24+$0x17220];
	vm1 =	vgt.s32 v7, v9;
	[tilespmem:s22+$0x17220] =	vst @p1 v12  }
0x724: {  	v12 =	vld [tilespmem:s24+$0x172A0];
	[tilespmem:s22+$0x172A0] =	vst @p1 v10;
	v15 =	vsel vm1, v7, v9  }
0x725: {  	v7 =	vsel vm1, v9, v7;
	vm1 =	vgt.s32 v6, v8;
	[tilespmem:s24+$0x172B0] =	vst v15  }
0x726: {  	[tilespmem:s24+$0x17230] =	vst v7;
	v9 =	vsel vm1, v8, v6  }
0x727: {  	v6 =	vsel vm1, v6, v8;
	vm1 =	vgt.s32 v14, v13;
	[tilespmem:s24+$0x17200] =	vst v9  }
0x728: {  	[tilespmem:s24+$0x17280] =	vst v6;
	v6 =	vsel vm1, v13, v14  }
0x729: {  	v7 =	vsel vm1, v14, v13;
	[tilespmem:s24+$0x17210] =	vst v6;
	vm1 =	vgt.s32 v11, v12  }
0x72a: {  	[tilespmem:s24+$0x17290] =	vst v7;
	v6 =	vsel vm1, v12, v11  }
0x72b: {  	v7 =	vsel vm1, v11, v12;
	[tilespmem:s24+$0x17220] =	vst v6  }
0x72c: {  	s23 =	simm.s32 $0x17040;
	[tilespmem:s24+$0x172A0] =	vst v7  }
0x72d: {  	v11 =	vld [tilespmem:s23+$0xFFFFFFF0]  }
0x72e: {  	v14 =	vld [tilespmem:s23+$0x30]  }
0x72f: {  	p1 =	por $0x1, $0x1;
	v13 =	vld [tilespmem:s23+$0x0]  }
.Ltmp148:
0x730: {  	v7 =	vld [tilespmem:s23+$0xFFFFFFD0];
	(pc) =	sbr.rel @!p1 .LBB2_266-.Ltmp148, $4  }
0x731: {  	v10 =	vld [tilespmem:s23+$0x10]  }
0x732: {  	v6 =	vld [tilespmem:s23+$0xFFFFFFE0]  }
0x733: {  	v8 =	vld [tilespmem:s23+$0x20];
	vm1 =	vlt.s32 v11, v14  }
0x734: {  	s22 =	simm.s32 $0x170C0;
	v9 =	vld [tilespmem:s23+$0xFFFFFFC0];
	v12 =	vsel vm1, v14, v11;
	v15 =	vsel vm1, v11, v14  }
0x735: {  	v16 =	vld [tilespmem:s22+$0xFFFFFFF0]  }
0x736: {  	[tilespmem:s23+$0x30] =	vst v15;
	v15 =	vld [tilespmem:s22+$0x30];
	vm1 =	vlt.s32 v7, v10  }
0x737: {  	v11 =	vld [tilespmem:s22+$0x0];
	[tilespmem:s23+$0xFFFFFFF0] =	vst v12;
	p2 =	por $0x1, $0x1;
	v14 =	vsel vm1, v10, v7  }
.Ltmp149:
0x738: {  	v17 =	vsel vm1, v7, v10;
	v7 =	vld [tilespmem:s22+$0xFFFFFFD0];
	[tilespmem:s23+$0xFFFFFFD0] =	vst v14;
	vm1 =	vlt.s32 v6, v8;
	(pc) =	sbr.rel @!p2 .LBB2_268-.Ltmp149, $4  }
0x739: {  	v10 =	vld [tilespmem:s22+$0x10];
	[tilespmem:s23+$0x10] =	vst v17;
	vm2 =	vlt.s32 v9, v13;
	v12 =	vsel vm1, v8, v6  }
0x73a: {  	v14 =	vsel vm1, v6, v8;
	v6 =	vld [tilespmem:s22+$0xFFFFFFE0];
	v17 =	vsel vm2, v13, v9;
	[tilespmem:s23+$0xFFFFFFE0] =	vst v12  }
0x73b: {  	v8 =	vld [tilespmem:s22+$0x20];
	v13 =	vsel vm2, v9, v13;
	vm1 =	vlt.s32 v16, v15;
	[tilespmem:s23+$0xFFFFFFC0] =	vst v17  }
0x73c: {  	s0 =	simm.s32 $0x4;
	s3 =	simm.s32 $0x17140;
	p0 =	por $0x1, $0x1;
	v9 =	vld [tilespmem:s22+$0xFFFFFFC0];
	v12 =	vsel vm1, v15, v16;
	v15 =	vsel vm1, v16, v15;
	[tilespmem:s23+$0x0] =	vst v13  }
.LBB2_269:
0x73d: {  	v13 =	vld [tilespmem:s3+$0xFFFFFFF0];
	[tilespmem:s22+$0x30] =	vst v15  }
0x73e: {  	s0 =	sadd.s32 $0x4, s0;
	v15 =	vld [tilespmem:s3+$0x30];
	vm1 =	vlt.s32 v7, v10;
	[tilespmem:s23+$0x20] =	vst v14;
	s23 =	smov.u32 s22;
	s22 =	smov.u32 s3  }
0x73f: {  	p2 =	slt.u32 s0, $0xC;
	v16 =	vld [tilespmem:s3+$0x0];
	v14 =	vsel vm1, v10, v7;
	v17 =	vsel vm1, v7, v10;
	[tilespmem:s23+$0xFFFFFFF0] =	vst v12  }
.Ltmp150:
0x740: {  	v7 =	vld [tilespmem:s3+$0xFFFFFFD0];
	[tilespmem:s23+$0xFFFFFFD0] =	vst v14;
	vm1 =	vlt.s32 v6, v8;
	(pc) =	sbr.rel @p2 .LBB2_269-.Ltmp150, $4  }
0x741: {  	v10 =	vld [tilespmem:s3+$0x10];
	vm2 =	vlt.s32 v9, v11;
	[tilespmem:s23+$0x10] =	vst v17;
	v12 =	vsel vm1, v8, v6;
	v14 =	vsel vm1, v6, v8  }
0x742: {  	v6 =	vld [tilespmem:s3+$0xFFFFFFE0];
	v17 =	vsel vm2, v11, v9;
	v18 =	vsel vm2, v9, v11;
	[tilespmem:s23+$0xFFFFFFE0] =	vst v12  }
0x743: {  	v8 =	vld [tilespmem:s3+$0x20];
	vm1 =	vlt.s32 v13, v15;
	[tilespmem:s23+$0xFFFFFFC0] =	vst v17  }
0x744: {  	s3 =	sadd.s32 $0x80, s3;
	v9 =	vld [tilespmem:s22+$0xFFFFFFC0];
	v12 =	vsel vm1, v15, v13;
	v15 =	vsel vm1, v13, v15;
	[tilespmem:s23+$0x0] =	vst v18;
	v11 =	vmov v16  }
0x745: {  	v13 =	vmov v11  }
.LBB2_271:
0x746: {  	[tilespmem:s22+$0x30] =	vst v15  }
0x747: {  	vm1 =	vlt.s32 v7, v10;
	[tilespmem:s23+$0x20] =	vst @p0 v14  }
0x748: {  	[tilespmem:s22+$0xFFFFFFF0] =	vst v12;
	v11 =	vsel vm1, v10, v7  }
0x749: {  	v7 =	vsel vm1, v7, v10;
	[tilespmem:s22+$0xFFFFFFD0] =	vst v11;
	vm1 =	vlt.s32 v6, v8  }
0x74a: {  	[tilespmem:s22+$0x10] =	vst v7;
	v7 =	vsel vm1, v8, v6  }
0x74b: {  	vm2 =	vlt.s32 v9, v13;
	v6 =	vsel vm1, v6, v8;
	[tilespmem:s22+$0xFFFFFFE0] =	vst v7  }
0x74c: {  	v10 =	vsel vm2, v13, v9;
	[tilespmem:s22+$0x20] =	vst v6  }
0x74d: {  	v7 =	vsel vm2, v9, v13;
	[tilespmem:s22+$0xFFFFFFC0] =	vst v10  }
0x74e: {  	s23 =	simm.s32 $0x17270;
	[tilespmem:s22+$0x0] =	vst v7  }
0x74f: {  	v11 =	vld [tilespmem:s23+$0xFFFFFFC0]  }
0x750: {  	v14 =	vld [tilespmem:s23+$0x0]  }
0x751: {  	v13 =	vld [tilespmem:s23+$0xFFFFFFD0]  }
.Ltmp151:
0x752: {  	v7 =	vld [tilespmem:s23+$0xFFFFFFA0];
	(pc) =	sbr.rel @!p1 .LBB2_272-.Ltmp151, $4  }
0x753: {  	v10 =	vld [tilespmem:s23+$0xFFFFFFE0]  }
0x754: {  	v6 =	vld [tilespmem:s23+$0xFFFFFFB0]  }
0x755: {  	v8 =	vld [tilespmem:s23+$0xFFFFFFF0];
	vm1 =	vgt.s32 v11, v14  }
0x756: {  	p0 =	por $0x0, $0x0;
	s22 =	simm.s32 $0x172F0;
	v9 =	vld [tilespmem:s23+$0xFFFFFF90];
	v12 =	vsel vm1, v14, v11;
	v15 =	vsel vm1, v11, v14  }
0x757: {  	v16 =	vld [tilespmem:s22+$0xFFFFFFC0]  }
0x758: {  	[tilespmem:s23+$0x0] =	vst v15;
	v15 =	vld [tilespmem:s22+$0x0];
	vm1 =	vgt.s32 v7, v10  }
0x759: {  	v11 =	vld [tilespmem:s22+$0xFFFFFFD0];
	[tilespmem:s23+$0xFFFFFFC0] =	vst v12;
	p2 =	por $0x1, $0x1;
	v14 =	vsel vm1, v10, v7  }
.Ltmp152:
0x75a: {  	v17 =	vsel vm1, v7, v10;
	v7 =	vld [tilespmem:s22+$0xFFFFFFA0];
	[tilespmem:s23+$0xFFFFFFA0] =	vst v14;
	vm1 =	vgt.s32 v6, v8;
	(pc) =	sbr.rel @!p2 .LBB2_274-.Ltmp152, $4  }
0x75b: {  	v10 =	vld [tilespmem:s22+$0xFFFFFFE0];
	[tilespmem:s23+$0xFFFFFFE0] =	vst v17;
	vm2 =	vgt.s32 v9, v13;
	v12 =	vsel vm1, v8, v6  }
0x75c: {  	v14 =	vsel vm1, v6, v8;
	v6 =	vld [tilespmem:s22+$0xFFFFFFB0];
	v17 =	vsel vm2, v13, v9;
	[tilespmem:s23+$0xFFFFFFB0] =	vst v12  }
0x75d: {  	v8 =	vld [tilespmem:s22+$0xFFFFFFF0];
	v13 =	vsel vm2, v9, v13;
	vm1 =	vgt.s32 v16, v15;
	[tilespmem:s23+$0xFFFFFF90] =	vst v17  }
0x75e: {  	s0 =	simm.s32 $0x4;
	s3 =	simm.s32 $0x17370;
	p1 =	por $0x1, $0x1;
	v9 =	vld [tilespmem:s22+$0xFFFFFF90];
	v12 =	vsel vm1, v15, v16;
	v15 =	vsel vm1, v16, v15;
	[tilespmem:s23+$0xFFFFFFD0] =	vst v13  }
.LBB2_275:
0x75f: {  	v13 =	vld [tilespmem:s3+$0xFFFFFFC0];
	[tilespmem:s22+$0x0] =	vst v15  }
0x760: {  	s0 =	sadd.s32 $0x4, s0;
	v15 =	vld [tilespmem:s3+$0x0];
	vm1 =	vgt.s32 v7, v10;
	[tilespmem:s23+$0xFFFFFFF0] =	vst v14;
	s23 =	smov.u32 s22;
	s22 =	smov.u32 s3  }
0x761: {  	p2 =	slt.u32 s0, $0xC;
	v16 =	vld [tilespmem:s3+$0xFFFFFFD0];
	v14 =	vsel vm1, v10, v7;
	v17 =	vsel vm1, v7, v10;
	[tilespmem:s23+$0xFFFFFFC0] =	vst v12  }
.Ltmp153:
0x762: {  	v7 =	vld [tilespmem:s3+$0xFFFFFFA0];
	[tilespmem:s23+$0xFFFFFFA0] =	vst v14;
	vm1 =	vgt.s32 v6, v8;
	(pc) =	sbr.rel @p2 .LBB2_275-.Ltmp153, $4  }
0x763: {  	v10 =	vld [tilespmem:s3+$0xFFFFFFE0];
	vm2 =	vgt.s32 v9, v11;
	[tilespmem:s23+$0xFFFFFFE0] =	vst v17;
	v12 =	vsel vm1, v8, v6;
	v14 =	vsel vm1, v6, v8  }
0x764: {  	v6 =	vld [tilespmem:s3+$0xFFFFFFB0];
	v17 =	vsel vm2, v11, v9;
	v18 =	vsel vm2, v9, v11;
	[tilespmem:s23+$0xFFFFFFB0] =	vst v12  }
0x765: {  	v8 =	vld [tilespmem:s3+$0xFFFFFFF0];
	vm1 =	vgt.s32 v13, v15;
	[tilespmem:s23+$0xFFFFFF90] =	vst v17  }
0x766: {  	s3 =	sadd.s32 $0x80, s3;
	v9 =	vld [tilespmem:s22+$0xFFFFFF90];
	v12 =	vsel vm1, v15, v13;
	v15 =	vsel vm1, v13, v15;
	[tilespmem:s23+$0xFFFFFFD0] =	vst v18;
	v11 =	vmov v16  }
0x767: {  	v13 =	vmov v11  }
.LBB2_277:
0x768: {  	[tilespmem:s22+$0x0] =	vst v15  }
0x769: {  	vm1 =	vgt.s32 v7, v10;
	[tilespmem:s23+$0xFFFFFFF0] =	vst @p1 v14  }
0x76a: {  	[tilespmem:s22+$0xFFFFFFC0] =	vst v12;
	v11 =	vsel vm1, v10, v7  }
0x76b: {  	v7 =	vsel vm1, v7, v10;
	[tilespmem:s22+$0xFFFFFFA0] =	vst v11;
	vm1 =	vgt.s32 v6, v8  }
0x76c: {  	[tilespmem:s22+$0xFFFFFFE0] =	vst v7;
	v7 =	vsel vm1, v8, v6  }
0x76d: {  	vm2 =	vgt.s32 v9, v13;
	v6 =	vsel vm1, v6, v8;
	[tilespmem:s22+$0xFFFFFFB0] =	vst v7  }
0x76e: {  	v10 =	vsel vm2, v13, v9;
	[tilespmem:s22+$0xFFFFFFF0] =	vst v6  }
0x76f: {  	v7 =	vsel vm2, v9, v13;
	[tilespmem:s22+$0xFFFFFF90] =	vst v10  }
0x770: {  	s23 =	simm.s32 $0x17040;
	[tilespmem:s22+$0xFFFFFFD0] =	vst v7  }
0x771: {  	v11 =	vld [tilespmem:s23+$0x10]  }
0x772: {  	v14 =	vld [tilespmem:s23+$0x30]  }
0x773: {  	p1 =	por $0x1, $0x1;
	v13 =	vld [tilespmem:s23+$0xFFFFFFE0]  }
.Ltmp154:
0x774: {  	v7 =	vld [tilespmem:s23+$0xFFFFFFD0];
	(pc) =	sbr.rel @!p1 .LBB2_278-.Ltmp154, $4  }
0x775: {  	v10 =	vld [tilespmem:s23+$0xFFFFFFF0]  }
0x776: {  	v6 =	vld [tilespmem:s23+$0x0]  }
0x777: {  	v8 =	vld [tilespmem:s23+$0x20];
	vm1 =	vlt.s32 v11, v14  }
0x778: {  	s22 =	simm.s32 $0x170C0;
	v9 =	vld [tilespmem:s23+$0xFFFFFFC0];
	v12 =	vsel vm1, v14, v11;
	v15 =	vsel vm1, v11, v14  }
0x779: {  	v16 =	vld [tilespmem:s22+$0x10]  }
0x77a: {  	[tilespmem:s23+$0x30] =	vst v15;
	v15 =	vld [tilespmem:s22+$0x30];
	vm1 =	vlt.s32 v7, v10  }
0x77b: {  	v11 =	vld [tilespmem:s22+$0xFFFFFFE0];
	[tilespmem:s23+$0x10] =	vst v12;
	p2 =	por $0x1, $0x1;
	v14 =	vsel vm1, v10, v7  }
.Ltmp155:
0x77c: {  	v17 =	vsel vm1, v7, v10;
	v7 =	vld [tilespmem:s22+$0xFFFFFFD0];
	[tilespmem:s23+$0xFFFFFFD0] =	vst v14;
	vm1 =	vlt.s32 v6, v8;
	(pc) =	sbr.rel @!p2 .LBB2_280-.Ltmp155, $4  }
0x77d: {  	v10 =	vld [tilespmem:s22+$0xFFFFFFF0];
	[tilespmem:s23+$0xFFFFFFF0] =	vst v17;
	vm2 =	vlt.s32 v9, v13;
	v12 =	vsel vm1, v8, v6  }
0x77e: {  	v14 =	vsel vm1, v6, v8;
	v6 =	vld [tilespmem:s22+$0x0];
	v17 =	vsel vm2, v13, v9;
	[tilespmem:s23+$0x0] =	vst v12  }
0x77f: {  	v8 =	vld [tilespmem:s22+$0x20];
	v13 =	vsel vm2, v9, v13;
	vm1 =	vlt.s32 v16, v15;
	[tilespmem:s23+$0xFFFFFFC0] =	vst v17  }
0x780: {  	s0 =	simm.s32 $0x4;
	s3 =	simm.s32 $0x17140;
	p0 =	por $0x1, $0x1;
	v9 =	vld [tilespmem:s22+$0xFFFFFFC0];
	v12 =	vsel vm1, v15, v16;
	v15 =	vsel vm1, v16, v15;
	[tilespmem:s23+$0xFFFFFFE0] =	vst v13  }
.LBB2_281:
0x781: {  	v13 =	vld [tilespmem:s3+$0x10];
	[tilespmem:s22+$0x30] =	vst v15  }
0x782: {  	s0 =	sadd.s32 $0x4, s0;
	v15 =	vld [tilespmem:s3+$0x30];
	vm1 =	vlt.s32 v7, v10;
	[tilespmem:s23+$0x20] =	vst v14;
	s23 =	smov.u32 s22;
	s22 =	smov.u32 s3  }
0x783: {  	p2 =	slt.u32 s0, $0xC;
	v16 =	vld [tilespmem:s3+$0xFFFFFFE0];
	v14 =	vsel vm1, v10, v7;
	v17 =	vsel vm1, v7, v10;
	[tilespmem:s23+$0x10] =	vst v12  }
.Ltmp156:
0x784: {  	v7 =	vld [tilespmem:s3+$0xFFFFFFD0];
	[tilespmem:s23+$0xFFFFFFD0] =	vst v14;
	vm1 =	vlt.s32 v6, v8;
	(pc) =	sbr.rel @p2 .LBB2_281-.Ltmp156, $4  }
0x785: {  	v10 =	vld [tilespmem:s3+$0xFFFFFFF0];
	vm2 =	vlt.s32 v9, v11;
	[tilespmem:s23+$0xFFFFFFF0] =	vst v17;
	v12 =	vsel vm1, v8, v6;
	v14 =	vsel vm1, v6, v8  }
0x786: {  	v6 =	vld [tilespmem:s3+$0x0];
	v17 =	vsel vm2, v11, v9;
	v18 =	vsel vm2, v9, v11;
	[tilespmem:s23+$0x0] =	vst v12  }
0x787: {  	v8 =	vld [tilespmem:s3+$0x20];
	vm1 =	vlt.s32 v13, v15;
	[tilespmem:s23+$0xFFFFFFC0] =	vst v17  }
0x788: {  	s3 =	sadd.s32 $0x80, s3;
	v9 =	vld [tilespmem:s22+$0xFFFFFFC0];
	v12 =	vsel vm1, v15, v13;
	v15 =	vsel vm1, v13, v15;
	[tilespmem:s23+$0xFFFFFFE0] =	vst v18;
	v11 =	vmov v16  }
0x789: {  	v13 =	vmov v11  }
.LBB2_283:
0x78a: {  	[tilespmem:s22+$0x30] =	vst v15  }
0x78b: {  	vm1 =	vlt.s32 v7, v10;
	[tilespmem:s23+$0x20] =	vst @p0 v14  }
0x78c: {  	[tilespmem:s22+$0x10] =	vst v12;
	v11 =	vsel vm1, v10, v7  }
0x78d: {  	v7 =	vsel vm1, v7, v10;
	[tilespmem:s22+$0xFFFFFFD0] =	vst v11;
	vm1 =	vlt.s32 v6, v8  }
0x78e: {  	[tilespmem:s22+$0xFFFFFFF0] =	vst v7;
	v7 =	vsel vm1, v8, v6  }
0x78f: {  	vm2 =	vlt.s32 v9, v13;
	v6 =	vsel vm1, v6, v8;
	[tilespmem:s22+$0x0] =	vst v7  }
0x790: {  	v10 =	vsel vm2, v13, v9;
	[tilespmem:s22+$0x20] =	vst v6  }
0x791: {  	v7 =	vsel vm2, v9, v13;
	[tilespmem:s22+$0xFFFFFFC0] =	vst v10  }
0x792: {  	s23 =	simm.s32 $0x17270;
	[tilespmem:s22+$0xFFFFFFE0] =	vst v7  }
0x793: {  	v11 =	vld [tilespmem:s23+$0xFFFFFFE0]  }
0x794: {  	v14 =	vld [tilespmem:s23+$0x0]  }
0x795: {  	v13 =	vld [tilespmem:s23+$0xFFFFFFB0]  }
.Ltmp157:
0x796: {  	v7 =	vld [tilespmem:s23+$0xFFFFFFA0];
	(pc) =	sbr.rel @!p1 .LBB2_284-.Ltmp157, $4  }
0x797: {  	v10 =	vld [tilespmem:s23+$0xFFFFFFC0]  }
0x798: {  	v6 =	vld [tilespmem:s23+$0xFFFFFFD0]  }
0x799: {  	v8 =	vld [tilespmem:s23+$0xFFFFFFF0];
	vm1 =	vgt.s32 v11, v14  }
0x79a: {  	p0 =	por $0x0, $0x0;
	s22 =	simm.s32 $0x172F0;
	v9 =	vld [tilespmem:s23+$0xFFFFFF90];
	v12 =	vsel vm1, v14, v11;
	v15 =	vsel vm1, v11, v14  }
0x79b: {  	v16 =	vld [tilespmem:s22+$0xFFFFFFE0]  }
0x79c: {  	[tilespmem:s23+$0x0] =	vst v15;
	v15 =	vld [tilespmem:s22+$0x0];
	vm1 =	vgt.s32 v7, v10  }
0x79d: {  	v11 =	vld [tilespmem:s22+$0xFFFFFFB0];
	[tilespmem:s23+$0xFFFFFFE0] =	vst v12;
	p2 =	por $0x1, $0x1;
	v14 =	vsel vm1, v10, v7  }
.Ltmp158:
0x79e: {  	v17 =	vsel vm1, v7, v10;
	v7 =	vld [tilespmem:s22+$0xFFFFFFA0];
	[tilespmem:s23+$0xFFFFFFA0] =	vst v14;
	vm1 =	vgt.s32 v6, v8;
	(pc) =	sbr.rel @!p2 .LBB2_286-.Ltmp158, $4  }
0x79f: {  	v10 =	vld [tilespmem:s22+$0xFFFFFFC0];
	[tilespmem:s23+$0xFFFFFFC0] =	vst v17;
	vm2 =	vgt.s32 v9, v13;
	v12 =	vsel vm1, v8, v6  }
0x7a0: {  	v14 =	vsel vm1, v6, v8;
	v6 =	vld [tilespmem:s22+$0xFFFFFFD0];
	v17 =	vsel vm2, v13, v9;
	[tilespmem:s23+$0xFFFFFFD0] =	vst v12  }
0x7a1: {  	v8 =	vld [tilespmem:s22+$0xFFFFFFF0];
	v13 =	vsel vm2, v9, v13;
	vm1 =	vgt.s32 v16, v15;
	[tilespmem:s23+$0xFFFFFF90] =	vst v17  }
0x7a2: {  	s0 =	simm.s32 $0x4;
	s3 =	simm.s32 $0x17370;
	p1 =	por $0x1, $0x1;
	v9 =	vld [tilespmem:s22+$0xFFFFFF90];
	v12 =	vsel vm1, v15, v16;
	v15 =	vsel vm1, v16, v15;
	[tilespmem:s23+$0xFFFFFFB0] =	vst v13  }
.LBB2_287:
0x7a3: {  	v13 =	vld [tilespmem:s3+$0xFFFFFFE0];
	[tilespmem:s22+$0x0] =	vst v15  }
0x7a4: {  	s0 =	sadd.s32 $0x4, s0;
	v15 =	vld [tilespmem:s3+$0x0];
	vm1 =	vgt.s32 v7, v10;
	[tilespmem:s23+$0xFFFFFFF0] =	vst v14;
	s23 =	smov.u32 s22;
	s22 =	smov.u32 s3  }
0x7a5: {  	p2 =	slt.u32 s0, $0xC;
	v16 =	vld [tilespmem:s3+$0xFFFFFFB0];
	v14 =	vsel vm1, v10, v7;
	v17 =	vsel vm1, v7, v10;
	[tilespmem:s23+$0xFFFFFFE0] =	vst v12  }
.Ltmp159:
0x7a6: {  	v7 =	vld [tilespmem:s3+$0xFFFFFFA0];
	[tilespmem:s23+$0xFFFFFFA0] =	vst v14;
	vm1 =	vgt.s32 v6, v8;
	(pc) =	sbr.rel @p2 .LBB2_287-.Ltmp159, $4  }
0x7a7: {  	v10 =	vld [tilespmem:s3+$0xFFFFFFC0];
	vm2 =	vgt.s32 v9, v11;
	[tilespmem:s23+$0xFFFFFFC0] =	vst v17;
	v12 =	vsel vm1, v8, v6;
	v14 =	vsel vm1, v6, v8  }
0x7a8: {  	v6 =	vld [tilespmem:s3+$0xFFFFFFD0];
	v17 =	vsel vm2, v11, v9;
	v18 =	vsel vm2, v9, v11;
	[tilespmem:s23+$0xFFFFFFD0] =	vst v12  }
0x7a9: {  	v8 =	vld [tilespmem:s3+$0xFFFFFFF0];
	vm1 =	vgt.s32 v13, v15;
	[tilespmem:s23+$0xFFFFFF90] =	vst v17  }
0x7aa: {  	s3 =	sadd.s32 $0x80, s3;
	v9 =	vld [tilespmem:s22+$0xFFFFFF90];
	v12 =	vsel vm1, v15, v13;
	v15 =	vsel vm1, v13, v15;
	[tilespmem:s23+$0xFFFFFFB0] =	vst v18;
	v11 =	vmov v16  }
0x7ab: {  	v13 =	vmov v11  }
.LBB2_289:
0x7ac: {  	[tilespmem:s22+$0x0] =	vst v15  }
0x7ad: {  	vm1 =	vgt.s32 v7, v10;
	[tilespmem:s23+$0xFFFFFFF0] =	vst @p1 v14  }
0x7ae: {  	[tilespmem:s22+$0xFFFFFFE0] =	vst v12;
	v11 =	vsel vm1, v10, v7  }
0x7af: {  	v7 =	vsel vm1, v7, v10;
	[tilespmem:s22+$0xFFFFFFA0] =	vst v11;
	vm1 =	vgt.s32 v6, v8  }
0x7b0: {  	[tilespmem:s22+$0xFFFFFFC0] =	vst v7;
	v7 =	vsel vm1, v8, v6  }
0x7b1: {  	vm2 =	vgt.s32 v9, v13;
	v6 =	vsel vm1, v6, v8;
	[tilespmem:s22+$0xFFFFFFD0] =	vst v7  }
0x7b2: {  	v10 =	vsel vm2, v13, v9;
	[tilespmem:s22+$0xFFFFFFF0] =	vst v6  }
0x7b3: {  	v7 =	vsel vm2, v9, v13;
	[tilespmem:s22+$0xFFFFFF90] =	vst v10  }
0x7b4: {  	s23 =	simm.s32 $0x17040;
	[tilespmem:s22+$0xFFFFFFB0] =	vst v7  }
0x7b5: {  	v11 =	vld [tilespmem:s23+$0x20]  }
0x7b6: {  	v14 =	vld [tilespmem:s23+$0x30]  }
0x7b7: {  	p1 =	por $0x1, $0x1;
	v13 =	vld [tilespmem:s23+$0xFFFFFFD0]  }
.Ltmp160:
0x7b8: {  	v7 =	vld [tilespmem:s23+$0xFFFFFFE0];
	(pc) =	sbr.rel @!p1 .LBB2_290-.Ltmp160, $4  }
0x7b9: {  	v10 =	vld [tilespmem:s23+$0xFFFFFFF0]  }
0x7ba: {  	v6 =	vld [tilespmem:s23+$0x0]  }
0x7bb: {  	v8 =	vld [tilespmem:s23+$0x10];
	vm1 =	vlt.s32 v11, v14  }
0x7bc: {  	s22 =	simm.s32 $0x170C0;
	v9 =	vld [tilespmem:s23+$0xFFFFFFC0];
	v12 =	vsel vm1, v14, v11;
	v15 =	vsel vm1, v11, v14  }
0x7bd: {  	v16 =	vld [tilespmem:s22+$0x20]  }
0x7be: {  	[tilespmem:s23+$0x30] =	vst v15;
	v15 =	vld [tilespmem:s22+$0x30];
	vm1 =	vlt.s32 v7, v10  }
0x7bf: {  	v11 =	vld [tilespmem:s22+$0xFFFFFFD0];
	[tilespmem:s23+$0x20] =	vst v12;
	p2 =	por $0x1, $0x1;
	v14 =	vsel vm1, v10, v7  }
.Ltmp161:
0x7c0: {  	v17 =	vsel vm1, v7, v10;
	v7 =	vld [tilespmem:s22+$0xFFFFFFE0];
	[tilespmem:s23+$0xFFFFFFE0] =	vst v14;
	vm1 =	vlt.s32 v6, v8;
	(pc) =	sbr.rel @!p2 .LBB2_292-.Ltmp161, $4  }
0x7c1: {  	v10 =	vld [tilespmem:s22+$0xFFFFFFF0];
	[tilespmem:s23+$0xFFFFFFF0] =	vst v17;
	vm2 =	vlt.s32 v9, v13;
	v12 =	vsel vm1, v8, v6  }
0x7c2: {  	v14 =	vsel vm1, v6, v8;
	v6 =	vld [tilespmem:s22+$0x0];
	v17 =	vsel vm2, v13, v9;
	[tilespmem:s23+$0x0] =	vst v12  }
0x7c3: {  	v8 =	vld [tilespmem:s22+$0x10];
	v13 =	vsel vm2, v9, v13;
	vm1 =	vlt.s32 v16, v15;
	[tilespmem:s23+$0xFFFFFFC0] =	vst v17  }
0x7c4: {  	s0 =	simm.s32 $0x4;
	s3 =	simm.s32 $0x17140;
	p0 =	por $0x1, $0x1;
	v9 =	vld [tilespmem:s22+$0xFFFFFFC0];
	v12 =	vsel vm1, v15, v16;
	v15 =	vsel vm1, v16, v15;
	[tilespmem:s23+$0xFFFFFFD0] =	vst v13  }
.LBB2_293:
0x7c5: {  	v13 =	vld [tilespmem:s3+$0x20];
	[tilespmem:s22+$0x30] =	vst v15  }
0x7c6: {  	s0 =	sadd.s32 $0x4, s0;
	v15 =	vld [tilespmem:s3+$0x30];
	vm1 =	vlt.s32 v7, v10;
	[tilespmem:s23+$0x10] =	vst v14;
	s23 =	smov.u32 s22;
	s22 =	smov.u32 s3  }
0x7c7: {  	p2 =	slt.u32 s0, $0xC;
	v16 =	vld [tilespmem:s3+$0xFFFFFFD0];
	v14 =	vsel vm1, v10, v7;
	v17 =	vsel vm1, v7, v10;
	[tilespmem:s23+$0x20] =	vst v12  }
.Ltmp162:
0x7c8: {  	v7 =	vld [tilespmem:s3+$0xFFFFFFE0];
	[tilespmem:s23+$0xFFFFFFE0] =	vst v14;
	vm1 =	vlt.s32 v6, v8;
	(pc) =	sbr.rel @p2 .LBB2_293-.Ltmp162, $4  }
0x7c9: {  	v10 =	vld [tilespmem:s3+$0xFFFFFFF0];
	vm2 =	vlt.s32 v9, v11;
	[tilespmem:s23+$0xFFFFFFF0] =	vst v17;
	v12 =	vsel vm1, v8, v6;
	v14 =	vsel vm1, v6, v8  }
0x7ca: {  	v6 =	vld [tilespmem:s3+$0x0];
	v17 =	vsel vm2, v11, v9;
	v18 =	vsel vm2, v9, v11;
	[tilespmem:s23+$0x0] =	vst v12  }
0x7cb: {  	v8 =	vld [tilespmem:s3+$0x10];
	vm1 =	vlt.s32 v13, v15;
	[tilespmem:s23+$0xFFFFFFC0] =	vst v17  }
0x7cc: {  	s3 =	sadd.s32 $0x80, s3;
	v9 =	vld [tilespmem:s22+$0xFFFFFFC0];
	v12 =	vsel vm1, v15, v13;
	v15 =	vsel vm1, v13, v15;
	[tilespmem:s23+$0xFFFFFFD0] =	vst v18;
	v11 =	vmov v16  }
0x7cd: {  	v13 =	vmov v11  }
.LBB2_295:
0x7ce: {  	[tilespmem:s22+$0x30] =	vst v15  }
0x7cf: {  	vm1 =	vlt.s32 v7, v10;
	[tilespmem:s23+$0x10] =	vst @p0 v14  }
0x7d0: {  	[tilespmem:s22+$0x20] =	vst v12;
	v11 =	vsel vm1, v10, v7  }
0x7d1: {  	v7 =	vsel vm1, v7, v10;
	[tilespmem:s22+$0xFFFFFFE0] =	vst v11;
	vm1 =	vlt.s32 v6, v8  }
0x7d2: {  	[tilespmem:s22+$0xFFFFFFF0] =	vst v7;
	v7 =	vsel vm1, v8, v6  }
0x7d3: {  	vm2 =	vlt.s32 v9, v13;
	v6 =	vsel vm1, v6, v8;
	[tilespmem:s22+$0x0] =	vst v7  }
0x7d4: {  	v10 =	vsel vm2, v13, v9;
	[tilespmem:s22+$0x10] =	vst v6  }
0x7d5: {  	v7 =	vsel vm2, v9, v13;
	[tilespmem:s22+$0xFFFFFFC0] =	vst v10  }
0x7d6: {  	s23 =	simm.s32 $0x17270;
	[tilespmem:s22+$0xFFFFFFD0] =	vst v7  }
0x7d7: {  	v11 =	vld [tilespmem:s23+$0xFFFFFFF0]  }
0x7d8: {  	v14 =	vld [tilespmem:s23+$0x0]  }
0x7d9: {  	v13 =	vld [tilespmem:s23+$0xFFFFFFA0]  }
.Ltmp163:
0x7da: {  	v7 =	vld [tilespmem:s23+$0xFFFFFFB0];
	(pc) =	sbr.rel @!p1 .LBB2_296-.Ltmp163, $4  }
0x7db: {  	v10 =	vld [tilespmem:s23+$0xFFFFFFC0]  }
0x7dc: {  	v6 =	vld [tilespmem:s23+$0xFFFFFFD0]  }
0x7dd: {  	v8 =	vld [tilespmem:s23+$0xFFFFFFE0];
	vm1 =	vgt.s32 v11, v14  }
0x7de: {  	p0 =	por $0x0, $0x0;
	s22 =	simm.s32 $0x172F0;
	v9 =	vld [tilespmem:s23+$0xFFFFFF90];
	v12 =	vsel vm1, v14, v11;
	v15 =	vsel vm1, v11, v14  }
0x7df: {  	v16 =	vld [tilespmem:s22+$0xFFFFFFF0]  }
0x7e0: {  	[tilespmem:s23+$0x0] =	vst v15;
	v15 =	vld [tilespmem:s22+$0x0];
	vm1 =	vgt.s32 v7, v10  }
0x7e1: {  	v11 =	vld [tilespmem:s22+$0xFFFFFFA0];
	[tilespmem:s23+$0xFFFFFFF0] =	vst v12;
	p2 =	por $0x1, $0x1;
	v14 =	vsel vm1, v10, v7  }
.Ltmp164:
0x7e2: {  	v17 =	vsel vm1, v7, v10;
	v7 =	vld [tilespmem:s22+$0xFFFFFFB0];
	[tilespmem:s23+$0xFFFFFFB0] =	vst v14;
	vm1 =	vgt.s32 v6, v8;
	(pc) =	sbr.rel @!p2 .LBB2_298-.Ltmp164, $4  }
0x7e3: {  	v10 =	vld [tilespmem:s22+$0xFFFFFFC0];
	[tilespmem:s23+$0xFFFFFFC0] =	vst v17;
	vm2 =	vgt.s32 v9, v13;
	v12 =	vsel vm1, v8, v6  }
0x7e4: {  	v14 =	vsel vm1, v6, v8;
	v6 =	vld [tilespmem:s22+$0xFFFFFFD0];
	v17 =	vsel vm2, v13, v9;
	[tilespmem:s23+$0xFFFFFFD0] =	vst v12  }
0x7e5: {  	v8 =	vld [tilespmem:s22+$0xFFFFFFE0];
	v13 =	vsel vm2, v9, v13;
	vm1 =	vgt.s32 v16, v15;
	[tilespmem:s23+$0xFFFFFF90] =	vst v17  }
0x7e6: {  	s0 =	simm.s32 $0x4;
	s3 =	simm.s32 $0x17370;
	p1 =	por $0x1, $0x1;
	v9 =	vld [tilespmem:s22+$0xFFFFFF90];
	v12 =	vsel vm1, v15, v16;
	v15 =	vsel vm1, v16, v15;
	[tilespmem:s23+$0xFFFFFFA0] =	vst v13  }
.LBB2_299:
0x7e7: {  	v13 =	vld [tilespmem:s3+$0xFFFFFFF0];
	[tilespmem:s22+$0x0] =	vst v15  }
0x7e8: {  	s0 =	sadd.s32 $0x4, s0;
	v15 =	vld [tilespmem:s3+$0x0];
	vm1 =	vgt.s32 v7, v10;
	[tilespmem:s23+$0xFFFFFFE0] =	vst v14;
	s23 =	smov.u32 s22;
	s22 =	smov.u32 s3  }
0x7e9: {  	p2 =	slt.u32 s0, $0xC;
	v16 =	vld [tilespmem:s3+$0xFFFFFFA0];
	v14 =	vsel vm1, v10, v7;
	v17 =	vsel vm1, v7, v10;
	[tilespmem:s23+$0xFFFFFFF0] =	vst v12  }
.Ltmp165:
0x7ea: {  	v7 =	vld [tilespmem:s3+$0xFFFFFFB0];
	[tilespmem:s23+$0xFFFFFFB0] =	vst v14;
	vm1 =	vgt.s32 v6, v8;
	(pc) =	sbr.rel @p2 .LBB2_299-.Ltmp165, $4  }
0x7eb: {  	v10 =	vld [tilespmem:s3+$0xFFFFFFC0];
	vm2 =	vgt.s32 v9, v11;
	[tilespmem:s23+$0xFFFFFFC0] =	vst v17;
	v12 =	vsel vm1, v8, v6;
	v14 =	vsel vm1, v6, v8  }
0x7ec: {  	v6 =	vld [tilespmem:s3+$0xFFFFFFD0];
	v17 =	vsel vm2, v11, v9;
	v18 =	vsel vm2, v9, v11;
	[tilespmem:s23+$0xFFFFFFD0] =	vst v12  }
0x7ed: {  	v8 =	vld [tilespmem:s3+$0xFFFFFFE0];
	vm1 =	vgt.s32 v13, v15;
	[tilespmem:s23+$0xFFFFFF90] =	vst v17  }
0x7ee: {  	s3 =	sadd.s32 $0x80, s3;
	v9 =	vld [tilespmem:s22+$0xFFFFFF90];
	v12 =	vsel vm1, v15, v13;
	v15 =	vsel vm1, v13, v15;
	[tilespmem:s23+$0xFFFFFFA0] =	vst v18;
	v11 =	vmov v16  }
0x7ef: {  	v13 =	vmov v11  }
.LBB2_301:
0x7f0: {  	[tilespmem:s22+$0x0] =	vst v15  }
0x7f1: {  	vm1 =	vgt.s32 v7, v10;
	[tilespmem:s23+$0xFFFFFFE0] =	vst @p1 v14  }
0x7f2: {  	[tilespmem:s22+$0xFFFFFFF0] =	vst v12;
	v11 =	vsel vm1, v10, v7  }
0x7f3: {  	v7 =	vsel vm1, v7, v10;
	[tilespmem:s22+$0xFFFFFFB0] =	vst v11;
	vm1 =	vgt.s32 v6, v8  }
0x7f4: {  	[tilespmem:s22+$0xFFFFFFC0] =	vst v7;
	v7 =	vsel vm1, v8, v6  }
0x7f5: {  	vm2 =	vgt.s32 v9, v13;
	v6 =	vsel vm1, v6, v8;
	[tilespmem:s22+$0xFFFFFFD0] =	vst v7  }
0x7f6: {  	v10 =	vsel vm2, v13, v9;
	[tilespmem:s22+$0xFFFFFFE0] =	vst v6  }
0x7f7: {  	v7 =	vsel vm2, v9, v13;
	[tilespmem:s22+$0xFFFFFF90] =	vst v10  }
0x7f8: {  	s23 =	simm.s32 $0x17200;
	[tilespmem:s22+$0xFFFFFFA0] =	vst v7  }
0x7f9: {  	v11 =	vld [tilespmem:s23+$0xFFFFFE30]  }
0x7fa: {  	v14 =	vld [tilespmem:s23+$0x30]  }
0x7fb: {  	p1 =	por $0x1, $0x1;
	v12 =	vld [tilespmem:s23+$0x0]  }
.Ltmp166:
0x7fc: {  	v8 =	vld [tilespmem:s23+$0xFFFFFE10];
	(pc) =	sbr.rel @!p1 .LBB2_302-.Ltmp166, $4  }
0x7fd: {  	v10 =	vld [tilespmem:s23+$0x10]  }
0x7fe: {  	v6 =	vld [tilespmem:s23+$0xFFFFFE20]  }
0x7ff: {  	v7 =	vld [tilespmem:s23+$0x20];
	vm1 =	vlt.s32 v11, v14  }
0x800: {  	s24 =	simm.s32 $0x17240;
	s22 =	simm.s32 $0x0;
	v9 =	vld [tilespmem:s23+$0xFFFFFE00];
	v13 =	vsel vm1, v14, v11;
	v15 =	vsel vm1, v11, v14  }
0x801: {  	v16 =	vld [tilespmem:s24+$0xFFFFFE30]  }
0x802: {  	[tilespmem:s23+$0x30] =	vst v15;
	v15 =	vld [tilespmem:s24+$0x30];
	vm1 =	vlt.s32 v8, v10  }
0x803: {  	v11 =	vld [tilespmem:s24+$0x0];
	[tilespmem:s23+$0xFFFFFE30] =	vst v13;
	p2 =	por $0x1, $0x1;
	v14 =	vsel vm1, v10, v8  }
.Ltmp167:
0x804: {  	v17 =	vsel vm1, v8, v10;
	v8 =	vld [tilespmem:s24+$0xFFFFFE10];
	[tilespmem:s23+$0xFFFFFE10] =	vst v14;
	vm1 =	vlt.s32 v6, v7;
	(pc) =	sbr.rel @!p2 .LBB2_304-.Ltmp167, $4  }
0x805: {  	v10 =	vld [tilespmem:s24+$0x10];
	[tilespmem:s23+$0x10] =	vst v17;
	vm2 =	vlt.s32 v9, v12;
	v13 =	vsel vm1, v7, v6  }
0x806: {  	v14 =	vsel vm1, v6, v7;
	v6 =	vld [tilespmem:s24+$0xFFFFFE20];
	v17 =	vsel vm2, v12, v9;
	[tilespmem:s23+$0xFFFFFE20] =	vst v13  }
0x807: {  	v7 =	vld [tilespmem:s24+$0x20];
	v12 =	vsel vm2, v9, v12;
	vm1 =	vlt.s32 v16, v15;
	[tilespmem:s23+$0xFFFFFE00] =	vst v17  }
0x808: {  	s0 =	simm.s32 $0x4;
	s3 =	simm.s32 $0x17280;
	p0 =	por $0x1, $0x1;
	v9 =	vld [tilespmem:s24+$0xFFFFFE00];
	v13 =	vsel vm1, v15, v16;
	v15 =	vsel vm1, v16, v15;
	[tilespmem:s23+$0x0] =	vst v12  }
.LBB2_305:
0x809: {  	v12 =	vld [tilespmem:s3+$0xFFFFFE30];
	[tilespmem:s24+$0x30] =	vst v15  }
0x80a: {  	s0 =	sadd.s32 $0x4, s0;
	v15 =	vld [tilespmem:s3+$0x30];
	vm1 =	vlt.s32 v8, v10;
	[tilespmem:s23+$0x20] =	vst v14;
	s23 =	smov.u32 s24;
	s24 =	smov.u32 s3  }
0x80b: {  	p2 =	slt.u32 s0, $0x1C;
	v16 =	vld [tilespmem:s3+$0x0];
	v14 =	vsel vm1, v10, v8;
	v17 =	vsel vm1, v8, v10;
	[tilespmem:s23+$0xFFFFFE30] =	vst v13  }
.Ltmp168:
0x80c: {  	v8 =	vld [tilespmem:s3+$0xFFFFFE10];
	[tilespmem:s23+$0xFFFFFE10] =	vst v14;
	vm1 =	vlt.s32 v6, v7;
	(pc) =	sbr.rel @p2 .LBB2_305-.Ltmp168, $4  }
0x80d: {  	v10 =	vld [tilespmem:s3+$0x10];
	vm2 =	vlt.s32 v9, v11;
	[tilespmem:s23+$0x10] =	vst v17;
	v13 =	vsel vm1, v7, v6;
	v14 =	vsel vm1, v6, v7  }
0x80e: {  	v6 =	vld [tilespmem:s3+$0xFFFFFE20];
	v17 =	vsel vm2, v11, v9;
	v18 =	vsel vm2, v9, v11;
	[tilespmem:s23+$0xFFFFFE20] =	vst v13  }
0x80f: {  	v7 =	vld [tilespmem:s3+$0x20];
	vm1 =	vlt.s32 v12, v15;
	[tilespmem:s23+$0xFFFFFE00] =	vst v17  }
0x810: {  	s3 =	sadd.s32 $0x40, s3;
	v9 =	vld [tilespmem:s24+$0xFFFFFE00];
	v13 =	vsel vm1, v15, v12;
	v15 =	vsel vm1, v12, v15;
	[tilespmem:s23+$0x0] =	vst v18;
	v11 =	vmov v16  }
0x811: {  	v12 =	vmov v11  }
.LBB2_307:
0x812: {  	[tilespmem:s24+$0x30] =	vst v15  }
0x813: {  	vm1 =	vlt.s32 v8, v10;
	[tilespmem:s23+$0x20] =	vst @p0 v14  }
0x814: {  	[tilespmem:s24+$0xFFFFFE30] =	vst v13;
	v11 =	vsel vm1, v10, v8  }
0x815: {  	v8 =	vsel vm1, v8, v10;
	[tilespmem:s24+$0xFFFFFE10] =	vst v11;
	vm1 =	vlt.s32 v6, v7  }
0x816: {  	[tilespmem:s24+$0x10] =	vst v8;
	v8 =	vsel vm1, v7, v6  }
0x817: {  	s23 =	simm.s32 $0x0;
	vm2 =	vlt.s32 v9, v12;
	v6 =	vsel vm1, v6, v7;
	[tilespmem:s24+$0xFFFFFE20] =	vst v8  }
0x818: {  	s2 =	sand.u32 $0xC, s22;
	s0 =	sand.u32 $0x20, s23;
	v10 =	vsel vm2, v12, v9;
	[tilespmem:s24+$0x20] =	vst v6  }
0x819: {  	s0 =	sor.u32 s2, s0;
	v8 =	vsel vm2, v9, v12;
	[tilespmem:s24+$0xFFFFFE00] =	vst v10  }
.Ltmp169:
0x81a: {  	s25 =	sshll.u32 s0, $0x4;
	[tilespmem:s24+$0x0] =	vst v8;
	(pc) =	sbr.rel @!p1 .LBB2_308-.Ltmp169, $4  }
0x81b: {  	v7 =	vld [tilespmem:s25+$0x17030]  }
0x81c: {  	v9 =	vld [tilespmem:s25+$0x17130]  }
0x81d: {  	v6 =	vld [tilespmem:s25+$0x17000]  }
0x81e: {  	p0 =	por $0x0, $0x0;
	s22 =	simm.s32 $0x8;
	v8 =	vld [tilespmem:s25+$0x17100]  }
0x81f: {  	s0 =	simm.s32 $0x4;
	v12 =	vld [tilespmem:s25+$0x17010];
	s3 =	simm.s32 $0x8  }
0x820: {  	v14 =	vld [tilespmem:s25+$0x17110];
	s2 =	sand.u32 $0x20, s3;
	s6 =	sand.u32 $0xC, s0  }
0x821: {  	v10 =	vld [tilespmem:s25+$0x17020];
	p2 =	por $0x1, $0x1;
	s2 =	sor.u32 s6, s2;
	vm1 =	vgt.s32 v7, v9  }
.Ltmp170:
0x822: {  	v11 =	vld [tilespmem:s25+$0x17120];
	s24 =	sshll.u32 s2, $0x4;
	v13 =	vsel vm1, v7, v9;
	v9 =	vsel vm1, v9, v7;
	(pc) =	sbr.rel @!p2 .LBB2_311-.Ltmp170, $4  }
0x823: {  	v7 =	vld [tilespmem:s24+$0x17030];
	vm1 =	vlt.s32 v6, v8;
	[tilespmem:s25+$0x17130] =	vst v9  }
0x824: {  	v9 =	vld [tilespmem:s24+$0x17130];
	[tilespmem:s25+$0x17030] =	vst v13;
	v15 =	vsel vm1, v8, v6  }
0x825: {  	v16 =	vsel vm1, v6, v8;
	v6 =	vld [tilespmem:s24+$0x17000];
	vm1 =	vgt.s32 v12, v14;
	[tilespmem:s25+$0x17000] =	vst v15  }
0x826: {  	p1 =	por $0x1, $0x1;
	v8 =	vld [tilespmem:s24+$0x17100];
	[tilespmem:s25+$0x17100] =	vst v16;
	v13 =	vsel vm1, v12, v14;
	v12 =	vsel vm1, v14, v12  }
.LBB2_310:
0x827: {  	s0 =	sadd.s32 $0x4, s0;
	v14 =	vld [tilespmem:s24+$0x17010];
	s3 =	sadd.s32 $0x8, s3;
	[tilespmem:s25+$0x17010] =	vst v13;
	vm1 =	vgt.s32 v10, v11  }
0x828: {  	s2 =	sand.u32 $0x20, s3;
	s6 =	sand.u32 $0xC, s0;
	p2 =	slt.u32 s0, $0x1C;
	v15 =	vld [tilespmem:s24+$0x17110];
	[tilespmem:s25+$0x17110] =	vst v12;
	v12 =	vsel vm1, v10, v11;
	v13 =	vsel vm1, v11, v10  }
0x829: {  	s2 =	sor.u32 s6, s2;
	v10 =	vld [tilespmem:s24+$0x17020];
	vm1 =	vgt.s32 v7, v9;
	[tilespmem:s25+$0x17020] =	vst v12  }
.Ltmp171:
0x82a: {  	v11 =	vld [tilespmem:s24+$0x17120];
	v12 =	vsel vm1, v7, v9;
	v9 =	vsel vm1, v9, v7;
	[tilespmem:s25+$0x17120] =	vst v13;
	s25 =	smov.u32 s24;
	s24 =	sshll.u32 s2, $0x4;
	(pc) =	sbr.rel @p2 .LBB2_310-.Ltmp171, $4  }
0x82b: {  	v7 =	vld [tilespmem:s24+$0x17030];
	vm1 =	vlt.s32 v6, v8;
	[tilespmem:s25+$0x17130] =	vst v9  }
0x82c: {  	v9 =	vld [tilespmem:s24+$0x17130];
	v13 =	vsel vm1, v8, v6;
	v16 =	vsel vm1, v6, v8;
	[tilespmem:s25+$0x17030] =	vst v12  }
0x82d: {  	v6 =	vld [tilespmem:s24+$0x17000];
	[tilespmem:s25+$0x17000] =	vst v13;
	vm1 =	vgt.s32 v14, v15  }
0x82e: {  	v8 =	vld [tilespmem:s24+$0x17100];
	[tilespmem:s25+$0x17100] =	vst v16;
	v13 =	vsel vm1, v14, v15;
	v12 =	vsel vm1, v15, v14  }
.LBB2_311:
0x82f: {  	v14 =	vld [tilespmem:s24+$0x17010];
	[tilespmem:s25+$0x17010] =	vst @p1 v13;
	vm1 =	vgt.s32 @p1 v10, v11  }
0x830: {  	v62 =	vld [tilespmem:s24+$0x17110];
	[tilespmem:s25+$0x17110] =	vst @p1 v12;
	v12 =	vsel @p1 vm1, v10, v11  }
0x831: {  	v63 =	vld [tilespmem:s24+$0x17120];
	v10 =	vsel @p1 vm1, v11, v10;
	vm1 =	vgt.s32 v7, v9;
	[tilespmem:s25+$0x17020] =	vst @p1 v12  }
0x832: {  	v11 =	vld [tilespmem:s24+$0x17020];
	[tilespmem:s25+$0x17120] =	vst @p1 v10;
	v15 =	vsel vm1, v9, v7  }
0x833: {  	v7 =	vsel vm1, v7, v9;
	vm1 =	vlt.s32 v6, v8;
	[tilespmem:s24+$0x17130] =	vst v15  }
0x834: {  	[tilespmem:s24+$0x17030] =	vst v7;
	v9 =	vsel vm1, v8, v6  }
0x835: {  	v6 =	vsel vm1, v6, v8;
	vm1 =	vgt.s32 v14, v62;
	[tilespmem:s24+$0x17000] =	vst v9  }
0x836: {  	[tilespmem:s24+$0x17100] =	vst v6;
	v6 =	vsel vm1, v14, v62  }
0x837: {  	s0 =	simm.s32 $0x0;
	v7 =	vsel vm1, v62, v14;
	vm1 =	vgt.s32 v11, v63;
	[tilespmem:s24+$0x17010] =	vst v6  }
0x838: {  	s2 =	sand.u32 $0x30, s23;
	s0 =	sand.u32 $0x4, s0;
	[tilespmem:s24+$0x17110] =	vst v7;
	v6 =	vsel vm1, v11, v63  }
0x839: {  	s0 =	sor.u32 s0, s2;
	p1 =	por $0x1, $0x1;
	v7 =	vsel vm1, v63, v11;
	[tilespmem:s24+$0x17020] =	vst v6  }
.Ltmp172:
0x83a: {  	s23 =	sshll.u32 s0, $0x4;
	[tilespmem:s24+$0x17120] =	vst v7;
	(pc) =	sbr.rel @!p1 .LBB2_312-.Ltmp172, $4  }
0x83b: {  	v7 =	vld [tilespmem:s23+$0x17030]  }
0x83c: {  	v9 =	vld [tilespmem:s23+$0x170B0]  }
0x83d: {  	v6 =	vld [tilespmem:s23+$0x17000]  }
0x83e: {  	v8 =	vld [tilespmem:s23+$0x17080]  }
0x83f: {  	s0 =	simm.s32 $0x4;
	v12 =	vld [tilespmem:s23+$0x17010]  }
0x840: {  	s2 =	sand.u32 $0x30, s22;
	v14 =	vld [tilespmem:s23+$0x17090];
	s3 =	sand.u32 $0x4, s0  }
0x841: {  	v10 =	vld [tilespmem:s23+$0x17020];
	p2 =	por $0x1, $0x1;
	s2 =	sor.u32 s3, s2;
	vm1 =	vgt.s32 v7, v9  }
.Ltmp173:
0x842: {  	v11 =	vld [tilespmem:s23+$0x170A0];
	s24 =	sshll.u32 s2, $0x4;
	v13 =	vsel vm1, v7, v9;
	v9 =	vsel vm1, v9, v7;
	(pc) =	sbr.rel @!p2 .LBB2_315-.Ltmp173, $4  }
0x843: {  	v7 =	vld [tilespmem:s24+$0x17030];
	vm1 =	vlt.s32 v6, v8;
	[tilespmem:s23+$0x170B0] =	vst v9  }
0x844: {  	v9 =	vld [tilespmem:s24+$0x170B0];
	[tilespmem:s23+$0x17030] =	vst v13;
	v15 =	vsel vm1, v8, v6  }
0x845: {  	v16 =	vsel vm1, v6, v8;
	v6 =	vld [tilespmem:s24+$0x17000];
	vm1 =	vgt.s32 v12, v14;
	[tilespmem:s23+$0x17000] =	vst v15  }
0x846: {  	p0 =	por $0x1, $0x1;
	v8 =	vld [tilespmem:s24+$0x17080];
	[tilespmem:s23+$0x17080] =	vst v16;
	v13 =	vsel vm1, v12, v14;
	v12 =	vsel vm1, v14, v12  }
.LBB2_314:
0x847: {  	s0 =	sadd.s32 $0x4, s0;
	v14 =	vld [tilespmem:s24+$0x17010];
	s22 =	sadd.s32 $0x8, s22;
	[tilespmem:s23+$0x17010] =	vst v13;
	vm1 =	vgt.s32 v10, v11  }
0x848: {  	s2 =	sand.u32 $0x30, s22;
	s3 =	sand.u32 $0x4, s0;
	p2 =	slt.u32 s0, $0x1C;
	v15 =	vld [tilespmem:s24+$0x17090];
	[tilespmem:s23+$0x17090] =	vst v12;
	v12 =	vsel vm1, v10, v11;
	v13 =	vsel vm1, v11, v10  }
0x849: {  	s2 =	sor.u32 s3, s2;
	v10 =	vld [tilespmem:s24+$0x17020];
	vm1 =	vgt.s32 v7, v9;
	[tilespmem:s23+$0x17020] =	vst v12  }
.Ltmp174:
0x84a: {  	v11 =	vld [tilespmem:s24+$0x170A0];
	v12 =	vsel vm1, v7, v9;
	v9 =	vsel vm1, v9, v7;
	[tilespmem:s23+$0x170A0] =	vst v13;
	s23 =	smov.u32 s24;
	s24 =	sshll.u32 s2, $0x4;
	(pc) =	sbr.rel @p2 .LBB2_314-.Ltmp174, $4  }
0x84b: {  	v7 =	vld [tilespmem:s24+$0x17030];
	vm1 =	vlt.s32 v6, v8;
	[tilespmem:s23+$0x170B0] =	vst v9  }
0x84c: {  	v9 =	vld [tilespmem:s24+$0x170B0];
	v13 =	vsel vm1, v8, v6;
	v16 =	vsel vm1, v6, v8;
	[tilespmem:s23+$0x17030] =	vst v12  }
0x84d: {  	v6 =	vld [tilespmem:s24+$0x17000];
	[tilespmem:s23+$0x17000] =	vst v13;
	vm1 =	vgt.s32 v14, v15  }
0x84e: {  	v8 =	vld [tilespmem:s24+$0x17080];
	[tilespmem:s23+$0x17080] =	vst v16;
	v13 =	vsel vm1, v14, v15;
	v12 =	vsel vm1, v15, v14  }
.LBB2_315:
0x84f: {  	v14 =	vld [tilespmem:s24+$0x17010];
	[tilespmem:s23+$0x17010] =	vst @p0 v13;
	vm1 =	vgt.s32 @p0 v10, v11  }
0x850: {  	v13 =	vld [tilespmem:s24+$0x17090];
	[tilespmem:s23+$0x17090] =	vst @p0 v12;
	v12 =	vsel @p0 vm1, v10, v11  }
0x851: {  	v10 =	vsel @p0 vm1, v11, v10;
	v11 =	vld [tilespmem:s24+$0x17020];
	vm1 =	vgt.s32 v7, v9;
	[tilespmem:s23+$0x17020] =	vst @p0 v12  }
0x852: {  	v12 =	vld [tilespmem:s24+$0x170A0];
	[tilespmem:s23+$0x170A0] =	vst @p0 v10;
	v15 =	vsel vm1, v9, v7  }
0x853: {  	v7 =	vsel vm1, v7, v9;
	vm1 =	vlt.s32 v6, v8;
	[tilespmem:s24+$0x170B0] =	vst v15  }
0x854: {  	[tilespmem:s24+$0x17030] =	vst v7;
	v9 =	vsel vm1, v8, v6  }
0x855: {  	v6 =	vsel vm1, v6, v8;
	vm1 =	vgt.s32 v14, v13;
	[tilespmem:s24+$0x17000] =	vst v9  }
0x856: {  	[tilespmem:s24+$0x17080] =	vst v6;
	v6 =	vsel vm1, v14, v13  }
0x857: {  	v7 =	vsel vm1, v13, v14;
	[tilespmem:s24+$0x17010] =	vst v6;
	vm1 =	vgt.s32 v11, v12  }
0x858: {  	[tilespmem:s24+$0x17090] =	vst v7;
	v6 =	vsel vm1, v11, v12  }
0x859: {  	v7 =	vsel vm1, v12, v11;
	[tilespmem:s24+$0x17020] =	vst v6  }
0x85a: {  	s23 =	simm.s32 $0x17040;
	[tilespmem:s24+$0x170A0] =	vst v7  }
0x85b: {  	v11 =	vld [tilespmem:s23+$0xFFFFFFF0]  }
0x85c: {  	v13 =	vld [tilespmem:s23+$0x30]  }
0x85d: {  	v14 =	vld [tilespmem:s23+$0x0]  }
.Ltmp175:
0x85e: {  	v7 =	vld [tilespmem:s23+$0xFFFFFFD0];
	(pc) =	sbr.rel @!p1 .LBB2_316-.Ltmp175, $4  }
0x85f: {  	v10 =	vld [tilespmem:s23+$0x10]  }
0x860: {  	v6 =	vld [tilespmem:s23+$0xFFFFFFE0]  }
0x861: {  	v8 =	vld [tilespmem:s23+$0x20];
	vm1 =	vlt.s32 v11, v13  }
0x862: {  	s22 =	simm.s32 $0x170C0;
	p0 =	por $0x0, $0x0;
	v9 =	vld [tilespmem:s23+$0xFFFFFFC0];
	v12 =	vsel vm1, v13, v11;
	v15 =	vsel vm1, v11, v13  }
0x863: {  	v16 =	vld [tilespmem:s22+$0xFFFFFFF0]  }
0x864: {  	[tilespmem:s23+$0x30] =	vst v15;
	v15 =	vld [tilespmem:s22+$0x30];
	vm1 =	vlt.s32 v7, v10  }
0x865: {  	v11 =	vld [tilespmem:s22+$0x0];
	[tilespmem:s23+$0xFFFFFFF0] =	vst v12;
	p2 =	por $0x1, $0x1;
	v13 =	vsel vm1, v10, v7  }
.Ltmp176:
0x866: {  	v17 =	vsel vm1, v7, v10;
	v7 =	vld [tilespmem:s22+$0xFFFFFFD0];
	[tilespmem:s23+$0xFFFFFFD0] =	vst v13;
	vm1 =	vlt.s32 v6, v8;
	(pc) =	sbr.rel @!p2 .LBB2_318-.Ltmp176, $4  }
0x867: {  	v10 =	vld [tilespmem:s22+$0x10];
	[tilespmem:s23+$0x10] =	vst v17;
	vm2 =	vlt.s32 v9, v14;
	v12 =	vsel vm1, v8, v6  }
0x868: {  	v13 =	vsel vm1, v6, v8;
	v6 =	vld [tilespmem:s22+$0xFFFFFFE0];
	v17 =	vsel vm2, v14, v9;
	[tilespmem:s23+$0xFFFFFFE0] =	vst v12  }
0x869: {  	s3 =	simm.s32 $0x4;
	s11 =	simm.s32 $0x17140;
	v8 =	vld [tilespmem:s22+$0x20];
	v14 =	vsel vm2, v9, v14;
	vm1 =	vlt.s32 v16, v15;
	[tilespmem:s23+$0xFFFFFFC0] =	vst v17  }
0x86a: {  	p1 =	por $0x1, $0x1;
	s0 =	simm.s32 $0x170C0;
	s10 =	simm.s32 $0x17040;
	v9 =	vld [tilespmem:s22+$0xFFFFFFC0];
	v12 =	vsel vm1, v15, v16;
	v15 =	vsel vm1, v16, v15;
	[tilespmem:s23+$0x0] =	vst v14  }
.LBB2_319:
0x86b: {  	v14 =	vld [tilespmem:s11+$0xFFFFFFF0];
	[tilespmem:s0+$0x30] =	vst v15  }
0x86c: {  	s3 =	sadd.s32 $0x4, s3;
	v15 =	vld [tilespmem:s11+$0x30];
	vm1 =	vlt.s32 v7, v10;
	[tilespmem:s10+$0x20] =	vst v13;
	s10 =	smov.u32 s0;
	s0 =	smov.u32 s11  }
0x86d: {  	p2 =	slt.u32 s3, $0x1C;
	v16 =	vld [tilespmem:s11+$0x0];
	v13 =	vsel vm1, v10, v7;
	v17 =	vsel vm1, v7, v10;
	[tilespmem:s10+$0xFFFFFFF0] =	vst v12  }
.Ltmp177:
0x86e: {  	v7 =	vld [tilespmem:s11+$0xFFFFFFD0];
	[tilespmem:s10+$0xFFFFFFD0] =	vst v13;
	vm1 =	vlt.s32 v6, v8;
	(pc) =	sbr.rel @p2 .LBB2_319-.Ltmp177, $4  }
0x86f: {  	v10 =	vld [tilespmem:s11+$0x10];
	vm2 =	vlt.s32 v9, v11;
	[tilespmem:s10+$0x10] =	vst v17;
	v12 =	vsel vm1, v8, v6;
	v13 =	vsel vm1, v6, v8  }
0x870: {  	v6 =	vld [tilespmem:s11+$0xFFFFFFE0];
	v17 =	vsel vm2, v11, v9;
	v18 =	vsel vm2, v9, v11;
	[tilespmem:s10+$0xFFFFFFE0] =	vst v12  }
0x871: {  	v8 =	vld [tilespmem:s11+$0x20];
	vm1 =	vlt.s32 v14, v15;
	[tilespmem:s10+$0xFFFFFFC0] =	vst v17  }
0x872: {  	s11 =	sadd.s32 $0x80, s11;
	v9 =	vld [tilespmem:s0+$0xFFFFFFC0];
	v12 =	vsel vm1, v15, v14;
	v15 =	vsel vm1, v14, v15;
	[tilespmem:s10+$0x0] =	vst v18;
	v11 =	vmov v16  }
0x873: {  	v14 =	vmov v11  }
.LBB2_321:
0x874: {  	[tilespmem:s0+$0x30] =	vst v15  }
0x875: {  	vm1 =	vlt.s32 v7, v10;
	[tilespmem:s10+$0x20] =	vst @p1 v13  }
0x876: {  	[tilespmem:s0+$0xFFFFFFF0] =	vst v12;
	v11 =	vsel vm1, v10, v7  }
0x877: {  	v7 =	vsel vm1, v7, v10;
	[tilespmem:s0+$0xFFFFFFD0] =	vst v11;
	vm1 =	vlt.s32 v6, v8  }
0x878: {  	[tilespmem:s0+$0x10] =	vst v7;
	v7 =	vsel vm1, v8, v6  }
0x879: {  	vm2 =	vlt.s32 v9, v14;
	v6 =	vsel vm1, v6, v8;
	[tilespmem:s0+$0xFFFFFFE0] =	vst v7  }
0x87a: {  	v10 =	vsel vm2, v14, v9;
	[tilespmem:s0+$0x20] =	vst v6  }
0x87b: {  	v7 =	vsel vm2, v9, v14;
	[tilespmem:s0+$0xFFFFFFC0] =	vst v10  }
0x87c: {  	[tilespmem:s0+$0x0] =	vst v7  }
0x87d: {  	v11 =	vld [tilespmem:s23+$0x10]  }
0x87e: {  	v13 =	vld [tilespmem:s23+$0x30]  }
0x87f: {  	p1 =	por $0x1, $0x1;
	v14 =	vld [tilespmem:s23+$0xFFFFFFE0]  }
.Ltmp178:
0x880: {  	v7 =	vld [tilespmem:s23+$0xFFFFFFD0];
	(pc) =	sbr.rel @!p1 .LBB2_322-.Ltmp178, $4  }
0x881: {  	v10 =	vld [tilespmem:s23+$0xFFFFFFF0]  }
0x882: {  	v6 =	vld [tilespmem:s23+$0x0]  }
0x883: {  	v8 =	vld [tilespmem:s23+$0x20];
	vm1 =	vlt.s32 v11, v13  }
0x884: {  	v9 =	vld [tilespmem:s23+$0xFFFFFFC0];
	v12 =	vsel vm1, v13, v11;
	v15 =	vsel vm1, v11, v13  }
0x885: {  	v16 =	vld [tilespmem:s22+$0x10]  }
0x886: {  	[tilespmem:s23+$0x30] =	vst v15;
	v15 =	vld [tilespmem:s22+$0x30];
	vm1 =	vlt.s32 v7, v10  }
0x887: {  	v11 =	vld [tilespmem:s22+$0xFFFFFFE0];
	[tilespmem:s23+$0x10] =	vst v12;
	p2 =	por $0x1, $0x1;
	v13 =	vsel vm1, v10, v7  }
.Ltmp179:
0x888: {  	v17 =	vsel vm1, v7, v10;
	v7 =	vld [tilespmem:s22+$0xFFFFFFD0];
	[tilespmem:s23+$0xFFFFFFD0] =	vst v13;
	vm1 =	vlt.s32 v6, v8;
	(pc) =	sbr.rel @!p2 .LBB2_324-.Ltmp179, $4  }
0x889: {  	v10 =	vld [tilespmem:s22+$0xFFFFFFF0];
	[tilespmem:s23+$0xFFFFFFF0] =	vst v17;
	vm2 =	vlt.s32 v9, v14;
	v12 =	vsel vm1, v8, v6  }
0x88a: {  	v13 =	vsel vm1, v6, v8;
	v6 =	vld [tilespmem:s22+$0x0];
	v17 =	vsel vm2, v14, v9;
	[tilespmem:s23+$0x0] =	vst v12  }
0x88b: {  	v8 =	vld [tilespmem:s22+$0x20];
	v14 =	vsel vm2, v9, v14;
	vm1 =	vlt.s32 v16, v15;
	[tilespmem:s23+$0xFFFFFFC0] =	vst v17  }
0x88c: {  	s0 =	simm.s32 $0x4;
	s3 =	simm.s32 $0x17140;
	p0 =	por $0x1, $0x1;
	v9 =	vld [tilespmem:s22+$0xFFFFFFC0];
	v12 =	vsel vm1, v15, v16;
	v15 =	vsel vm1, v16, v15;
	[tilespmem:s23+$0xFFFFFFE0] =	vst v14  }
.LBB2_325:
0x88d: {  	v14 =	vld [tilespmem:s3+$0x10];
	[tilespmem:s22+$0x30] =	vst v15  }
0x88e: {  	s0 =	sadd.s32 $0x4, s0;
	v15 =	vld [tilespmem:s3+$0x30];
	vm1 =	vlt.s32 v7, v10;
	[tilespmem:s23+$0x20] =	vst v13;
	s23 =	smov.u32 s22;
	s22 =	smov.u32 s3  }
0x88f: {  	p2 =	slt.u32 s0, $0x1C;
	v16 =	vld [tilespmem:s3+$0xFFFFFFE0];
	v13 =	vsel vm1, v10, v7;
	v17 =	vsel vm1, v7, v10;
	[tilespmem:s23+$0x10] =	vst v12  }
.Ltmp180:
0x890: {  	v7 =	vld [tilespmem:s3+$0xFFFFFFD0];
	[tilespmem:s23+$0xFFFFFFD0] =	vst v13;
	vm1 =	vlt.s32 v6, v8;
	(pc) =	sbr.rel @p2 .LBB2_325-.Ltmp180, $4  }
0x891: {  	v10 =	vld [tilespmem:s3+$0xFFFFFFF0];
	vm2 =	vlt.s32 v9, v11;
	[tilespmem:s23+$0xFFFFFFF0] =	vst v17;
	v12 =	vsel vm1, v8, v6;
	v13 =	vsel vm1, v6, v8  }
0x892: {  	v6 =	vld [tilespmem:s3+$0x0];
	v17 =	vsel vm2, v11, v9;
	v18 =	vsel vm2, v9, v11;
	[tilespmem:s23+$0x0] =	vst v12  }
0x893: {  	v8 =	vld [tilespmem:s3+$0x20];
	vm1 =	vlt.s32 v14, v15;
	[tilespmem:s23+$0xFFFFFFC0] =	vst v17  }
0x894: {  	s3 =	sadd.s32 $0x80, s3;
	v9 =	vld [tilespmem:s22+$0xFFFFFFC0];
	v12 =	vsel vm1, v15, v14;
	v15 =	vsel vm1, v14, v15;
	[tilespmem:s23+$0xFFFFFFE0] =	vst v18;
	v11 =	vmov v16  }
0x895: {  	v14 =	vmov v11  }
.LBB2_327:
0x896: {  	[tilespmem:s22+$0x30] =	vst v15  }
0x897: {  	vm1 =	vlt.s32 v7, v10;
	[tilespmem:s23+$0x20] =	vst @p0 v13  }
0x898: {  	[tilespmem:s22+$0x10] =	vst v12;
	v11 =	vsel vm1, v10, v7  }
0x899: {  	v7 =	vsel vm1, v7, v10;
	[tilespmem:s22+$0xFFFFFFD0] =	vst v11;
	vm1 =	vlt.s32 v6, v8  }
0x89a: {  	[tilespmem:s22+$0xFFFFFFF0] =	vst v7;
	v7 =	vsel vm1, v8, v6  }
0x89b: {  	vm2 =	vlt.s32 v9, v14;
	v6 =	vsel vm1, v6, v8;
	[tilespmem:s22+$0x0] =	vst v7  }
0x89c: {  	v10 =	vsel vm2, v14, v9;
	[tilespmem:s22+$0x20] =	vst v6  }
0x89d: {  	v7 =	vsel vm2, v9, v14;
	[tilespmem:s22+$0xFFFFFFC0] =	vst v10  }
0x89e: {  	s23 =	simm.s32 $0x17040;
	[tilespmem:s22+$0xFFFFFFE0] =	vst v7  }
0x89f: {  	v11 =	vld [tilespmem:s23+$0x20]  }
0x8a0: {  	v14 =	vld [tilespmem:s23+$0x30]  }
0x8a1: {  	v13 =	vld [tilespmem:s23+$0xFFFFFFD0]  }
.Ltmp181:
0x8a2: {  	v7 =	vld [tilespmem:s23+$0xFFFFFFE0];
	(pc) =	sbr.rel @!p1 .LBB2_328-.Ltmp181, $4  }
0x8a3: {  	v10 =	vld [tilespmem:s23+$0xFFFFFFF0]  }
0x8a4: {  	v6 =	vld [tilespmem:s23+$0x0]  }
0x8a5: {  	v8 =	vld [tilespmem:s23+$0x10];
	vm1 =	vlt.s32 v11, v14  }
0x8a6: {  	p0 =	por $0x0, $0x0;
	s22 =	simm.s32 $0x170C0;
	v9 =	vld [tilespmem:s23+$0xFFFFFFC0];
	v12 =	vsel vm1, v14, v11;
	v15 =	vsel vm1, v11, v14  }
0x8a7: {  	v16 =	vld [tilespmem:s22+$0x20]  }
0x8a8: {  	[tilespmem:s23+$0x30] =	vst v15;
	v15 =	vld [tilespmem:s22+$0x30];
	vm1 =	vlt.s32 v7, v10  }
0x8a9: {  	v11 =	vld [tilespmem:s22+$0xFFFFFFD0];
	[tilespmem:s23+$0x20] =	vst v12;
	p2 =	por $0x1, $0x1;
	v14 =	vsel vm1, v10, v7  }
.Ltmp182:
0x8aa: {  	v17 =	vsel vm1, v7, v10;
	v7 =	vld [tilespmem:s22+$0xFFFFFFE0];
	[tilespmem:s23+$0xFFFFFFE0] =	vst v14;
	vm1 =	vlt.s32 v6, v8;
	(pc) =	sbr.rel @!p2 .LBB2_330-.Ltmp182, $4  }
0x8ab: {  	v10 =	vld [tilespmem:s22+$0xFFFFFFF0];
	[tilespmem:s23+$0xFFFFFFF0] =	vst v17;
	vm2 =	vlt.s32 v9, v13;
	v12 =	vsel vm1, v8, v6  }
0x8ac: {  	v14 =	vsel vm1, v6, v8;
	v6 =	vld [tilespmem:s22+$0x0];
	v17 =	vsel vm2, v13, v9;
	[tilespmem:s23+$0x0] =	vst v12  }
0x8ad: {  	v8 =	vld [tilespmem:s22+$0x10];
	v13 =	vsel vm2, v9, v13;
	vm1 =	vlt.s32 v16, v15;
	[tilespmem:s23+$0xFFFFFFC0] =	vst v17  }
0x8ae: {  	s0 =	simm.s32 $0x4;
	s3 =	simm.s32 $0x17140;
	p1 =	por $0x1, $0x1;
	v9 =	vld [tilespmem:s22+$0xFFFFFFC0];
	v12 =	vsel vm1, v15, v16;
	v15 =	vsel vm1, v16, v15;
	[tilespmem:s23+$0xFFFFFFD0] =	vst v13  }
.LBB2_331:
0x8af: {  	v13 =	vld [tilespmem:s3+$0x20];
	[tilespmem:s22+$0x30] =	vst v15  }
0x8b0: {  	s0 =	sadd.s32 $0x4, s0;
	v15 =	vld [tilespmem:s3+$0x30];
	vm1 =	vlt.s32 v7, v10;
	[tilespmem:s23+$0x10] =	vst v14;
	s23 =	smov.u32 s22;
	s22 =	smov.u32 s3  }
0x8b1: {  	p2 =	slt.u32 s0, $0x1C;
	v16 =	vld [tilespmem:s3+$0xFFFFFFD0];
	v14 =	vsel vm1, v10, v7;
	v17 =	vsel vm1, v7, v10;
	[tilespmem:s23+$0x20] =	vst v12  }
.Ltmp183:
0x8b2: {  	v7 =	vld [tilespmem:s3+$0xFFFFFFE0];
	[tilespmem:s23+$0xFFFFFFE0] =	vst v14;
	vm1 =	vlt.s32 v6, v8;
	(pc) =	sbr.rel @p2 .LBB2_331-.Ltmp183, $4  }
0x8b3: {  	v10 =	vld [tilespmem:s3+$0xFFFFFFF0];
	vm2 =	vlt.s32 v9, v11;
	[tilespmem:s23+$0xFFFFFFF0] =	vst v17;
	v12 =	vsel vm1, v8, v6;
	v14 =	vsel vm1, v6, v8  }
0x8b4: {  	v6 =	vld [tilespmem:s3+$0x0];
	v17 =	vsel vm2, v11, v9;
	v18 =	vsel vm2, v9, v11;
	[tilespmem:s23+$0x0] =	vst v12  }
0x8b5: {  	v8 =	vld [tilespmem:s3+$0x10];
	vm1 =	vlt.s32 v13, v15;
	[tilespmem:s23+$0xFFFFFFC0] =	vst v17  }
0x8b6: {  	s3 =	sadd.s32 $0x80, s3;
	v9 =	vld [tilespmem:s22+$0xFFFFFFC0];
	v12 =	vsel vm1, v15, v13;
	v15 =	vsel vm1, v13, v15;
	[tilespmem:s23+$0xFFFFFFD0] =	vst v18;
	v11 =	vmov v16  }
0x8b7: {  	v13 =	vmov v11  }
.LBB2_333:
0x8b8: {  	[tilespmem:s22+$0x30] =	vst v15  }
0x8b9: {  	vm1 =	vlt.s32 v7, v10;
	[tilespmem:s23+$0x10] =	vst @p1 v14  }
0x8ba: {  	[tilespmem:s22+$0x20] =	vst v12;
	v11 =	vsel vm1, v10, v7  }
0x8bb: {  	v7 =	vsel vm1, v7, v10;
	[tilespmem:s22+$0xFFFFFFE0] =	vst v11;
	vm1 =	vlt.s32 v6, v8  }
0x8bc: {  	[tilespmem:s22+$0xFFFFFFF0] =	vst v7;
	v7 =	vsel vm1, v8, v6  }
0x8bd: {  	vm2 =	vlt.s32 v9, v13;
	v6 =	vsel vm1, v6, v8;
	[tilespmem:s22+$0x0] =	vst v7  }
0x8be: {  	v10 =	vsel vm2, v13, v9;
	[tilespmem:s22+$0x10] =	vst v6  }
0x8bf: {  	v7 =	vsel vm2, v9, v13;
	[tilespmem:s22+$0xFFFFFFC0] =	vst v10  }
0x8c0: {  	s2 =	simm.s32 $0x17020;
	v8 =	vmul.u32 $0x40, v0;
	[tilespmem:s22+$0xFFFFFFD0] =	vst v7  }
0x8c1: {  	p1 =	por $0x1, $0x1;
	s31 =	simm.s32 $0x2;
	v14 =	vld [tilespmem:s2+$0x10]  }
.Ltmp184:
0x8c2: {  	v7 =	vor.u32 s31, v8;
	(pc) =	sbr.rel @!p1 .LBB2_334-.Ltmp184, $4  }
0x8c3: {  	_ = 	snop  }
0x8c4: {  	s0 =	simm.s32 $0x0;
	s3 =	simm.s32 $0x3;
	v13 =	vld [tilespmem:s2+$0xFFFFFFF0]  }
0x8c5: {  	s6 =	simm.s32 $0x1;
	v6 =	vor.u32 s3, v8;
	v16 =	vor.u32 s0, v8;
	v12 =	vld [tilespmem:s2+$0x0]  }
0x8c6: {  	v17 =	vor.u32 s6, v8;
	s0 =	simm.s32 $0x4;
	s3 =	simm.s32 $0x17060;
	v15 =	vld [tilespmem:s2+$0xFFFFFFE0];
	v19 =	vxor.u32 $0x7FFFFFFF, v14;
	vm1 =	vlt.s32 v14, $0x0  }
0x8c7: {  	_ =	sdelay $0x2  }
0x8c8: {  	v9 =	vld [tilespmem:s3+$0x10];
	v10 =	vsel vm1, v19, v14;
	s2 =	simm.s32 $0x7;
	p1 =	por $0x1, $0x1  }
.Ltmp185:
0x8c9: {  	v14 =	vld [tilespmem:s3+$0xFFFFFFF0];
	[tilespmem:v6+s17+$0x0] =	vst.idx.msk $0xffff, v10;
	v6 =	vor.u32 s2, v8;
	v18 =	vxor.u32 $0x7FFFFFFF, v15;
	vm3 =	vlt.s32 v15, $0x0;
	(pc) =	sbr.rel @!p1 .LBB2_336-.Ltmp185, $4  }
0x8ca: {  	v10 =	vor.u32 s0, v8;
	v11 =	vxor.u32 $0x7FFFFFFF, v13;
	v20 =	vsel vm3, v18, v15;
	v15 =	vld [tilespmem:s3+$0x0]  }
0x8cb: {  	s30 =	simm.s32 $0x5;
	s31 =	simm.s32 $0x6;
	vm1 =	vlt.s32 v13, $0x0;
	v19 =	vxor.u32 $0x7FFFFFFF, v12;
	vm2 =	vlt.s32 v12, $0x0;
	[tilespmem:v16+s17+$0x0] =	vst.idx.msk $0xffff, v20;
	v16 =	vld [tilespmem:s3+$0xFFFFFFE0]  }
0x8cc: {  	v13 =	vsel vm1, v11, v13;
	v11 =	vor.u32 s30, v8;
	v18 =	vor.u32 s31, v8  }
0x8cd: {  	p0 =	por $0x1, $0x1;
	s0 =	simm.s32 $0x8;
	[tilespmem:v17+s17+$0x0] =	vst.idx.msk $0xffff, v13;
	vm1 =	vlt.s32 v9, $0x0;
	v20 =	vsel vm2, v19, v12;
	v19 =	vxor.u32 $0x7FFFFFFF, v9;
	s3 =	simm.s32 $0x170A0  }
.LBB2_337:
0x8ce: {  	p1 =	slt.u32 s0, $0x3C;
	v12 =	vxor.u32 $0x7FFFFFFF, v14;
	v21 =	vsel vm1, v19, v9;
	v9 =	vld [tilespmem:s3+$0x10];
	[tilespmem:v7+s17+$0x0] =	vst.idx.msk $0xffff, v20;
	v17 =	vmov v14;
	s2 =	smov.u32 s0;
	s0 =	sadd.s32 $0x4, s0  }
.Ltmp186:
0x8cf: {  	v7 =	vmovc v18;
	v14 =	vld [tilespmem:s3+$0xFFFFFFF0];
	s6 =	sadd.s32 $0x3, s2;
	vm1 =	vlt.s32 v17, $0x0;
	v19 =	vxor.u32 $0x7FFFFFFF, v15;
	vm2 =	vlt.s32 v15, $0x0;
	[tilespmem:v6+s17+$0x0] =	vst.idx.msk $0xffff, v21;
	v13 =	vmovc v15;
	(pc) =	sbr.rel @p1 .LBB2_337-.Ltmp186, $4  }
0x8d0: {  	v15 =	vld [tilespmem:s3+$0x0];
	v6 =	vor.u32 s6, v8;
	v18 =	vxor.u32 $0x7FFFFFFF, v16;
	vm3 =	vlt.s32 v16, $0x0  }
0x8d1: {  	v21 =	vor.u32 s2, v8;
	s6 =	sadd.s32 $0x1, s2;
	s2 =	sadd.s32 $0x2, s2;
	v12 =	vsel vm1, v12, v17;
	v20 =	vsel vm3, v18, v16;
	v16 =	vld [tilespmem:s3+$0xFFFFFFE0]  }
0x8d2: {  	v17 =	vor.u32 s6, v8;
	v18 =	vor.u32 s2, v8;
	[tilespmem:v10+s17+$0x0] =	vst.idx.msk $0xffff, v20;
	v20 =	vsel vm2, v19, v13;
	v10 =	vmovc v21  }
0x8d3: {  	s3 =	sadd.s32 $0x40, s3;
	v19 =	vxor.u32 $0x7FFFFFFF, v9;
	vm1 =	vlt.s32 v9, $0x0;
	[tilespmem:v11+s17+$0x0] =	vst.idx.msk $0xffff, v12;
	v11 =	vmov v17  }
0x8d4: {  	_ = 	snop  }
0x8d5: {  	v8 =	vmov v7;
	v13 =	vmov v14;
	v14 =	vmov v9  }
0x8d6: {  	v7 =	vmovc v18;
	v17 =	vmovc v11;
	v12 =	vmov v15;
	v15 =	vmov v16;
	v16 =	vmov v10  }
.LBB2_339:
0x8d7: {  	_ =	sdelay $0x3  }
0x8d8: {  	v9 =	vsel vm1, v19, v14;
	[tilespmem:v8+s17+$0x0] =	vst.idx.msk @p0 $0xffff, v20;
	v8 =	vxor.u32 $0x7FFFFFFF, v15;
	vm1 =	vlt.s32 v15, $0x0  }
0x8d9: {  	v10 =	vxor.u32 $0x7FFFFFFF, v13;
	vm2 =	vlt.s32 v13, $0x0;
	s0 =	sshll.u32 s21, $0xD;
	s2 =	sshll.u32 s20, $0xA;
	[tilespmem:v6+s17+$0x0] =	vst.idx.msk $0xffff, v9;
	v6 =	vsel vm1, v8, v15  }
0x8da: {  	v8 =	vxor.u32 $0x7FFFFFFF, v12;
	vm1 =	vlt.s32 v12, $0x0;
	v9 =	vsel vm2, v10, v13;
	s0 =	sadd.s32 s2, s0;
	[tilespmem:v16+s17+$0x0] =	vst.idx.msk $0xffff, v6  }
0x8db: {  	s20 =	sadd.s32 $0x1, s20;
	v6 =	vsel vm1, v8, v12;
	[tilespmem:v17+s17+$0x0] =	vst.idx.msk $0xffff, v9;
	s0 =	sshrl.u32 s0, $0x3  }
0x8dc: {  	s31 =	simm.s32 $0x0;
	p0 =	sne.s32 s20, $0x8;
	[tilespmem:v7+s17+$0x0] =	vst.idx.msk $0xffff, v6;
	s0 =	sadd.s32 s5, s0  }
0x8dd: {  	[hbm4b:s0+s31] =	stream.linear.scatter [tilespmem:s17], [sflag:$0x2], $0x400, $0x38;
	[tilespmem:$0x17800] =	vst v63  }
.Ltmp187:
0x8de: {  	_ = 	snop;
	(pc) =	sbr.rel @p0 .LBB2_2-.Ltmp187, $4  }
.Ltmp188:
0x8df: {  	_ = 	snop;
	(pc) =	sbr.rel @!p0 .LBB2_340-.Ltmp188, $4  }
0x8e0: {  	_ =	swait.ge [sflag:s18], $0x400  }
0x8e1: {  	[sflag:s18] =	ssyncset.done $0x0  }
0x8e2: {  	v9 =	vadd.s32 $0xFFFFFDFF, v5;
	[sflag:s18] =	ssyncadd.s32 $0xFFFFFC00  }
0x8e3: {  	_ = 	snop  }
.LBB2_136:
.Ltmp189:
0x8e4: {  	(pc) =	sbr.rel .LBB2_150-.Ltmp189, $2  }
0x8e5: {  	_ =	sdelay $0x2  }
0x8e6: {  	s22 =	simm.s32 $0x17080;
	p2 =	por $0x0, $0x0  }
.LBB2_151:
.Ltmp190:
0x8e7: {  	(pc) =	sbr.rel .LBB2_156-.Ltmp190, $2  }
0x8e8: {  	_ =	sdelay $0x2  }
0x8e9: {  	s22 =	simm.s32 $0x170C0  }
.LBB2_157:
.Ltmp191:
0x8ea: {  	(pc) =	sbr.rel .LBB2_162-.Ltmp191, $2  }
0x8eb: {  	_ =	sdelay $0x2  }
0x8ec: {  	s22 =	simm.s32 $0x17080;
	p2 =	por $0x0, $0x0  }
.LBB2_163:
.Ltmp192:
0x8ed: {  	(pc) =	sbr.rel .LBB2_168-.Ltmp192, $2  }
0x8ee: {  	_ =	sdelay $0x2  }
0x8ef: {  	s22 =	simm.s32 $0x170C0  }
.LBB2_169:
.Ltmp193:
0x8f0: {  	(pc) =	sbr.rel .LBB2_174-.Ltmp193, $2  }
0x8f1: {  	_ =	sdelay $0x2  }
0x8f2: {  	s22 =	simm.s32 $0x17040;
	p2 =	por $0x0, $0x0  }
.LBB2_175:
.Ltmp194:
0x8f3: {  	(pc) =	sbr.rel .LBB2_180-.Ltmp194, $2  }
0x8f4: {  	_ =	sdelay $0x2  }
0x8f5: {  	s22 =	simm.s32 $0x170F0  }
.LBB2_181:
.Ltmp195:
0x8f6: {  	(pc) =	sbr.rel .LBB2_186-.Ltmp195, $2  }
0x8f7: {  	_ =	sdelay $0x2  }
0x8f8: {  	s22 =	simm.s32 $0x17040;
	p2 =	por $0x0, $0x0  }
.LBB2_187:
.Ltmp196:
0x8f9: {  	(pc) =	sbr.rel .LBB2_192-.Ltmp196, $2  }
0x8fa: {  	_ =	sdelay $0x2  }
0x8fb: {  	s22 =	simm.s32 $0x170F0  }
.LBB2_193:
.Ltmp197:
0x8fc: {  	(pc) =	sbr.rel .LBB2_198-.Ltmp197, $2  }
0x8fd: {  	_ =	sdelay $0x2  }
0x8fe: {  	s22 =	simm.s32 $0x17040;
	p2 =	por $0x0, $0x0  }
.LBB2_199:
.Ltmp198:
0x8ff: {  	(pc) =	sbr.rel .LBB2_204-.Ltmp198, $2  }
0x900: {  	_ =	sdelay $0x2  }
0x901: {  	s22 =	simm.s32 $0x170F0  }
.LBB2_205:
.Ltmp199:
0x902: {  	(pc) =	sbr.rel .LBB2_208-.Ltmp199, $2  }
0x903: {  	_ =	sdelay $0x2  }
0x904: {  	s22 =	smov.u32 s23  }
.LBB2_209:
.Ltmp200:
0x905: {  	(pc) =	sbr.rel .LBB2_214-.Ltmp200, $2  }
0x906: {  	_ =	sdelay $0x2  }
0x907: {  	p1 =	por $0x0, $0x0  }
.LBB2_215:
.Ltmp201:
0x908: {  	(pc) =	sbr.rel .LBB2_218-.Ltmp201, $2  }
0x909: {  	_ =	sdelay $0x2  }
0x90a: {  	s22 =	smov.u32 s23  }
.LBB2_219:
.Ltmp202:
0x90b: {  	(pc) =	sbr.rel .LBB2_224-.Ltmp202, $2  }
0x90c: {  	_ =	sdelay $0x2  }
0x90d: {  	p1 =	por $0x0, $0x0  }
.LBB2_225:
.Ltmp203:
0x90e: {  	(pc) =	sbr.rel .LBB2_228-.Ltmp203, $2  }
0x90f: {  	_ =	sdelay $0x2  }
0x910: {  	s22 =	smov.u32 s23  }
.LBB2_229:
.Ltmp204:
0x911: {  	(pc) =	sbr.rel .LBB2_234-.Ltmp204, $2  }
0x912: {  	_ =	sdelay $0x2  }
0x913: {  	p1 =	por $0x0, $0x0  }
.LBB2_235:
.Ltmp205:
0x914: {  	(pc) =	sbr.rel .LBB2_238-.Ltmp205, $2  }
0x915: {  	_ =	sdelay $0x2  }
0x916: {  	s22 =	smov.u32 s23  }
.LBB2_239:
.Ltmp206:
0x917: {  	(pc) =	sbr.rel .LBB2_244-.Ltmp206, $2  }
0x918: {  	_ =	sdelay $0x2  }
0x919: {  	p1 =	por $0x0, $0x0  }
.LBB2_245:
.Ltmp207:
0x91a: {  	(pc) =	sbr.rel .LBB2_250-.Ltmp207, $2  }
0x91b: {  	_ =	sdelay $0x2  }
0x91c: {  	s22 =	simm.s32 $0x17100  }
.LBB2_251:
.Ltmp208:
0x91d: {  	(pc) =	sbr.rel .LBB2_256-.Ltmp208, $2  }
0x91e: {  	_ =	sdelay $0x2  }
0x91f: {  	s22 =	simm.s32 $0x17330;
	p1 =	por $0x0, $0x0  }
.LBB2_257:
.Ltmp209:
0x920: {  	(pc) =	sbr.rel .LBB2_261-.Ltmp209, $2  }
0x921: {  	_ =	sdelay $0x2  }
0x922: {  	s24 =	smov.u32 s22  }
.LBB2_262:
.Ltmp210:
0x923: {  	(pc) =	sbr.rel .LBB2_265-.Ltmp210, $2  }
0x924: {  	_ =	sdelay $0x2  }
0x925: {  	s24 =	smov.u32 s22;
	p1 =	por $0x0, $0x0  }
.LBB2_266:
.Ltmp211:
0x926: {  	(pc) =	sbr.rel .LBB2_271-.Ltmp211, $2  }
0x927: {  	_ =	sdelay $0x2  }
0x928: {  	s22 =	simm.s32 $0x17040  }
.LBB2_272:
.Ltmp212:
0x929: {  	(pc) =	sbr.rel .LBB2_277-.Ltmp212, $2  }
0x92a: {  	_ =	sdelay $0x2  }
0x92b: {  	s22 =	simm.s32 $0x17270;
	p1 =	por $0x0, $0x0  }
.LBB2_278:
.Ltmp213:
0x92c: {  	(pc) =	sbr.rel .LBB2_283-.Ltmp213, $2  }
0x92d: {  	_ =	sdelay $0x2  }
0x92e: {  	s22 =	simm.s32 $0x17040  }
.LBB2_284:
.Ltmp214:
0x92f: {  	(pc) =	sbr.rel .LBB2_289-.Ltmp214, $2  }
0x930: {  	_ =	sdelay $0x2  }
0x931: {  	s22 =	simm.s32 $0x17270;
	p1 =	por $0x0, $0x0  }
.LBB2_290:
.Ltmp215:
0x932: {  	(pc) =	sbr.rel .LBB2_295-.Ltmp215, $2  }
0x933: {  	_ =	sdelay $0x2  }
0x934: {  	s22 =	simm.s32 $0x17040  }
.LBB2_296:
.Ltmp216:
0x935: {  	(pc) =	sbr.rel .LBB2_301-.Ltmp216, $2  }
0x936: {  	_ =	sdelay $0x2  }
0x937: {  	s22 =	simm.s32 $0x17270;
	p1 =	por $0x0, $0x0  }
.LBB2_302:
.Ltmp217:
0x938: {  	(pc) =	sbr.rel .LBB2_307-.Ltmp217, $2  }
0x939: {  	_ =	sdelay $0x2  }
0x93a: {  	s24 =	simm.s32 $0x17200  }
.LBB2_308:
.Ltmp218:
0x93b: {  	(pc) =	sbr.rel .LBB2_311-.Ltmp218, $2  }
0x93c: {  	_ =	sdelay $0x2  }
0x93d: {  	s24 =	smov.u32 s25;
	p1 =	por $0x0, $0x0  }
.LBB2_312:
.Ltmp219:
0x93e: {  	(pc) =	sbr.rel .LBB2_315-.Ltmp219, $2  }
0x93f: {  	_ =	sdelay $0x2  }
0x940: {  	s24 =	smov.u32 s23  }
.LBB2_316:
.Ltmp220:
0x941: {  	(pc) =	sbr.rel .LBB2_321-.Ltmp220, $2  }
0x942: {  	_ =	sdelay $0x2  }
0x943: {  	s0 =	simm.s32 $0x17040;
	p1 =	por $0x0, $0x0  }
.LBB2_322:
.Ltmp221:
0x944: {  	(pc) =	sbr.rel .LBB2_327-.Ltmp221, $2  }
0x945: {  	_ =	sdelay $0x2  }
0x946: {  	s22 =	simm.s32 $0x17040  }
.LBB2_328:
.Ltmp222:
0x947: {  	(pc) =	sbr.rel .LBB2_333-.Ltmp222, $2  }
0x948: {  	_ =	sdelay $0x2  }
0x949: {  	s22 =	simm.s32 $0x17040;
	p1 =	por $0x0, $0x0  }
.LBB2_334:
.Ltmp223:
0x94a: {  	(pc) =	sbr.rel .LBB2_339-.Ltmp223, $2  }
0x94b: {  	_ =	sdelay $0x2  }
0x94c: {  	_ = 	snop  }
.LBB2_147:
.Ltmp224:
0x94d: {  	(pc) =	sbr.rel .LBB2_150-.Ltmp224, $2  }
0x94e: {  	_ =	sdelay $0x2  }
0x94f: {  	v13 =	vmov v11  }
.LBB2_153:
.Ltmp225:
0x950: {  	(pc) =	sbr.rel .LBB2_156-.Ltmp225, $2  }
0x951: {  	_ =	sdelay $0x2  }
0x952: {  	v14 =	vmov v11  }
.LBB2_159:
.Ltmp226:
0x953: {  	(pc) =	sbr.rel .LBB2_162-.Ltmp226, $2  }
0x954: {  	_ =	sdelay $0x2  }
0x955: {  	v13 =	vmov v11  }
.LBB2_165:
.Ltmp227:
0x956: {  	(pc) =	sbr.rel .LBB2_168-.Ltmp227, $2  }
0x957: {  	_ =	sdelay $0x2  }
0x958: {  	v14 =	vmov v11  }
.LBB2_171:
.Ltmp228:
0x959: {  	(pc) =	sbr.rel .LBB2_174-.Ltmp228, $2  }
0x95a: {  	_ =	sdelay $0x2  }
0x95b: {  	v13 =	vmov v11  }
.LBB2_177:
.Ltmp229:
0x95c: {  	(pc) =	sbr.rel .LBB2_180-.Ltmp229, $2  }
0x95d: {  	_ =	sdelay $0x2  }
0x95e: {  	v14 =	vmov v11  }
.LBB2_183:
.Ltmp230:
0x95f: {  	(pc) =	sbr.rel .LBB2_186-.Ltmp230, $2  }
0x960: {  	_ =	sdelay $0x2  }
0x961: {  	v13 =	vmov v11  }
.LBB2_189:
.Ltmp231:
0x962: {  	(pc) =	sbr.rel .LBB2_192-.Ltmp231, $2  }
0x963: {  	_ =	sdelay $0x2  }
0x964: {  	v14 =	vmov v11  }
.LBB2_195:
.Ltmp232:
0x965: {  	(pc) =	sbr.rel .LBB2_198-.Ltmp232, $2  }
0x966: {  	_ =	sdelay $0x2  }
0x967: {  	v13 =	vmov v11  }
.LBB2_201:
.Ltmp233:
0x968: {  	(pc) =	sbr.rel .LBB2_204-.Ltmp233, $2  }
0x969: {  	_ =	sdelay $0x2  }
0x96a: {  	v12 =	vmov v11  }
.LBB2_211:
.Ltmp234:
0x96b: {  	(pc) =	sbr.rel .LBB2_214-.Ltmp234, $4  }
0x96c: {  	s6 =	smov.u32 s11  }
0x96d: {  	s9 =	smov.u32 s10;
	s3 =	smov.u32 s30;
	s11 =	smov.u32 s22  }
0x96e: {  	s10 =	smov.u32 s23;
	s22 =	smov.u32 s24;
	s31 =	smov.u32 s25  }
0x96f: {  	s0 =	smov.u32 s26;
	s30 =	smov.u32 s28;
	s23 =	smov.u32 s29  }
.LBB2_221:
.Ltmp235:
0x970: {  	(pc) =	sbr.rel .LBB2_224-.Ltmp235, $4  }
0x971: {  	s6 =	smov.u32 s22  }
0x972: {  	s9 =	smov.u32 s23;
	s30 =	smov.u32 s3;
	s22 =	smov.u32 s11  }
0x973: {  	s23 =	smov.u32 s10;
	s11 =	smov.u32 s24;
	s31 =	smov.u32 s25  }
0x974: {  	s0 =	smov.u32 s26;
	s3 =	smov.u32 s28;
	s10 =	smov.u32 s29  }
.LBB2_231:
.Ltmp236:
0x975: {  	(pc) =	sbr.rel .LBB2_234-.Ltmp236, $4  }
0x976: {  	s6 =	smov.u32 s22  }
0x977: {  	s9 =	smov.u32 s23;
	s30 =	smov.u32 s3;
	s22 =	smov.u32 s11  }
0x978: {  	s23 =	smov.u32 s10;
	s11 =	smov.u32 s24;
	s31 =	smov.u32 s25  }
0x979: {  	s0 =	smov.u32 s26;
	s3 =	smov.u32 s28;
	s10 =	smov.u32 s29  }
.LBB2_241:
.Ltmp237:
0x97a: {  	(pc) =	sbr.rel .LBB2_244-.Ltmp237, $4  }
0x97b: {  	s6 =	smov.u32 s22  }
0x97c: {  	s9 =	smov.u32 s23;
	s30 =	smov.u32 s3;
	s22 =	smov.u32 s11  }
0x97d: {  	s23 =	smov.u32 s10;
	s11 =	smov.u32 s24;
	s31 =	smov.u32 s25  }
0x97e: {  	s0 =	smov.u32 s26;
	s3 =	smov.u32 s28;
	s10 =	smov.u32 s29  }
.LBB2_247:
.Ltmp238:
0x97f: {  	(pc) =	sbr.rel .LBB2_250-.Ltmp238, $2  }
0x980: {  	_ =	sdelay $0x2  }
0x981: {  	v13 =	vmov v11  }
.LBB2_253:
.Ltmp239:
0x982: {  	(pc) =	sbr.rel .LBB2_256-.Ltmp239, $2  }
0x983: {  	_ =	sdelay $0x2  }
0x984: {  	v12 =	vmov v11  }
.LBB2_259:
.Ltmp240:
0x985: {  	(pc) =	sbr.rel .LBB2_261-.Ltmp240, $2  }
0x986: {  	_ =	sdelay $0x2  }
0x987: {  	s10 =	smov.u32 s22  }
.LBB2_268:
.Ltmp241:
0x988: {  	(pc) =	sbr.rel .LBB2_271-.Ltmp241, $2  }
0x989: {  	_ =	sdelay $0x2  }
0x98a: {  	v13 =	vmov v11  }
.LBB2_274:
.Ltmp242:
0x98b: {  	(pc) =	sbr.rel .LBB2_277-.Ltmp242, $2  }
0x98c: {  	_ =	sdelay $0x2  }
0x98d: {  	v13 =	vmov v11  }
.LBB2_280:
.Ltmp243:
0x98e: {  	(pc) =	sbr.rel .LBB2_283-.Ltmp243, $2  }
0x98f: {  	_ =	sdelay $0x2  }
0x990: {  	v13 =	vmov v11  }
.LBB2_286:
.Ltmp244:
0x991: {  	(pc) =	sbr.rel .LBB2_289-.Ltmp244, $2  }
0x992: {  	_ =	sdelay $0x2  }
0x993: {  	v13 =	vmov v11  }
.LBB2_292:
.Ltmp245:
0x994: {  	(pc) =	sbr.rel .LBB2_295-.Ltmp245, $2  }
0x995: {  	_ =	sdelay $0x2  }
0x996: {  	v13 =	vmov v11  }
.LBB2_298:
.Ltmp246:
0x997: {  	(pc) =	sbr.rel .LBB2_301-.Ltmp246, $2  }
0x998: {  	_ =	sdelay $0x2  }
0x999: {  	v13 =	vmov v11  }
.LBB2_304:
.Ltmp247:
0x99a: {  	(pc) =	sbr.rel .LBB2_307-.Ltmp247, $2  }
0x99b: {  	_ =	sdelay $0x2  }
0x99c: {  	v12 =	vmov v11  }
.LBB2_318:
.Ltmp248:
0x99d: {  	(pc) =	sbr.rel .LBB2_321-.Ltmp248, $2  }
0x99e: {  	_ =	sdelay $0x2  }
0x99f: {  	s0 =	simm.s32 $0x170C0;
	s10 =	simm.s32 $0x17040;
	v14 =	vmov v11  }
.LBB2_324:
.Ltmp249:
0x9a0: {  	(pc) =	sbr.rel .LBB2_327-.Ltmp249, $2  }
0x9a1: {  	_ =	sdelay $0x2  }
0x9a2: {  	v14 =	vmov v11  }
.LBB2_330:
.Ltmp250:
0x9a3: {  	(pc) =	sbr.rel .LBB2_333-.Ltmp250, $2  }
0x9a4: {  	_ =	sdelay $0x2  }
0x9a5: {  	v13 =	vmov v11  }
.LBB2_336:
.Ltmp251:
0x9a6: {  	(pc) =	sbr.rel .LBB2_339-.Ltmp251, $3  }
0x9a7: {  	_ =	sdelay $0x1  }
0x9a8: {  	v8 =	vmov v7;
	v13 =	vmov v14;
	v14 =	vmov v9  }
0x9a9: {  	v7 =	vmovc v18;
	v17 =	vmovc v11;
	v12 =	vmov v15;
	v15 =	vmov v16;
	v16 =	vmov v10  }
.LBB2_24:
.Ltmp252:
0x9aa: {  	(pc) =	sbr.rel .LBB2_38-.Ltmp252, $2  }
0x9ab: {  	_ =	sdelay $0x2  }
0x9ac: {  	s3 =	simm.s32 $0x0;
	v14 =	vmov v13  }
.LBB2_46:
.Ltmp253:
0x9ad: {  	(pc) =	sbr.rel .LBB2_60-.Ltmp253, $2  }
0x9ae: {  	_ =	sdelay $0x2  }
0x9af: {  	s3 =	simm.s32 $0x0;
	v17 =	vmov v16  }
.LBB2_68:
.Ltmp254:
0x9b0: {  	(pc) =	sbr.rel .LBB2_80-.Ltmp254, $2  }
0x9b1: {  	_ =	sdelay $0x2  }
0x9b2: {  	s3 =	simm.s32 $0x0;
	v17 =	vmov v16  }
.LBB2_138:
.Ltmp255:
0x9b3: {  	(pc) =	sbr.rel .LBB2_145-.Ltmp255, $2  }
0x9b4: {  	_ =	sdelay $0x2  }
0x9b5: {  	s3 =	simm.s32 $0x0;
	v10 =	vmov v14;
	v11 =	vmov v8  }
.LBB2_33:
.Ltmp256:
0x9b6: {  	(pc) =	sbr.rel .LBB2_38-.Ltmp256, $2  }
0x9b7: {  	_ =	sdelay $0x2  }
0x9b8: {  	_ = 	snop  }
.LBB2_55:
.Ltmp257:
0x9b9: {  	(pc) =	sbr.rel .LBB2_60-.Ltmp257, $2  }
0x9ba: {  	_ =	sdelay $0x2  }
0x9bb: {  	_ = 	snop  }
.LBB2_75:
.Ltmp258:
0x9bc: {  	(pc) =	sbr.rel .LBB2_80-.Ltmp258, $2  }
0x9bd: {  	_ =	sdelay $0x2  }
0x9be: {  	_ = 	snop  }
.LBB2_140:
.Ltmp259:
0x9bf: {  	(pc) =	sbr.rel .LBB2_145-.Ltmp259, $2  }
0x9c0: {  	_ =	sdelay $0x2  }
0x9c1: {  	_ = 	snop  }
.LBB2_35:
.Ltmp260:
0x9c2: {  	(pc) =	sbr.rel .LBB2_38-.Ltmp260, $2  }
0x9c3: {  	_ =	sdelay $0x2  }
0x9c4: {  	s3 =	simm.s32 $0x4;
	vm3 =	vmmov vm5;
	v14 =	vmov v13  }
.LBB2_57:
.Ltmp261:
0x9c5: {  	(pc) =	sbr.rel .LBB2_60-.Ltmp261, $2  }
0x9c6: {  	_ =	sdelay $0x2  }
0x9c7: {  	s3 =	simm.s32 $0x4;
	vm3 =	vmmov vm5;
	v17 =	vmov v16  }
.LBB2_77:
.Ltmp262:
0x9c8: {  	(pc) =	sbr.rel .LBB2_80-.Ltmp262, $2  }
0x9c9: {  	_ =	sdelay $0x2  }
0x9ca: {  	s3 =	simm.s32 $0x4;
	vm3 =	vmmov vm5;
	v17 =	vmov v16  }
.LBB2_142:
.Ltmp263:
0x9cb: {  	(pc) =	sbr.rel .LBB2_145-.Ltmp263, $3  }
0x9cc: {  	_ =	sdelay $0x1  }
0x9cd: {  	v17 =	vmov v8  }
0x9ce: {  	v8 =	vmovc v11;
	v14 =	vmovc v10;
	s3 =	simm.s32 $0x4;
	vm5 =	vmmov vm6;
	v10 =	vmov v16;
	v11 =	vmov v18  }
.LBB2_14:
.Ltmp264:
0x9cf: {  	(pc) =	sbr.rel .LBB2_19-.Ltmp264, $2  }
0x9d0: {  	_ =	sdelay $0x2  }
0x9d1: {  	_ = 	snop  }
.LBB2_16:
.Ltmp265:
0x9d2: {  	(pc) =	sbr.rel .LBB2_19-.Ltmp265, $3  }
0x9d3: {  	_ =	sdelay $0x1  }
0x9d4: {  	v33 =	vmov v10;
	v10 =	vmov v17;
	v29 =	vmov v19  }
0x9d5: {  	v21 =	vmovc v11;
	v23 =	vmovc v20;
	v25 =	vmov v15;
	v22 =	vmov v18;
	v16 =	vmov v12  }
.LBB2_341:
0x9d6: {  	_ =	sfence.sel $0x180000  }
0x9d7: {  	[bflag:$0x0] =	sbarrier.arrive $0xFFFF  }
0x9d8: {  	_ =	strace $0x90000047  }
0x9d9: {  	s0 =	stileid.u32;
	[bflag:$0x2] =	sbarrier.arrive $0xFFFF  }
0x9da: {  	p0 =	sne.s32 s0, $0x0;
	s0 =	rddreg [dreg:$0x2]  }
0x9db: {  	s0 =	sadd.s32 @!p0 $0x100000, s0  }
0x9dc: {  	[sflag:s0] =	ssyncadd.tile.s32 @!p0 $0x1;
	_ =	shalt  }
.Lfunc_end2:
_tile_overlayer_lowered:
.L_overlay_start_2:
0x9dd: {  	(tag) =	ssettag $0x2  }
0x9de: {  	s0 =	rddreg [dreg:$0x0];
	s2 =	stileid.u32  }
0x9df: {  	s1 =	rddreg [dreg:$0x1];
	p0 =	sne.s32 s2, $0x0  }
0x9e0: {  	s3 =	rddreg [dreg:$0x2];
	[bflag:$0x3] =	sbarrier.arrive $0xFFFF;
	s2 =	simm.s32 @!p0 $0x1C02  }
0x9e1: {  	[timem:s3], [sflag:s2] =	dma.local @!p0 [hbm:s0], s1  }
0x9e2: {  	s0 =	simm.s32 @!p0 $0x2  }
0x9e3: {  	_ =	swait.ge @!p0 [sflag:s0], s1  }
0x9e4: {  	s1 =	ssub.s32 @!p0 $0x0, s1;
	[sflag:s0] =	ssyncset.done @!p0 $0x0  }
0x9e5: {  	[sflag:s0] =	ssyncadd.s32 @!p0 s1  }
0x9e6: {  	[bflag:$0x3] =	sbarrier.arrive $0xFFFF  }
0x9e7: {  	_ =	shalt  }

</sc_bundles>
